<compile_context>
chip_gen: v7x
topology: tpu7x:2x2x1
jax: 0.10.2.dev20260603
libtpu: 0.0.44.dev20260713+nightly
codegen_flags: <defaults>
</compile_context>

<pallas_src>
import functools

import jax
import jax.numpy as jnp
from jax import lax
from jax.experimental import pallas as pl
from jax.experimental.pallas import tpu as pltpu
from jax.experimental.pallas import tpu_sc as plsc

N = 10000
E = 320000
D = 128
NCHUNK = 4
NC, NS = 2, 16
NW = NC * NS
N2 = 10240
RPT = N2 // NS
EPW = 10240
E2 = NW * EPW
BATCH = 64
NSEG = 5
NBS = 32
PREP_R = 1280


def _prep_body(ns_ref, w_ref, b_ref, out_ref):
    out_ref[0] = (
        jnp.dot(ns_ref[...], w_ref[...], preferred_element_type=jnp.float32)
        + b_ref[0, 0][None, :]
    )


def _prep(ns, wbig, bias):
    return pl.pallas_call(
        _prep_body,
        grid=(8, N2 // PREP_R),
        in_specs=[
            pl.BlockSpec((PREP_R, D), lambda c, i: (i, 0)),
            pl.BlockSpec((D, 128), lambda c, i: (0, c)),
            pl.BlockSpec((1, 1, 128), lambda c, i: (c, 0, 0)),
        ],
        out_specs=pl.BlockSpec((1, PREP_R, 128), lambda c, i: (c, i, 0)),
        out_shape=jax.ShapeDtypeStruct((8, N2, 128), jnp.float32),
    )(ns, wbig, bias)


def _sc_body(a0, a1, a2, a3, b0, b1, b2, b3, fi_hbm, ti_hbm, out_hbm,
             fi_v, ti_v, ba0, ba1, bb0, bb1, m0,
             sa0, sa1, sb0, sb1, acc):
    a_tab = (a0, a1, a2, a3)
    b_tab = (b0, b1, b2, b3)
    cid = lax.axis_index("c")
    sid = lax.axis_index("s")
    wid = sid * NC + cid
    zero = jnp.zeros((16,), jnp.float32)

    def compute(ba, bb, m):
        @plsc.parallel_loop(0, BATCH, unroll=2)
        def _row(r):
            for c8 in range(8):
                s_ = pl.ds(16 * c8, 16)
                m[r, s_] = jnp.maximum(ba[r, s_] + bb[r, s_], zero)

    for p in range(NCHUNK):
        def zrow(r, carry):
            for c8 in range(8):
                m0[r, pl.ds(16 * c8, 16)] = zero
            return carry

        lax.fori_loop(0, BATCH, zrow, 0)
        for z in range(RPT // BATCH):
            pltpu.async_copy(
                m0, acc.at[pl.ds(sid * RPT + z * BATCH, BATCH)], sa0)
        for z in range(RPT // BATCH):
            pltpu.make_async_copy(
                m0, acc.at[pl.ds(sid * RPT + z * BATCH, BATCH)], sa0).wait()
        plsc.subcore_barrier()

        sc_ref = ti_v if p < 2 else fi_v
        at_, bt_ = a_tab[p], b_tab[p]

        def seg(s5, scarry):
            pltpu.sync_copy(fi_hbm.at[wid, s5], fi_v)
            pltpu.sync_copy(ti_hbm.at[wid, s5], ti_v)
            pltpu.async_copy(at_.at[fi_v.at[0]], ba0, sa0)
            pltpu.async_copy(bt_.at[ti_v.at[0]], bb0, sb0)
            pltpu.async_copy(at_.at[fi_v.at[1]], ba1, sa1)
            pltpu.async_copy(bt_.at[ti_v.at[1]], bb1, sb1)

            def it(j2, carry):
                j0 = 2 * j2
                pltpu.make_async_copy(at_.at[fi_v.at[j0]], ba0, sa0).wait()
                pltpu.make_async_copy(bt_.at[ti_v.at[j0]], bb0, sb0).wait()
                compute(ba0, bb0, m0)

                @pl.when(j2 < NBS // 2 - 1)
                def _prefetch0():
                    pltpu.async_copy(at_.at[fi_v.at[j0 + 2]], ba0, sa0)
                    pltpu.async_copy(bt_.at[ti_v.at[j0 + 2]], bb0, sb0)

                pltpu.sync_copy(m0, acc.at[sc_ref.at[j0]], add=True)
                pltpu.make_async_copy(at_.at[fi_v.at[j0 + 1]], ba1, sa1).wait()
                pltpu.make_async_copy(bt_.at[ti_v.at[j0 + 1]], bb1, sb1).wait()
                compute(ba1, bb1, m0)

                @pl.when(j2 < NBS // 2 - 1)
                def _prefetch1():
                    pltpu.async_copy(at_.at[fi_v.at[j0 + 3]], ba1, sa1)
                    pltpu.async_copy(bt_.at[ti_v.at[j0 + 3]], bb1, sb1)

                pltpu.sync_copy(m0, acc.at[sc_ref.at[j0 + 1]], add=True)
                return carry

            lax.fori_loop(0, NBS // 2, it, 0)
            return scarry

        lax.fori_loop(0, NSEG, seg, 0)
        plsc.subcore_barrier()
        pltpu.sync_copy(
            acc.at[pl.ds(sid * RPT, RPT)],
            out_hbm.at[cid, p, pl.ds(sid * RPT, RPT)],
        )
        plsc.subcore_barrier()


@functools.lru_cache(maxsize=1)
def _get_sc_kernel():
  return pl.kernel(
    _sc_body,
    out_type=jax.ShapeDtypeStruct((NC, NCHUNK, N2, 128), jnp.float32),
    mesh=plsc.VectorSubcoreMesh(core_axis_name="c", subcore_axis_name="s",
                                num_cores=NC, num_subcores=NS),
    scratch_types=[
        pltpu.VMEM((NBS, BATCH), jnp.int32),
        pltpu.VMEM((NBS, BATCH), jnp.int32),
        pltpu.VMEM((BATCH, 128), jnp.float32),
        pltpu.VMEM((BATCH, 128), jnp.float32),
        pltpu.VMEM((BATCH, 128), jnp.float32),
        pltpu.VMEM((BATCH, 128), jnp.float32),
        pltpu.VMEM((BATCH, 128), jnp.float32),
        pltpu.SemaphoreType.DMA,
        pltpu.SemaphoreType.DMA,
        pltpu.SemaphoreType.DMA,
        pltpu.SemaphoreType.DMA,
        pltpu.VMEM_SHARED((N2, 128), jnp.float32),
    ],
  )


def _post_body(hc_ref, ns_ref, w2p_ref, wr2p_ref, wn1a_ref, wn1b_ref,
               bn1_ref, wn2_ref, bn2_ref, out_ref):
    hf = jnp.concatenate(
        [hc_ref[0, 0] + hc_ref[1, 0], hc_ref[0, 1] + hc_ref[1, 1]], axis=-1)
    hr = jnp.concatenate(
        [hc_ref[0, 2] + hc_ref[1, 2], hc_ref[0, 3] + hc_ref[1, 3]], axis=-1)
    agg = (jnp.dot(hf, w2p_ref[...], preferred_element_type=jnp.float32)
           + jnp.dot(hr, wr2p_ref[...], preferred_element_type=jnp.float32))
    ns = ns_ref[...]
    u = jnp.maximum(
        jnp.dot(agg, wn1a_ref[...], preferred_element_type=jnp.float32)
        + jnp.dot(ns, wn1b_ref[...], preferred_element_type=jnp.float32)
        + bn1_ref[0][None, :], 0.0)
    out_ref[...] = (ns + jnp.dot(u, wn2_ref[...],
                                 preferred_element_type=jnp.float32)
                    + bn2_ref[0][None, :])


def _post(hc, ns, w2p, wr2p, wn1a, wn1b, bn1, wn2, bn2):
    R = 1000
    return pl.pallas_call(
        _post_body,
        grid=(N // R,),
        in_specs=[
            pl.BlockSpec((NC, NCHUNK, R, 128), lambda i: (0, 0, i, 0)),
            pl.BlockSpec((R, D), lambda i: (i, 0)),
            pl.BlockSpec((256, 256), lambda i: (0, 0)),
            pl.BlockSpec((256, 256), lambda i: (0, 0)),
            pl.BlockSpec((256, 256), lambda i: (0, 0)),
            pl.BlockSpec((D, 256), lambda i: (0, 0)),
            pl.BlockSpec((1, 256), lambda i: (0, 0)),
            pl.BlockSpec((256, D), lambda i: (0, 0)),
            pl.BlockSpec((1, D), lambda i: (0, 0)),
        ],
        out_specs=pl.BlockSpec((R, D), lambda i: (i, 0)),
        out_shape=jax.ShapeDtypeStruct((N, D), jnp.float32),
    )(hc, ns, w2p, wr2p, wn1a, wn1b, bn1, wn2, bn2)


def kernel(node_states, from_idx, to_idx, W1, b1, W2, b2,
           Wr1, br1, Wr2, br2, Wn1, bn1, Wn2, bn2):
    f32 = jnp.float32
    zc = jnp.zeros((D, 1), f32)
    wbig = jnp.concatenate(
        [W1[:D], zc, Wr1[D:], zc, W1[D:], zc, Wr1[:D], zc], axis=1)
    half = jnp.full((1,), 0.5, f32)
    z255 = jnp.zeros((255,), f32)
    bias = jnp.concatenate(
        [z255, half, z255, half, b1, half, br1, half]).reshape(8, 1, 128)

    ns2 = jnp.concatenate(
        [node_states, jnp.zeros((N2 - N, D), f32)], axis=0)
    tabs = _prep(ns2, wbig, bias)

    pad = jnp.full((E2 - E,), N, jnp.int32) + (
        jnp.arange(E2 - E, dtype=jnp.int32) % (N2 - N))
    fi = jnp.concatenate([from_idx, pad]).reshape(NW, NSEG, NBS, BATCH)
    ti = jnp.concatenate([to_idx, pad]).reshape(NW, NSEG, NBS, BATCH)
    hc = _get_sc_kernel()(tabs[0], tabs[1], tabs[2], tabs[3],
                          tabs[4], tabs[5], tabs[6], tabs[7], fi, ti)

    w2p = jnp.concatenate([W2, b2[None]], axis=0)
    wr2p = jnp.concatenate([Wr2, br2[None]], axis=0)
    return _post(hc, node_states, w2p, wr2p, Wn1[:2 * D], Wn1[2 * D:],
                 bn1.reshape(1, 256), Wn2, bn2.reshape(1, D))

# --- scband reference (transcript-rebuilt; emitter-appended) ---
"""Pipeline reference for scband-graph-prop-layer-22874995818875 (READ-ONLY COPY).

The authoritative reference and input builder live on the scoring server;
editing this copy changes nothing except your own understanding.
"""

import jax, jax.numpy as jnp
import numpy as np

N = 10000
E = 320000
D = 128


def _mlp(x, W1, b1, W2, b2):
    # Linear -> ReLU -> Linear (matches nn.Sequential built in GraphPropLayer)
    h = jnp.maximum(x @ W1 + b1, 0.0)
    return h @ W2 + b2


def setup_inputs(seed: int = 0) -> dict:
    key = jax.random.key(seed)
    ks = jax.random.split(key, 12)
    inp = {}
    inp["node_states"] = jax.random.normal(ks[0], (N, D), dtype=jnp.float32)
    inp["from_idx"] = jax.random.randint(ks[1], (E,), 0, N, dtype=jnp.int32)
    inp["to_idx"] = jax.random.randint(ks[2], (E,), 0, N, dtype=jnp.int32)
    s = 0.1
    # forward-direction message net: Linear(256->255), ReLU, Linear(255->256)
    inp["W1"] = jax.random.normal(ks[3], (2 * D, 2 * D - 1), dtype=jnp.float32) * (s / np.sqrt(2 * D))
    inp["b1"] = jnp.zeros((2 * D - 1,), dtype=jnp.float32)
    inp["W2"] = jax.random.normal(ks[4], (2 * D - 1, 2 * D), dtype=jnp.float32) * (s / np.sqrt(2 * D - 1))
    inp["b2"] = jnp.zeros((2 * D,), dtype=jnp.float32)
    # reverse-direction message net (separate params)
    inp["Wr1"] = jax.random.normal(ks[5], (2 * D, 2 * D - 1), dtype=jnp.float32) * (s / np.sqrt(2 * D))
    inp["br1"] = jnp.zeros((2 * D - 1,), dtype=jnp.float32)
    inp["Wr2"] = jax.random.normal(ks[6], (2 * D - 1, 2 * D), dtype=jnp.float32) * (s / np.sqrt(2 * D - 1))
    inp["br2"] = jnp.zeros((2 * D,), dtype=jnp.float32)
    # node update MLP: Linear(3D->256), ReLU, Linear(256->D)
    inp["Wn1"] = jax.random.normal(ks[7], (3 * D, 256), dtype=jnp.float32) / np.sqrt(3 * D)
    inp["bn1"] = jnp.zeros((256,), dtype=jnp.float32)
    inp["Wn2"] = jax.random.normal(ks[8], (256, D), dtype=jnp.float32) / np.sqrt(256)
    inp["bn2"] = jnp.zeros((D,), dtype=jnp.float32)
    return inp


def reference(node_states, from_idx, to_idx, W1, b1, W2, b2, Wr1, br1, Wr2, br2, Wn1, bn1, Wn2, bn2):
    # forward direction: messages go from from_idx to to_idx
    edge_in_fwd = jnp.concatenate([node_states[from_idx], node_states[to_idx]], axis=-1)
    msgs_fwd = _mlp(edge_in_fwd, W1, b1, W2, b2)
    agg = jax.ops.segment_sum(msgs_fwd, to_idx, num_segments=N)
    # reverse direction: swap roles of from/to
    edge_in_rev = jnp.concatenate([node_states[to_idx], node_states[from_idx]], axis=-1)
    msgs_rev = _mlp(edge_in_rev, Wr1, br1, Wr2, br2)
    agg = agg + jax.ops.segment_sum(msgs_rev, from_idx, num_segments=N)
    # residual node update: MLP on concat(agg, node_states)
    upd_in = jnp.concatenate([agg, node_states], axis=-1)
    mlp_out = _mlp(upd_in, Wn1, bn1, Wn2, bn2)
    return node_states + mlp_out

if __name__ == "__main__":
    import jax
    _d = setup_inputs()
    print(jax.jit(kernel)(*tuple(_d.values())))

</pallas_src>

<mosaic_0001>
#map = affine_map<(d0, d1) -> (0, 0)>
#map1 = affine_map<(d0, d1) -> (0, 0, 0, 0)>
module attributes {stable_mosaic.version = 14 : i64} {
  func.func @_sc_body(%arg0: i32, %arg1: i32, %arg2: memref<10240x128xf32, #tpu.memory_space<hbm>>, %arg3: memref<10240x128xf32, #tpu.memory_space<hbm>>, %arg4: memref<10240x128xf32, #tpu.memory_space<hbm>>, %arg5: memref<10240x128xf32, #tpu.memory_space<hbm>>, %arg6: memref<10240x128xf32, #tpu.memory_space<hbm>>, %arg7: memref<10240x128xf32, #tpu.memory_space<hbm>>, %arg8: memref<10240x128xf32, #tpu.memory_space<hbm>>, %arg9: memref<10240x128xf32, #tpu.memory_space<hbm>>, %arg10: memref<32x5x32x64xi32, #tpu.memory_space<hbm>>, %arg11: memref<32x5x32x64xi32, #tpu.memory_space<hbm>>, %arg12: memref<2x4x10240x128xf32, #tpu.memory_space<hbm>>, %arg13: memref<32x64xi32, #tpu.memory_space<vmem>>, %arg14: memref<32x64xi32, #tpu.memory_space<vmem>>, %arg15: memref<64x128xf32, #tpu.memory_space<vmem>>, %arg16: memref<64x128xf32, #tpu.memory_space<vmem>>, %arg17: memref<64x128xf32, #tpu.memory_space<vmem>>, %arg18: memref<64x128xf32, #tpu.memory_space<vmem>>, %arg19: memref<64x128xf32, #tpu.memory_space<vmem>>, %arg20: memref<!tpu.dma_semaphore, #tpu.memory_space<semaphore_mem>>, %arg21: memref<!tpu.dma_semaphore, #tpu.memory_space<semaphore_mem>>, %arg22: memref<!tpu.dma_semaphore, #tpu.memory_space<semaphore_mem>>, %arg23: memref<!tpu.dma_semaphore, #tpu.memory_space<semaphore_mem>>, %arg24: memref<10240x128xf32, #tpu.memory_space<vmem_shared>>) attributes {dimension_semantics = [#tpu.dimension_semantics<core_parallel>, #tpu.dimension_semantics<subcore_parallel>], iteration_bounds = array<i64: 2, 16>, scalar_prefetch = 0 : i64, scratch_operands = 12 : i64, tpu.core_type = #tpu.core_type<sc_vector_subcore>, window_params = [{transform_indices = #map}, {transform_indices = #map}, {transform_indices = #map}, {transform_indices = #map}, {transform_indices = #map}, {transform_indices = #map}, {transform_indices = #map}, {transform_indices = #map}, {transform_indices = #map1}, {transform_indices = #map1}, {transform_indices = #map1}]} {
    %mul3A = arith.constant 2 : i32
    %mul3A_0 = arith.muli %arg1, %mul3A : i32
    %add3A = arith.addi %mul3A_0, %arg0 : i32
    %broadcast_in_dim3A = arith.constant 0.000000e+00 : f32
    %broadcast_in_dim3A_1 = vector.broadcast %broadcast_in_dim3A : f32 to vector<16xf32>
    %scan3A = arith.constant 0 : i32
    %scan3A_2 = arith.constant 0 : i32
    %scan3A_3 = arith.constant 64 : i32
    %scan3A_4 = arith.addi %scan3A_2, %scan3A_3 : i32
    %scan3A_5 = arith.constant 1 : i32
    scf.for %scan3A_717 = %scan3A_2 to %scan3A_4 step %scan3A_5  : i32 {
      %swap3A = arith.index_cast %scan3A_717 : i32 to index
      %swap3A_718 = arith.constant 0 : index
      %swap3A_719 = tpu.vector_load %arg19[%swap3A, %swap3A_718] {strides = array<i32>} : memref<64x128xf32, #tpu.memory_space<vmem>>, vector<1x16xf32>,
      %swap3A_720 = vector.shape_cast %swap3A_719 : vector<1x16xf32> to vector<16xf32>
      %swap3A_721 = vector.shape_cast %broadcast_in_dim3A_1 : vector<16xf32> to vector<1x16xf32>
      tpu.vector_store %arg19[%swap3A, %swap3A_718], %swap3A_721 {strides = array<i32>} : memref<64x128xf32, #tpu.memory_space<vmem>>, vector<1x16xf32>,
      %swap3A_722 = arith.index_cast %scan3A_717 : i32 to index
      %swap3A_723 = arith.constant 16 : index
      %swap3A_724 = tpu.vector_load %arg19[%swap3A_722, %swap3A_723] {strides = array<i32>} : memref<64x128xf32, #tpu.memory_space<vmem>>, vector<1x16xf32>,
      %swap3A_725 = vector.shape_cast %swap3A_724 : vector<1x16xf32> to vector<16xf32>
      %swap3A_726 = vector.shape_cast %broadcast_in_dim3A_1 : vector<16xf32> to vector<1x16xf32>
      tpu.vector_store %arg19[%swap3A_722, %swap3A_723], %swap3A_726 {strides = array<i32>} : memref<64x128xf32, #tpu.memory_space<vmem>>, vector<1x16xf32>,
      %swap3A_727 = arith.index_cast %scan3A_717 : i32 to index
      %swap3A_728 = arith.constant 32 : index
      %swap3A_729 = tpu.vector_load %arg19[%swap3A_727, %swap3A_728] {strides = array<i32>} : memref<64x128xf32, #tpu.memory_space<vmem>>, vector<1x16xf32>,
      %swap3A_730 = vector.shape_cast %swap3A_729 : vector<1x16xf32> to vector<16xf32>
      %swap3A_731 = vector.shape_cast %broadcast_in_dim3A_1 : vector<16xf32> to vector<1x16xf32>
      tpu.vector_store %arg19[%swap3A_727, %swap3A_728], %swap3A_731 {strides = array<i32>} : memref<64x128xf32, #tpu.memory_space<vmem>>, vector<1x16xf32>,
      %swap3A_732 = arith.index_cast %scan3A_717 : i32 to index
      %swap3A_733 = arith.constant 48 : index
      %swap3A_734 = tpu.vector_load %arg19[%swap3A_732, %swap3A_733] {strides = array<i32>} : memref<64x128xf32, #tpu.memory_space<vmem>>, vector<1x16xf32>,
      %swap3A_735 = vector.shape_cast %swap3A_734 : vector<1x16xf32> to vector<16xf32>
      %swap3A_736 = vector.shape_cast %broadcast_in_dim3A_1 : vector<16xf32> to vector<1x16xf32>
      tpu.vector_store %arg19[%swap3A_732, %swap3A_733], %swap3A_736 {strides = array<i32>} : memref<64x128xf32, #tpu.memory_space<vmem>>, vector<1x16xf32>,
      %swap3A_737 = arith.index_cast %scan3A_717 : i32 to index
      %swap3A_738 = arith.constant 64 : index
      %swap3A_739 = tpu.vector_load %arg19[%swap3A_737, %swap3A_738] {strides = array<i32>} : memref<64x128xf32, #tpu.memory_space<vmem>>, vector<1x16xf32>,
      %swap3A_740 = vector.shape_cast %swap3A_739 : vector<1x16xf32> to vector<16xf32>
      %swap3A_741 = vector.shape_cast %broadcast_in_dim3A_1 : vector<16xf32> to vector<1x16xf32>
      tpu.vector_store %arg19[%swap3A_737, %swap3A_738], %swap3A_741 {strides = array<i32>} : memref<64x128xf32, #tpu.memory_space<vmem>>, vector<1x16xf32>,
      %swap3A_742 = arith.index_cast %scan3A_717 : i32 to index
      %swap3A_743 = arith.constant 80 : index
      %swap3A_744 = tpu.vector_load %arg19[%swap3A_742, %swap3A_743] {strides = array<i32>} : memref<64x128xf32, #tpu.memory_space<vmem>>, vector<1x16xf32>,
      %swap3A_745 = vector.shape_cast %swap3A_744 : vector<1x16xf32> to vector<16xf32>
      %swap3A_746 = vector.shape_cast %broadcast_in_dim3A_1 : vector<16xf32> to vector<1x16xf32>
      tpu.vector_store %arg19[%swap3A_742, %swap3A_743], %swap3A_746 {strides = array<i32>} : memref<64x128xf32, #tpu.memory_space<vmem>>, vector<1x16xf32>,
      %swap3A_747 = arith.index_cast %scan3A_717 : i32 to index
      %swap3A_748 = arith.constant 96 : index
      %swap3A_749 = tpu.vector_load %arg19[%swap3A_747, %swap3A_748] {strides = array<i32>} : memref<64x128xf32, #tpu.memory_space<vmem>>, vector<1x16xf32>,
      %swap3A_750 = vector.shape_cast %swap3A_749 : vector<1x16xf32> to vector<16xf32>
      %swap3A_751 = vector.shape_cast %broadcast_in_dim3A_1 : vector<16xf32> to vector<1x16xf32>
      tpu.vector_store %arg19[%swap3A_747, %swap3A_748], %swap3A_751 {strides = array<i32>} : memref<64x128xf32, #tpu.memory_space<vmem>>, vector<1x16xf32>,
      %swap3A_752 = arith.index_cast %scan3A_717 : i32 to index
      %swap3A_753 = arith.constant 112 : index
      %swap3A_754 = tpu.vector_load %arg19[%swap3A_752, %swap3A_753] {strides = array<i32>} : memref<64x128xf32, #tpu.memory_space<vmem>>, vector<1x16xf32>,
      %swap3A_755 = vector.shape_cast %swap3A_754 : vector<1x16xf32> to vector<16xf32>
      %swap3A_756 = vector.shape_cast %broadcast_in_dim3A_1 : vector<16xf32> to vector<1x16xf32>
      tpu.vector_store %arg19[%swap3A_752, %swap3A_753], %swap3A_756 {strides = array<i32>} : memref<64x128xf32, #tpu.memory_space<vmem>>, vector<1x16xf32>,
    }
    %scan3A_6 = arith.constant 64 : i32
    %mul3A_7 = arith.constant 640 : i32
    %mul3A_8 = arith.muli %arg1, %mul3A_7 : i32
    %add3A_9 = arith.constant 0 : i32
    %add3A_10 = arith.addi %mul3A_8, %add3A_9 : i32
    %dma_start3A = arith.constant 0 : i32
    %dma_start3A_11 = tpu.memref_slice %arg24[%add3A_10, %dma_start3A] : memref<10240x128xf32, #tpu.memory_space<vmem_shared>> -> memref<64x128xf32, #tpu.memory_space<vmem_shared>>
    %dma_start3A_12 = arith.constant 0 : i32
    %dma_start3A_13 = tpu.memref_slice %arg24[%add3A_10, %dma_start3A_12] : memref<10240x128xf32, #tpu.memory_space<vmem_shared>> -> memref<64x128xf32, #tpu.memory_space<vmem_shared>>
    tpu.enqueue_dma source(%arg19 : memref<64x128xf32, #tpu.memory_space<vmem>>) target(%dma_start3A_13 : memref<64x128xf32, #tpu.memory_space<vmem_shared>>) target_semaphore(%arg20 : memref<!tpu.dma_semaphore, #tpu.memory_space<semaphore_mem>>)
    %mul3A_14 = arith.constant 640 : i32
    %mul3A_15 = arith.muli %arg1, %mul3A_14 : i32
    %add3A_16 = arith.constant 64 : i32
    %add3A_17 = arith.addi %mul3A_15, %add3A_16 : i32
    %dma_start3A_18 = arith.constant 0 : i32
    %dma_start3A_19 = tpu.memref_slice %arg24[%add3A_17, %dma_start3A_18] : memref<10240x128xf32, #tpu.memory_space<vmem_shared>> -> memref<64x128xf32, #tpu.memory_space<vmem_shared>>
    %dma_start3A_20 = arith.constant 0 : i32
    %dma_start3A_21 = tpu.memref_slice %arg24[%add3A_17, %dma_start3A_20] : memref<10240x128xf32, #tpu.memory_space<vmem_shared>> -> memref<64x128xf32, #tpu.memory_space<vmem_shared>>
    tpu.enqueue_dma source(%arg19 : memref<64x128xf32, #tpu.memory_space<vmem>>) target(%dma_start3A_21 : memref<64x128xf32, #tpu.memory_space<vmem_shared>>) target_semaphore(%arg20 : memref<!tpu.dma_semaphore, #tpu.memory_space<semaphore_mem>>)
    %mul3A_22 = arith.constant 640 : i32
    %mul3A_23 = arith.muli %arg1, %mul3A_22 : i32
    %add3A_24 = arith.constant 128 : i32
    %add3A_25 = arith.addi %mul3A_23, %add3A_24 : i32
    %dma_start3A_26 = arith.constant 0 : i32
    %dma_start3A_27 = tpu.memref_slice %arg24[%add3A_25, %dma_start3A_26] : memref<10240x128xf32, #tpu.memory_space<vmem_shared>> -> memref<64x128xf32, #tpu.memory_space<vmem_shared>>
    %dma_start3A_28 = arith.constant 0 : i32
    %dma_start3A_29 = tpu.memref_slice %arg24[%add3A_25, %dma_start3A_28] : memref<10240x128xf32, #tpu.memory_space<vmem_shared>> -> memref<64x128xf32, #tpu.memory_space<vmem_shared>>
    tpu.enqueue_dma source(%arg19 : memref<64x128xf32, #tpu.memory_space<vmem>>) target(%dma_start3A_29 : memref<64x128xf32, #tpu.memory_space<vmem_shared>>) target_semaphore(%arg20 : memref<!tpu.dma_semaphore, #tpu.memory_space<semaphore_mem>>)
    %mul3A_30 = arith.constant 640 : i32
    %mul3A_31 = arith.muli %arg1, %mul3A_30 : i32
    %add3A_32 = arith.constant 192 : i32
    %add3A_33 = arith.addi %mul3A_31, %add3A_32 : i32
    %dma_start3A_34 = arith.constant 0 : i32
    %dma_start3A_35 = tpu.memref_slice %arg24[%add3A_33, %dma_start3A_34] : memref<10240x128xf32, #tpu.memory_space<vmem_shared>> -> memref<64x128xf32, #tpu.memory_space<vmem_shared>>
    %dma_start3A_36 = arith.constant 0 : i32
    %dma_start3A_37 = tpu.memref_slice %arg24[%add3A_33, %dma_start3A_36] : memref<10240x128xf32, #tpu.memory_space<vmem_shared>> -> memref<64x128xf32, #tpu.memory_space<vmem_shared>>
    tpu.enqueue_dma source(%arg19 : memref<64x128xf32, #tpu.memory_space<vmem>>) target(%dma_start3A_37 : memref<64x128xf32, #tpu.memory_space<vmem_shared>>) target_semaphore(%arg20 : memref<!tpu.dma_semaphore, #tpu.memory_space<semaphore_mem>>)
    %mul3A_38 = arith.constant 640 : i32
    %mul3A_39 = arith.muli %arg1, %mul3A_38 : i32
    %add3A_40 = arith.constant 256 : i32
    %add3A_41 = arith.addi %mul3A_39, %add3A_40 : i32
    %dma_start3A_42 = arith.constant 0 : i32
    %dma_start3A_43 = tpu.memref_slice %arg24[%add3A_41, %dma_start3A_42] : memref<10240x128xf32, #tpu.memory_space<vmem_shared>> -> memref<64x128xf32, #tpu.memory_space<vmem_shared>>
    %dma_start3A_44 = arith.constant 0 : i32
    %dma_start3A_45 = tpu.memref_slice %arg24[%add3A_41, %dma_start3A_44] : memref<10240x128xf32, #tpu.memory_space<vmem_shared>> -> memref<64x128xf32, #tpu.memory_space<vmem_shared>>
    tpu.enqueue_dma source(%arg19 : memref<64x128xf32, #tpu.memory_space<vmem>>) target(%dma_start3A_45 : memref<64x128xf32, #tpu.memory_space<vmem_shared>>) target_semaphore(%arg20 : memref<!tpu.dma_semaphore, #tpu.memory_space<semaphore_mem>>)
    %mul3A_46 = arith.constant 640 : i32
    %mul3A_47 = arith.muli %arg1, %mul3A_46 : i32
    %add3A_48 = arith.constant 320 : i32
    %add3A_49 = arith.addi %mul3A_47, %add3A_48 : i32
    %dma_start3A_50 = arith.constant 0 : i32
    %dma_start3A_51 = tpu.memref_slice %arg24[%add3A_49, %dma_start3A_50] : memref<10240x128xf32, #tpu.memory_space<vmem_shared>> -> memref<64x128xf32, #tpu.memory_space<vmem_shared>>
    %dma_start3A_52 = arith.constant 0 : i32
    %dma_start3A_53 = tpu.memref_slice %arg24[%add3A_49, %dma_start3A_52] : memref<10240x128xf32, #tpu.memory_space<vmem_shared>> -> memref<64x128xf32, #tpu.memory_space<vmem_shared>>
    tpu.enqueue_dma source(%arg19 : memref<64x128xf32, #tpu.memory_space<vmem>>) target(%dma_start3A_53 : memref<64x128xf32, #tpu.memory_space<vmem_shared>>) target_semaphore(%arg20 : memref<!tpu.dma_semaphore, #tpu.memory_space<semaphore_mem>>)
    %mul3A_54 = arith.constant 640 : i32
    %mul3A_55 = arith.muli %arg1, %mul3A_54 : i32
    %add3A_56 = arith.constant 384 : i32
    %add3A_57 = arith.addi %mul3A_55, %add3A_56 : i32
    %dma_start3A_58 = arith.constant 0 : i32
    %dma_start3A_59 = tpu.memref_slice %arg24[%add3A_57, %dma_start3A_58] : memref<10240x128xf32, #tpu.memory_space<vmem_shared>> -> memref<64x128xf32, #tpu.memory_space<vmem_shared>>
    %dma_start3A_60 = arith.constant 0 : i32
    %dma_start3A_61 = tpu.memref_slice %arg24[%add3A_57, %dma_start3A_60] : memref<10240x128xf32, #tpu.memory_space<vmem_shared>> -> memref<64x128xf32, #tpu.memory_space<vmem_shared>>
    tpu.enqueue_dma source(%arg19 : memref<64x128xf32, #tpu.memory_space<vmem>>) target(%dma_start3A_61 : memref<64x128xf32, #tpu.memory_space<vmem_shared>>) target_semaphore(%arg20 : memref<!tpu.dma_semaphore, #tpu.memory_space<semaphore_mem>>)
    %mul3A_62 = arith.constant 640 : i32
    %mul3A_63 = arith.muli %arg1, %mul3A_62 : i32
    %add3A_64 = arith.constant 448 : i32
    %add3A_65 = arith.addi %mul3A_63, %add3A_64 : i32
    %dma_start3A_66 = arith.constant 0 : i32
    %dma_start3A_67 = tpu.memref_slice %arg24[%add3A_65, %dma_start3A_66] : memref<10240x128xf32, #tpu.memory_space<vmem_shared>> -> memref<64x128xf32, #tpu.memory_space<vmem_shared>>
    %dma_start3A_68 = arith.constant 0 : i32
    %dma_start3A_69 = tpu.memref_slice %arg24[%add3A_65, %dma_start3A_68] : memref<10240x128xf32, #tpu.memory_space<vmem_shared>> -> memref<64x128xf32, #tpu.memory_space<vmem_shared>>
    tpu.enqueue_dma source(%arg19 : memref<64x128xf32, #tpu.memory_space<vmem>>) target(%dma_start3A_69 : memref<64x128xf32, #tpu.memory_space<vmem_shared>>) target_semaphore(%arg20 : memref<!tpu.dma_semaphore, #tpu.memory_space<semaphore_mem>>)
    %mul3A_70 = arith.constant 640 : i32
    %mul3A_71 = arith.muli %arg1, %mul3A_70 : i32
    %add3A_72 = arith.constant 512 : i32
    %add3A_73 = arith.addi %mul3A_71, %add3A_72 : i32
    %dma_start3A_74 = arith.constant 0 : i32
    %dma_start3A_75 = tpu.memref_slice %arg24[%add3A_73, %dma_start3A_74] : memref<10240x128xf32, #tpu.memory_space<vmem_shared>> -> memref<64x128xf32, #tpu.memory_space<vmem_shared>>
    %dma_start3A_76 = arith.constant 0 : i32
    %dma_start3A_77 = tpu.memref_slice %arg24[%add3A_73, %dma_start3A_76] : memref<10240x128xf32, #tpu.memory_space<vmem_shared>> -> memref<64x128xf32, #tpu.memory_space<vmem_shared>>
    tpu.enqueue_dma source(%arg19 : memref<64x128xf32, #tpu.memory_space<vmem>>) target(%dma_start3A_77 : memref<64x128xf32, #tpu.memory_space<vmem_shared>>) target_semaphore(%arg20 : memref<!tpu.dma_semaphore, #tpu.memory_space<semaphore_mem>>)
    %mul3A_78 = arith.constant 640 : i32
    %mul3A_79 = arith.muli %arg1, %mul3A_78 : i32
    %add3A_80 = arith.constant 576 : i32
    %add3A_81 = arith.addi %mul3A_79, %add3A_80 : i32
    %dma_start3A_82 = arith.constant 0 : i32
    %dma_start3A_83 = tpu.memref_slice %arg24[%add3A_81, %dma_start3A_82] : memref<10240x128xf32, #tpu.memory_space<vmem_shared>> -> memref<64x128xf32, #tpu.memory_space<vmem_shared>>
    %dma_start3A_84 = arith.constant 0 : i32
    %dma_start3A_85 = tpu.memref_slice %arg24[%add3A_81, %dma_start3A_84] : memref<10240x128xf32, #tpu.memory_space<vmem_shared>> -> memref<64x128xf32, #tpu.memory_space<vmem_shared>>
    tpu.enqueue_dma source(%arg19 : memref<64x128xf32, #tpu.memory_space<vmem>>) target(%dma_start3A_85 : memref<64x128xf32, #tpu.memory_space<vmem_shared>>) target_semaphore(%arg20 : memref<!tpu.dma_semaphore, #tpu.memory_space<semaphore_mem>>)
    %mul3A_86 = arith.constant 640 : i32
    %mul3A_87 = arith.muli %arg1, %mul3A_86 : i32
    %add3A_88 = arith.constant 0 : i32
    %add3A_89 = arith.addi %mul3A_87, %add3A_88 : i32
    %dma_wait3A = arith.constant 0 : i32
    %dma_wait3A_90 = tpu.memref_slice %arg24[%add3A_89, %dma_wait3A] : memref<10240x128xf32, #tpu.memory_space<vmem_shared>> -> memref<64x128xf32, #tpu.memory_space<vmem_shared>>
    %dma_wait3A_91 = arith.constant 0 : i32
    %dma_wait3A_92 = tpu.memref_slice %arg24[%add3A_89, %dma_wait3A_91] : memref<10240x128xf32, #tpu.memory_space<vmem_shared>> -> memref<64x128xf32, #tpu.memory_space<vmem_shared>>
    tpu.wait_dma2 semaphore(%arg20 : memref<!tpu.dma_semaphore, #tpu.memory_space<semaphore_mem>>) src(%arg19 : memref<64x128xf32, #tpu.memory_space<vmem>>) dst(%dma_wait3A_92 : memref<64x128xf32, #tpu.memory_space<vmem_shared>>)
    %mul3A_93 = arith.constant 640 : i32
    %mul3A_94 = arith.muli %arg1, %mul3A_93 : i32
    %add3A_95 = arith.constant 64 : i32
    %add3A_96 = arith.addi %mul3A_94, %add3A_95 : i32
    %dma_wait3A_97 = arith.constant 0 : i32
    %dma_wait3A_98 = tpu.memref_slice %arg24[%add3A_96, %dma_wait3A_97] : memref<10240x128xf32, #tpu.memory_space<vmem_shared>> -> memref<64x128xf32, #tpu.memory_space<vmem_shared>>
    %dma_wait3A_99 = arith.constant 0 : i32
    %dma_wait3A_100 = tpu.memref_slice %arg24[%add3A_96, %dma_wait3A_99] : memref<10240x128xf32, #tpu.memory_space<vmem_shared>> -> memref<64x128xf32, #tpu.memory_space<vmem_shared>>
    tpu.wait_dma2 semaphore(%arg20 : memref<!tpu.dma_semaphore, #tpu.memory_space<semaphore_mem>>) src(%arg19 : memref<64x128xf32, #tpu.memory_space<vmem>>) dst(%dma_wait3A_100 : memref<64x128xf32, #tpu.memory_space<vmem_shared>>)
    %mul3A_101 = arith.constant 640 : i32
    %mul3A_102 = arith.muli %arg1, %mul3A_101 : i32
    %add3A_103 = arith.constant 128 : i32
    %add3A_104 = arith.addi %mul3A_102, %add3A_103 : i32
    %dma_wait3A_105 = arith.constant 0 : i32
    %dma_wait3A_106 = tpu.memref_slice %arg24[%add3A_104, %dma_wait3A_105] : memref<10240x128xf32, #tpu.memory_space<vmem_shared>> -> memref<64x128xf32, #tpu.memory_space<vmem_shared>>
    %dma_wait3A_107 = arith.constant 0 : i32
    %dma_wait3A_108 = tpu.memref_slice %arg24[%add3A_104, %dma_wait3A_107] : memref<10240x128xf32, #tpu.memory_space<vmem_shared>> -> memref<64x128xf32, #tpu.memory_space<vmem_shared>>
    tpu.wait_dma2 semaphore(%arg20 : memref<!tpu.dma_semaphore, #tpu.memory_space<semaphore_mem>>) src(%arg19 : memref<64x128xf32, #tpu.memory_space<vmem>>) dst(%dma_wait3A_108 : memref<64x128xf32, #tpu.memory_space<vmem_shared>>)
    %mul3A_109 = arith.constant 640 : i32
    %mul3A_110 = arith.muli %arg1, %mul3A_109 : i32
    %add3A_111 = arith.constant 192 : i32
    %add3A_112 = arith.addi %mul3A_110, %add3A_111 : i32
    %dma_wait3A_113 = arith.constant 0 : i32
    %dma_wait3A_114 = tpu.memref_slice %arg24[%add3A_112, %dma_wait3A_113] : memref<10240x128xf32, #tpu.memory_space<vmem_shared>> -> memref<64x128xf32, #tpu.memory_space<vmem_shared>>
    %dma_wait3A_115 = arith.constant 0 : i32
    %dma_wait3A_116 = tpu.memref_slice %arg24[%add3A_112, %dma_wait3A_115] : memref<10240x128xf32, #tpu.memory_space<vmem_shared>> -> memref<64x128xf32, #tpu.memory_space<vmem_shared>>
    tpu.wait_dma2 semaphore(%arg20 : memref<!tpu.dma_semaphore, #tpu.memory_space<semaphore_mem>>) src(%arg19 : memref<64x128xf32, #tpu.memory_space<vmem>>) dst(%dma_wait3A_116 : memref<64x128xf32, #tpu.memory_space<vmem_shared>>)
    %mul3A_117 = arith.constant 640 : i32
    %mul3A_118 = arith.muli %arg1, %mul3A_117 : i32
    %add3A_119 = arith.constant 256 : i32
    %add3A_120 = arith.addi %mul3A_118, %add3A_119 : i32
    %dma_wait3A_121 = arith.constant 0 : i32
    %dma_wait3A_122 = tpu.memref_slice %arg24[%add3A_120, %dma_wait3A_121] : memref<10240x128xf32, #tpu.memory_space<vmem_shared>> -> memref<64x128xf32, #tpu.memory_space<vmem_shared>>
    %dma_wait3A_123 = arith.constant 0 : i32
    %dma_wait3A_124 = tpu.memref_slice %arg24[%add3A_120, %dma_wait3A_123] : memref<10240x128xf32, #tpu.memory_space<vmem_shared>> -> memref<64x128xf32, #tpu.memory_space<vmem_shared>>
    tpu.wait_dma2 semaphore(%arg20 : memref<!tpu.dma_semaphore, #tpu.memory_space<semaphore_mem>>) src(%arg19 : memref<64x128xf32, #tpu.memory_space<vmem>>) dst(%dma_wait3A_124 : memref<64x128xf32, #tpu.memory_space<vmem_shared>>)
    %mul3A_125 = arith.constant 640 : i32
    %mul3A_126 = arith.muli %arg1, %mul3A_125 : i32
    %add3A_127 = arith.constant 320 : i32
    %add3A_128 = arith.addi %mul3A_126, %add3A_127 : i32
    %dma_wait3A_129 = arith.constant 0 : i32
    %dma_wait3A_130 = tpu.memref_slice %arg24[%add3A_128, %dma_wait3A_129] : memref<10240x128xf32, #tpu.memory_space<vmem_shared>> -> memref<64x128xf32, #tpu.memory_space<vmem_shared>>
    %dma_wait3A_131 = arith.constant 0 : i32
    %dma_wait3A_132 = tpu.memref_slice %arg24[%add3A_128, %dma_wait3A_131] : memref<10240x128xf32, #tpu.memory_space<vmem_shared>> -> memref<64x128xf32, #tpu.memory_space<vmem_shared>>
    tpu.wait_dma2 semaphore(%arg20 : memref<!tpu.dma_semaphore, #tpu.memory_space<semaphore_mem>>) src(%arg19 : memref<64x128xf32, #tpu.memory_space<vmem>>) dst(%dma_wait3A_132 : memref<64x128xf32, #tpu.memory_space<vmem_shared>>)
    %mul3A_133 = arith.constant 640 : i32
    %mul3A_134 = arith.muli %arg1, %mul3A_133 : i32
    %add3A_135 = arith.constant 384 : i32
    %add3A_136 = arith.addi %mul3A_134, %add3A_135 : i32
    %dma_wait3A_137 = arith.constant 0 : i32
    %dma_wait3A_138 = tpu.memref_slice %arg24[%add3A_136, %dma_wait3A_137] : memref<10240x128xf32, #tpu.memory_space<vmem_shared>> -> memref<64x128xf32, #tpu.memory_space<vmem_shared>>
    %dma_wait3A_139 = arith.constant 0 : i32
    %dma_wait3A_140 = tpu.memref_slice %arg24[%add3A_136, %dma_wait3A_139] : memref<10240x128xf32, #tpu.memory_space<vmem_shared>> -> memref<64x128xf32, #tpu.memory_space<vmem_shared>>
    tpu.wait_dma2 semaphore(%arg20 : memref<!tpu.dma_semaphore, #tpu.memory_space<semaphore_mem>>) src(%arg19 : memref<64x128xf32, #tpu.memory_space<vmem>>) dst(%dma_wait3A_140 : memref<64x128xf32, #tpu.memory_space<vmem_shared>>)
    %mul3A_141 = arith.constant 640 : i32
    %mul3A_142 = arith.muli %arg1, %mul3A_141 : i32
    %add3A_143 = arith.constant 448 : i32
    %add3A_144 = arith.addi %mul3A_142, %add3A_143 : i32
    %dma_wait3A_145 = arith.constant 0 : i32
    %dma_wait3A_146 = tpu.memref_slice %arg24[%add3A_144, %dma_wait3A_145] : memref<10240x128xf32, #tpu.memory_space<vmem_shared>> -> memref<64x128xf32, #tpu.memory_space<vmem_shared>>
    %dma_wait3A_147 = arith.constant 0 : i32
    %dma_wait3A_148 = tpu.memref_slice %arg24[%add3A_144, %dma_wait3A_147] : memref<10240x128xf32, #tpu.memory_space<vmem_shared>> -> memref<64x128xf32, #tpu.memory_space<vmem_shared>>
    tpu.wait_dma2 semaphore(%arg20 : memref<!tpu.dma_semaphore, #tpu.memory_space<semaphore_mem>>) src(%arg19 : memref<64x128xf32, #tpu.memory_space<vmem>>) dst(%dma_wait3A_148 : memref<64x128xf32, #tpu.memory_space<vmem_shared>>)
    %mul3A_149 = arith.constant 640 : i32
    %mul3A_150 = arith.muli %arg1, %mul3A_149 : i32
    %add3A_151 = arith.constant 512 : i32
    %add3A_152 = arith.addi %mul3A_150, %add3A_151 : i32
    %dma_wait3A_153 = arith.constant 0 : i32
    %dma_wait3A_154 = tpu.memref_slice %arg24[%add3A_152, %dma_wait3A_153] : memref<10240x128xf32, #tpu.memory_space<vmem_shared>> -> memref<64x128xf32, #tpu.memory_space<vmem_shared>>
    %dma_wait3A_155 = arith.constant 0 : i32
    %dma_wait3A_156 = tpu.memref_slice %arg24[%add3A_152, %dma_wait3A_155] : memref<10240x128xf32, #tpu.memory_space<vmem_shared>> -> memref<64x128xf32, #tpu.memory_space<vmem_shared>>
    tpu.wait_dma2 semaphore(%arg20 : memref<!tpu.dma_semaphore, #tpu.memory_space<semaphore_mem>>) src(%arg19 : memref<64x128xf32, #tpu.memory_space<vmem>>) dst(%dma_wait3A_156 : memref<64x128xf32, #tpu.memory_space<vmem_shared>>)
    %mul3A_157 = arith.constant 640 : i32
    %mul3A_158 = arith.muli %arg1, %mul3A_157 : i32
    %add3A_159 = arith.constant 576 : i32
    %add3A_160 = arith.addi %mul3A_158, %add3A_159 : i32
    %dma_wait3A_161 = arith.constant 0 : i32
    %dma_wait3A_162 = tpu.memref_slice %arg24[%add3A_160, %dma_wait3A_161] : memref<10240x128xf32, #tpu.memory_space<vmem_shared>> -> memref<64x128xf32, #tpu.memory_space<vmem_shared>>
    %dma_wait3A_163 = arith.constant 0 : i32
    %dma_wait3A_164 = tpu.memref_slice %arg24[%add3A_160, %dma_wait3A_163] : memref<10240x128xf32, #tpu.memory_space<vmem_shared>> -> memref<64x128xf32, #tpu.memory_space<vmem_shared>>
    tpu.wait_dma2 semaphore(%arg20 : memref<!tpu.dma_semaphore, #tpu.memory_space<semaphore_mem>>) src(%arg19 : memref<64x128xf32, #tpu.memory_space<vmem>>) dst(%dma_wait3A_164 : memref<64x128xf32, #tpu.memory_space<vmem_shared>>)
    %barrier3A = arith.constant 0 : index
    tpu.barrier barrier_id(%barrier3A)
    %scan3A_165 = arith.constant 0 : i32
    %scan3A_166 = arith.constant 0 : i32
    %scan3A_167 = arith.constant 5 : i32
    %scan3A_168 = arith.addi %scan3A_166, %scan3A_167 : i32
    %scan3A_169 = arith.constant 1 : i32
    scf.for %scan3A_717 = %scan3A_166 to %scan3A_168 step %scan3A_169  : i32 {
      "tpu.region"() ({
        %run_scoped3A_752 = tpu.sem_alloc : memref<!tpu.dma_semaphore, #tpu.memory_space<semaphore_mem>>
        %dma_start3A_753 = arith.constant 0 : i32
        %dma_start3A_754 = arith.constant 0 : i32
        %dma_start3A_755 = tpu.memref_slice %arg10[%add3A, %scan3A_717, %dma_start3A_753, %dma_start3A_754] : memref<32x5x32x64xi32, #tpu.memory_space<hbm>> -> memref<1x1x32x64xi32, #tpu.memory_space<hbm>>
        %dma_start3A_756 = tpu.memref_squeeze %dma_start3A_755 : memref<1x1x32x64xi32, #tpu.memory_space<hbm>> -> memref<32x64xi32, #tpu.memory_space<hbm>>
        %dma_start3A_757 = arith.constant 0 : i32
        %dma_start3A_758 = arith.constant 0 : i32
        %dma_start3A_759 = tpu.memref_slice %arg10[%add3A, %scan3A_717, %dma_start3A_757, %dma_start3A_758] : memref<32x5x32x64xi32, #tpu.memory_space<hbm>> -> memref<1x1x32x64xi32, #tpu.memory_space<hbm>>
        %dma_start3A_760 = tpu.memref_squeeze %dma_start3A_759 : memref<1x1x32x64xi32, #tpu.memory_space<hbm>> -> memref<32x64xi32, #tpu.memory_space<hbm>>
        tpu.enqueue_dma source(%dma_start3A_760 : memref<32x64xi32, #tpu.memory_space<hbm>>) target(%arg13 : memref<32x64xi32, #tpu.memory_space<vmem>>) target_semaphore(%run_scoped3A_752 : memref<!tpu.dma_semaphore, #tpu.memory_space<semaphore_mem>>)
        %dma_wait3A_761 = arith.constant 0 : i32
        %dma_wait3A_762 = arith.constant 0 : i32
        %dma_wait3A_763 = tpu.memref_slice %arg10[%add3A, %scan3A_717, %dma_wait3A_761, %dma_wait3A_762] : memref<32x5x32x64xi32, #tpu.memory_space<hbm>> -> memref<1x1x32x64xi32, #tpu.memory_space<hbm>>
        %dma_wait3A_764 = tpu.memref_squeeze %dma_wait3A_763 : memref<1x1x32x64xi32, #tpu.memory_space<hbm>> -> memref<32x64xi32, #tpu.memory_space<hbm>>
        %dma_wait3A_765 = arith.constant 0 : i32
        %dma_wait3A_766 = arith.constant 0 : i32
        %dma_wait3A_767 = tpu.memref_slice %arg10[%add3A, %scan3A_717, %dma_wait3A_765, %dma_wait3A_766] : memref<32x5x32x64xi32, #tpu.memory_space<hbm>> -> memref<1x1x32x64xi32, #tpu.memory_space<hbm>>
        %dma_wait3A_768 = tpu.memref_squeeze %dma_wait3A_767 : memref<1x1x32x64xi32, #tpu.memory_space<hbm>> -> memref<32x64xi32, #tpu.memory_space<hbm>>
        tpu.wait_dma2 semaphore(%run_scoped3A_752 : memref<!tpu.dma_semaphore, #tpu.memory_space<semaphore_mem>>) src(%dma_wait3A_768 : memref<32x64xi32, #tpu.memory_space<hbm>>) dst(%arg13 : memref<32x64xi32, #tpu.memory_space<vmem>>)
        tpu.yield
      }) : () -> ()
      "tpu.region"() ({
        %run_scoped3A_752 = tpu.sem_alloc : memref<!tpu.dma_semaphore, #tpu.memory_space<semaphore_mem>>
        %dma_start3A_753 = arith.constant 0 : i32
        %dma_start3A_754 = arith.constant 0 : i32
        %dma_start3A_755 = tpu.memref_slice %arg11[%add3A, %scan3A_717, %dma_start3A_753, %dma_start3A_754] : memref<32x5x32x64xi32, #tpu.memory_space<hbm>> -> memref<1x1x32x64xi32, #tpu.memory_space<hbm>>
        %dma_start3A_756 = tpu.memref_squeeze %dma_start3A_755 : memref<1x1x32x64xi32, #tpu.memory_space<hbm>> -> memref<32x64xi32, #tpu.memory_space<hbm>>
        %dma_start3A_757 = arith.constant 0 : i32
        %dma_start3A_758 = arith.constant 0 : i32
        %dma_start3A_759 = tpu.memref_slice %arg11[%add3A, %scan3A_717, %dma_start3A_757, %dma_start3A_758] : memref<32x5x32x64xi32, #tpu.memory_space<hbm>> -> memref<1x1x32x64xi32, #tpu.memory_space<hbm>>
        %dma_start3A_760 = tpu.memref_squeeze %dma_start3A_759 : memref<1x1x32x64xi32, #tpu.memory_space<hbm>> -> memref<32x64xi32, #tpu.memory_space<hbm>>
        tpu.enqueue_dma source(%dma_start3A_760 : memref<32x64xi32, #tpu.memory_space<hbm>>) target(%arg14 : memref<32x64xi32, #tpu.memory_space<vmem>>) target_semaphore(%run_scoped3A_752 : memref<!tpu.dma_semaphore, #tpu.memory_space<semaphore_mem>>)
        %dma_wait3A_761 = arith.constant 0 : i32
        %dma_wait3A_762 = arith.constant 0 : i32
        %dma_wait3A_763 = tpu.memref_slice %arg11[%add3A, %scan3A_717, %dma_wait3A_761, %dma_wait3A_762] : memref<32x5x32x64xi32, #tpu.memory_space<hbm>> -> memref<1x1x32x64xi32, #tpu.memory_space<hbm>>
        %dma_wait3A_764 = tpu.memref_squeeze %dma_wait3A_763 : memref<1x1x32x64xi32, #tpu.memory_space<hbm>> -> memref<32x64xi32, #tpu.memory_space<hbm>>
        %dma_wait3A_765 = arith.constant 0 : i32
        %dma_wait3A_766 = arith.constant 0 : i32
        %dma_wait3A_767 = tpu.memref_slice %arg11[%add3A, %scan3A_717, %dma_wait3A_765, %dma_wait3A_766] : memref<32x5x32x64xi32, #tpu.memory_space<hbm>> -> memref<1x1x32x64xi32, #tpu.memory_space<hbm>>
        %dma_wait3A_768 = tpu.memref_squeeze %dma_wait3A_767 : memref<1x1x32x64xi32, #tpu.memory_space<hbm>> -> memref<32x64xi32, #tpu.memory_space<hbm>>
        tpu.wait_dma2 semaphore(%run_scoped3A_752 : memref<!tpu.dma_semaphore, #tpu.memory_space<semaphore_mem>>) src(%dma_wait3A_768 : memref<32x64xi32, #tpu.memory_space<hbm>>) dst(%arg14 : memref<32x64xi32, #tpu.memory_space<vmem>>)
        tpu.yield
      }) : () -> ()
      %dma_start3A_718 = arith.constant 0 : i32
      %dma_start3A_719 = arith.constant 0 : i32
      %dma_start3A_720 = tpu.memref_slice %arg13[%dma_start3A_718, %dma_start3A_719] : memref<32x64xi32, #tpu.memory_space<vmem>> -> memref<1x64xi32, #tpu.memory_space<vmem>>
      %dma_start3A_721 = tpu.memref_squeeze %dma_start3A_720 : memref<1x64xi32, #tpu.memory_space<vmem>> -> memref<64xi32, #tpu.memory_space<vmem>>
      %dma_start3A_722 = arith.constant 0 : i32
      %dma_start3A_723 = arith.constant 0 : i32
      %dma_start3A_724 = tpu.memref_slice %arg2[%dma_start3A_722, %dma_start3A_723] : memref<10240x128xf32, #tpu.memory_space<hbm>> -> memref<10240x128xf32, #tpu.memory_space<hbm>>
      tpu.enqueue_indirect_dma source(%dma_start3A_724 : memref<10240x128xf32, #tpu.memory_space<hbm>>) target(%arg15 : memref<64x128xf32, #tpu.memory_space<vmem>>) offsets(%dma_start3A_721 : memref<64xi32, #tpu.memory_space<vmem>>) semaphore(%arg20 : memref<!tpu.dma_semaphore, #tpu.memory_space<semaphore_mem>>)
      %dma_start3A_725 = arith.constant 0 : i32
      %dma_start3A_726 = arith.constant 0 : i32
      %dma_start3A_727 = tpu.memref_slice %arg14[%dma_start3A_725, %dma_start3A_726] : memref<32x64xi32, #tpu.memory_space<vmem>> -> memref<1x64xi32, #tpu.memory_space<vmem>>
      %dma_start3A_728 = tpu.memref_squeeze %dma_start3A_727 : memref<1x64xi32, #tpu.memory_space<vmem>> -> memref<64xi32, #tpu.memory_space<vmem>>
      %dma_start3A_729 = arith.constant 0 : i32
      %dma_start3A_730 = arith.constant 0 : i32
      %dma_start3A_731 = tpu.memref_slice %arg6[%dma_start3A_729, %dma_start3A_730] : memref<10240x128xf32, #tpu.memory_space<hbm>> -> memref<10240x128xf32, #tpu.memory_space<hbm>>
      tpu.enqueue_indirect_dma source(%dma_start3A_731 : memref<10240x128xf32, #tpu.memory_space<hbm>>) target(%arg17 : memref<64x128xf32, #tpu.memory_space<vmem>>) offsets(%dma_start3A_728 : memref<64xi32, #tpu.memory_space<vmem>>) semaphore(%arg22 : memref<!tpu.dma_semaphore, #tpu.memory_space<semaphore_mem>>)
      %dma_start3A_732 = arith.constant 1 : i32
      %dma_start3A_733 = arith.constant 0 : i32
      %dma_start3A_734 = tpu.memref_slice %arg13[%dma_start3A_732, %dma_start3A_733] : memref<32x64xi32, #tpu.memory_space<vmem>> -> memref<1x64xi32, #tpu.memory_space<vmem>>
      %dma_start3A_735 = tpu.memref_squeeze %dma_start3A_734 : memref<1x64xi32, #tpu.memory_space<vmem>> -> memref<64xi32, #tpu.memory_space<vmem>>
      %dma_start3A_736 = arith.constant 0 : i32
      %dma_start3A_737 = arith.constant 0 : i32
      %dma_start3A_738 = tpu.memref_slice %arg2[%dma_start3A_736, %dma_start3A_737] : memref<10240x128xf32, #tpu.memory_space<hbm>> -> memref<10240x128xf32, #tpu.memory_space<hbm>>
      tpu.enqueue_indirect_dma source(%dma_start3A_738 : memref<10240x128xf32, #tpu.memory_space<hbm>>) target(%arg16 : memref<64x128xf32, #tpu.memory_space<vmem>>) offsets(%dma_start3A_735 : memref<64xi32, #tpu.memory_space<vmem>>) semaphore(%arg21 : memref<!tpu.dma_semaphore, #tpu.memory_space<semaphore_mem>>)
      %dma_start3A_739 = arith.constant 1 : i32
      %dma_start3A_740 = arith.constant 0 : i32
      %dma_start3A_741 = tpu.memref_slice %arg14[%dma_start3A_739, %dma_start3A_740] : memref<32x64xi32, #tpu.memory_space<vmem>> -> memref<1x64xi32, #tpu.memory_space<vmem>>
      %dma_start3A_742 = tpu.memref_squeeze %dma_start3A_741 : memref<1x64xi32, #tpu.memory_space<vmem>> -> memref<64xi32, #tpu.memory_space<vmem>>
      %dma_start3A_743 = arith.constant 0 : i32
      %dma_start3A_744 = arith.constant 0 : i32
      %dma_start3A_745 = tpu.memref_slice %arg6[%dma_start3A_743, %dma_start3A_744] : memref<10240x128xf32, #tpu.memory_space<hbm>> -> memref<10240x128xf32, #tpu.memory_space<hbm>>
      tpu.enqueue_indirect_dma source(%dma_start3A_745 : memref<10240x128xf32, #tpu.memory_space<hbm>>) target(%arg18 : memref<64x128xf32, #tpu.memory_space<vmem>>) offsets(%dma_start3A_742 : memref<64xi32, #tpu.memory_space<vmem>>) semaphore(%arg23 : memref<!tpu.dma_semaphore, #tpu.memory_space<semaphore_mem>>)
      %scan3A_746 = arith.constant 0 : i32
      %scan3A_747 = arith.constant 0 : i32
      %scan3A_748 = arith.constant 16 : i32
      %scan3A_749 = arith.addi %scan3A_747, %scan3A_748 : i32
      %scan3A_750 = arith.constant 1 : i32
      scf.for %scan3A_752 = %scan3A_747 to %scan3A_749 step %scan3A_750  : i32 {
        %mul3A_753 = arith.constant 2 : i32
        %mul3A_754 = arith.muli %mul3A_753, %scan3A_752 : i32
        %dma_wait3A_755 = arith.constant 0 : i32
        %dma_wait3A_756 = tpu.memref_slice %arg13[%mul3A_754, %dma_wait3A_755] : memref<32x64xi32, #tpu.memory_space<vmem>> -> memref<1x64xi32, #tpu.memory_space<vmem>>
        %dma_wait3A_757 = tpu.memref_squeeze %dma_wait3A_756 : memref<1x64xi32, #tpu.memory_space<vmem>> -> memref<64xi32, #tpu.memory_space<vmem>>
        %dma_wait3A_758 = arith.constant 0 : i32
        %dma_wait3A_759 = arith.constant 0 : i32
        %dma_wait3A_760 = tpu.memref_slice %arg2[%dma_wait3A_758, %dma_wait3A_759] : memref<10240x128xf32, #tpu.memory_space<hbm>> -> memref<10240x128xf32, #tpu.memory_space<hbm>>
        tpu.wait_indirect_dma semaphore(%arg20 : memref<!tpu.dma_semaphore, #tpu.memory_space<semaphore_mem>>) src(%dma_wait3A_760 : memref<10240x128xf32, #tpu.memory_space<hbm>>) dst(%arg15 : memref<64x128xf32, #tpu.memory_space<vmem>>)
        %dma_wait3A_761 = arith.constant 0 : i32
        %dma_wait3A_762 = tpu.memref_slice %arg14[%mul3A_754, %dma_wait3A_761] : memref<32x64xi32, #tpu.memory_space<vmem>> -> memref<1x64xi32, #tpu.memory_space<vmem>>
        %dma_wait3A_763 = tpu.memref_squeeze %dma_wait3A_762 : memref<1x64xi32, #tpu.memory_space<vmem>> -> memref<64xi32, #tpu.memory_space<vmem>>
        %dma_wait3A_764 = arith.constant 0 : i32
        %dma_wait3A_765 = arith.constant 0 : i32
        %dma_wait3A_766 = tpu.memref_slice %arg6[%dma_wait3A_764, %dma_wait3A_765] : memref<10240x128xf32, #tpu.memory_space<hbm>> -> memref<10240x128xf32, #tpu.memory_space<hbm>>
        tpu.wait_indirect_dma semaphore(%arg22 : memref<!tpu.dma_semaphore, #tpu.memory_space<semaphore_mem>>) src(%dma_wait3A_766 : memref<10240x128xf32, #tpu.memory_space<hbm>>) dst(%arg17 : memref<64x128xf32, #tpu.memory_space<vmem>>)
        %parallel_loop3A = arith.constant 0 : i32
        %parallel_loop3A_767 = arith.constant 64 : i32
        %parallel_loop3A_768 = arith.constant 1 : i32
        scf.for %parallel_loop3A_797 = %parallel_loop3A to %parallel_loop3A_767 step %parallel_loop3A_768  : i32 {
          %parallel_loop3A_798 = arith.index_cast %parallel_loop3A_797 : i32 to index
          %parallel_loop3A_799 = arith.constant 0 : index
          %parallel_loop3A_800 = tpu.vector_load %arg15[%parallel_loop3A_798, %parallel_loop3A_799] {strides = array<i32>} : memref<64x128xf32, #tpu.memory_space<vmem>>, vector<1x16xf32>,
          %parallel_loop3A_801 = vector.shape_cast %parallel_loop3A_800 : vector<1x16xf32> to vector<16xf32>
          %parallel_loop3A_802 = arith.index_cast %parallel_loop3A_797 : i32 to index
          %parallel_loop3A_803 = arith.constant 0 : index
          %parallel_loop3A_804 = tpu.vector_load %arg17[%parallel_loop3A_802, %parallel_loop3A_803] {strides = array<i32>} : memref<64x128xf32, #tpu.memory_space<vmem>>, vector<1x16xf32>,
          %parallel_loop3A_805 = vector.shape_cast %parallel_loop3A_804 : vector<1x16xf32> to vector<16xf32>
          %parallel_loop3A_806 = arith.addf %parallel_loop3A_801, %parallel_loop3A_805 : vector<16xf32>
          %parallel_loop3A_807 = arith.maximumf %parallel_loop3A_806, %broadcast_in_dim3A_1 : vector<16xf32>
          %parallel_loop3A_808 = arith.index_cast %parallel_loop3A_797 : i32 to index
          %parallel_loop3A_809 = arith.constant 0 : index
          %parallel_loop3A_810 = tpu.vector_load %arg19[%parallel_loop3A_808, %parallel_loop3A_809] {strides = array<i32>} : memref<64x128xf32, #tpu.memory_space<vmem>>, vector<1x16xf32>,
          %parallel_loop3A_811 = vector.shape_cast %parallel_loop3A_810 : vector<1x16xf32> to vector<16xf32>
          %parallel_loop3A_812 = vector.shape_cast %parallel_loop3A_807 : vector<16xf32> to vector<1x16xf32>
          tpu.vector_store %arg19[%parallel_loop3A_808, %parallel_loop3A_809], %parallel_loop3A_812 {strides = array<i32>} : memref<64x128xf32, #tpu.memory_space<vmem>>, vector<1x16xf32>,
          %parallel_loop3A_813 = arith.index_cast %parallel_loop3A_797 : i32 to index
          %parallel_loop3A_814 = arith.constant 16 : index
          %parallel_loop3A_815 = tpu.vector_load %arg15[%parallel_loop3A_813, %parallel_loop3A_814] {strides = array<i32>} : memref<64x128xf32, #tpu.memory_space<vmem>>, vector<1x16xf32>,
          %parallel_loop3A_816 = vector.shape_cast %parallel_loop3A_815 : vector<1x16xf32> to vector<16xf32>
          %parallel_loop3A_817 = arith.index_cast %parallel_loop3A_797 : i32 to index
          %parallel_loop3A_818 = arith.constant 16 : index
          %parallel_loop3A_819 = tpu.vector_load %arg17[%parallel_loop3A_817, %parallel_loop3A_818] {strides = array<i32>} : memref<64x128xf32, #tpu.memory_space<vmem>>, vector<1x16xf32>,
          %parallel_loop3A_820 = vector.shape_cast %parallel_loop3A_819 : vector<1x16xf32> to vector<16xf32>
          %parallel_loop3A_821 = arith.addf %parallel_loop3A_816, %parallel_loop3A_820 : vector<16xf32>
          %parallel_loop3A_822 = arith.maximumf %parallel_loop3A_821, %broadcast_in_dim3A_1 : vector<16xf32>
          %parallel_loop3A_823 = arith.index_cast %parallel_loop3A_797 : i32 to index
          %parallel_loop3A_824 = arith.constant 16 : index
          %parallel_loop3A_825 = tpu.vector_load %arg19[%parallel_loop3A_823, %parallel_loop3A_824] {strides = array<i32>} : memref<64x128xf32, #tpu.memory_space<vmem>>, vector<1x16xf32>,
          %parallel_loop3A_826 = vector.shape_cast %parallel_loop3A_825 : vector<1x16xf32> to vector<16xf32>
          %parallel_loop3A_827 = vector.shape_cast %parallel_loop3A_822 : vector<16xf32> to vector<1x16xf32>
          tpu.vector_store %arg19[%parallel_loop3A_823, %parallel_loop3A_824], %parallel_loop3A_827 {strides = array<i32>} : memref<64x128xf32, #tpu.memory_space<vmem>>, vector<1x16xf32>,
          %parallel_loop3A_828 = arith.index_cast %parallel_loop3A_797 : i32 to index
          %parallel_loop3A_829 = arith.constant 32 : index
          %parallel_loop3A_830 = tpu.vector_load %arg15[%parallel_loop3A_828, %parallel_loop3A_829] {strides = array<i32>} : memref<64x128xf32, #tpu.memory_space<vmem>>, vector<1x16xf32>,
          %parallel_loop3A_831 = vector.shape_cast %parallel_loop3A_830 : vector<1x16xf32> to vector<16xf32>
          %parallel_loop3A_832 = arith.index_cast %parallel_loop3A_797 : i32 to index
          %parallel_loop3A_833 = arith.constant 32 : index
          %parallel_loop3A_834 = tpu.vector_load %arg17[%parallel_loop3A_832, %parallel_loop3A_833] {strides = array<i32>} : memref<64x128xf32, #tpu.memory_space<vmem>>, vector<1x16xf32>,
          %parallel_loop3A_835 = vector.shape_cast %parallel_loop3A_834 : vector<1x16xf32> to vector<16xf32>
          %parallel_loop3A_836 = arith.addf %parallel_loop3A_831, %parallel_loop3A_835 : vector<16xf32>
          %parallel_loop3A_837 = arith.maximumf %parallel_loop3A_836, %broadcast_in_dim3A_1 : vector<16xf32>
          %parallel_loop3A_838 = arith.index_cast %parallel_loop3A_797 : i32 to index
          %parallel_loop3A_839 = arith.constant 32 : index
          %parallel_loop3A_840 = tpu.vector_load %arg19[%parallel_loop3A_838, %parallel_loop3A_839] {strides = array<i32>} : memref<64x128xf32, #tpu.memory_space<vmem>>, vector<1x16xf32>,
          %parallel_loop3A_841 = vector.shape_cast %parallel_loop3A_840 : vector<1x16xf32> to vector<16xf32>
          %parallel_loop3A_842 = vector.shape_cast %parallel_loop3A_837 : vector<16xf32> to vector<1x16xf32>
          tpu.vector_store %arg19[%parallel_loop3A_838, %parallel_loop3A_839], %parallel_loop3A_842 {strides = array<i32>} : memref<64x128xf32, #tpu.memory_space<vmem>>, vector<1x16xf32>,
          %parallel_loop3A_843 = arith.index_cast %parallel_loop3A_797 : i32 to index
          %parallel_loop3A_844 = arith.constant 48 : index
          %parallel_loop3A_845 = tpu.vector_load %arg15[%parallel_loop3A_843, %parallel_loop3A_844] {strides = array<i32>} : memref<64x128xf32, #tpu.memory_space<vmem>>, vector<1x16xf32>,
          %parallel_loop3A_846 = vector.shape_cast %parallel_loop3A_845 : vector<1x16xf32> to vector<16xf32>
          %parallel_loop3A_847 = arith.index_cast %parallel_loop3A_797 : i32 to index
          %parallel_loop3A_848 = arith.constant 48 : index
          %parallel_loop3A_849 = tpu.vector_load %arg17[%parallel_loop3A_847, %parallel_loop3A_848] {strides = array<i32>} : memref<64x128xf32, #tpu.memory_space<vmem>>, vector<1x16xf32>,
          %parallel_loop3A_850 = vector.shape_cast %parallel_loop3A_849 : vector<1x16xf32> to vector<16xf32>
          %parallel_loop3A_851 = arith.addf %parallel_loop3A_846, %parallel_loop3A_850 : vector<16xf32>
          %parallel_loop3A_852 = arith.maximumf %parallel_loop3A_851, %broadcast_in_dim3A_1 : vector<16xf32>
          %parallel_loop3A_853 = arith.index_cast %parallel_loop3A_797 : i32 to index
          %parallel_loop3A_854 = arith.constant 48 : index
          %parallel_loop3A_855 = tpu.vector_load %arg19[%parallel_loop3A_853, %parallel_loop3A_854] {strides = array<i32>} : memref<64x128xf32, #tpu.memory_space<vmem>>, vector<1x16xf32>,
          %parallel_loop3A_856 = vector.shape_cast %parallel_loop3A_855 : vector<1x16xf32> to vector<16xf32>
          %parallel_loop3A_857 = vector.shape_cast %parallel_loop3A_852 : vector<16xf32> to vector<1x16xf32>
          tpu.vector_store %arg19[%parallel_loop3A_853, %parallel_loop3A_854], %parallel_loop3A_857 {strides = array<i32>} : memref<64x128xf32, #tpu.memory_space<vmem>>, vector<1x16xf32>,
          %parallel_loop3A_858 = arith.index_cast %parallel_loop3A_797 : i32 to index
          %parallel_loop3A_859 = arith.constant 64 : index
          %parallel_loop3A_860 = tpu.vector_load %arg15[%parallel_loop3A_858, %parallel_loop3A_859] {strides = array<i32>} : memref<64x128xf32, #tpu.memory_space<vmem>>, vector<1x16xf32>,
          %parallel_loop3A_861 = vector.shape_cast %parallel_loop3A_860 : vector<1x16xf32> to vector<16xf32>
          %parallel_loop3A_862 = arith.index_cast %parallel_loop3A_797 : i32 to index
          %parallel_loop3A_863 = arith.constant 64 : index
          %parallel_loop3A_864 = tpu.vector_load %arg17[%parallel_loop3A_862, %parallel_loop3A_863] {strides = array<i32>} : memref<64x128xf32, #tpu.memory_space<vmem>>, vector<1x16xf32>,
          %parallel_loop3A_865 = vector.shape_cast %parallel_loop3A_864 : vector<1x16xf32> to vector<16xf32>
          %parallel_loop3A_866 = arith.addf %parallel_loop3A_861, %parallel_loop3A_865 : vector<16xf32>
          %parallel_loop3A_867 = arith.maximumf %parallel_loop3A_866, %broadcast_in_dim3A_1 : vector<16xf32>
          %parallel_loop3A_868 = arith.index_cast %parallel_loop3A_797 : i32 to index
          %parallel_loop3A_869 = arith.constant 64 : index
          %parallel_loop3A_870 = tpu.vector_load %arg19[%parallel_loop3A_868, %parallel_loop3A_869] {strides = array<i32>} : memref<64x128xf32, #tpu.memory_space<vmem>>, vector<1x16xf32>,
          %parallel_loop3A_871 = vector.shape_cast %parallel_loop3A_870 : vector<1x16xf32> to vector<16xf32>
          %parallel_loop3A_872 = vector.shape_cast %parallel_loop3A_867 : vector<16xf32> to vector<1x16xf32>
          tpu.vector_store %arg19[%parallel_loop3A_868, %parallel_loop3A_869], %parallel_loop3A_872 {strides = array<i32>} : memref<64x128xf32, #tpu.memory_space<vmem>>, vector<1x16xf32>,
          %parallel_loop3A_873 = arith.index_cast %parallel_loop3A_797 : i32 to index
          %parallel_loop3A_874 = arith.constant 80 : index
          %parallel_loop3A_875 = tpu.vector_load %arg15[%parallel_loop3A_873, %parallel_loop3A_874] {strides = array<i32>} : memref<64x128xf32, #tpu.memory_space<vmem>>, vector<1x16xf32>,
          %parallel_loop3A_876 = vector.shape_cast %parallel_loop3A_875 : vector<1x16xf32> to vector<16xf32>
          %parallel_loop3A_877 = arith.index_cast %parallel_loop3A_797 : i32 to index
          %parallel_loop3A_878 = arith.constant 80 : index
          %parallel_loop3A_879 = tpu.vector_load %arg17[%parallel_loop3A_877, %parallel_loop3A_878] {strides = array<i32>} : memref<64x128xf32, #tpu.memory_space<vmem>>, vector<1x16xf32>,
          %parallel_loop3A_880 = vector.shape_cast %parallel_loop3A_879 : vector<1x16xf32> to vector<16xf32>
          %parallel_loop3A_881 = arith.addf %parallel_loop3A_876, %parallel_loop3A_880 : vector<16xf32>
          %parallel_loop3A_882 = arith.maximumf %parallel_loop3A_881, %broadcast_in_dim3A_1 : vector<16xf32>
          %parallel_loop3A_883 = arith.index_cast %parallel_loop3A_797 : i32 to index
          %parallel_loop3A_884 = arith.constant 80 : index
          %parallel_loop3A_885 = tpu.vector_load %arg19[%parallel_loop3A_883, %parallel_loop3A_884] {strides = array<i32>} : memref<64x128xf32, #tpu.memory_space<vmem>>, vector<1x16xf32>,
          %parallel_loop3A_886 = vector.shape_cast %parallel_loop3A_885 : vector<1x16xf32> to vector<16xf32>
          %parallel_loop3A_887 = vector.shape_cast %parallel_loop3A_882 : vector<16xf32> to vector<1x16xf32>
          tpu.vector_store %arg19[%parallel_loop3A_883, %parallel_loop3A_884], %parallel_loop3A_887 {strides = array<i32>} : memref<64x128xf32, #tpu.memory_space<vmem>>, vector<1x16xf32>,
          %parallel_loop3A_888 = arith.index_cast %parallel_loop3A_797 : i32 to index
          %parallel_loop3A_889 = arith.constant 96 : index
          %parallel_loop3A_890 = tpu.vector_load %arg15[%parallel_loop3A_888, %parallel_loop3A_889] {strides = array<i32>} : memref<64x128xf32, #tpu.memory_space<vmem>>, vector<1x16xf32>,
          %parallel_loop3A_891 = vector.shape_cast %parallel_loop3A_890 : vector<1x16xf32> to vector<16xf32>
          %parallel_loop3A_892 = arith.index_cast %parallel_loop3A_797 : i32 to index
          %parallel_loop3A_893 = arith.constant 96 : index
          %parallel_loop3A_894 = tpu.vector_load %arg17[%parallel_loop3A_892, %parallel_loop3A_893] {strides = array<i32>} : memref<64x128xf32, #tpu.memory_space<vmem>>, vector<1x16xf32>,
          %parallel_loop3A_895 = vector.shape_cast %parallel_loop3A_894 : vector<1x16xf32> to vector<16xf32>
          %parallel_loop3A_896 = arith.addf %parallel_loop3A_891, %parallel_loop3A_895 : vector<16xf32>
          %parallel_loop3A_897 = arith.maximumf %parallel_loop3A_896, %broadcast_in_dim3A_1 : vector<16xf32>
          %parallel_loop3A_898 = arith.index_cast %parallel_loop3A_797 : i32 to index
          %parallel_loop3A_899 = arith.constant 96 : index
          %parallel_loop3A_900 = tpu.vector_load %arg19[%parallel_loop3A_898, %parallel_loop3A_899] {strides = array<i32>} : memref<64x128xf32, #tpu.memory_space<vmem>>, vector<1x16xf32>,
          %parallel_loop3A_901 = vector.shape_cast %parallel_loop3A_900 : vector<1x16xf32> to vector<16xf32>
          %parallel_loop3A_902 = vector.shape_cast %parallel_loop3A_897 : vector<16xf32> to vector<1x16xf32>
          tpu.vector_store %arg19[%parallel_loop3A_898, %parallel_loop3A_899], %parallel_loop3A_902 {strides = array<i32>} : memref<64x128xf32, #tpu.memory_space<vmem>>, vector<1x16xf32>,
          %parallel_loop3A_903 = arith.index_cast %parallel_loop3A_797 : i32 to index
          %parallel_loop3A_904 = arith.constant 112 : index
          %parallel_loop3A_905 = tpu.vector_load %arg15[%parallel_loop3A_903, %parallel_loop3A_904] {strides = array<i32>} : memref<64x128xf32, #tpu.memory_space<vmem>>, vector<1x16xf32>,
          %parallel_loop3A_906 = vector.shape_cast %parallel_loop3A_905 : vector<1x16xf32> to vector<16xf32>
          %parallel_loop3A_907 = arith.index_cast %parallel_loop3A_797 : i32 to index
          %parallel_loop3A_908 = arith.constant 112 : index
          %parallel_loop3A_909 = tpu.vector_load %arg17[%parallel_loop3A_907, %parallel_loop3A_908] {strides = array<i32>} : memref<64x128xf32, #tpu.memory_space<vmem>>, vector<1x16xf32>,
          %parallel_loop3A_910 = vector.shape_cast %parallel_loop3A_909 : vector<1x16xf32> to vector<16xf32>
          %parallel_loop3A_911 = arith.addf %parallel_loop3A_906, %parallel_loop3A_910 : vector<16xf32>
          %parallel_loop3A_912 = arith.maximumf %parallel_loop3A_911, %broadcast_in_dim3A_1 : vector<16xf32>
          %parallel_loop3A_913 = arith.index_cast %parallel_loop3A_797 : i32 to index
          %parallel_loop3A_914 = arith.constant 112 : index
          %parallel_loop3A_915 = tpu.vector_load %arg19[%parallel_loop3A_913, %parallel_loop3A_914] {strides = array<i32>} : memref<64x128xf32, #tpu.memory_space<vmem>>, vector<1x16xf32>,
          %parallel_loop3A_916 = vector.shape_cast %parallel_loop3A_915 : vector<1x16xf32> to vector<16xf32>
          %parallel_loop3A_917 = vector.shape_cast %parallel_loop3A_912 : vector<16xf32> to vector<1x16xf32>
          tpu.vector_store %arg19[%parallel_loop3A_913, %parallel_loop3A_914], %parallel_loop3A_917 {strides = array<i32>} : memref<64x128xf32, #tpu.memory_space<vmem>>, vector<1x16xf32>,
        } {sc.loop_unroll_factor = 2 : i64, sc.parallel_access}
        %lt3A = arith.constant 15 : i32
        %lt3A_769 = arith.cmpi slt, %scan3A_752, %lt3A : i32
        %convert_element_type3A = arith.extui %lt3A_769 : i1 to i32
        %cond3A = arith.constant 0 : i32
        %cond3A_770 = arith.cmpi ne, %convert_element_type3A, %cond3A : i32
        scf.if %cond3A_770 {
          %add3A_797 = arith.constant 2 : i32
          %add3A_798 = arith.addi %mul3A_754, %add3A_797 : i32
          %dma_start3A_799 = arith.constant 0 : i32
          %dma_start3A_800 = tpu.memref_slice %arg13[%add3A_798, %dma_start3A_799] : memref<32x64xi32, #tpu.memory_space<vmem>> -> memref<1x64xi32, #tpu.memory_space<vmem>>
          %dma_start3A_801 = tpu.memref_squeeze %dma_start3A_800 : memref<1x64xi32, #tpu.memory_space<vmem>> -> memref<64xi32, #tpu.memory_space<vmem>>
          %dma_start3A_802 = arith.constant 0 : i32
          %dma_start3A_803 = arith.constant 0 : i32
          %dma_start3A_804 = tpu.memref_slice %arg2[%dma_start3A_802, %dma_start3A_803] : memref<10240x128xf32, #tpu.memory_space<hbm>> -> memref<10240x128xf32, #tpu.memory_space<hbm>>
          tpu.enqueue_indirect_dma source(%dma_start3A_804 : memref<10240x128xf32, #tpu.memory_space<hbm>>) target(%arg15 : memref<64x128xf32, #tpu.memory_space<vmem>>) offsets(%dma_start3A_801 : memref<64xi32, #tpu.memory_space<vmem>>) semaphore(%arg20 : memref<!tpu.dma_semaphore, #tpu.memory_space<semaphore_mem>>)
          %add3A_805 = arith.constant 2 : i32
          %add3A_806 = arith.addi %mul3A_754, %add3A_805 : i32
          %dma_start3A_807 = arith.constant 0 : i32
          %dma_start3A_808 = tpu.memref_slice %arg14[%add3A_806, %dma_start3A_807] : memref<32x64xi32, #tpu.memory_space<vmem>> -> memref<1x64xi32, #tpu.memory_space<vmem>>
          %dma_start3A_809 = tpu.memref_squeeze %dma_start3A_808 : memref<1x64xi32, #tpu.memory_space<vmem>> -> memref<64xi32, #tpu.memory_space<vmem>>
          %dma_start3A_810 = arith.constant 0 : i32
          %dma_start3A_811 = arith.constant 0 : i32
          %dma_start3A_812 = tpu.memref_slice %arg6[%dma_start3A_810, %dma_start3A_811] : memref<10240x128xf32, #tpu.memory_space<hbm>> -> memref<10240x128xf32, #tpu.memory_space<hbm>>
          tpu.enqueue_indirect_dma source(%dma_start3A_812 : memref<10240x128xf32, #tpu.memory_space<hbm>>) target(%arg17 : memref<64x128xf32, #tpu.memory_space<vmem>>) offsets(%dma_start3A_809 : memref<64xi32, #tpu.memory_space<vmem>>) semaphore(%arg22 : memref<!tpu.dma_semaphore, #tpu.memory_space<semaphore_mem>>)
        } else {
        }
        "tpu.region"() ({
          %run_scoped3A_797 = tpu.sem_alloc : memref<!tpu.dma_semaphore, #tpu.memory_space<semaphore_mem>>
          %dma_start3A_798 = arith.constant 0 : i32
          %dma_start3A_799 = tpu.memref_slice %arg14[%mul3A_754, %dma_start3A_798] : memref<32x64xi32, #tpu.memory_space<vmem>> -> memref<1x64xi32, #tpu.memory_space<vmem>>
          %dma_start3A_800 = tpu.memref_squeeze %dma_start3A_799 : memref<1x64xi32, #tpu.memory_space<vmem>> -> memref<64xi32, #tpu.memory_space<vmem>>
          %dma_start3A_801 = arith.constant 0 : i32
          %dma_start3A_802 = arith.constant 0 : i32
          %dma_start3A_803 = tpu.memref_slice %arg24[%dma_start3A_801, %dma_start3A_802] : memref<10240x128xf32, #tpu.memory_space<vmem_shared>> -> memref<10240x128xf32, #tpu.memory_space<vmem_shared>>
          tpu.enqueue_indirect_dma source(%arg19 : memref<64x128xf32, #tpu.memory_space<vmem>>) target(%dma_start3A_803 : memref<10240x128xf32, #tpu.memory_space<vmem_shared>>) offsets(%dma_start3A_800 : memref<64xi32, #tpu.memory_space<vmem>>) semaphore(%run_scoped3A_797 : memref<!tpu.dma_semaphore, #tpu.memory_space<semaphore_mem>>) {add = true}
          %dma_wait3A_804 = arith.constant 0 : i32
          %dma_wait3A_805 = tpu.memref_slice %arg14[%mul3A_754, %dma_wait3A_804] : memref<32x64xi32, #tpu.memory_space<vmem>> -> memref<1x64xi32, #tpu.memory_space<vmem>>
          %dma_wait3A_806 = tpu.memref_squeeze %dma_wait3A_805 : memref<1x64xi32, #tpu.memory_space<vmem>> -> memref<64xi32, #tpu.memory_space<vmem>>
          %dma_wait3A_807 = arith.constant 0 : i32
          %dma_wait3A_808 = arith.constant 0 : i32
          %dma_wait3A_809 = tpu.memref_slice %arg24[%dma_wait3A_807, %dma_wait3A_808] : memref<10240x128xf32, #tpu.memory_space<vmem_shared>> -> memref<10240x128xf32, #tpu.memory_space<vmem_shared>>
          tpu.wait_indirect_dma semaphore(%run_scoped3A_797 : memref<!tpu.dma_semaphore, #tpu.memory_space<semaphore_mem>>) src(%arg19 : memref<64x128xf32, #tpu.memory_space<vmem>>) dst(%dma_wait3A_809 : memref<10240x128xf32, #tpu.memory_space<vmem_shared>>)
          tpu.yield
        }) : () -> ()
        %add3A_771 = arith.constant 1 : i32
        %add3A_772 = arith.addi %mul3A_754, %add3A_771 : i32
        %dma_wait3A_773 = arith.constant 0 : i32
        %dma_wait3A_774 = tpu.memref_slice %arg13[%add3A_772, %dma_wait3A_773] : memref<32x64xi32, #tpu.memory_space<vmem>> -> memref<1x64xi32, #tpu.memory_space<vmem>>
        %dma_wait3A_775 = tpu.memref_squeeze %dma_wait3A_774 : memref<1x64xi32, #tpu.memory_space<vmem>> -> memref<64xi32, #tpu.memory_space<vmem>>
        %dma_wait3A_776 = arith.constant 0 : i32
        %dma_wait3A_777 = arith.constant 0 : i32
        %dma_wait3A_778 = tpu.memref_slice %arg2[%dma_wait3A_776, %dma_wait3A_777] : memref<10240x128xf32, #tpu.memory_space<hbm>> -> memref<10240x128xf32, #tpu.memory_space<hbm>>
        tpu.wait_indirect_dma semaphore(%arg21 : memref<!tpu.dma_semaphore, #tpu.memory_space<semaphore_mem>>) src(%dma_wait3A_778 : memref<10240x128xf32, #tpu.memory_space<hbm>>) dst(%arg16 : memref<64x128xf32, #tpu.memory_space<vmem>>)
        %add3A_779 = arith.constant 1 : i32
        %add3A_780 = arith.addi %mul3A_754, %add3A_779 : i32
        %dma_wait3A_781 = arith.constant 0 : i32
        %dma_wait3A_782 = tpu.memref_slice %arg14[%add3A_780, %dma_wait3A_781] : memref<32x64xi32, #tpu.memory_space<vmem>> -> memref<1x64xi32, #tpu.memory_space<vmem>>
        %dma_wait3A_783 = tpu.memref_squeeze %dma_wait3A_782 : memref<1x64xi32, #tpu.memory_space<vmem>> -> memref<64xi32, #tpu.memory_space<vmem>>
        %dma_wait3A_784 = arith.constant 0 : i32
        %dma_wait3A_785 = arith.constant 0 : i32
        %dma_wait3A_786 = tpu.memref_slice %arg6[%dma_wait3A_784, %dma_wait3A_785] : memref<10240x128xf32, #tpu.memory_space<hbm>> -> memref<10240x128xf32, #tpu.memory_space<hbm>>
        tpu.wait_indirect_dma semaphore(%arg23 : memref<!tpu.dma_semaphore, #tpu.memory_space<semaphore_mem>>) src(%dma_wait3A_786 : memref<10240x128xf32, #tpu.memory_space<hbm>>) dst(%arg18 : memref<64x128xf32, #tpu.memory_space<vmem>>)
        %parallel_loop3A_787 = arith.constant 0 : i32
        %parallel_loop3A_788 = arith.constant 64 : i32
        %parallel_loop3A_789 = arith.constant 1 : i32
        scf.for %parallel_loop3A_797 = %parallel_loop3A_787 to %parallel_loop3A_788 step %parallel_loop3A_789  : i32 {
          %parallel_loop3A_798 = arith.index_cast %parallel_loop3A_797 : i32 to index
          %parallel_loop3A_799 = arith.constant 0 : index
          %parallel_loop3A_800 = tpu.vector_load %arg16[%parallel_loop3A_798, %parallel_loop3A_799] {strides = array<i32>} : memref<64x128xf32, #tpu.memory_space<vmem>>, vector<1x16xf32>,
          %parallel_loop3A_801 = vector.shape_cast %parallel_loop3A_800 : vector<1x16xf32> to vector<16xf32>
          %parallel_loop3A_802 = arith.index_cast %parallel_loop3A_797 : i32 to index
          %parallel_loop3A_803 = arith.constant 0 : index
          %parallel_loop3A_804 = tpu.vector_load %arg18[%parallel_loop3A_802, %parallel_loop3A_803] {strides = array<i32>} : memref<64x128xf32, #tpu.memory_space<vmem>>, vector<1x16xf32>,
          %parallel_loop3A_805 = vector.shape_cast %parallel_loop3A_804 : vector<1x16xf32> to vector<16xf32>
          %parallel_loop3A_806 = arith.addf %parallel_loop3A_801, %parallel_loop3A_805 : vector<16xf32>
          %parallel_loop3A_807 = arith.maximumf %parallel_loop3A_806, %broadcast_in_dim3A_1 : vector<16xf32>
          %parallel_loop3A_808 = arith.index_cast %parallel_loop3A_797 : i32 to index
          %parallel_loop3A_809 = arith.constant 0 : index
          %parallel_loop3A_810 = tpu.vector_load %arg19[%parallel_loop3A_808, %parallel_loop3A_809] {strides = array<i32>} : memref<64x128xf32, #tpu.memory_space<vmem>>, vector<1x16xf32>,
          %parallel_loop3A_811 = vector.shape_cast %parallel_loop3A_810 : vector<1x16xf32> to vector<16xf32>
          %parallel_loop3A_812 = vector.shape_cast %parallel_loop3A_807 : vector<16xf32> to vector<1x16xf32>
          tpu.vector_store %arg19[%parallel_loop3A_808, %parallel_loop3A_809], %parallel_loop3A_812 {strides = array<i32>} : memref<64x128xf32, #tpu.memory_space<vmem>>, vector<1x16xf32>,
          %parallel_loop3A_813 = arith.index_cast %parallel_loop3A_797 : i32 to index
          %parallel_loop3A_814 = arith.constant 16 : index
          %parallel_loop3A_815 = tpu.vector_load %arg16[%parallel_loop3A_813, %parallel_loop3A_814] {strides = array<i32>} : memref<64x128xf32, #tpu.memory_space<vmem>>, vector<1x16xf32>,
          %parallel_loop3A_816 = vector.shape_cast %parallel_loop3A_815 : vector<1x16xf32> to vector<16xf32>
          %parallel_loop3A_817 = arith.index_cast %parallel_loop3A_797 : i32 to index
          %parallel_loop3A_818 = arith.constant 16 : index
          %parallel_loop3A_819 = tpu.vector_load %arg18[%parallel_loop3A_817, %parallel_loop3A_818] {strides = array<i32>} : memref<64x128xf32, #tpu.memory_space<vmem>>, vector<1x16xf32>,
          %parallel_loop3A_820 = vector.shape_cast %parallel_loop3A_819 : vector<1x16xf32> to vector<16xf32>
          %parallel_loop3A_821 = arith.addf %parallel_loop3A_816, %parallel_loop3A_820 : vector<16xf32>
          %parallel_loop3A_822 = arith.maximumf %parallel_loop3A_821, %broadcast_in_dim3A_1 : vector<16xf32>
          %parallel_loop3A_823 = arith.index_cast %parallel_loop3A_797 : i32 to index
          %parallel_loop3A_824 = arith.constant 16 : index
          %parallel_loop3A_825 = tpu.vector_load %arg19[%parallel_loop3A_823, %parallel_loop3A_824] {strides = array<i32>} : memref<64x128xf32, #tpu.memory_space<vmem>>, vector<1x16xf32>,
          %parallel_loop3A_826 = vector.shape_cast %parallel_loop3A_825 : vector<1x16xf32> to vector<16xf32>
          %parallel_loop3A_827 = vector.shape_cast %parallel_loop3A_822 : vector<16xf32> to vector<1x16xf32>
          tpu.vector_store %arg19[%parallel_loop3A_823, %parallel_loop3A_824], %parallel_loop3A_827 {strides = array<i32>} : memref<64x128xf32, #tpu.memory_space<vmem>>, vector<1x16xf32>,
          %parallel_loop3A_828 = arith.index_cast %parallel_loop3A_797 : i32 to index
          %parallel_loop3A_829 = arith.constant 32 : index
          %parallel_loop3A_830 = tpu.vector_load %arg16[%parallel_loop3A_828, %parallel_loop3A_829] {strides = array<i32>} : memref<64x128xf32, #tpu.memory_space<vmem>>, vector<1x16xf32>,
          %parallel_loop3A_831 = vector.shape_cast %parallel_loop3A_830 : vector<1x16xf32> to vector<16xf32>
          %parallel_loop3A_832 = arith.index_cast %parallel_loop3A_797 : i32 to index
          %parallel_loop3A_833 = arith.constant 32 : index
          %parallel_loop3A_834 = tpu.vector_load %arg18[%parallel_loop3A_832, %parallel_loop3A_833] {strides = array<i32>} : memref<64x128xf32, #tpu.memory_space<vmem>>, vector<1x16xf32>,
          %parallel_loop3A_835 = vector.shape_cast %parallel_loop3A_834 : vector<1x16xf32> to vector<16xf32>
          %parallel_loop3A_836 = arith.addf %parallel_loop3A_831, %parallel_loop3A_835 : vector<16xf32>
          %parallel_loop3A_837 = arith.maximumf %parallel_loop3A_836, %broadcast_in_dim3A_1 : vector<16xf32>
          %parallel_loop3A_838 = arith.index_cast %parallel_loop3A_797 : i32 to index
          %parallel_loop3A_839 = arith.constant 32 : index
          %parallel_loop3A_840 = tpu.vector_load %arg19[%parallel_loop3A_838, %parallel_loop3A_839] {strides = array<i32>} : memref<64x128xf32, #tpu.memory_space<vmem>>, vector<1x16xf32>,
          %parallel_loop3A_841 = vector.shape_cast %parallel_loop3A_840 : vector<1x16xf32> to vector<16xf32>
          %parallel_loop3A_842 = vector.shape_cast %parallel_loop3A_837 : vector<16xf32> to vector<1x16xf32>
          tpu.vector_store %arg19[%parallel_loop3A_838, %parallel_loop3A_839], %parallel_loop3A_842 {strides = array<i32>} : memref<64x128xf32, #tpu.memory_space<vmem>>, vector<1x16xf32>,
          %parallel_loop3A_843 = arith.index_cast %parallel_loop3A_797 : i32 to index
          %parallel_loop3A_844 = arith.constant 48 : index
          %parallel_loop3A_845 = tpu.vector_load %arg16[%parallel_loop3A_843, %parallel_loop3A_844] {strides = array<i32>} : memref<64x128xf32, #tpu.memory_space<vmem>>, vector<1x16xf32>,
          %parallel_loop3A_846 = vector.shape_cast %parallel_loop3A_845 : vector<1x16xf32> to vector<16xf32>
          %parallel_loop3A_847 = arith.index_cast %parallel_loop3A_797 : i32 to index
          %parallel_loop3A_848 = arith.constant 48 : index
          %parallel_loop3A_849 = tpu.vector_load %arg18[%parallel_loop3A_847, %parallel_loop3A_848] {strides = array<i32>} : memref<64x128xf32, #tpu.memory_space<vmem>>, vector<1x16xf32>,
          %parallel_loop3A_850 = vector.shape_cast %parallel_loop3A_849 : vector<1x16xf32> to vector<16xf32>
          %parallel_loop3A_851 = arith.addf %parallel_loop3A_846, %parallel_loop3A_850 : vector<16xf32>
          %parallel_loop3A_852 = arith.maximumf %parallel_loop3A_851, %broadcast_in_dim3A_1 : vector<16xf32>
          %parallel_loop3A_853 = arith.index_cast %parallel_loop3A_797 : i32 to index
          %parallel_loop3A_854 = arith.constant 48 : index
          %parallel_loop3A_855 = tpu.vector_load %arg19[%parallel_loop3A_853, %parallel_loop3A_854] {strides = array<i32>} : memref<64x128xf32, #tpu.memory_space<vmem>>, vector<1x16xf32>,
          %parallel_loop3A_856 = vector.shape_cast %parallel_loop3A_855 : vector<1x16xf32> to vector<16xf32>
          %parallel_loop3A_857 = vector.shape_cast %parallel_loop3A_852 : vector<16xf32> to vector<1x16xf32>
          tpu.vector_store %arg19[%parallel_loop3A_853, %parallel_loop3A_854], %parallel_loop3A_857 {strides = array<i32>} : memref<64x128xf32, #tpu.memory_space<vmem>>, vector<1x16xf32>,
          %parallel_loop3A_858 = arith.index_cast %parallel_loop3A_797 : i32 to index
          %parallel_loop3A_859 = arith.constant 64 : index
          %parallel_loop3A_860 = tpu.vector_load %arg16[%parallel_loop3A_858, %parallel_loop3A_859] {strides = array<i32>} : memref<64x128xf32, #tpu.memory_space<vmem>>, vector<1x16xf32>,
          %parallel_loop3A_861 = vector.shape_cast %parallel_loop3A_860 : vector<1x16xf32> to vector<16xf32>
          %parallel_loop3A_862 = arith.index_cast %parallel_loop3A_797 : i32 to index
          %parallel_loop3A_863 = arith.constant 64 : index
          %parallel_loop3A_864 = tpu.vector_load %arg18[%parallel_loop3A_862, %parallel_loop3A_863] {strides = array<i32>} : memref<64x128xf32, #tpu.memory_space<vmem>>, vector<1x16xf32>,
          %parallel_loop3A_865 = vector.shape_cast %parallel_loop3A_864 : vector<1x16xf32> to vector<16xf32>
          %parallel_loop3A_866 = arith.addf %parallel_loop3A_861, %parallel_loop3A_865 : vector<16xf32>
          %parallel_loop3A_867 = arith.maximumf %parallel_loop3A_866, %broadcast_in_dim3A_1 : vector<16xf32>
          %parallel_loop3A_868 = arith.index_cast %parallel_loop3A_797 : i32 to index
          %parallel_loop3A_869 = arith.constant 64 : index
          %parallel_loop3A_870 = tpu.vector_load %arg19[%parallel_loop3A_868, %parallel_loop3A_869] {strides = array<i32>} : memref<64x128xf32, #tpu.memory_space<vmem>>, vector<1x16xf32>,
          %parallel_loop3A_871 = vector.shape_cast %parallel_loop3A_870 : vector<1x16xf32> to vector<16xf32>
          %parallel_loop3A_872 = vector.shape_cast %parallel_loop3A_867 : vector<16xf32> to vector<1x16xf32>
          tpu.vector_store %arg19[%parallel_loop3A_868, %parallel_loop3A_869], %parallel_loop3A_872 {strides = array<i32>} : memref<64x128xf32, #tpu.memory_space<vmem>>, vector<1x16xf32>,
          %parallel_loop3A_873 = arith.index_cast %parallel_loop3A_797 : i32 to index
          %parallel_loop3A_874 = arith.constant 80 : index
          %parallel_loop3A_875 = tpu.vector_load %arg16[%parallel_loop3A_873, %parallel_loop3A_874] {strides = array<i32>} : memref<64x128xf32, #tpu.memory_space<vmem>>, vector<1x16xf32>,
          %parallel_loop3A_876 = vector.shape_cast %parallel_loop3A_875 : vector<1x16xf32> to vector<16xf32>
          %parallel_loop3A_877 = arith.index_cast %parallel_loop3A_797 : i32 to index
          %parallel_loop3A_878 = arith.constant 80 : index
          %parallel_loop3A_879 = tpu.vector_load %arg18[%parallel_loop3A_877, %parallel_loop3A_878] {strides = array<i32>} : memref<64x128xf32, #tpu.memory_space<vmem>>, vector<1x16xf32>,
          %parallel_loop3A_880 = vector.shape_cast %parallel_loop3A_879 : vector<1x16xf32> to vector<16xf32>
          %parallel_loop3A_881 = arith.addf %parallel_loop3A_876, %parallel_loop3A_880 : vector<16xf32>
          %parallel_loop3A_882 = arith.maximumf %parallel_loop3A_881, %broadcast_in_dim3A_1 : vector<16xf32>
          %parallel_loop3A_883 = arith.index_cast %parallel_loop3A_797 : i32 to index
          %parallel_loop3A_884 = arith.constant 80 : index
          %parallel_loop3A_885 = tpu.vector_load %arg19[%parallel_loop3A_883, %parallel_loop3A_884] {strides = array<i32>} : memref<64x128xf32, #tpu.memory_space<vmem>>, vector<1x16xf32>,
          %parallel_loop3A_886 = vector.shape_cast %parallel_loop3A_885 : vector<1x16xf32> to vector<16xf32>
          %parallel_loop3A_887 = vector.shape_cast %parallel_loop3A_882 : vector<16xf32> to vector<1x16xf32>
          tpu.vector_store %arg19[%parallel_loop3A_883, %parallel_loop3A_884], %parallel_loop3A_887 {strides = array<i32>} : memref<64x128xf32, #tpu.memory_space<vmem>>, vector<1x16xf32>,
          %parallel_loop3A_888 = arith.index_cast %parallel_loop3A_797 : i32 to index
          %parallel_loop3A_889 = arith.constant 96 : index
          %parallel_loop3A_890 = tpu.vector_load %arg16[%parallel_loop3A_888, %parallel_loop3A_889] {strides = array<i32>} : memref<64x128xf32, #tpu.memory_space<vmem>>, vector<1x16xf32>,
          %parallel_loop3A_891 = vector.shape_cast %parallel_loop3A_890 : vector<1x16xf32> to vector<16xf32>
          %parallel_loop3A_892 = arith.index_cast %parallel_loop3A_797 : i32 to index
          %parallel_loop3A_893 = arith.constant 96 : index
          %parallel_loop3A_894 = tpu.vector_load %arg18[%parallel_loop3A_892, %parallel_loop3A_893] {strides = array<i32>} : memref<64x128xf32, #tpu.memory_space<vmem>>, vector<1x16xf32>,
          %parallel_loop3A_895 = vector.shape_cast %parallel_loop3A_894 : vector<1x16xf32> to vector<16xf32>
          %parallel_loop3A_896 = arith.addf %parallel_loop3A_891, %parallel_loop3A_895 : vector<16xf32>
          %parallel_loop3A_897 = arith.maximumf %parallel_loop3A_896, %broadcast_in_dim3A_1 : vector<16xf32>
          %parallel_loop3A_898 = arith.index_cast %parallel_loop3A_797 : i32 to index
          %parallel_loop3A_899 = arith.constant 96 : index
          %parallel_loop3A_900 = tpu.vector_load %arg19[%parallel_loop3A_898, %parallel_loop3A_899] {strides = array<i32>} : memref<64x128xf32, #tpu.memory_space<vmem>>, vector<1x16xf32>,
          %parallel_loop3A_901 = vector.shape_cast %parallel_loop3A_900 : vector<1x16xf32> to vector<16xf32>
          %parallel_loop3A_902 = vector.shape_cast %parallel_loop3A_897 : vector<16xf32> to vector<1x16xf32>
          tpu.vector_store %arg19[%parallel_loop3A_898, %parallel_loop3A_899], %parallel_loop3A_902 {strides = array<i32>} : memref<64x128xf32, #tpu.memory_space<vmem>>, vector<1x16xf32>,
          %parallel_loop3A_903 = arith.index_cast %parallel_loop3A_797 : i32 to index
          %parallel_loop3A_904 = arith.constant 112 : index
          %parallel_loop3A_905 = tpu.vector_load %arg16[%parallel_loop3A_903, %parallel_loop3A_904] {strides = array<i32>} : memref<64x128xf32, #tpu.memory_space<vmem>>, vector<1x16xf32>,
          %parallel_loop3A_906 = vector.shape_cast %parallel_loop3A_905 : vector<1x16xf32> to vector<16xf32>
          %parallel_loop3A_907 = arith.index_cast %parallel_loop3A_797 : i32 to index
          %parallel_loop3A_908 = arith.constant 112 : index
          %parallel_loop3A_909 = tpu.vector_load %arg18[%parallel_loop3A_907, %parallel_loop3A_908] {strides = array<i32>} : memref<64x128xf32, #tpu.memory_space<vmem>>, vector<1x16xf32>,
          %parallel_loop3A_910 = vector.shape_cast %parallel_loop3A_909 : vector<1x16xf32> to vector<16xf32>
          %parallel_loop3A_911 = arith.addf %parallel_loop3A_906, %parallel_loop3A_910 : vector<16xf32>
          %parallel_loop3A_912 = arith.maximumf %parallel_loop3A_911, %broadcast_in_dim3A_1 : vector<16xf32>
          %parallel_loop3A_913 = arith.index_cast %parallel_loop3A_797 : i32 to index
          %parallel_loop3A_914 = arith.constant 112 : index
          %parallel_loop3A_915 = tpu.vector_load %arg19[%parallel_loop3A_913, %parallel_loop3A_914] {strides = array<i32>} : memref<64x128xf32, #tpu.memory_space<vmem>>, vector<1x16xf32>,
          %parallel_loop3A_916 = vector.shape_cast %parallel_loop3A_915 : vector<1x16xf32> to vector<16xf32>
          %parallel_loop3A_917 = vector.shape_cast %parallel_loop3A_912 : vector<16xf32> to vector<1x16xf32>
          tpu.vector_store %arg19[%parallel_loop3A_913, %parallel_loop3A_914], %parallel_loop3A_917 {strides = array<i32>} : memref<64x128xf32, #tpu.memory_space<vmem>>, vector<1x16xf32>,
        } {sc.loop_unroll_factor = 2 : i64, sc.parallel_access}
        %lt3A_790 = arith.constant 15 : i32
        %lt3A_791 = arith.cmpi slt, %scan3A_752, %lt3A_790 : i32
        %convert_element_type3A_792 = arith.extui %lt3A_791 : i1 to i32
        %cond3A_793 = arith.constant 0 : i32
        %cond3A_794 = arith.cmpi ne, %convert_element_type3A_792, %cond3A_793 : i32
        scf.if %cond3A_794 {
          %add3A_797 = arith.constant 3 : i32
          %add3A_798 = arith.addi %mul3A_754, %add3A_797 : i32
          %dma_start3A_799 = arith.constant 0 : i32
          %dma_start3A_800 = tpu.memref_slice %arg13[%add3A_798, %dma_start3A_799] : memref<32x64xi32, #tpu.memory_space<vmem>> -> memref<1x64xi32, #tpu.memory_space<vmem>>
          %dma_start3A_801 = tpu.memref_squeeze %dma_start3A_800 : memref<1x64xi32, #tpu.memory_space<vmem>> -> memref<64xi32, #tpu.memory_space<vmem>>
          %dma_start3A_802 = arith.constant 0 : i32
          %dma_start3A_803 = arith.constant 0 : i32
          %dma_start3A_804 = tpu.memref_slice %arg2[%dma_start3A_802, %dma_start3A_803] : memref<10240x128xf32, #tpu.memory_space<hbm>> -> memref<10240x128xf32, #tpu.memory_space<hbm>>
          tpu.enqueue_indirect_dma source(%dma_start3A_804 : memref<10240x128xf32, #tpu.memory_space<hbm>>) target(%arg16 : memref<64x128xf32, #tpu.memory_space<vmem>>) offsets(%dma_start3A_801 : memref<64xi32, #tpu.memory_space<vmem>>) semaphore(%arg21 : memref<!tpu.dma_semaphore, #tpu.memory_space<semaphore_mem>>)
          %add3A_805 = arith.constant 3 : i32
          %add3A_806 = arith.addi %mul3A_754, %add3A_805 : i32
          %dma_start3A_807 = arith.constant 0 : i32
          %dma_start3A_808 = tpu.memref_slice %arg14[%add3A_806, %dma_start3A_807] : memref<32x64xi32, #tpu.memory_space<vmem>> -> memref<1x64xi32, #tpu.memory_space<vmem>>
          %dma_start3A_809 = tpu.memref_squeeze %dma_start3A_808 : memref<1x64xi32, #tpu.memory_space<vmem>> -> memref<64xi32, #tpu.memory_space<vmem>>
          %dma_start3A_810 = arith.constant 0 : i32
          %dma_start3A_811 = arith.constant 0 : i32
          %dma_start3A_812 = tpu.memref_slice %arg6[%dma_start3A_810, %dma_start3A_811] : memref<10240x128xf32, #tpu.memory_space<hbm>> -> memref<10240x128xf32, #tpu.memory_space<hbm>>
          tpu.enqueue_indirect_dma source(%dma_start3A_812 : memref<10240x128xf32, #tpu.memory_space<hbm>>) target(%arg18 : memref<64x128xf32, #tpu.memory_space<vmem>>) offsets(%dma_start3A_809 : memref<64xi32, #tpu.memory_space<vmem>>) semaphore(%arg23 : memref<!tpu.dma_semaphore, #tpu.memory_space<semaphore_mem>>)
        } else {
        }
        %add3A_795 = arith.constant 1 : i32
        %add3A_796 = arith.addi %mul3A_754, %add3A_795 : i32
        "tpu.region"() ({
          %run_scoped3A_797 = tpu.sem_alloc : memref<!tpu.dma_semaphore, #tpu.memory_space<semaphore_mem>>
          %dma_start3A_798 = arith.constant 0 : i32
          %dma_start3A_799 = tpu.memref_slice %arg14[%add3A_796, %dma_start3A_798] : memref<32x64xi32, #tpu.memory_space<vmem>> -> memref<1x64xi32, #tpu.memory_space<vmem>>
          %dma_start3A_800 = tpu.memref_squeeze %dma_start3A_799 : memref<1x64xi32, #tpu.memory_space<vmem>> -> memref<64xi32, #tpu.memory_space<vmem>>
          %dma_start3A_801 = arith.constant 0 : i32
          %dma_start3A_802 = arith.constant 0 : i32
          %dma_start3A_803 = tpu.memref_slice %arg24[%dma_start3A_801, %dma_start3A_802] : memref<10240x128xf32, #tpu.memory_space<vmem_shared>> -> memref<10240x128xf32, #tpu.memory_space<vmem_shared>>
          tpu.enqueue_indirect_dma source(%arg19 : memref<64x128xf32, #tpu.memory_space<vmem>>) target(%dma_start3A_803 : memref<10240x128xf32, #tpu.memory_space<vmem_shared>>) offsets(%dma_start3A_800 : memref<64xi32, #tpu.memory_space<vmem>>) semaphore(%run_scoped3A_797 : memref<!tpu.dma_semaphore, #tpu.memory_space<semaphore_mem>>) {add = true}
          %dma_wait3A_804 = arith.constant 0 : i32
          %dma_wait3A_805 = tpu.memref_slice %arg14[%add3A_796, %dma_wait3A_804] : memref<32x64xi32, #tpu.memory_space<vmem>> -> memref<1x64xi32, #tpu.memory_space<vmem>>
          %dma_wait3A_806 = tpu.memref_squeeze %dma_wait3A_805 : memref<1x64xi32, #tpu.memory_space<vmem>> -> memref<64xi32, #tpu.memory_space<vmem>>
          %dma_wait3A_807 = arith.constant 0 : i32
          %dma_wait3A_808 = arith.constant 0 : i32
          %dma_wait3A_809 = tpu.memref_slice %arg24[%dma_wait3A_807, %dma_wait3A_808] : memref<10240x128xf32, #tpu.memory_space<vmem_shared>> -> memref<10240x128xf32, #tpu.memory_space<vmem_shared>>
          tpu.wait_indirect_dma semaphore(%run_scoped3A_797 : memref<!tpu.dma_semaphore, #tpu.memory_space<semaphore_mem>>) src(%arg19 : memref<64x128xf32, #tpu.memory_space<vmem>>) dst(%dma_wait3A_809 : memref<10240x128xf32, #tpu.memory_space<vmem_shared>>)
          tpu.yield
        }) : () -> ()
      }
      %scan3A_751 = arith.constant 16 : i32
    }
    %scan3A_170 = arith.constant 5 : i32
    %barrier3A_171 = arith.constant 0 : index
    tpu.barrier barrier_id(%barrier3A_171)
    %mul3A_172 = arith.constant 640 : i32
    %mul3A_173 = arith.muli %arg1, %mul3A_172 : i32
    %mul3A_174 = arith.constant 640 : i32
    %mul3A_175 = arith.muli %arg1, %mul3A_174 : i32
    %run_scoped3A = arith.constant 0 : i32
    "tpu.region"() ({
      %run_scoped3A_717 = tpu.sem_alloc : memref<!tpu.dma_semaphore, #tpu.memory_space<semaphore_mem>>
      %dma_start3A_718 = arith.constant 0 : i32
      %dma_start3A_719 = tpu.memref_slice %arg12[%arg0, %run_scoped3A, %mul3A_175, %dma_start3A_718] : memref<2x4x10240x128xf32, #tpu.memory_space<hbm>> -> memref<1x1x640x128xf32, #tpu.memory_space<hbm>>
      %dma_start3A_720 = tpu.memref_squeeze %dma_start3A_719 : memref<1x1x640x128xf32, #tpu.memory_space<hbm>> -> memref<640x128xf32, #tpu.memory_space<hbm>>
      %dma_start3A_721 = arith.constant 0 : i32
      %dma_start3A_722 = tpu.memref_slice %arg24[%mul3A_173, %dma_start3A_721] : memref<10240x128xf32, #tpu.memory_space<vmem_shared>> -> memref<640x128xf32, #tpu.memory_space<vmem_shared>>
      tpu.enqueue_dma source(%dma_start3A_722 : memref<640x128xf32, #tpu.memory_space<vmem_shared>>) target(%dma_start3A_720 : memref<640x128xf32, #tpu.memory_space<hbm>>) target_semaphore(%run_scoped3A_717 : memref<!tpu.dma_semaphore, #tpu.memory_space<semaphore_mem>>)
      %dma_wait3A_723 = arith.constant 0 : i32
      %dma_wait3A_724 = tpu.memref_slice %arg12[%arg0, %run_scoped3A, %mul3A_175, %dma_wait3A_723] : memref<2x4x10240x128xf32, #tpu.memory_space<hbm>> -> memref<1x1x640x128xf32, #tpu.memory_space<hbm>>
      %dma_wait3A_725 = tpu.memref_squeeze %dma_wait3A_724 : memref<1x1x640x128xf32, #tpu.memory_space<hbm>> -> memref<640x128xf32, #tpu.memory_space<hbm>>
      %dma_wait3A_726 = arith.constant 0 : i32
      %dma_wait3A_727 = tpu.memref_slice %arg24[%mul3A_173, %dma_wait3A_726] : memref<10240x128xf32, #tpu.memory_space<vmem_shared>> -> memref<640x128xf32, #tpu.memory_space<vmem_shared>>
      tpu.wait_dma2 semaphore(%run_scoped3A_717 : memref<!tpu.dma_semaphore, #tpu.memory_space<semaphore_mem>>) src(%dma_wait3A_727 : memref<640x128xf32, #tpu.memory_space<vmem_shared>>) dst(%dma_wait3A_725 : memref<640x128xf32, #tpu.memory_space<hbm>>)
      tpu.yield
    }) : () -> ()
    %barrier3A_176 = arith.constant 0 : index
    tpu.barrier barrier_id(%barrier3A_176)
    %scan3A_177 = arith.constant 0 : i32
    %scan3A_178 = arith.constant 0 : i32
    %scan3A_179 = arith.constant 64 : i32
    %scan3A_180 = arith.addi %scan3A_178, %scan3A_179 : i32
    %scan3A_181 = arith.constant 1 : i32
    scf.for %scan3A_717 = %scan3A_178 to %scan3A_180 step %scan3A_181  : i32 {
      %swap3A = arith.index_cast %scan3A_717 : i32 to index
      %swap3A_718 = arith.constant 0 : index
      %swap3A_719 = tpu.vector_load %arg19[%swap3A, %swap3A_718] {strides = array<i32>} : memref<64x128xf32, #tpu.memory_space<vmem>>, vector<1x16xf32>,
      %swap3A_720 = vector.shape_cast %swap3A_719 : vector<1x16xf32> to vector<16xf32>
      %swap3A_721 = vector.shape_cast %broadcast_in_dim3A_1 : vector<16xf32> to vector<1x16xf32>
      tpu.vector_store %arg19[%swap3A, %swap3A_718], %swap3A_721 {strides = array<i32>} : memref<64x128xf32, #tpu.memory_space<vmem>>, vector<1x16xf32>,
      %swap3A_722 = arith.index_cast %scan3A_717 : i32 to index
      %swap3A_723 = arith.constant 16 : index
      %swap3A_724 = tpu.vector_load %arg19[%swap3A_722, %swap3A_723] {strides = array<i32>} : memref<64x128xf32, #tpu.memory_space<vmem>>, vector<1x16xf32>,
      %swap3A_725 = vector.shape_cast %swap3A_724 : vector<1x16xf32> to vector<16xf32>
      %swap3A_726 = vector.shape_cast %broadcast_in_dim3A_1 : vector<16xf32> to vector<1x16xf32>
      tpu.vector_store %arg19[%swap3A_722, %swap3A_723], %swap3A_726 {strides = array<i32>} : memref<64x128xf32, #tpu.memory_space<vmem>>, vector<1x16xf32>,
      %swap3A_727 = arith.index_cast %scan3A_717 : i32 to index
      %swap3A_728 = arith.constant 32 : index
      %swap3A_729 = tpu.vector_load %arg19[%swap3A_727, %swap3A_728] {strides = array<i32>} : memref<64x128xf32, #tpu.memory_space<vmem>>, vector<1x16xf32>,
      %swap3A_730 = vector.shape_cast %swap3A_729 : vector<1x16xf32> to vector<16xf32>
      %swap3A_731 = vector.shape_cast %broadcast_in_dim3A_1 : vector<16xf32> to vector<1x16xf32>
      tpu.vector_store %arg19[%swap3A_727, %swap3A_728], %swap3A_731 {strides = array<i32>} : memref<64x128xf32, #tpu.memory_space<vmem>>, vector<1x16xf32>,
      %swap3A_732 = arith.index_cast %scan3A_717 : i32 to index
      %swap3A_733 = arith.constant 48 : index
      %swap3A_734 = tpu.vector_load %arg19[%swap3A_732, %swap3A_733] {strides = array<i32>} : memref<64x128xf32, #tpu.memory_space<vmem>>, vector<1x16xf32>,
      %swap3A_735 = vector.shape_cast %swap3A_734 : vector<1x16xf32> to vector<16xf32>
      %swap3A_736 = vector.shape_cast %broadcast_in_dim3A_1 : vector<16xf32> to vector<1x16xf32>
      tpu.vector_store %arg19[%swap3A_732, %swap3A_733], %swap3A_736 {strides = array<i32>} : memref<64x128xf32, #tpu.memory_space<vmem>>, vector<1x16xf32>,
      %swap3A_737 = arith.index_cast %scan3A_717 : i32 to index
      %swap3A_738 = arith.constant 64 : index
      %swap3A_739 = tpu.vector_load %arg19[%swap3A_737, %swap3A_738] {strides = array<i32>} : memref<64x128xf32, #tpu.memory_space<vmem>>, vector<1x16xf32>,
      %swap3A_740 = vector.shape_cast %swap3A_739 : vector<1x16xf32> to vector<16xf32>
      %swap3A_741 = vector.shape_cast %broadcast_in_dim3A_1 : vector<16xf32> to vector<1x16xf32>
      tpu.vector_store %arg19[%swap3A_737, %swap3A_738], %swap3A_741 {strides = array<i32>} : memref<64x128xf32, #tpu.memory_space<vmem>>, vector<1x16xf32>,
      %swap3A_742 = arith.index_cast %scan3A_717 : i32 to index
      %swap3A_743 = arith.constant 80 : index
      %swap3A_744 = tpu.vector_load %arg19[%swap3A_742, %swap3A_743] {strides = array<i32>} : memref<64x128xf32, #tpu.memory_space<vmem>>, vector<1x16xf32>,
      %swap3A_745 = vector.shape_cast %swap3A_744 : vector<1x16xf32> to vector<16xf32>
      %swap3A_746 = vector.shape_cast %broadcast_in_dim3A_1 : vector<16xf32> to vector<1x16xf32>
      tpu.vector_store %arg19[%swap3A_742, %swap3A_743], %swap3A_746 {strides = array<i32>} : memref<64x128xf32, #tpu.memory_space<vmem>>, vector<1x16xf32>,
      %swap3A_747 = arith.index_cast %scan3A_717 : i32 to index
      %swap3A_748 = arith.constant 96 : index
      %swap3A_749 = tpu.vector_load %arg19[%swap3A_747, %swap3A_748] {strides = array<i32>} : memref<64x128xf32, #tpu.memory_space<vmem>>, vector<1x16xf32>,
      %swap3A_750 = vector.shape_cast %swap3A_749 : vector<1x16xf32> to vector<16xf32>
      %swap3A_751 = vector.shape_cast %broadcast_in_dim3A_1 : vector<16xf32> to vector<1x16xf32>
      tpu.vector_store %arg19[%swap3A_747, %swap3A_748], %swap3A_751 {strides = array<i32>} : memref<64x128xf32, #tpu.memory_space<vmem>>, vector<1x16xf32>,
      %swap3A_752 = arith.index_cast %scan3A_717 : i32 to index
      %swap3A_753 = arith.constant 112 : index
      %swap3A_754 = tpu.vector_load %arg19[%swap3A_752, %swap3A_753] {strides = array<i32>} : memref<64x128xf32, #tpu.memory_space<vmem>>, vector<1x16xf32>,
      %swap3A_755 = vector.shape_cast %swap3A_754 : vector<1x16xf32> to vector<16xf32>
      %swap3A_756 = vector.shape_cast %broadcast_in_dim3A_1 : vector<16xf32> to vector<1x16xf32>
      tpu.vector_store %arg19[%swap3A_752, %swap3A_753], %swap3A_756 {strides = array<i32>} : memref<64x128xf32, #tpu.memory_space<vmem>>, vector<1x16xf32>,
    }
    %scan3A_182 = arith.constant 64 : i32
    %mul3A_183 = arith.constant 640 : i32
    %mul3A_184 = arith.muli %arg1, %mul3A_183 : i32
    %add3A_185 = arith.constant 0 : i32
    %add3A_186 = arith.addi %mul3A_184, %add3A_185 : i32
    %dma_start3A_187 = arith.constant 0 : i32
    %dma_start3A_188 = tpu.memref_slice %arg24[%add3A_186, %dma_start3A_187] : memref<10240x128xf32, #tpu.memory_space<vmem_shared>> -> memref<64x128xf32, #tpu.memory_space<vmem_shared>>
    %dma_start3A_189 = arith.constant 0 : i32
    %dma_start3A_190 = tpu.memref_slice %arg24[%add3A_186, %dma_start3A_189] : memref<10240x128xf32, #tpu.memory_space<vmem_shared>> -> memref<64x128xf32, #tpu.memory_space<vmem_shared>>
    tpu.enqueue_dma source(%arg19 : memref<64x128xf32, #tpu.memory_space<vmem>>) target(%dma_start3A_190 : memref<64x128xf32, #tpu.memory_space<vmem_shared>>) target_semaphore(%arg20 : memref<!tpu.dma_semaphore, #tpu.memory_space<semaphore_mem>>)
    %mul3A_191 = arith.constant 640 : i32
    %mul3A_192 = arith.muli %arg1, %mul3A_191 : i32
    %add3A_193 = arith.constant 64 : i32
    %add3A_194 = arith.addi %mul3A_192, %add3A_193 : i32
    %dma_start3A_195 = arith.constant 0 : i32
    %dma_start3A_196 = tpu.memref_slice %arg24[%add3A_194, %dma_start3A_195] : memref<10240x128xf32, #tpu.memory_space<vmem_shared>> -> memref<64x128xf32, #tpu.memory_space<vmem_shared>>
    %dma_start3A_197 = arith.constant 0 : i32
    %dma_start3A_198 = tpu.memref_slice %arg24[%add3A_194, %dma_start3A_197] : memref<10240x128xf32, #tpu.memory_space<vmem_shared>> -> memref<64x128xf32, #tpu.memory_space<vmem_shared>>
    tpu.enqueue_dma source(%arg19 : memref<64x128xf32, #tpu.memory_space<vmem>>) target(%dma_start3A_198 : memref<64x128xf32, #tpu.memory_space<vmem_shared>>) target_semaphore(%arg20 : memref<!tpu.dma_semaphore, #tpu.memory_space<semaphore_mem>>)
    %mul3A_199 = arith.constant 640 : i32
    %mul3A_200 = arith.muli %arg1, %mul3A_199 : i32
    %add3A_201 = arith.constant 128 : i32
    %add3A_202 = arith.addi %mul3A_200, %add3A_201 : i32
    %dma_start3A_203 = arith.constant 0 : i32
    %dma_start3A_204 = tpu.memref_slice %arg24[%add3A_202, %dma_start3A_203] : memref<10240x128xf32, #tpu.memory_space<vmem_shared>> -> memref<64x128xf32, #tpu.memory_space<vmem_shared>>
    %dma_start3A_205 = arith.constant 0 : i32
    %dma_start3A_206 = tpu.memref_slice %arg24[%add3A_202, %dma_start3A_205] : memref<10240x128xf32, #tpu.memory_space<vmem_shared>> -> memref<64x128xf32, #tpu.memory_space<vmem_shared>>
    tpu.enqueue_dma source(%arg19 : memref<64x128xf32, #tpu.memory_space<vmem>>) target(%dma_start3A_206 : memref<64x128xf32, #tpu.memory_space<vmem_shared>>) target_semaphore(%arg20 : memref<!tpu.dma_semaphore, #tpu.memory_space<semaphore_mem>>)
    %mul3A_207 = arith.constant 640 : i32
    %mul3A_208 = arith.muli %arg1, %mul3A_207 : i32
    %add3A_209 = arith.constant 192 : i32
    %add3A_210 = arith.addi %mul3A_208, %add3A_209 : i32
    %dma_start3A_211 = arith.constant 0 : i32
    %dma_start3A_212 = tpu.memref_slice %arg24[%add3A_210, %dma_start3A_211] : memref<10240x128xf32, #tpu.memory_space<vmem_shared>> -> memref<64x128xf32, #tpu.memory_space<vmem_shared>>
    %dma_start3A_213 = arith.constant 0 : i32
    %dma_start3A_214 = tpu.memref_slice %arg24[%add3A_210, %dma_start3A_213] : memref<10240x128xf32, #tpu.memory_space<vmem_shared>> -> memref<64x128xf32, #tpu.memory_space<vmem_shared>>
    tpu.enqueue_dma source(%arg19 : memref<64x128xf32, #tpu.memory_space<vmem>>) target(%dma_start3A_214 : memref<64x128xf32, #tpu.memory_space<vmem_shared>>) target_semaphore(%arg20 : memref<!tpu.dma_semaphore, #tpu.memory_space<semaphore_mem>>)
    %mul3A_215 = arith.constant 640 : i32
    %mul3A_216 = arith.muli %arg1, %mul3A_215 : i32
    %add3A_217 = arith.constant 256 : i32
    %add3A_218 = arith.addi %mul3A_216, %add3A_217 : i32
    %dma_start3A_219 = arith.constant 0 : i32
    %dma_start3A_220 = tpu.memref_slice %arg24[%add3A_218, %dma_start3A_219] : memref<10240x128xf32, #tpu.memory_space<vmem_shared>> -> memref<64x128xf32, #tpu.memory_space<vmem_shared>>
    %dma_start3A_221 = arith.constant 0 : i32
    %dma_start3A_222 = tpu.memref_slice %arg24[%add3A_218, %dma_start3A_221] : memref<10240x128xf32, #tpu.memory_space<vmem_shared>> -> memref<64x128xf32, #tpu.memory_space<vmem_shared>>
    tpu.enqueue_dma source(%arg19 : memref<64x128xf32, #tpu.memory_space<vmem>>) target(%dma_start3A_222 : memref<64x128xf32, #tpu.memory_space<vmem_shared>>) target_semaphore(%arg20 : memref<!tpu.dma_semaphore, #tpu.memory_space<semaphore_mem>>)
    %mul3A_223 = arith.constant 640 : i32
    %mul3A_224 = arith.muli %arg1, %mul3A_223 : i32
    %add3A_225 = arith.constant 320 : i32
    %add3A_226 = arith.addi %mul3A_224, %add3A_225 : i32
    %dma_start3A_227 = arith.constant 0 : i32
    %dma_start3A_228 = tpu.memref_slice %arg24[%add3A_226, %dma_start3A_227] : memref<10240x128xf32, #tpu.memory_space<vmem_shared>> -> memref<64x128xf32, #tpu.memory_space<vmem_shared>>
    %dma_start3A_229 = arith.constant 0 : i32
    %dma_start3A_230 = tpu.memref_slice %arg24[%add3A_226, %dma_start3A_229] : memref<10240x128xf32, #tpu.memory_space<vmem_shared>> -> memref<64x128xf32, #tpu.memory_space<vmem_shared>>
    tpu.enqueue_dma source(%arg19 : memref<64x128xf32, #tpu.memory_space<vmem>>) target(%dma_start3A_230 : memref<64x128xf32, #tpu.memory_space<vmem_shared>>) target_semaphore(%arg20 : memref<!tpu.dma_semaphore, #tpu.memory_space<semaphore_mem>>)
    %mul3A_231 = arith.constant 640 : i32
    %mul3A_232 = arith.muli %arg1, %mul3A_231 : i32
    %add3A_233 = arith.constant 384 : i32
    %add3A_234 = arith.addi %mul3A_232, %add3A_233 : i32
    %dma_start3A_235 = arith.constant 0 : i32
    %dma_start3A_236 = tpu.memref_slice %arg24[%add3A_234, %dma_start3A_235] : memref<10240x128xf32, #tpu.memory_space<vmem_shared>> -> memref<64x128xf32, #tpu.memory_space<vmem_shared>>
    %dma_start3A_237 = arith.constant 0 : i32
    %dma_start3A_238 = tpu.memref_slice %arg24[%add3A_234, %dma_start3A_237] : memref<10240x128xf32, #tpu.memory_space<vmem_shared>> -> memref<64x128xf32, #tpu.memory_space<vmem_shared>>
    tpu.enqueue_dma source(%arg19 : memref<64x128xf32, #tpu.memory_space<vmem>>) target(%dma_start3A_238 : memref<64x128xf32, #tpu.memory_space<vmem_shared>>) target_semaphore(%arg20 : memref<!tpu.dma_semaphore, #tpu.memory_space<semaphore_mem>>)
    %mul3A_239 = arith.constant 640 : i32
    %mul3A_240 = arith.muli %arg1, %mul3A_239 : i32
    %add3A_241 = arith.constant 448 : i32
    %add3A_242 = arith.addi %mul3A_240, %add3A_241 : i32
    %dma_start3A_243 = arith.constant 0 : i32
    %dma_start3A_244 = tpu.memref_slice %arg24[%add3A_242, %dma_start3A_243] : memref<10240x128xf32, #tpu.memory_space<vmem_shared>> -> memref<64x128xf32, #tpu.memory_space<vmem_shared>>
    %dma_start3A_245 = arith.constant 0 : i32
    %dma_start3A_246 = tpu.memref_slice %arg24[%add3A_242, %dma_start3A_245] : memref<10240x128xf32, #tpu.memory_space<vmem_shared>> -> memref<64x128xf32, #tpu.memory_space<vmem_shared>>
    tpu.enqueue_dma source(%arg19 : memref<64x128xf32, #tpu.memory_space<vmem>>) target(%dma_start3A_246 : memref<64x128xf32, #tpu.memory_space<vmem_shared>>) target_semaphore(%arg20 : memref<!tpu.dma_semaphore, #tpu.memory_space<semaphore_mem>>)
    %mul3A_247 = arith.constant 640 : i32
    %mul3A_248 = arith.muli %arg1, %mul3A_247 : i32
    %add3A_249 = arith.constant 512 : i32
    %add3A_250 = arith.addi %mul3A_248, %add3A_249 : i32
    %dma_start3A_251 = arith.constant 0 : i32
    %dma_start3A_252 = tpu.memref_slice %arg24[%add3A_250, %dma_start3A_251] : memref<10240x128xf32, #tpu.memory_space<vmem_shared>> -> memref<64x128xf32, #tpu.memory_space<vmem_shared>>
    %dma_start3A_253 = arith.constant 0 : i32
    %dma_start3A_254 = tpu.memref_slice %arg24[%add3A_250, %dma_start3A_253] : memref<10240x128xf32, #tpu.memory_space<vmem_shared>> -> memref<64x128xf32, #tpu.memory_space<vmem_shared>>
    tpu.enqueue_dma source(%arg19 : memref<64x128xf32, #tpu.memory_space<vmem>>) target(%dma_start3A_254 : memref<64x128xf32, #tpu.memory_space<vmem_shared>>) target_semaphore(%arg20 : memref<!tpu.dma_semaphore, #tpu.memory_space<semaphore_mem>>)
    %mul3A_255 = arith.constant 640 : i32
    %mul3A_256 = arith.muli %arg1, %mul3A_255 : i32
    %add3A_257 = arith.constant 576 : i32
    %add3A_258 = arith.addi %mul3A_256, %add3A_257 : i32
    %dma_start3A_259 = arith.constant 0 : i32
    %dma_start3A_260 = tpu.memref_slice %arg24[%add3A_258, %dma_start3A_259] : memref<10240x128xf32, #tpu.memory_space<vmem_shared>> -> memref<64x128xf32, #tpu.memory_space<vmem_shared>>
    %dma_start3A_261 = arith.constant 0 : i32
    %dma_start3A_262 = tpu.memref_slice %arg24[%add3A_258, %dma_start3A_261] : memref<10240x128xf32, #tpu.memory_space<vmem_shared>> -> memref<64x128xf32, #tpu.memory_space<vmem_shared>>
    tpu.enqueue_dma source(%arg19 : memref<64x128xf32, #tpu.memory_space<vmem>>) target(%dma_start3A_262 : memref<64x128xf32, #tpu.memory_space<vmem_shared>>) target_semaphore(%arg20 : memref<!tpu.dma_semaphore, #tpu.memory_space<semaphore_mem>>)
    %mul3A_263 = arith.constant 640 : i32
    %mul3A_264 = arith.muli %arg1, %mul3A_263 : i32
    %add3A_265 = arith.constant 0 : i32
    %add3A_266 = arith.addi %mul3A_264, %add3A_265 : i32
    %dma_wait3A_267 = arith.constant 0 : i32
    %dma_wait3A_268 = tpu.memref_slice %arg24[%add3A_266, %dma_wait3A_267] : memref<10240x128xf32, #tpu.memory_space<vmem_shared>> -> memref<64x128xf32, #tpu.memory_space<vmem_shared>>
    %dma_wait3A_269 = arith.constant 0 : i32
    %dma_wait3A_270 = tpu.memref_slice %arg24[%add3A_266, %dma_wait3A_269] : memref<10240x128xf32, #tpu.memory_space<vmem_shared>> -> memref<64x128xf32, #tpu.memory_space<vmem_shared>>
    tpu.wait_dma2 semaphore(%arg20 : memref<!tpu.dma_semaphore, #tpu.memory_space<semaphore_mem>>) src(%arg19 : memref<64x128xf32, #tpu.memory_space<vmem>>) dst(%dma_wait3A_270 : memref<64x128xf32, #tpu.memory_space<vmem_shared>>)
    %mul3A_271 = arith.constant 640 : i32
    %mul3A_272 = arith.muli %arg1, %mul3A_271 : i32
    %add3A_273 = arith.constant 64 : i32
    %add3A_274 = arith.addi %mul3A_272, %add3A_273 : i32
    %dma_wait3A_275 = arith.constant 0 : i32
    %dma_wait3A_276 = tpu.memref_slice %arg24[%add3A_274, %dma_wait3A_275] : memref<10240x128xf32, #tpu.memory_space<vmem_shared>> -> memref<64x128xf32, #tpu.memory_space<vmem_shared>>
    %dma_wait3A_277 = arith.constant 0 : i32
    %dma_wait3A_278 = tpu.memref_slice %arg24[%add3A_274, %dma_wait3A_277] : memref<10240x128xf32, #tpu.memory_space<vmem_shared>> -> memref<64x128xf32, #tpu.memory_space<vmem_shared>>
    tpu.wait_dma2 semaphore(%arg20 : memref<!tpu.dma_semaphore, #tpu.memory_space<semaphore_mem>>) src(%arg19 : memref<64x128xf32, #tpu.memory_space<vmem>>) dst(%dma_wait3A_278 : memref<64x128xf32, #tpu.memory_space<vmem_shared>>)
    %mul3A_279 = arith.constant 640 : i32
    %mul3A_280 = arith.muli %arg1, %mul3A_279 : i32
    %add3A_281 = arith.constant 128 : i32
    %add3A_282 = arith.addi %mul3A_280, %add3A_281 : i32
    %dma_wait3A_283 = arith.constant 0 : i32
    %dma_wait3A_284 = tpu.memref_slice %arg24[%add3A_282, %dma_wait3A_283] : memref<10240x128xf32, #tpu.memory_space<vmem_shared>> -> memref<64x128xf32, #tpu.memory_space<vmem_shared>>
    %dma_wait3A_285 = arith.constant 0 : i32
    %dma_wait3A_286 = tpu.memref_slice %arg24[%add3A_282, %dma_wait3A_285] : memref<10240x128xf32, #tpu.memory_space<vmem_shared>> -> memref<64x128xf32, #tpu.memory_space<vmem_shared>>
    tpu.wait_dma2 semaphore(%arg20 : memref<!tpu.dma_semaphore, #tpu.memory_space<semaphore_mem>>) src(%arg19 : memref<64x128xf32, #tpu.memory_space<vmem>>) dst(%dma_wait3A_286 : memref<64x128xf32, #tpu.memory_space<vmem_shared>>)
    %mul3A_287 = arith.constant 640 : i32
    %mul3A_288 = arith.muli %arg1, %mul3A_287 : i32
    %add3A_289 = arith.constant 192 : i32
    %add3A_290 = arith.addi %mul3A_288, %add3A_289 : i32
    %dma_wait3A_291 = arith.constant 0 : i32
    %dma_wait3A_292 = tpu.memref_slice %arg24[%add3A_290, %dma_wait3A_291] : memref<10240x128xf32, #tpu.memory_space<vmem_shared>> -> memref<64x128xf32, #tpu.memory_space<vmem_shared>>
    %dma_wait3A_293 = arith.constant 0 : i32
    %dma_wait3A_294 = tpu.memref_slice %arg24[%add3A_290, %dma_wait3A_293] : memref<10240x128xf32, #tpu.memory_space<vmem_shared>> -> memref<64x128xf32, #tpu.memory_space<vmem_shared>>
    tpu.wait_dma2 semaphore(%arg20 : memref<!tpu.dma_semaphore, #tpu.memory_space<semaphore_mem>>) src(%arg19 : memref<64x128xf32, #tpu.memory_space<vmem>>) dst(%dma_wait3A_294 : memref<64x128xf32, #tpu.memory_space<vmem_shared>>)
    %mul3A_295 = arith.constant 640 : i32
    %mul3A_296 = arith.muli %arg1, %mul3A_295 : i32
    %add3A_297 = arith.constant 256 : i32
    %add3A_298 = arith.addi %mul3A_296, %add3A_297 : i32
    %dma_wait3A_299 = arith.constant 0 : i32
    %dma_wait3A_300 = tpu.memref_slice %arg24[%add3A_298, %dma_wait3A_299] : memref<10240x128xf32, #tpu.memory_space<vmem_shared>> -> memref<64x128xf32, #tpu.memory_space<vmem_shared>>
    %dma_wait3A_301 = arith.constant 0 : i32
    %dma_wait3A_302 = tpu.memref_slice %arg24[%add3A_298, %dma_wait3A_301] : memref<10240x128xf32, #tpu.memory_space<vmem_shared>> -> memref<64x128xf32, #tpu.memory_space<vmem_shared>>
    tpu.wait_dma2 semaphore(%arg20 : memref<!tpu.dma_semaphore, #tpu.memory_space<semaphore_mem>>) src(%arg19 : memref<64x128xf32, #tpu.memory_space<vmem>>) dst(%dma_wait3A_302 : memref<64x128xf32, #tpu.memory_space<vmem_shared>>)
    %mul3A_303 = arith.constant 640 : i32
    %mul3A_304 = arith.muli %arg1, %mul3A_303 : i32
    %add3A_305 = arith.constant 320 : i32
    %add3A_306 = arith.addi %mul3A_304, %add3A_305 : i32
    %dma_wait3A_307 = arith.constant 0 : i32
    %dma_wait3A_308 = tpu.memref_slice %arg24[%add3A_306, %dma_wait3A_307] : memref<10240x128xf32, #tpu.memory_space<vmem_shared>> -> memref<64x128xf32, #tpu.memory_space<vmem_shared>>
    %dma_wait3A_309 = arith.constant 0 : i32
    %dma_wait3A_310 = tpu.memref_slice %arg24[%add3A_306, %dma_wait3A_309] : memref<10240x128xf32, #tpu.memory_space<vmem_shared>> -> memref<64x128xf32, #tpu.memory_space<vmem_shared>>
    tpu.wait_dma2 semaphore(%arg20 : memref<!tpu.dma_semaphore, #tpu.memory_space<semaphore_mem>>) src(%arg19 : memref<64x128xf32, #tpu.memory_space<vmem>>) dst(%dma_wait3A_310 : memref<64x128xf32, #tpu.memory_space<vmem_shared>>)
    %mul3A_311 = arith.constant 640 : i32
    %mul3A_312 = arith.muli %arg1, %mul3A_311 : i32
    %add3A_313 = arith.constant 384 : i32
    %add3A_314 = arith.addi %mul3A_312, %add3A_313 : i32
    %dma_wait3A_315 = arith.constant 0 : i32
    %dma_wait3A_316 = tpu.memref_slice %arg24[%add3A_314, %dma_wait3A_315] : memref<10240x128xf32, #tpu.memory_space<vmem_shared>> -> memref<64x128xf32, #tpu.memory_space<vmem_shared>>
    %dma_wait3A_317 = arith.constant 0 : i32
    %dma_wait3A_318 = tpu.memref_slice %arg24[%add3A_314, %dma_wait3A_317] : memref<10240x128xf32, #tpu.memory_space<vmem_shared>> -> memref<64x128xf32, #tpu.memory_space<vmem_shared>>
    tpu.wait_dma2 semaphore(%arg20 : memref<!tpu.dma_semaphore, #tpu.memory_space<semaphore_mem>>) src(%arg19 : memref<64x128xf32, #tpu.memory_space<vmem>>) dst(%dma_wait3A_318 : memref<64x128xf32, #tpu.memory_space<vmem_shared>>)
    %mul3A_319 = arith.constant 640 : i32
    %mul3A_320 = arith.muli %arg1, %mul3A_319 : i32
    %add3A_321 = arith.constant 448 : i32
    %add3A_322 = arith.addi %mul3A_320, %add3A_321 : i32
    %dma_wait3A_323 = arith.constant 0 : i32
    %dma_wait3A_324 = tpu.memref_slice %arg24[%add3A_322, %dma_wait3A_323] : memref<10240x128xf32, #tpu.memory_space<vmem_shared>> -> memref<64x128xf32, #tpu.memory_space<vmem_shared>>
    %dma_wait3A_325 = arith.constant 0 : i32
    %dma_wait3A_326 = tpu.memref_slice %arg24[%add3A_322, %dma_wait3A_325] : memref<10240x128xf32, #tpu.memory_space<vmem_shared>> -> memref<64x128xf32, #tpu.memory_space<vmem_shared>>
    tpu.wait_dma2 semaphore(%arg20 : memref<!tpu.dma_semaphore, #tpu.memory_space<semaphore_mem>>) src(%arg19 : memref<64x128xf32, #tpu.memory_space<vmem>>) dst(%dma_wait3A_326 : memref<64x128xf32, #tpu.memory_space<vmem_shared>>)
    %mul3A_327 = arith.constant 640 : i32
    %mul3A_328 = arith.muli %arg1, %mul3A_327 : i32
    %add3A_329 = arith.constant 512 : i32
    %add3A_330 = arith.addi %mul3A_328, %add3A_329 : i32
    %dma_wait3A_331 = arith.constant 0 : i32
    %dma_wait3A_332 = tpu.memref_slice %arg24[%add3A_330, %dma_wait3A_331] : memref<10240x128xf32, #tpu.memory_space<vmem_shared>> -> memref<64x128xf32, #tpu.memory_space<vmem_shared>>
    %dma_wait3A_333 = arith.constant 0 : i32
    %dma_wait3A_334 = tpu.memref_slice %arg24[%add3A_330, %dma_wait3A_333] : memref<10240x128xf32, #tpu.memory_space<vmem_shared>> -> memref<64x128xf32, #tpu.memory_space<vmem_shared>>
    tpu.wait_dma2 semaphore(%arg20 : memref<!tpu.dma_semaphore, #tpu.memory_space<semaphore_mem>>) src(%arg19 : memref<64x128xf32, #tpu.memory_space<vmem>>) dst(%dma_wait3A_334 : memref<64x128xf32, #tpu.memory_space<vmem_shared>>)
    %mul3A_335 = arith.constant 640 : i32
    %mul3A_336 = arith.muli %arg1, %mul3A_335 : i32
    %add3A_337 = arith.constant 576 : i32
    %add3A_338 = arith.addi %mul3A_336, %add3A_337 : i32
    %dma_wait3A_339 = arith.constant 0 : i32
    %dma_wait3A_340 = tpu.memref_slice %arg24[%add3A_338, %dma_wait3A_339] : memref<10240x128xf32, #tpu.memory_space<vmem_shared>> -> memref<64x128xf32, #tpu.memory_space<vmem_shared>>
    %dma_wait3A_341 = arith.constant 0 : i32
    %dma_wait3A_342 = tpu.memref_slice %arg24[%add3A_338, %dma_wait3A_341] : memref<10240x128xf32, #tpu.memory_space<vmem_shared>> -> memref<64x128xf32, #tpu.memory_space<vmem_shared>>
    tpu.wait_dma2 semaphore(%arg20 : memref<!tpu.dma_semaphore, #tpu.memory_space<semaphore_mem>>) src(%arg19 : memref<64x128xf32, #tpu.memory_space<vmem>>) dst(%dma_wait3A_342 : memref<64x128xf32, #tpu.memory_space<vmem_shared>>)
    %barrier3A_343 = arith.constant 0 : index
    tpu.barrier barrier_id(%barrier3A_343)
    %scan3A_344 = arith.constant 0 : i32
    %scan3A_345 = arith.constant 0 : i32
    %scan3A_346 = arith.constant 5 : i32
    %scan3A_347 = arith.addi %scan3A_345, %scan3A_346 : i32
    %scan3A_348 = arith.constant 1 : i32
    scf.for %scan3A_717 = %scan3A_345 to %scan3A_347 step %scan3A_348  : i32 {
      "tpu.region"() ({
        %run_scoped3A_752 = tpu.sem_alloc : memref<!tpu.dma_semaphore, #tpu.memory_space<semaphore_mem>>
        %dma_start3A_753 = arith.constant 0 : i32
        %dma_start3A_754 = arith.constant 0 : i32
        %dma_start3A_755 = tpu.memref_slice %arg10[%add3A, %scan3A_717, %dma_start3A_753, %dma_start3A_754] : memref<32x5x32x64xi32, #tpu.memory_space<hbm>> -> memref<1x1x32x64xi32, #tpu.memory_space<hbm>>
        %dma_start3A_756 = tpu.memref_squeeze %dma_start3A_755 : memref<1x1x32x64xi32, #tpu.memory_space<hbm>> -> memref<32x64xi32, #tpu.memory_space<hbm>>
        %dma_start3A_757 = arith.constant 0 : i32
        %dma_start3A_758 = arith.constant 0 : i32
        %dma_start3A_759 = tpu.memref_slice %arg10[%add3A, %scan3A_717, %dma_start3A_757, %dma_start3A_758] : memref<32x5x32x64xi32, #tpu.memory_space<hbm>> -> memref<1x1x32x64xi32, #tpu.memory_space<hbm>>
        %dma_start3A_760 = tpu.memref_squeeze %dma_start3A_759 : memref<1x1x32x64xi32, #tpu.memory_space<hbm>> -> memref<32x64xi32, #tpu.memory_space<hbm>>
        tpu.enqueue_dma source(%dma_start3A_760 : memref<32x64xi32, #tpu.memory_space<hbm>>) target(%arg13 : memref<32x64xi32, #tpu.memory_space<vmem>>) target_semaphore(%run_scoped3A_752 : memref<!tpu.dma_semaphore, #tpu.memory_space<semaphore_mem>>)
        %dma_wait3A_761 = arith.constant 0 : i32
        %dma_wait3A_762 = arith.constant 0 : i32
        %dma_wait3A_763 = tpu.memref_slice %arg10[%add3A, %scan3A_717, %dma_wait3A_761, %dma_wait3A_762] : memref<32x5x32x64xi32, #tpu.memory_space<hbm>> -> memref<1x1x32x64xi32, #tpu.memory_space<hbm>>
        %dma_wait3A_764 = tpu.memref_squeeze %dma_wait3A_763 : memref<1x1x32x64xi32, #tpu.memory_space<hbm>> -> memref<32x64xi32, #tpu.memory_space<hbm>>
        %dma_wait3A_765 = arith.constant 0 : i32
        %dma_wait3A_766 = arith.constant 0 : i32
        %dma_wait3A_767 = tpu.memref_slice %arg10[%add3A, %scan3A_717, %dma_wait3A_765, %dma_wait3A_766] : memref<32x5x32x64xi32, #tpu.memory_space<hbm>> -> memref<1x1x32x64xi32, #tpu.memory_space<hbm>>
        %dma_wait3A_768 = tpu.memref_squeeze %dma_wait3A_767 : memref<1x1x32x64xi32, #tpu.memory_space<hbm>> -> memref<32x64xi32, #tpu.memory_space<hbm>>
        tpu.wait_dma2 semaphore(%run_scoped3A_752 : memref<!tpu.dma_semaphore, #tpu.memory_space<semaphore_mem>>) src(%dma_wait3A_768 : memref<32x64xi32, #tpu.memory_space<hbm>>) dst(%arg13 : memref<32x64xi32, #tpu.memory_space<vmem>>)
        tpu.yield
      }) : () -> ()
      "tpu.region"() ({
        %run_scoped3A_752 = tpu.sem_alloc : memref<!tpu.dma_semaphore, #tpu.memory_space<semaphore_mem>>
        %dma_start3A_753 = arith.constant 0 : i32
        %dma_start3A_754 = arith.constant 0 : i32
        %dma_start3A_755 = tpu.memref_slice %arg11[%add3A, %scan3A_717, %dma_start3A_753, %dma_start3A_754] : memref<32x5x32x64xi32, #tpu.memory_space<hbm>> -> memref<1x1x32x64xi32, #tpu.memory_space<hbm>>
        %dma_start3A_756 = tpu.memref_squeeze %dma_start3A_755 : memref<1x1x32x64xi32, #tpu.memory_space<hbm>> -> memref<32x64xi32, #tpu.memory_space<hbm>>
        %dma_start3A_757 = arith.constant 0 : i32
        %dma_start3A_758 = arith.constant 0 : i32
        %dma_start3A_759 = tpu.memref_slice %arg11[%add3A, %scan3A_717, %dma_start3A_757, %dma_start3A_758] : memref<32x5x32x64xi32, #tpu.memory_space<hbm>> -> memref<1x1x32x64xi32, #tpu.memory_space<hbm>>
        %dma_start3A_760 = tpu.memref_squeeze %dma_start3A_759 : memref<1x1x32x64xi32, #tpu.memory_space<hbm>> -> memref<32x64xi32, #tpu.memory_space<hbm>>
        tpu.enqueue_dma source(%dma_start3A_760 : memref<32x64xi32, #tpu.memory_space<hbm>>) target(%arg14 : memref<32x64xi32, #tpu.memory_space<vmem>>) target_semaphore(%run_scoped3A_752 : memref<!tpu.dma_semaphore, #tpu.memory_space<semaphore_mem>>)
        %dma_wait3A_761 = arith.constant 0 : i32
        %dma_wait3A_762 = arith.constant 0 : i32
        %dma_wait3A_763 = tpu.memref_slice %arg11[%add3A, %scan3A_717, %dma_wait3A_761, %dma_wait3A_762] : memref<32x5x32x64xi32, #tpu.memory_space<hbm>> -> memref<1x1x32x64xi32, #tpu.memory_space<hbm>>
        %dma_wait3A_764 = tpu.memref_squeeze %dma_wait3A_763 : memref<1x1x32x64xi32, #tpu.memory_space<hbm>> -> memref<32x64xi32, #tpu.memory_space<hbm>>
        %dma_wait3A_765 = arith.constant 0 : i32
        %dma_wait3A_766 = arith.constant 0 : i32
        %dma_wait3A_767 = tpu.memref_slice %arg11[%add3A, %scan3A_717, %dma_wait3A_765, %dma_wait3A_766] : memref<32x5x32x64xi32, #tpu.memory_space<hbm>> -> memref<1x1x32x64xi32, #tpu.memory_space<hbm>>
        %dma_wait3A_768 = tpu.memref_squeeze %dma_wait3A_767 : memref<1x1x32x64xi32, #tpu.memory_space<hbm>> -> memref<32x64xi32, #tpu.memory_space<hbm>>
        tpu.wait_dma2 semaphore(%run_scoped3A_752 : memref<!tpu.dma_semaphore, #tpu.memory_space<semaphore_mem>>) src(%dma_wait3A_768 : memref<32x64xi32, #tpu.memory_space<hbm>>) dst(%arg14 : memref<32x64xi32, #tpu.memory_space<vmem>>)
        tpu.yield
      }) : () -> ()
      %dma_start3A_718 = arith.constant 0 : i32
      %dma_start3A_719 = arith.constant 0 : i32
      %dma_start3A_720 = tpu.memref_slice %arg13[%dma_start3A_718, %dma_start3A_719] : memref<32x64xi32, #tpu.memory_space<vmem>> -> memref<1x64xi32, #tpu.memory_space<vmem>>
      %dma_start3A_721 = tpu.memref_squeeze %dma_start3A_720 : memref<1x64xi32, #tpu.memory_space<vmem>> -> memref<64xi32, #tpu.memory_space<vmem>>
      %dma_start3A_722 = arith.constant 0 : i32
      %dma_start3A_723 = arith.constant 0 : i32
      %dma_start3A_724 = tpu.memref_slice %arg3[%dma_start3A_722, %dma_start3A_723] : memref<10240x128xf32, #tpu.memory_space<hbm>> -> memref<10240x128xf32, #tpu.memory_space<hbm>>
      tpu.enqueue_indirect_dma source(%dma_start3A_724 : memref<10240x128xf32, #tpu.memory_space<hbm>>) target(%arg15 : memref<64x128xf32, #tpu.memory_space<vmem>>) offsets(%dma_start3A_721 : memref<64xi32, #tpu.memory_space<vmem>>) semaphore(%arg20 : memref<!tpu.dma_semaphore, #tpu.memory_space<semaphore_mem>>)
      %dma_start3A_725 = arith.constant 0 : i32
      %dma_start3A_726 = arith.constant 0 : i32
      %dma_start3A_727 = tpu.memref_slice %arg14[%dma_start3A_725, %dma_start3A_726] : memref<32x64xi32, #tpu.memory_space<vmem>> -> memref<1x64xi32, #tpu.memory_space<vmem>>
      %dma_start3A_728 = tpu.memref_squeeze %dma_start3A_727 : memref<1x64xi32, #tpu.memory_space<vmem>> -> memref<64xi32, #tpu.memory_space<vmem>>
      %dma_start3A_729 = arith.constant 0 : i32
      %dma_start3A_730 = arith.constant 0 : i32
      %dma_start3A_731 = tpu.memref_slice %arg7[%dma_start3A_729, %dma_start3A_730] : memref<10240x128xf32, #tpu.memory_space<hbm>> -> memref<10240x128xf32, #tpu.memory_space<hbm>>
      tpu.enqueue_indirect_dma source(%dma_start3A_731 : memref<10240x128xf32, #tpu.memory_space<hbm>>) target(%arg17 : memref<64x128xf32, #tpu.memory_space<vmem>>) offsets(%dma_start3A_728 : memref<64xi32, #tpu.memory_space<vmem>>) semaphore(%arg22 : memref<!tpu.dma_semaphore, #tpu.memory_space<semaphore_mem>>)
      %dma_start3A_732 = arith.constant 1 : i32
      %dma_start3A_733 = arith.constant 0 : i32
      %dma_start3A_734 = tpu.memref_slice %arg13[%dma_start3A_732, %dma_start3A_733] : memref<32x64xi32, #tpu.memory_space<vmem>> -> memref<1x64xi32, #tpu.memory_space<vmem>>
      %dma_start3A_735 = tpu.memref_squeeze %dma_start3A_734 : memref<1x64xi32, #tpu.memory_space<vmem>> -> memref<64xi32, #tpu.memory_space<vmem>>
      %dma_start3A_736 = arith.constant 0 : i32
      %dma_start3A_737 = arith.constant 0 : i32
      %dma_start3A_738 = tpu.memref_slice %arg3[%dma_start3A_736, %dma_start3A_737] : memref<10240x128xf32, #tpu.memory_space<hbm>> -> memref<10240x128xf32, #tpu.memory_space<hbm>>
      tpu.enqueue_indirect_dma source(%dma_start3A_738 : memref<10240x128xf32, #tpu.memory_space<hbm>>) target(%arg16 : memref<64x128xf32, #tpu.memory_space<vmem>>) offsets(%dma_start3A_735 : memref<64xi32, #tpu.memory_space<vmem>>) semaphore(%arg21 : memref<!tpu.dma_semaphore, #tpu.memory_space<semaphore_mem>>)
      %dma_start3A_739 = arith.constant 1 : i32
      %dma_start3A_740 = arith.constant 0 : i32
      %dma_start3A_741 = tpu.memref_slice %arg14[%dma_start3A_739, %dma_start3A_740] : memref<32x64xi32, #tpu.memory_space<vmem>> -> memref<1x64xi32, #tpu.memory_space<vmem>>
      %dma_start3A_742 = tpu.memref_squeeze %dma_start3A_741 : memref<1x64xi32, #tpu.memory_space<vmem>> -> memref<64xi32, #tpu.memory_space<vmem>>
      %dma_start3A_743 = arith.constant 0 : i32
      %dma_start3A_744 = arith.constant 0 : i32
      %dma_start3A_745 = tpu.memref_slice %arg7[%dma_start3A_743, %dma_start3A_744] : memref<10240x128xf32, #tpu.memory_space<hbm>> -> memref<10240x128xf32, #tpu.memory_space<hbm>>
      tpu.enqueue_indirect_dma source(%dma_start3A_745 : memref<10240x128xf32, #tpu.memory_space<hbm>>) target(%arg18 : memref<64x128xf32, #tpu.memory_space<vmem>>) offsets(%dma_start3A_742 : memref<64xi32, #tpu.memory_space<vmem>>) semaphore(%arg23 : memref<!tpu.dma_semaphore, #tpu.memory_space<semaphore_mem>>)
      %scan3A_746 = arith.constant 0 : i32
      %scan3A_747 = arith.constant 0 : i32
      %scan3A_748 = arith.constant 16 : i32
      %scan3A_749 = arith.addi %scan3A_747, %scan3A_748 : i32
      %scan3A_750 = arith.constant 1 : i32
      scf.for %scan3A_752 = %scan3A_747 to %scan3A_749 step %scan3A_750  : i32 {
        %mul3A_753 = arith.constant 2 : i32
        %mul3A_754 = arith.muli %mul3A_753, %scan3A_752 : i32
        %dma_wait3A_755 = arith.constant 0 : i32
        %dma_wait3A_756 = tpu.memref_slice %arg13[%mul3A_754, %dma_wait3A_755] : memref<32x64xi32, #tpu.memory_space<vmem>> -> memref<1x64xi32, #tpu.memory_space<vmem>>
        %dma_wait3A_757 = tpu.memref_squeeze %dma_wait3A_756 : memref<1x64xi32, #tpu.memory_space<vmem>> -> memref<64xi32, #tpu.memory_space<vmem>>
        %dma_wait3A_758 = arith.constant 0 : i32
        %dma_wait3A_759 = arith.constant 0 : i32
        %dma_wait3A_760 = tpu.memref_slice %arg3[%dma_wait3A_758, %dma_wait3A_759] : memref<10240x128xf32, #tpu.memory_space<hbm>> -> memref<10240x128xf32, #tpu.memory_space<hbm>>
        tpu.wait_indirect_dma semaphore(%arg20 : memref<!tpu.dma_semaphore, #tpu.memory_space<semaphore_mem>>) src(%dma_wait3A_760 : memref<10240x128xf32, #tpu.memory_space<hbm>>) dst(%arg15 : memref<64x128xf32, #tpu.memory_space<vmem>>)
        %dma_wait3A_761 = arith.constant 0 : i32
        %dma_wait3A_762 = tpu.memref_slice %arg14[%mul3A_754, %dma_wait3A_761] : memref<32x64xi32, #tpu.memory_space<vmem>> -> memref<1x64xi32, #tpu.memory_space<vmem>>
        %dma_wait3A_763 = tpu.memref_squeeze %dma_wait3A_762 : memref<1x64xi32, #tpu.memory_space<vmem>> -> memref<64xi32, #tpu.memory_space<vmem>>
        %dma_wait3A_764 = arith.constant 0 : i32
        %dma_wait3A_765 = arith.constant 0 : i32
        %dma_wait3A_766 = tpu.memref_slice %arg7[%dma_wait3A_764, %dma_wait3A_765] : memref<10240x128xf32, #tpu.memory_space<hbm>> -> memref<10240x128xf32, #tpu.memory_space<hbm>>
        tpu.wait_indirect_dma semaphore(%arg22 : memref<!tpu.dma_semaphore, #tpu.memory_space<semaphore_mem>>) src(%dma_wait3A_766 : memref<10240x128xf32, #tpu.memory_space<hbm>>) dst(%arg17 : memref<64x128xf32, #tpu.memory_space<vmem>>)
        %parallel_loop3A = arith.constant 0 : i32
        %parallel_loop3A_767 = arith.constant 64 : i32
        %parallel_loop3A_768 = arith.constant 1 : i32
        scf.for %parallel_loop3A_797 = %parallel_loop3A to %parallel_loop3A_767 step %parallel_loop3A_768  : i32 {
          %parallel_loop3A_798 = arith.index_cast %parallel_loop3A_797 : i32 to index
          %parallel_loop3A_799 = arith.constant 0 : index
          %parallel_loop3A_800 = tpu.vector_load %arg15[%parallel_loop3A_798, %parallel_loop3A_799] {strides = array<i32>} : memref<64x128xf32, #tpu.memory_space<vmem>>, vector<1x16xf32>,
          %parallel_loop3A_801 = vector.shape_cast %parallel_loop3A_800 : vector<1x16xf32> to vector<16xf32>
          %parallel_loop3A_802 = arith.index_cast %parallel_loop3A_797 : i32 to index
          %parallel_loop3A_803 = arith.constant 0 : index
          %parallel_loop3A_804 = tpu.vector_load %arg17[%parallel_loop3A_802, %parallel_loop3A_803] {strides = array<i32>} : memref<64x128xf32, #tpu.memory_space<vmem>>, vector<1x16xf32>,
          %parallel_loop3A_805 = vector.shape_cast %parallel_loop3A_804 : vector<1x16xf32> to vector<16xf32>
          %parallel_loop3A_806 = arith.addf %parallel_loop3A_801, %parallel_loop3A_805 : vector<16xf32>
          %parallel_loop3A_807 = arith.maximumf %parallel_loop3A_806, %broadcast_in_dim3A_1 : vector<16xf32>
          %parallel_loop3A_808 = arith.index_cast %parallel_loop3A_797 : i32 to index
          %parallel_loop3A_809 = arith.constant 0 : index
          %parallel_loop3A_810 = tpu.vector_load %arg19[%parallel_loop3A_808, %parallel_loop3A_809] {strides = array<i32>} : memref<64x128xf32, #tpu.memory_space<vmem>>, vector<1x16xf32>,
          %parallel_loop3A_811 = vector.shape_cast %parallel_loop3A_810 : vector<1x16xf32> to vector<16xf32>
          %parallel_loop3A_812 = vector.shape_cast %parallel_loop3A_807 : vector<16xf32> to vector<1x16xf32>
          tpu.vector_store %arg19[%parallel_loop3A_808, %parallel_loop3A_809], %parallel_loop3A_812 {strides = array<i32>} : memref<64x128xf32, #tpu.memory_space<vmem>>, vector<1x16xf32>,
          %parallel_loop3A_813 = arith.index_cast %parallel_loop3A_797 : i32 to index
          %parallel_loop3A_814 = arith.constant 16 : index
          %parallel_loop3A_815 = tpu.vector_load %arg15[%parallel_loop3A_813, %parallel_loop3A_814] {strides = array<i32>} : memref<64x128xf32, #tpu.memory_space<vmem>>, vector<1x16xf32>,
          %parallel_loop3A_816 = vector.shape_cast %parallel_loop3A_815 : vector<1x16xf32> to vector<16xf32>
          %parallel_loop3A_817 = arith.index_cast %parallel_loop3A_797 : i32 to index
          %parallel_loop3A_818 = arith.constant 16 : index
          %parallel_loop3A_819 = tpu.vector_load %arg17[%parallel_loop3A_817, %parallel_loop3A_818] {strides = array<i32>} : memref<64x128xf32, #tpu.memory_space<vmem>>, vector<1x16xf32>,
          %parallel_loop3A_820 = vector.shape_cast %parallel_loop3A_819 : vector<1x16xf32> to vector<16xf32>
          %parallel_loop3A_821 = arith.addf %parallel_loop3A_816, %parallel_loop3A_820 : vector<16xf32>
          %parallel_loop3A_822 = arith.maximumf %parallel_loop3A_821, %broadcast_in_dim3A_1 : vector<16xf32>
          %parallel_loop3A_823 = arith.index_cast %parallel_loop3A_797 : i32 to index
          %parallel_loop3A_824 = arith.constant 16 : index
          %parallel_loop3A_825 = tpu.vector_load %arg19[%parallel_loop3A_823, %parallel_loop3A_824] {strides = array<i32>} : memref<64x128xf32, #tpu.memory_space<vmem>>, vector<1x16xf32>,
          %parallel_loop3A_826 = vector.shape_cast %parallel_loop3A_825 : vector<1x16xf32> to vector<16xf32>
          %parallel_loop3A_827 = vector.shape_cast %parallel_loop3A_822 : vector<16xf32> to vector<1x16xf32>
          tpu.vector_store %arg19[%parallel_loop3A_823, %parallel_loop3A_824], %parallel_loop3A_827 {strides = array<i32>} : memref<64x128xf32, #tpu.memory_space<vmem>>, vector<1x16xf32>,
          %parallel_loop3A_828 = arith.index_cast %parallel_loop3A_797 : i32 to index
          %parallel_loop3A_829 = arith.constant 32 : index
          %parallel_loop3A_830 = tpu.vector_load %arg15[%parallel_loop3A_828, %parallel_loop3A_829] {strides = array<i32>} : memref<64x128xf32, #tpu.memory_space<vmem>>, vector<1x16xf32>,
          %parallel_loop3A_831 = vector.shape_cast %parallel_loop3A_830 : vector<1x16xf32> to vector<16xf32>
          %parallel_loop3A_832 = arith.index_cast %parallel_loop3A_797 : i32 to index
          %parallel_loop3A_833 = arith.constant 32 : index
          %parallel_loop3A_834 = tpu.vector_load %arg17[%parallel_loop3A_832, %parallel_loop3A_833] {strides = array<i32>} : memref<64x128xf32, #tpu.memory_space<vmem>>, vector<1x16xf32>,
          %parallel_loop3A_835 = vector.shape_cast %parallel_loop3A_834 : vector<1x16xf32> to vector<16xf32>
          %parallel_loop3A_836 = arith.addf %parallel_loop3A_831, %parallel_loop3A_835 : vector<16xf32>
          %parallel_loop3A_837 = arith.maximumf %parallel_loop3A_836, %broadcast_in_dim3A_1 : vector<16xf32>
          %parallel_loop3A_838 = arith.index_cast %parallel_loop3A_797 : i32 to index
          %parallel_loop3A_839 = arith.constant 32 : index
          %parallel_loop3A_840 = tpu.vector_load %arg19[%parallel_loop3A_838, %parallel_loop3A_839] {strides = array<i32>} : memref<64x128xf32, #tpu.memory_space<vmem>>, vector<1x16xf32>,
          %parallel_loop3A_841 = vector.shape_cast %parallel_loop3A_840 : vector<1x16xf32> to vector<16xf32>
          %parallel_loop3A_842 = vector.shape_cast %parallel_loop3A_837 : vector<16xf32> to vector<1x16xf32>
          tpu.vector_store %arg19[%parallel_loop3A_838, %parallel_loop3A_839], %parallel_loop3A_842 {strides = array<i32>} : memref<64x128xf32, #tpu.memory_space<vmem>>, vector<1x16xf32>,
          %parallel_loop3A_843 = arith.index_cast %parallel_loop3A_797 : i32 to index
          %parallel_loop3A_844 = arith.constant 48 : index
          %parallel_loop3A_845 = tpu.vector_load %arg15[%parallel_loop3A_843, %parallel_loop3A_844] {strides = array<i32>} : memref<64x128xf32, #tpu.memory_space<vmem>>, vector<1x16xf32>,
          %parallel_loop3A_846 = vector.shape_cast %parallel_loop3A_845 : vector<1x16xf32> to vector<16xf32>
          %parallel_loop3A_847 = arith.index_cast %parallel_loop3A_797 : i32 to index
          %parallel_loop3A_848 = arith.constant 48 : index
          %parallel_loop3A_849 = tpu.vector_load %arg17[%parallel_loop3A_847, %parallel_loop3A_848] {strides = array<i32>} : memref<64x128xf32, #tpu.memory_space<vmem>>, vector<1x16xf32>,
          %parallel_loop3A_850 = vector.shape_cast %parallel_loop3A_849 : vector<1x16xf32> to vector<16xf32>
          %parallel_loop3A_851 = arith.addf %parallel_loop3A_846, %parallel_loop3A_850 : vector<16xf32>
          %parallel_loop3A_852 = arith.maximumf %parallel_loop3A_851, %broadcast_in_dim3A_1 : vector<16xf32>
          %parallel_loop3A_853 = arith.index_cast %parallel_loop3A_797 : i32 to index
          %parallel_loop3A_854 = arith.constant 48 : index
          %parallel_loop3A_855 = tpu.vector_load %arg19[%parallel_loop3A_853, %parallel_loop3A_854] {strides = array<i32>} : memref<64x128xf32, #tpu.memory_space<vmem>>, vector<1x16xf32>,
          %parallel_loop3A_856 = vector.shape_cast %parallel_loop3A_855 : vector<1x16xf32> to vector<16xf32>
          %parallel_loop3A_857 = vector.shape_cast %parallel_loop3A_852 : vector<16xf32> to vector<1x16xf32>
          tpu.vector_store %arg19[%parallel_loop3A_853, %parallel_loop3A_854], %parallel_loop3A_857 {strides = array<i32>} : memref<64x128xf32, #tpu.memory_space<vmem>>, vector<1x16xf32>,
          %parallel_loop3A_858 = arith.index_cast %parallel_loop3A_797 : i32 to index
          %parallel_loop3A_859 = arith.constant 64 : index
          %parallel_loop3A_860 = tpu.vector_load %arg15[%parallel_loop3A_858, %parallel_loop3A_859] {strides = array<i32>} : memref<64x128xf32, #tpu.memory_space<vmem>>, vector<1x16xf32>,
          %parallel_loop3A_861 = vector.shape_cast %parallel_loop3A_860 : vector<1x16xf32> to vector<16xf32>
          %parallel_loop3A_862 = arith.index_cast %parallel_loop3A_797 : i32 to index
          %parallel_loop3A_863 = arith.constant 64 : index
          %parallel_loop3A_864 = tpu.vector_load %arg17[%parallel_loop3A_862, %parallel_loop3A_863] {strides = array<i32>} : memref<64x128xf32, #tpu.memory_space<vmem>>, vector<1x16xf32>,
          %parallel_loop3A_865 = vector.shape_cast %parallel_loop3A_864 : vector<1x16xf32> to vector<16xf32>
          %parallel_loop3A_866 = arith.addf %parallel_loop3A_861, %parallel_loop3A_865 : vector<16xf32>
          %parallel_loop3A_867 = arith.maximumf %parallel_loop3A_866, %broadcast_in_dim3A_1 : vector<16xf32>
          %parallel_loop3A_868 = arith.index_cast %parallel_loop3A_797 : i32 to index
          %parallel_loop3A_869 = arith.constant 64 : index
          %parallel_loop3A_870 = tpu.vector_load %arg19[%parallel_loop3A_868, %parallel_loop3A_869] {strides = array<i32>} : memref<64x128xf32, #tpu.memory_space<vmem>>, vector<1x16xf32>,
          %parallel_loop3A_871 = vector.shape_cast %parallel_loop3A_870 : vector<1x16xf32> to vector<16xf32>
          %parallel_loop3A_872 = vector.shape_cast %parallel_loop3A_867 : vector<16xf32> to vector<1x16xf32>
          tpu.vector_store %arg19[%parallel_loop3A_868, %parallel_loop3A_869], %parallel_loop3A_872 {strides = array<i32>} : memref<64x128xf32, #tpu.memory_space<vmem>>, vector<1x16xf32>,
          %parallel_loop3A_873 = arith.index_cast %parallel_loop3A_797 : i32 to index
          %parallel_loop3A_874 = arith.constant 80 : index
          %parallel_loop3A_875 = tpu.vector_load %arg15[%parallel_loop3A_873, %parallel_loop3A_874] {strides = array<i32>} : memref<64x128xf32, #tpu.memory_space<vmem>>, vector<1x16xf32>,
          %parallel_loop3A_876 = vector.shape_cast %parallel_loop3A_875 : vector<1x16xf32> to vector<16xf32>
          %parallel_loop3A_877 = arith.index_cast %parallel_loop3A_797 : i32 to index
          %parallel_loop3A_878 = arith.constant 80 : index
          %parallel_loop3A_879 = tpu.vector_load %arg17[%parallel_loop3A_877, %parallel_loop3A_878] {strides = array<i32>} : memref<64x128xf32, #tpu.memory_space<vmem>>, vector<1x16xf32>,
          %parallel_loop3A_880 = vector.shape_cast %parallel_loop3A_879 : vector<1x16xf32> to vector<16xf32>
          %parallel_loop3A_881 = arith.addf %parallel_loop3A_876, %parallel_loop3A_880 : vector<16xf32>
          %parallel_loop3A_882 = arith.maximumf %parallel_loop3A_881, %broadcast_in_dim3A_1 : vector<16xf32>
          %parallel_loop3A_883 = arith.index_cast %parallel_loop3A_797 : i32 to index
          %parallel_loop3A_884 = arith.constant 80 : index
          %parallel_loop3A_885 = tpu.vector_load %arg19[%parallel_loop3A_883, %parallel_loop3A_884] {strides = array<i32>} : memref<64x128xf32, #tpu.memory_space<vmem>>, vector<1x16xf32>,
          %parallel_loop3A_886 = vector.shape_cast %parallel_loop3A_885 : vector<1x16xf32> to vector<16xf32>
          %parallel_loop3A_887 = vector.shape_cast %parallel_loop3A_882 : vector<16xf32> to vector<1x16xf32>
          tpu.vector_store %arg19[%parallel_loop3A_883, %parallel_loop3A_884], %parallel_loop3A_887 {strides = array<i32>} : memref<64x128xf32, #tpu.memory_space<vmem>>, vector<1x16xf32>,
          %parallel_loop3A_888 = arith.index_cast %parallel_loop3A_797 : i32 to index
          %parallel_loop3A_889 = arith.constant 96 : index
          %parallel_loop3A_890 = tpu.vector_load %arg15[%parallel_loop3A_888, %parallel_loop3A_889] {strides = array<i32>} : memref<64x128xf32, #tpu.memory_space<vmem>>, vector<1x16xf32>,
          %parallel_loop3A_891 = vector.shape_cast %parallel_loop3A_890 : vector<1x16xf32> to vector<16xf32>
          %parallel_loop3A_892 = arith.index_cast %parallel_loop3A_797 : i32 to index
          %parallel_loop3A_893 = arith.constant 96 : index
          %parallel_loop3A_894 = tpu.vector_load %arg17[%parallel_loop3A_892, %parallel_loop3A_893] {strides = array<i32>} : memref<64x128xf32, #tpu.memory_space<vmem>>, vector<1x16xf32>,
          %parallel_loop3A_895 = vector.shape_cast %parallel_loop3A_894 : vector<1x16xf32> to vector<16xf32>
          %parallel_loop3A_896 = arith.addf %parallel_loop3A_891, %parallel_loop3A_895 : vector<16xf32>
          %parallel_loop3A_897 = arith.maximumf %parallel_loop3A_896, %broadcast_in_dim3A_1 : vector<16xf32>
          %parallel_loop3A_898 = arith.index_cast %parallel_loop3A_797 : i32 to index
          %parallel_loop3A_899 = arith.constant 96 : index
          %parallel_loop3A_900 = tpu.vector_load %arg19[%parallel_loop3A_898, %parallel_loop3A_899] {strides = array<i32>} : memref<64x128xf32, #tpu.memory_space<vmem>>, vector<1x16xf32>,
          %parallel_loop3A_901 = vector.shape_cast %parallel_loop3A_900 : vector<1x16xf32> to vector<16xf32>
          %parallel_loop3A_902 = vector.shape_cast %parallel_loop3A_897 : vector<16xf32> to vector<1x16xf32>
          tpu.vector_store %arg19[%parallel_loop3A_898, %parallel_loop3A_899], %parallel_loop3A_902 {strides = array<i32>} : memref<64x128xf32, #tpu.memory_space<vmem>>, vector<1x16xf32>,
          %parallel_loop3A_903 = arith.index_cast %parallel_loop3A_797 : i32 to index
          %parallel_loop3A_904 = arith.constant 112 : index
          %parallel_loop3A_905 = tpu.vector_load %arg15[%parallel_loop3A_903, %parallel_loop3A_904] {strides = array<i32>} : memref<64x128xf32, #tpu.memory_space<vmem>>, vector<1x16xf32>,
          %parallel_loop3A_906 = vector.shape_cast %parallel_loop3A_905 : vector<1x16xf32> to vector<16xf32>
          %parallel_loop3A_907 = arith.index_cast %parallel_loop3A_797 : i32 to index
          %parallel_loop3A_908 = arith.constant 112 : index
          %parallel_loop3A_909 = tpu.vector_load %arg17[%parallel_loop3A_907, %parallel_loop3A_908] {strides = array<i32>} : memref<64x128xf32, #tpu.memory_space<vmem>>, vector<1x16xf32>,
          %parallel_loop3A_910 = vector.shape_cast %parallel_loop3A_909 : vector<1x16xf32> to vector<16xf32>
          %parallel_loop3A_911 = arith.addf %parallel_loop3A_906, %parallel_loop3A_910 : vector<16xf32>
          %parallel_loop3A_912 = arith.maximumf %parallel_loop3A_911, %broadcast_in_dim3A_1 : vector<16xf32>
          %parallel_loop3A_913 = arith.index_cast %parallel_loop3A_797 : i32 to index
          %parallel_loop3A_914 = arith.constant 112 : index
          %parallel_loop3A_915 = tpu.vector_load %arg19[%parallel_loop3A_913, %parallel_loop3A_914] {strides = array<i32>} : memref<64x128xf32, #tpu.memory_space<vmem>>, vector<1x16xf32>,
          %parallel_loop3A_916 = vector.shape_cast %parallel_loop3A_915 : vector<1x16xf32> to vector<16xf32>
          %parallel_loop3A_917 = vector.shape_cast %parallel_loop3A_912 : vector<16xf32> to vector<1x16xf32>
          tpu.vector_store %arg19[%parallel_loop3A_913, %parallel_loop3A_914], %parallel_loop3A_917 {strides = array<i32>} : memref<64x128xf32, #tpu.memory_space<vmem>>, vector<1x16xf32>,
        } {sc.loop_unroll_factor = 2 : i64, sc.parallel_access}
        %lt3A = arith.constant 15 : i32
        %lt3A_769 = arith.cmpi slt, %scan3A_752, %lt3A : i32
        %convert_element_type3A = arith.extui %lt3A_769 : i1 to i32
        %cond3A = arith.constant 0 : i32
        %cond3A_770 = arith.cmpi ne, %convert_element_type3A, %cond3A : i32
        scf.if %cond3A_770 {
          %add3A_797 = arith.constant 2 : i32
          %add3A_798 = arith.addi %mul3A_754, %add3A_797 : i32
          %dma_start3A_799 = arith.constant 0 : i32
          %dma_start3A_800 = tpu.memref_slice %arg13[%add3A_798, %dma_start3A_799] : memref<32x64xi32, #tpu.memory_space<vmem>> -> memref<1x64xi32, #tpu.memory_space<vmem>>
          %dma_start3A_801 = tpu.memref_squeeze %dma_start3A_800 : memref<1x64xi32, #tpu.memory_space<vmem>> -> memref<64xi32, #tpu.memory_space<vmem>>
          %dma_start3A_802 = arith.constant 0 : i32
          %dma_start3A_803 = arith.constant 0 : i32
          %dma_start3A_804 = tpu.memref_slice %arg3[%dma_start3A_802, %dma_start3A_803] : memref<10240x128xf32, #tpu.memory_space<hbm>> -> memref<10240x128xf32, #tpu.memory_space<hbm>>
          tpu.enqueue_indirect_dma source(%dma_start3A_804 : memref<10240x128xf32, #tpu.memory_space<hbm>>) target(%arg15 : memref<64x128xf32, #tpu.memory_space<vmem>>) offsets(%dma_start3A_801 : memref<64xi32, #tpu.memory_space<vmem>>) semaphore(%arg20 : memref<!tpu.dma_semaphore, #tpu.memory_space<semaphore_mem>>)
          %add3A_805 = arith.constant 2 : i32
          %add3A_806 = arith.addi %mul3A_754, %add3A_805 : i32
          %dma_start3A_807 = arith.constant 0 : i32
          %dma_start3A_808 = tpu.memref_slice %arg14[%add3A_806, %dma_start3A_807] : memref<32x64xi32, #tpu.memory_space<vmem>> -> memref<1x64xi32, #tpu.memory_space<vmem>>
          %dma_start3A_809 = tpu.memref_squeeze %dma_start3A_808 : memref<1x64xi32, #tpu.memory_space<vmem>> -> memref<64xi32, #tpu.memory_space<vmem>>
          %dma_start3A_810 = arith.constant 0 : i32
          %dma_start3A_811 = arith.constant 0 : i32
          %dma_start3A_812 = tpu.memref_slice %arg7[%dma_start3A_810, %dma_start3A_811] : memref<10240x128xf32, #tpu.memory_space<hbm>> -> memref<10240x128xf32, #tpu.memory_space<hbm>>
          tpu.enqueue_indirect_dma source(%dma_start3A_812 : memref<10240x128xf32, #tpu.memory_space<hbm>>) target(%arg17 : memref<64x128xf32, #tpu.memory_space<vmem>>) offsets(%dma_start3A_809 : memref<64xi32, #tpu.memory_space<vmem>>) semaphore(%arg22 : memref<!tpu.dma_semaphore, #tpu.memory_space<semaphore_mem>>)
        } else {
        }
        "tpu.region"() ({
          %run_scoped3A_797 = tpu.sem_alloc : memref<!tpu.dma_semaphore, #tpu.memory_space<semaphore_mem>>
          %dma_start3A_798 = arith.constant 0 : i32
          %dma_start3A_799 = tpu.memref_slice %arg14[%mul3A_754, %dma_start3A_798] : memref<32x64xi32, #tpu.memory_space<vmem>> -> memref<1x64xi32, #tpu.memory_space<vmem>>
          %dma_start3A_800 = tpu.memref_squeeze %dma_start3A_799 : memref<1x64xi32, #tpu.memory_space<vmem>> -> memref<64xi32, #tpu.memory_space<vmem>>
          %dma_start3A_801 = arith.constant 0 : i32
          %dma_start3A_802 = arith.constant 0 : i32
          %dma_start3A_803 = tpu.memref_slice %arg24[%dma_start3A_801, %dma_start3A_802] : memref<10240x128xf32, #tpu.memory_space<vmem_shared>> -> memref<10240x128xf32, #tpu.memory_space<vmem_shared>>
          tpu.enqueue_indirect_dma source(%arg19 : memref<64x128xf32, #tpu.memory_space<vmem>>) target(%dma_start3A_803 : memref<10240x128xf32, #tpu.memory_space<vmem_shared>>) offsets(%dma_start3A_800 : memref<64xi32, #tpu.memory_space<vmem>>) semaphore(%run_scoped3A_797 : memref<!tpu.dma_semaphore, #tpu.memory_space<semaphore_mem>>) {add = true}
          %dma_wait3A_804 = arith.constant 0 : i32
          %dma_wait3A_805 = tpu.memref_slice %arg14[%mul3A_754, %dma_wait3A_804] : memref<32x64xi32, #tpu.memory_space<vmem>> -> memref<1x64xi32, #tpu.memory_space<vmem>>
          %dma_wait3A_806 = tpu.memref_squeeze %dma_wait3A_805 : memref<1x64xi32, #tpu.memory_space<vmem>> -> memref<64xi32, #tpu.memory_space<vmem>>
          %dma_wait3A_807 = arith.constant 0 : i32
          %dma_wait3A_808 = arith.constant 0 : i32
          %dma_wait3A_809 = tpu.memref_slice %arg24[%dma_wait3A_807, %dma_wait3A_808] : memref<10240x128xf32, #tpu.memory_space<vmem_shared>> -> memref<10240x128xf32, #tpu.memory_space<vmem_shared>>
          tpu.wait_indirect_dma semaphore(%run_scoped3A_797 : memref<!tpu.dma_semaphore, #tpu.memory_space<semaphore_mem>>) src(%arg19 : memref<64x128xf32, #tpu.memory_space<vmem>>) dst(%dma_wait3A_809 : memref<10240x128xf32, #tpu.memory_space<vmem_shared>>)
          tpu.yield
        }) : () -> ()
        %add3A_771 = arith.constant 1 : i32
        %add3A_772 = arith.addi %mul3A_754, %add3A_771 : i32
        %dma_wait3A_773 = arith.constant 0 : i32
        %dma_wait3A_774 = tpu.memref_slice %arg13[%add3A_772, %dma_wait3A_773] : memref<32x64xi32, #tpu.memory_space<vmem>> -> memref<1x64xi32, #tpu.memory_space<vmem>>
        %dma_wait3A_775 = tpu.memref_squeeze %dma_wait3A_774 : memref<1x64xi32, #tpu.memory_space<vmem>> -> memref<64xi32, #tpu.memory_space<vmem>>
        %dma_wait3A_776 = arith.constant 0 : i32
        %dma_wait3A_777 = arith.constant 0 : i32
        %dma_wait3A_778 = tpu.memref_slice %arg3[%dma_wait3A_776, %dma_wait3A_777] : memref<10240x128xf32, #tpu.memory_space<hbm>> -> memref<10240x128xf32, #tpu.memory_space<hbm>>
        tpu.wait_indirect_dma semaphore(%arg21 : memref<!tpu.dma_semaphore, #tpu.memory_space<semaphore_mem>>) src(%dma_wait3A_778 : memref<10240x128xf32, #tpu.memory_space<hbm>>) dst(%arg16 : memref<64x128xf32, #tpu.memory_space<vmem>>)
        %add3A_779 = arith.constant 1 : i32
        %add3A_780 = arith.addi %mul3A_754, %add3A_779 : i32
        %dma_wait3A_781 = arith.constant 0 : i32
        %dma_wait3A_782 = tpu.memref_slice %arg14[%add3A_780, %dma_wait3A_781] : memref<32x64xi32, #tpu.memory_space<vmem>> -> memref<1x64xi32, #tpu.memory_space<vmem>>
        %dma_wait3A_783 = tpu.memref_squeeze %dma_wait3A_782 : memref<1x64xi32, #tpu.memory_space<vmem>> -> memref<64xi32, #tpu.memory_space<vmem>>
        %dma_wait3A_784 = arith.constant 0 : i32
        %dma_wait3A_785 = arith.constant 0 : i32
        %dma_wait3A_786 = tpu.memref_slice %arg7[%dma_wait3A_784, %dma_wait3A_785] : memref<10240x128xf32, #tpu.memory_space<hbm>> -> memref<10240x128xf32, #tpu.memory_space<hbm>>
        tpu.wait_indirect_dma semaphore(%arg23 : memref<!tpu.dma_semaphore, #tpu.memory_space<semaphore_mem>>) src(%dma_wait3A_786 : memref<10240x128xf32, #tpu.memory_space<hbm>>) dst(%arg18 : memref<64x128xf32, #tpu.memory_space<vmem>>)
        %parallel_loop3A_787 = arith.constant 0 : i32
        %parallel_loop3A_788 = arith.constant 64 : i32
        %parallel_loop3A_789 = arith.constant 1 : i32
        scf.for %parallel_loop3A_797 = %parallel_loop3A_787 to %parallel_loop3A_788 step %parallel_loop3A_789  : i32 {
          %parallel_loop3A_798 = arith.index_cast %parallel_loop3A_797 : i32 to index
          %parallel_loop3A_799 = arith.constant 0 : index
          %parallel_loop3A_800 = tpu.vector_load %arg16[%parallel_loop3A_798, %parallel_loop3A_799] {strides = array<i32>} : memref<64x128xf32, #tpu.memory_space<vmem>>, vector<1x16xf32>,
          %parallel_loop3A_801 = vector.shape_cast %parallel_loop3A_800 : vector<1x16xf32> to vector<16xf32>
          %parallel_loop3A_802 = arith.index_cast %parallel_loop3A_797 : i32 to index
          %parallel_loop3A_803 = arith.constant 0 : index
          %parallel_loop3A_804 = tpu.vector_load %arg18[%parallel_loop3A_802, %parallel_loop3A_803] {strides = array<i32>} : memref<64x128xf32, #tpu.memory_space<vmem>>, vector<1x16xf32>,
          %parallel_loop3A_805 = vector.shape_cast %parallel_loop3A_804 : vector<1x16xf32> to vector<16xf32>
          %parallel_loop3A_806 = arith.addf %parallel_loop3A_801, %parallel_loop3A_805 : vector<16xf32>
          %parallel_loop3A_807 = arith.maximumf %parallel_loop3A_806, %broadcast_in_dim3A_1 : vector<16xf32>
          %parallel_loop3A_808 = arith.index_cast %parallel_loop3A_797 : i32 to index
          %parallel_loop3A_809 = arith.constant 0 : index
          %parallel_loop3A_810 = tpu.vector_load %arg19[%parallel_loop3A_808, %parallel_loop3A_809] {strides = array<i32>} : memref<64x128xf32, #tpu.memory_space<vmem>>, vector<1x16xf32>,
          %parallel_loop3A_811 = vector.shape_cast %parallel_loop3A_810 : vector<1x16xf32> to vector<16xf32>
          %parallel_loop3A_812 = vector.shape_cast %parallel_loop3A_807 : vector<16xf32> to vector<1x16xf32>
          tpu.vector_store %arg19[%parallel_loop3A_808, %parallel_loop3A_809], %parallel_loop3A_812 {strides = array<i32>} : memref<64x128xf32, #tpu.memory_space<vmem>>, vector<1x16xf32>,
          %parallel_loop3A_813 = arith.index_cast %parallel_loop3A_797 : i32 to index
          %parallel_loop3A_814 = arith.constant 16 : index
          %parallel_loop3A_815 = tpu.vector_load %arg16[%parallel_loop3A_813, %parallel_loop3A_814] {strides = array<i32>} : memref<64x128xf32, #tpu.memory_space<vmem>>, vector<1x16xf32>,
          %parallel_loop3A_816 = vector.shape_cast %parallel_loop3A_815 : vector<1x16xf32> to vector<16xf32>
          %parallel_loop3A_817 = arith.index_cast %parallel_loop3A_797 : i32 to index
          %parallel_loop3A_818 = arith.constant 16 : index
          %parallel_loop3A_819 = tpu.vector_load %arg18[%parallel_loop3A_817, %parallel_loop3A_818] {strides = array<i32>} : memref<64x128xf32, #tpu.memory_space<vmem>>, vector<1x16xf32>,
          %parallel_loop3A_820 = vector.shape_cast %parallel_loop3A_819 : vector<1x16xf32> to vector<16xf32>
          %parallel_loop3A_821 = arith.addf %parallel_loop3A_816, %parallel_loop3A_820 : vector<16xf32>
          %parallel_loop3A_822 = arith.maximumf %parallel_loop3A_821, %broadcast_in_dim3A_1 : vector<16xf32>
          %parallel_loop3A_823 = arith.index_cast %parallel_loop3A_797 : i32 to index
          %parallel_loop3A_824 = arith.constant 16 : index
          %parallel_loop3A_825 = tpu.vector_load %arg19[%parallel_loop3A_823, %parallel_loop3A_824] {strides = array<i32>} : memref<64x128xf32, #tpu.memory_space<vmem>>, vector<1x16xf32>,
          %parallel_loop3A_826 = vector.shape_cast %parallel_loop3A_825 : vector<1x16xf32> to vector<16xf32>
          %parallel_loop3A_827 = vector.shape_cast %parallel_loop3A_822 : vector<16xf32> to vector<1x16xf32>
          tpu.vector_store %arg19[%parallel_loop3A_823, %parallel_loop3A_824], %parallel_loop3A_827 {strides = array<i32>} : memref<64x128xf32, #tpu.memory_space<vmem>>, vector<1x16xf32>,
          %parallel_loop3A_828 = arith.index_cast %parallel_loop3A_797 : i32 to index
          %parallel_loop3A_829 = arith.constant 32 : index
          %parallel_loop3A_830 = tpu.vector_load %arg16[%parallel_loop3A_828, %parallel_loop3A_829] {strides = array<i32>} : memref<64x128xf32, #tpu.memory_space<vmem>>, vector<1x16xf32>,
          %parallel_loop3A_831 = vector.shape_cast %parallel_loop3A_830 : vector<1x16xf32> to vector<16xf32>
          %parallel_loop3A_832 = arith.index_cast %parallel_loop3A_797 : i32 to index
          %parallel_loop3A_833 = arith.constant 32 : index
          %parallel_loop3A_834 = tpu.vector_load %arg18[%parallel_loop3A_832, %parallel_loop3A_833] {strides = array<i32>} : memref<64x128xf32, #tpu.memory_space<vmem>>, vector<1x16xf32>,
          %parallel_loop3A_835 = vector.shape_cast %parallel_loop3A_834 : vector<1x16xf32> to vector<16xf32>
          %parallel_loop3A_836 = arith.addf %parallel_loop3A_831, %parallel_loop3A_835 : vector<16xf32>
          %parallel_loop3A_837 = arith.maximumf %parallel_loop3A_836, %broadcast_in_dim3A_1 : vector<16xf32>
          %parallel_loop3A_838 = arith.index_cast %parallel_loop3A_797 : i32 to index
          %parallel_loop3A_839 = arith.constant 32 : index
          %parallel_loop3A_840 = tpu.vector_load %arg19[%parallel_loop3A_838, %parallel_loop3A_839] {strides = array<i32>} : memref<64x128xf32, #tpu.memory_space<vmem>>, vector<1x16xf32>,
          %parallel_loop3A_841 = vector.shape_cast %parallel_loop3A_840 : vector<1x16xf32> to vector<16xf32>
          %parallel_loop3A_842 = vector.shape_cast %parallel_loop3A_837 : vector<16xf32> to vector<1x16xf32>
          tpu.vector_store %arg19[%parallel_loop3A_838, %parallel_loop3A_839], %parallel_loop3A_842 {strides = array<i32>} : memref<64x128xf32, #tpu.memory_space<vmem>>, vector<1x16xf32>,
          %parallel_loop3A_843 = arith.index_cast %parallel_loop3A_797 : i32 to index
          %parallel_loop3A_844 = arith.constant 48 : index
          %parallel_loop3A_845 = tpu.vector_load %arg16[%parallel_loop3A_843, %parallel_loop3A_844] {strides = array<i32>} : memref<64x128xf32, #tpu.memory_space<vmem>>, vector<1x16xf32>,
          %parallel_loop3A_846 = vector.shape_cast %parallel_loop3A_845 : vector<1x16xf32> to vector<16xf32>
          %parallel_loop3A_847 = arith.index_cast %parallel_loop3A_797 : i32 to index
          %parallel_loop3A_848 = arith.constant 48 : index
          %parallel_loop3A_849 = tpu.vector_load %arg18[%parallel_loop3A_847, %parallel_loop3A_848] {strides = array<i32>} : memref<64x128xf32, #tpu.memory_space<vmem>>, vector<1x16xf32>,
          %parallel_loop3A_850 = vector.shape_cast %parallel_loop3A_849 : vector<1x16xf32> to vector<16xf32>
          %parallel_loop3A_851 = arith.addf %parallel_loop3A_846, %parallel_loop3A_850 : vector<16xf32>
          %parallel_loop3A_852 = arith.maximumf %parallel_loop3A_851, %broadcast_in_dim3A_1 : vector<16xf32>
          %parallel_loop3A_853 = arith.index_cast %parallel_loop3A_797 : i32 to index
          %parallel_loop3A_854 = arith.constant 48 : index
          %parallel_loop3A_855 = tpu.vector_load %arg19[%parallel_loop3A_853, %parallel_loop3A_854] {strides = array<i32>} : memref<64x128xf32, #tpu.memory_space<vmem>>, vector<1x16xf32>,
          %parallel_loop3A_856 = vector.shape_cast %parallel_loop3A_855 : vector<1x16xf32> to vector<16xf32>
          %parallel_loop3A_857 = vector.shape_cast %parallel_loop3A_852 : vector<16xf32> to vector<1x16xf32>
          tpu.vector_store %arg19[%parallel_loop3A_853, %parallel_loop3A_854], %parallel_loop3A_857 {strides = array<i32>} : memref<64x128xf32, #tpu.memory_space<vmem>>, vector<1x16xf32>,
          %parallel_loop3A_858 = arith.index_cast %parallel_loop3A_797 : i32 to index
          %parallel_loop3A_859 = arith.constant 64 : index
          %parallel_loop3A_860 = tpu.vector_load %arg16[%parallel_loop3A_858, %parallel_loop3A_859] {strides = array<i32>} : memref<64x128xf32, #tpu.memory_space<vmem>>, vector<1x16xf32>,
          %parallel_loop3A_861 = vector.shape_cast %parallel_loop3A_860 : vector<1x16xf32> to vector<16xf32>
          %parallel_loop3A_862 = arith.index_cast %parallel_loop3A_797 : i32 to index
          %parallel_loop3A_863 = arith.constant 64 : index
          %parallel_loop3A_864 = tpu.vector_load %arg18[%parallel_loop3A_862, %parallel_loop3A_863] {strides = array<i32>} : memref<64x128xf32, #tpu.memory_space<vmem>>, vector<1x16xf32>,
          %parallel_loop3A_865 = vector.shape_cast %parallel_loop3A_864 : vector<1x16xf32> to vector<16xf32>
          %parallel_loop3A_866 = arith.addf %parallel_loop3A_861, %parallel_loop3A_865 : vector<16xf32>
          %parallel_loop3A_867 = arith.maximumf %parallel_loop3A_866, %broadcast_in_dim3A_1 : vector<16xf32>
          %parallel_loop3A_868 = arith.index_cast %parallel_loop3A_797 : i32 to index
          %parallel_loop3A_869 = arith.constant 64 : index
          %parallel_loop3A_870 = tpu.vector_load %arg19[%parallel_loop3A_868, %parallel_loop3A_869] {strides = array<i32>} : memref<64x128xf32, #tpu.memory_space<vmem>>, vector<1x16xf32>,
          %parallel_loop3A_871 = vector.shape_cast %parallel_loop3A_870 : vector<1x16xf32> to vector<16xf32>
          %parallel_loop3A_872 = vector.shape_cast %parallel_loop3A_867 : vector<16xf32> to vector<1x16xf32>
          tpu.vector_store %arg19[%parallel_loop3A_868, %parallel_loop3A_869], %parallel_loop3A_872 {strides = array<i32>} : memref<64x128xf32, #tpu.memory_space<vmem>>, vector<1x16xf32>,
          %parallel_loop3A_873 = arith.index_cast %parallel_loop3A_797 : i32 to index
          %parallel_loop3A_874 = arith.constant 80 : index
          %parallel_loop3A_875 = tpu.vector_load %arg16[%parallel_loop3A_873, %parallel_loop3A_874] {strides = array<i32>} : memref<64x128xf32, #tpu.memory_space<vmem>>, vector<1x16xf32>,
          %parallel_loop3A_876 = vector.shape_cast %parallel_loop3A_875 : vector<1x16xf32> to vector<16xf32>
          %parallel_loop3A_877 = arith.index_cast %parallel_loop3A_797 : i32 to index
          %parallel_loop3A_878 = arith.constant 80 : index
          %parallel_loop3A_879 = tpu.vector_load %arg18[%parallel_loop3A_877, %parallel_loop3A_878] {strides = array<i32>} : memref<64x128xf32, #tpu.memory_space<vmem>>, vector<1x16xf32>,
          %parallel_loop3A_880 = vector.shape_cast %parallel_loop3A_879 : vector<1x16xf32> to vector<16xf32>
          %parallel_loop3A_881 = arith.addf %parallel_loop3A_876, %parallel_loop3A_880 : vector<16xf32>
          %parallel_loop3A_882 = arith.maximumf %parallel_loop3A_881, %broadcast_in_dim3A_1 : vector<16xf32>
          %parallel_loop3A_883 = arith.index_cast %parallel_loop3A_797 : i32 to index
          %parallel_loop3A_884 = arith.constant 80 : index
          %parallel_loop3A_885 = tpu.vector_load %arg19[%parallel_loop3A_883, %parallel_loop3A_884] {strides = array<i32>} : memref<64x128xf32, #tpu.memory_space<vmem>>, vector<1x16xf32>,
          %parallel_loop3A_886 = vector.shape_cast %parallel_loop3A_885 : vector<1x16xf32> to vector<16xf32>
          %parallel_loop3A_887 = vector.shape_cast %parallel_loop3A_882 : vector<16xf32> to vector<1x16xf32>
          tpu.vector_store %arg19[%parallel_loop3A_883, %parallel_loop3A_884], %parallel_loop3A_887 {strides = array<i32>} : memref<64x128xf32, #tpu.memory_space<vmem>>, vector<1x16xf32>,
          %parallel_loop3A_888 = arith.index_cast %parallel_loop3A_797 : i32 to index
          %parallel_loop3A_889 = arith.constant 96 : index
          %parallel_loop3A_890 = tpu.vector_load %arg16[%parallel_loop3A_888, %parallel_loop3A_889] {strides = array<i32>} : memref<64x128xf32, #tpu.memory_space<vmem>>, vector<1x16xf32>,
          %parallel_loop3A_891 = vector.shape_cast %parallel_loop3A_890 : vector<1x16xf32> to vector<16xf32>
          %parallel_loop3A_892 = arith.index_cast %parallel_loop3A_797 : i32 to index
          %parallel_loop3A_893 = arith.constant 96 : index
          %parallel_loop3A_894 = tpu.vector_load %arg18[%parallel_loop3A_892, %parallel_loop3A_893] {strides = array<i32>} : memref<64x128xf32, #tpu.memory_space<vmem>>, vector<1x16xf32>,
          %parallel_loop3A_895 = vector.shape_cast %parallel_loop3A_894 : vector<1x16xf32> to vector<16xf32>
          %parallel_loop3A_896 = arith.addf %parallel_loop3A_891, %parallel_loop3A_895 : vector<16xf32>
          %parallel_loop3A_897 = arith.maximumf %parallel_loop3A_896, %broadcast_in_dim3A_1 : vector<16xf32>
          %parallel_loop3A_898 = arith.index_cast %parallel_loop3A_797 : i32 to index
          %parallel_loop3A_899 = arith.constant 96 : index
          %parallel_loop3A_900 = tpu.vector_load %arg19[%parallel_loop3A_898, %parallel_loop3A_899] {strides = array<i32>} : memref<64x128xf32, #tpu.memory_space<vmem>>, vector<1x16xf32>,
          %parallel_loop3A_901 = vector.shape_cast %parallel_loop3A_900 : vector<1x16xf32> to vector<16xf32>
          %parallel_loop3A_902 = vector.shape_cast %parallel_loop3A_897 : vector<16xf32> to vector<1x16xf32>
          tpu.vector_store %arg19[%parallel_loop3A_898, %parallel_loop3A_899], %parallel_loop3A_902 {strides = array<i32>} : memref<64x128xf32, #tpu.memory_space<vmem>>, vector<1x16xf32>,
          %parallel_loop3A_903 = arith.index_cast %parallel_loop3A_797 : i32 to index
          %parallel_loop3A_904 = arith.constant 112 : index
          %parallel_loop3A_905 = tpu.vector_load %arg16[%parallel_loop3A_903, %parallel_loop3A_904] {strides = array<i32>} : memref<64x128xf32, #tpu.memory_space<vmem>>, vector<1x16xf32>,
          %parallel_loop3A_906 = vector.shape_cast %parallel_loop3A_905 : vector<1x16xf32> to vector<16xf32>
          %parallel_loop3A_907 = arith.index_cast %parallel_loop3A_797 : i32 to index
          %parallel_loop3A_908 = arith.constant 112 : index
          %parallel_loop3A_909 = tpu.vector_load %arg18[%parallel_loop3A_907, %parallel_loop3A_908] {strides = array<i32>} : memref<64x128xf32, #tpu.memory_space<vmem>>, vector<1x16xf32>,
          %parallel_loop3A_910 = vector.shape_cast %parallel_loop3A_909 : vector<1x16xf32> to vector<16xf32>
          %parallel_loop3A_911 = arith.addf %parallel_loop3A_906, %parallel_loop3A_910 : vector<16xf32>
          %parallel_loop3A_912 = arith.maximumf %parallel_loop3A_911, %broadcast_in_dim3A_1 : vector<16xf32>
          %parallel_loop3A_913 = arith.index_cast %parallel_loop3A_797 : i32 to index
          %parallel_loop3A_914 = arith.constant 112 : index
          %parallel_loop3A_915 = tpu.vector_load %arg19[%parallel_loop3A_913, %parallel_loop3A_914] {strides = array<i32>} : memref<64x128xf32, #tpu.memory_space<vmem>>, vector<1x16xf32>,
          %parallel_loop3A_916 = vector.shape_cast %parallel_loop3A_915 : vector<1x16xf32> to vector<16xf32>
          %parallel_loop3A_917 = vector.shape_cast %parallel_loop3A_912 : vector<16xf32> to vector<1x16xf32>
          tpu.vector_store %arg19[%parallel_loop3A_913, %parallel_loop3A_914], %parallel_loop3A_917 {strides = array<i32>} : memref<64x128xf32, #tpu.memory_space<vmem>>, vector<1x16xf32>,
        } {sc.loop_unroll_factor = 2 : i64, sc.parallel_access}
        %lt3A_790 = arith.constant 15 : i32
        %lt3A_791 = arith.cmpi slt, %scan3A_752, %lt3A_790 : i32
        %convert_element_type3A_792 = arith.extui %lt3A_791 : i1 to i32
        %cond3A_793 = arith.constant 0 : i32
        %cond3A_794 = arith.cmpi ne, %convert_element_type3A_792, %cond3A_793 : i32
        scf.if %cond3A_794 {
          %add3A_797 = arith.constant 3 : i32
          %add3A_798 = arith.addi %mul3A_754, %add3A_797 : i32
          %dma_start3A_799 = arith.constant 0 : i32
          %dma_start3A_800 = tpu.memref_slice %arg13[%add3A_798, %dma_start3A_799] : memref<32x64xi32, #tpu.memory_space<vmem>> -> memref<1x64xi32, #tpu.memory_space<vmem>>
          %dma_start3A_801 = tpu.memref_squeeze %dma_start3A_800 : memref<1x64xi32, #tpu.memory_space<vmem>> -> memref<64xi32, #tpu.memory_space<vmem>>
          %dma_start3A_802 = arith.constant 0 : i32
          %dma_start3A_803 = arith.constant 0 : i32
          %dma_start3A_804 = tpu.memref_slice %arg3[%dma_start3A_802, %dma_start3A_803] : memref<10240x128xf32, #tpu.memory_space<hbm>> -> memref<10240x128xf32, #tpu.memory_space<hbm>>
          tpu.enqueue_indirect_dma source(%dma_start3A_804 : memref<10240x128xf32, #tpu.memory_space<hbm>>) target(%arg16 : memref<64x128xf32, #tpu.memory_space<vmem>>) offsets(%dma_start3A_801 : memref<64xi32, #tpu.memory_space<vmem>>) semaphore(%arg21 : memref<!tpu.dma_semaphore, #tpu.memory_space<semaphore_mem>>)
          %add3A_805 = arith.constant 3 : i32
          %add3A_806 = arith.addi %mul3A_754, %add3A_805 : i32
          %dma_start3A_807 = arith.constant 0 : i32
          %dma_start3A_808 = tpu.memref_slice %arg14[%add3A_806, %dma_start3A_807] : memref<32x64xi32, #tpu.memory_space<vmem>> -> memref<1x64xi32, #tpu.memory_space<vmem>>
          %dma_start3A_809 = tpu.memref_squeeze %dma_start3A_808 : memref<1x64xi32, #tpu.memory_space<vmem>> -> memref<64xi32, #tpu.memory_space<vmem>>
          %dma_start3A_810 = arith.constant 0 : i32
          %dma_start3A_811 = arith.constant 0 : i32
          %dma_start3A_812 = tpu.memref_slice %arg7[%dma_start3A_810, %dma_start3A_811] : memref<10240x128xf32, #tpu.memory_space<hbm>> -> memref<10240x128xf32, #tpu.memory_space<hbm>>
          tpu.enqueue_indirect_dma source(%dma_start3A_812 : memref<10240x128xf32, #tpu.memory_space<hbm>>) target(%arg18 : memref<64x128xf32, #tpu.memory_space<vmem>>) offsets(%dma_start3A_809 : memref<64xi32, #tpu.memory_space<vmem>>) semaphore(%arg23 : memref<!tpu.dma_semaphore, #tpu.memory_space<semaphore_mem>>)
        } else {
        }
        %add3A_795 = arith.constant 1 : i32
        %add3A_796 = arith.addi %mul3A_754, %add3A_795 : i32
        "tpu.region"() ({
          %run_scoped3A_797 = tpu.sem_alloc : memref<!tpu.dma_semaphore, #tpu.memory_space<semaphore_mem>>
          %dma_start3A_798 = arith.constant 0 : i32
          %dma_start3A_799 = tpu.memref_slice %arg14[%add3A_796, %dma_start3A_798] : memref<32x64xi32, #tpu.memory_space<vmem>> -> memref<1x64xi32, #tpu.memory_space<vmem>>
          %dma_start3A_800 = tpu.memref_squeeze %dma_start3A_799 : memref<1x64xi32, #tpu.memory_space<vmem>> -> memref<64xi32, #tpu.memory_space<vmem>>
          %dma_start3A_801 = arith.constant 0 : i32
          %dma_start3A_802 = arith.constant 0 : i32
          %dma_start3A_803 = tpu.memref_slice %arg24[%dma_start3A_801, %dma_start3A_802] : memref<10240x128xf32, #tpu.memory_space<vmem_shared>> -> memref<10240x128xf32, #tpu.memory_space<vmem_shared>>
          tpu.enqueue_indirect_dma source(%arg19 : memref<64x128xf32, #tpu.memory_space<vmem>>) target(%dma_start3A_803 : memref<10240x128xf32, #tpu.memory_space<vmem_shared>>) offsets(%dma_start3A_800 : memref<64xi32, #tpu.memory_space<vmem>>) semaphore(%run_scoped3A_797 : memref<!tpu.dma_semaphore, #tpu.memory_space<semaphore_mem>>) {add = true}
          %dma_wait3A_804 = arith.constant 0 : i32
          %dma_wait3A_805 = tpu.memref_slice %arg14[%add3A_796, %dma_wait3A_804] : memref<32x64xi32, #tpu.memory_space<vmem>> -> memref<1x64xi32, #tpu.memory_space<vmem>>
          %dma_wait3A_806 = tpu.memref_squeeze %dma_wait3A_805 : memref<1x64xi32, #tpu.memory_space<vmem>> -> memref<64xi32, #tpu.memory_space<vmem>>
          %dma_wait3A_807 = arith.constant 0 : i32
          %dma_wait3A_808 = arith.constant 0 : i32
          %dma_wait3A_809 = tpu.memref_slice %arg24[%dma_wait3A_807, %dma_wait3A_808] : memref<10240x128xf32, #tpu.memory_space<vmem_shared>> -> memref<10240x128xf32, #tpu.memory_space<vmem_shared>>
          tpu.wait_indirect_dma semaphore(%run_scoped3A_797 : memref<!tpu.dma_semaphore, #tpu.memory_space<semaphore_mem>>) src(%arg19 : memref<64x128xf32, #tpu.memory_space<vmem>>) dst(%dma_wait3A_809 : memref<10240x128xf32, #tpu.memory_space<vmem_shared>>)
          tpu.yield
        }) : () -> ()
      }
      %scan3A_751 = arith.constant 16 : i32
    }
    %scan3A_349 = arith.constant 5 : i32
    %barrier3A_350 = arith.constant 0 : index
    tpu.barrier barrier_id(%barrier3A_350)
    %mul3A_351 = arith.constant 640 : i32
    %mul3A_352 = arith.muli %arg1, %mul3A_351 : i32
    %mul3A_353 = arith.constant 640 : i32
    %mul3A_354 = arith.muli %arg1, %mul3A_353 : i32
    %run_scoped3A_355 = arith.constant 1 : i32
    "tpu.region"() ({
      %run_scoped3A_717 = tpu.sem_alloc : memref<!tpu.dma_semaphore, #tpu.memory_space<semaphore_mem>>
      %dma_start3A_718 = arith.constant 0 : i32
      %dma_start3A_719 = tpu.memref_slice %arg12[%arg0, %run_scoped3A_355, %mul3A_354, %dma_start3A_718] : memref<2x4x10240x128xf32, #tpu.memory_space<hbm>> -> memref<1x1x640x128xf32, #tpu.memory_space<hbm>>
      %dma_start3A_720 = tpu.memref_squeeze %dma_start3A_719 : memref<1x1x640x128xf32, #tpu.memory_space<hbm>> -> memref<640x128xf32, #tpu.memory_space<hbm>>
      %dma_start3A_721 = arith.constant 0 : i32
      %dma_start3A_722 = tpu.memref_slice %arg24[%mul3A_352, %dma_start3A_721] : memref<10240x128xf32, #tpu.memory_space<vmem_shared>> -> memref<640x128xf32, #tpu.memory_space<vmem_shared>>
      tpu.enqueue_dma source(%dma_start3A_722 : memref<640x128xf32, #tpu.memory_space<vmem_shared>>) target(%dma_start3A_720 : memref<640x128xf32, #tpu.memory_space<hbm>>) target_semaphore(%run_scoped3A_717 : memref<!tpu.dma_semaphore, #tpu.memory_space<semaphore_mem>>)
      %dma_wait3A_723 = arith.constant 0 : i32
      %dma_wait3A_724 = tpu.memref_slice %arg12[%arg0, %run_scoped3A_355, %mul3A_354, %dma_wait3A_723] : memref<2x4x10240x128xf32, #tpu.memory_space<hbm>> -> memref<1x1x640x128xf32, #tpu.memory_space<hbm>>
      %dma_wait3A_725 = tpu.memref_squeeze %dma_wait3A_724 : memref<1x1x640x128xf32, #tpu.memory_space<hbm>> -> memref<640x128xf32, #tpu.memory_space<hbm>>
      %dma_wait3A_726 = arith.constant 0 : i32
      %dma_wait3A_727 = tpu.memref_slice %arg24[%mul3A_352, %dma_wait3A_726] : memref<10240x128xf32, #tpu.memory_space<vmem_shared>> -> memref<640x128xf32, #tpu.memory_space<vmem_shared>>
      tpu.wait_dma2 semaphore(%run_scoped3A_717 : memref<!tpu.dma_semaphore, #tpu.memory_space<semaphore_mem>>) src(%dma_wait3A_727 : memref<640x128xf32, #tpu.memory_space<vmem_shared>>) dst(%dma_wait3A_725 : memref<640x128xf32, #tpu.memory_space<hbm>>)
      tpu.yield
    }) : () -> ()
    %barrier3A_356 = arith.constant 0 : index
    tpu.barrier barrier_id(%barrier3A_356)
    %scan3A_357 = arith.constant 0 : i32
    %scan3A_358 = arith.constant 0 : i32
    %scan3A_359 = arith.constant 64 : i32
    %scan3A_360 = arith.addi %scan3A_358, %scan3A_359 : i32
    %scan3A_361 = arith.constant 1 : i32
    scf.for %scan3A_717 = %scan3A_358 to %scan3A_360 step %scan3A_361  : i32 {
      %swap3A = arith.index_cast %scan3A_717 : i32 to index
      %swap3A_718 = arith.constant 0 : index
      %swap3A_719 = tpu.vector_load %arg19[%swap3A, %swap3A_718] {strides = array<i32>} : memref<64x128xf32, #tpu.memory_space<vmem>>, vector<1x16xf32>,
      %swap3A_720 = vector.shape_cast %swap3A_719 : vector<1x16xf32> to vector<16xf32>
      %swap3A_721 = vector.shape_cast %broadcast_in_dim3A_1 : vector<16xf32> to vector<1x16xf32>
      tpu.vector_store %arg19[%swap3A, %swap3A_718], %swap3A_721 {strides = array<i32>} : memref<64x128xf32, #tpu.memory_space<vmem>>, vector<1x16xf32>,
      %swap3A_722 = arith.index_cast %scan3A_717 : i32 to index
      %swap3A_723 = arith.constant 16 : index
      %swap3A_724 = tpu.vector_load %arg19[%swap3A_722, %swap3A_723] {strides = array<i32>} : memref<64x128xf32, #tpu.memory_space<vmem>>, vector<1x16xf32>,
      %swap3A_725 = vector.shape_cast %swap3A_724 : vector<1x16xf32> to vector<16xf32>
      %swap3A_726 = vector.shape_cast %broadcast_in_dim3A_1 : vector<16xf32> to vector<1x16xf32>
      tpu.vector_store %arg19[%swap3A_722, %swap3A_723], %swap3A_726 {strides = array<i32>} : memref<64x128xf32, #tpu.memory_space<vmem>>, vector<1x16xf32>,
      %swap3A_727 = arith.index_cast %scan3A_717 : i32 to index
      %swap3A_728 = arith.constant 32 : index
      %swap3A_729 = tpu.vector_load %arg19[%swap3A_727, %swap3A_728] {strides = array<i32>} : memref<64x128xf32, #tpu.memory_space<vmem>>, vector<1x16xf32>,
      %swap3A_730 = vector.shape_cast %swap3A_729 : vector<1x16xf32> to vector<16xf32>
      %swap3A_731 = vector.shape_cast %broadcast_in_dim3A_1 : vector<16xf32> to vector<1x16xf32>
      tpu.vector_store %arg19[%swap3A_727, %swap3A_728], %swap3A_731 {strides = array<i32>} : memref<64x128xf32, #tpu.memory_space<vmem>>, vector<1x16xf32>,
      %swap3A_732 = arith.index_cast %scan3A_717 : i32 to index
      %swap3A_733 = arith.constant 48 : index
      %swap3A_734 = tpu.vector_load %arg19[%swap3A_732, %swap3A_733] {strides = array<i32>} : memref<64x128xf32, #tpu.memory_space<vmem>>, vector<1x16xf32>,
      %swap3A_735 = vector.shape_cast %swap3A_734 : vector<1x16xf32> to vector<16xf32>
      %swap3A_736 = vector.shape_cast %broadcast_in_dim3A_1 : vector<16xf32> to vector<1x16xf32>
      tpu.vector_store %arg19[%swap3A_732, %swap3A_733], %swap3A_736 {strides = array<i32>} : memref<64x128xf32, #tpu.memory_space<vmem>>, vector<1x16xf32>,
      %swap3A_737 = arith.index_cast %scan3A_717 : i32 to index
      %swap3A_738 = arith.constant 64 : index
      %swap3A_739 = tpu.vector_load %arg19[%swap3A_737, %swap3A_738] {strides = array<i32>} : memref<64x128xf32, #tpu.memory_space<vmem>>, vector<1x16xf32>,
      %swap3A_740 = vector.shape_cast %swap3A_739 : vector<1x16xf32> to vector<16xf32>
      %swap3A_741 = vector.shape_cast %broadcast_in_dim3A_1 : vector<16xf32> to vector<1x16xf32>
      tpu.vector_store %arg19[%swap3A_737, %swap3A_738], %swap3A_741 {strides = array<i32>} : memref<64x128xf32, #tpu.memory_space<vmem>>, vector<1x16xf32>,
      %swap3A_742 = arith.index_cast %scan3A_717 : i32 to index
      %swap3A_743 = arith.constant 80 : index
      %swap3A_744 = tpu.vector_load %arg19[%swap3A_742, %swap3A_743] {strides = array<i32>} : memref<64x128xf32, #tpu.memory_space<vmem>>, vector<1x16xf32>,
      %swap3A_745 = vector.shape_cast %swap3A_744 : vector<1x16xf32> to vector<16xf32>
      %swap3A_746 = vector.shape_cast %broadcast_in_dim3A_1 : vector<16xf32> to vector<1x16xf32>
      tpu.vector_store %arg19[%swap3A_742, %swap3A_743], %swap3A_746 {strides = array<i32>} : memref<64x128xf32, #tpu.memory_space<vmem>>, vector<1x16xf32>,
      %swap3A_747 = arith.index_cast %scan3A_717 : i32 to index
      %swap3A_748 = arith.constant 96 : index
      %swap3A_749 = tpu.vector_load %arg19[%swap3A_747, %swap3A_748] {strides = array<i32>} : memref<64x128xf32, #tpu.memory_space<vmem>>, vector<1x16xf32>,
      %swap3A_750 = vector.shape_cast %swap3A_749 : vector<1x16xf32> to vector<16xf32>
      %swap3A_751 = vector.shape_cast %broadcast_in_dim3A_1 : vector<16xf32> to vector<1x16xf32>
      tpu.vector_store %arg19[%swap3A_747, %swap3A_748], %swap3A_751 {strides = array<i32>} : memref<64x128xf32, #tpu.memory_space<vmem>>, vector<1x16xf32>,
      %swap3A_752 = arith.index_cast %scan3A_717 : i32 to index
      %swap3A_753 = arith.constant 112 : index
      %swap3A_754 = tpu.vector_load %arg19[%swap3A_752, %swap3A_753] {strides = array<i32>} : memref<64x128xf32, #tpu.memory_space<vmem>>, vector<1x16xf32>,
      %swap3A_755 = vector.shape_cast %swap3A_754 : vector<1x16xf32> to vector<16xf32>
      %swap3A_756 = vector.shape_cast %broadcast_in_dim3A_1 : vector<16xf32> to vector<1x16xf32>
      tpu.vector_store %arg19[%swap3A_752, %swap3A_753], %swap3A_756 {strides = array<i32>} : memref<64x128xf32, #tpu.memory_space<vmem>>, vector<1x16xf32>,
    }
    %scan3A_362 = arith.constant 64 : i32
    %mul3A_363 = arith.constant 640 : i32
    %mul3A_364 = arith.muli %arg1, %mul3A_363 : i32
    %add3A_365 = arith.constant 0 : i32
    %add3A_366 = arith.addi %mul3A_364, %add3A_365 : i32
    %dma_start3A_367 = arith.constant 0 : i32
    %dma_start3A_368 = tpu.memref_slice %arg24[%add3A_366, %dma_start3A_367] : memref<10240x128xf32, #tpu.memory_space<vmem_shared>> -> memref<64x128xf32, #tpu.memory_space<vmem_shared>>
    %dma_start3A_369 = arith.constant 0 : i32
    %dma_start3A_370 = tpu.memref_slice %arg24[%add3A_366, %dma_start3A_369] : memref<10240x128xf32, #tpu.memory_space<vmem_shared>> -> memref<64x128xf32, #tpu.memory_space<vmem_shared>>
    tpu.enqueue_dma source(%arg19 : memref<64x128xf32, #tpu.memory_space<vmem>>) target(%dma_start3A_370 : memref<64x128xf32, #tpu.memory_space<vmem_shared>>) target_semaphore(%arg20 : memref<!tpu.dma_semaphore, #tpu.memory_space<semaphore_mem>>)
    %mul3A_371 = arith.constant 640 : i32
    %mul3A_372 = arith.muli %arg1, %mul3A_371 : i32
    %add3A_373 = arith.constant 64 : i32
    %add3A_374 = arith.addi %mul3A_372, %add3A_373 : i32
    %dma_start3A_375 = arith.constant 0 : i32
    %dma_start3A_376 = tpu.memref_slice %arg24[%add3A_374, %dma_start3A_375] : memref<10240x128xf32, #tpu.memory_space<vmem_shared>> -> memref<64x128xf32, #tpu.memory_space<vmem_shared>>
    %dma_start3A_377 = arith.constant 0 : i32
    %dma_start3A_378 = tpu.memref_slice %arg24[%add3A_374, %dma_start3A_377] : memref<10240x128xf32, #tpu.memory_space<vmem_shared>> -> memref<64x128xf32, #tpu.memory_space<vmem_shared>>
    tpu.enqueue_dma source(%arg19 : memref<64x128xf32, #tpu.memory_space<vmem>>) target(%dma_start3A_378 : memref<64x128xf32, #tpu.memory_space<vmem_shared>>) target_semaphore(%arg20 : memref<!tpu.dma_semaphore, #tpu.memory_space<semaphore_mem>>)
    %mul3A_379 = arith.constant 640 : i32
    %mul3A_380 = arith.muli %arg1, %mul3A_379 : i32
    %add3A_381 = arith.constant 128 : i32
    %add3A_382 = arith.addi %mul3A_380, %add3A_381 : i32
    %dma_start3A_383 = arith.constant 0 : i32
    %dma_start3A_384 = tpu.memref_slice %arg24[%add3A_382, %dma_start3A_383] : memref<10240x128xf32, #tpu.memory_space<vmem_shared>> -> memref<64x128xf32, #tpu.memory_space<vmem_shared>>
    %dma_start3A_385 = arith.constant 0 : i32
    %dma_start3A_386 = tpu.memref_slice %arg24[%add3A_382, %dma_start3A_385] : memref<10240x128xf32, #tpu.memory_space<vmem_shared>> -> memref<64x128xf32, #tpu.memory_space<vmem_shared>>
    tpu.enqueue_dma source(%arg19 : memref<64x128xf32, #tpu.memory_space<vmem>>) target(%dma_start3A_386 : memref<64x128xf32, #tpu.memory_space<vmem_shared>>) target_semaphore(%arg20 : memref<!tpu.dma_semaphore, #tpu.memory_space<semaphore_mem>>)
    %mul3A_387 = arith.constant 640 : i32
    %mul3A_388 = arith.muli %arg1, %mul3A_387 : i32
    %add3A_389 = arith.constant 192 : i32
    %add3A_390 = arith.addi %mul3A_388, %add3A_389 : i32
    %dma_start3A_391 = arith.constant 0 : i32
    %dma_start3A_392 = tpu.memref_slice %arg24[%add3A_390, %dma_start3A_391] : memref<10240x128xf32, #tpu.memory_space<vmem_shared>> -> memref<64x128xf32, #tpu.memory_space<vmem_shared>>
    %dma_start3A_393 = arith.constant 0 : i32
    %dma_start3A_394 = tpu.memref_slice %arg24[%add3A_390, %dma_start3A_393] : memref<10240x128xf32, #tpu.memory_space<vmem_shared>> -> memref<64x128xf32, #tpu.memory_space<vmem_shared>>
    tpu.enqueue_dma source(%arg19 : memref<64x128xf32, #tpu.memory_space<vmem>>) target(%dma_start3A_394 : memref<64x128xf32, #tpu.memory_space<vmem_shared>>) target_semaphore(%arg20 : memref<!tpu.dma_semaphore, #tpu.memory_space<semaphore_mem>>)
    %mul3A_395 = arith.constant 640 : i32
    %mul3A_396 = arith.muli %arg1, %mul3A_395 : i32
    %add3A_397 = arith.constant 256 : i32
    %add3A_398 = arith.addi %mul3A_396, %add3A_397 : i32
    %dma_start3A_399 = arith.constant 0 : i32
    %dma_start3A_400 = tpu.memref_slice %arg24[%add3A_398, %dma_start3A_399] : memref<10240x128xf32, #tpu.memory_space<vmem_shared>> -> memref<64x128xf32, #tpu.memory_space<vmem_shared>>
    %dma_start3A_401 = arith.constant 0 : i32
    %dma_start3A_402 = tpu.memref_slice %arg24[%add3A_398, %dma_start3A_401] : memref<10240x128xf32, #tpu.memory_space<vmem_shared>> -> memref<64x128xf32, #tpu.memory_space<vmem_shared>>
    tpu.enqueue_dma source(%arg19 : memref<64x128xf32, #tpu.memory_space<vmem>>) target(%dma_start3A_402 : memref<64x128xf32, #tpu.memory_space<vmem_shared>>) target_semaphore(%arg20 : memref<!tpu.dma_semaphore, #tpu.memory_space<semaphore_mem>>)
    %mul3A_403 = arith.constant 640 : i32
    %mul3A_404 = arith.muli %arg1, %mul3A_403 : i32
    %add3A_405 = arith.constant 320 : i32
    %add3A_406 = arith.addi %mul3A_404, %add3A_405 : i32
    %dma_start3A_407 = arith.constant 0 : i32
    %dma_start3A_408 = tpu.memref_slice %arg24[%add3A_406, %dma_start3A_407] : memref<10240x128xf32, #tpu.memory_space<vmem_shared>> -> memref<64x128xf32, #tpu.memory_space<vmem_shared>>
    %dma_start3A_409 = arith.constant 0 : i32
    %dma_start3A_410 = tpu.memref_slice %arg24[%add3A_406, %dma_start3A_409] : memref<10240x128xf32, #tpu.memory_space<vmem_shared>> -> memref<64x128xf32, #tpu.memory_space<vmem_shared>>
    tpu.enqueue_dma source(%arg19 : memref<64x128xf32, #tpu.memory_space<vmem>>) target(%dma_start3A_410 : memref<64x128xf32, #tpu.memory_space<vmem_shared>>) target_semaphore(%arg20 : memref<!tpu.dma_semaphore, #tpu.memory_space<semaphore_mem>>)
    %mul3A_411 = arith.constant 640 : i32
    %mul3A_412 = arith.muli %arg1, %mul3A_411 : i32
    %add3A_413 = arith.constant 384 : i32
    %add3A_414 = arith.addi %mul3A_412, %add3A_413 : i32
    %dma_start3A_415 = arith.constant 0 : i32
    %dma_start3A_416 = tpu.memref_slice %arg24[%add3A_414, %dma_start3A_415] : memref<10240x128xf32, #tpu.memory_space<vmem_shared>> -> memref<64x128xf32, #tpu.memory_space<vmem_shared>>
    %dma_start3A_417 = arith.constant 0 : i32
    %dma_start3A_418 = tpu.memref_slice %arg24[%add3A_414, %dma_start3A_417] : memref<10240x128xf32, #tpu.memory_space<vmem_shared>> -> memref<64x128xf32, #tpu.memory_space<vmem_shared>>
    tpu.enqueue_dma source(%arg19 : memref<64x128xf32, #tpu.memory_space<vmem>>) target(%dma_start3A_418 : memref<64x128xf32, #tpu.memory_space<vmem_shared>>) target_semaphore(%arg20 : memref<!tpu.dma_semaphore, #tpu.memory_space<semaphore_mem>>)
    %mul3A_419 = arith.constant 640 : i32
    %mul3A_420 = arith.muli %arg1, %mul3A_419 : i32
    %add3A_421 = arith.constant 448 : i32
    %add3A_422 = arith.addi %mul3A_420, %add3A_421 : i32
    %dma_start3A_423 = arith.constant 0 : i32
    %dma_start3A_424 = tpu.memref_slice %arg24[%add3A_422, %dma_start3A_423] : memref<10240x128xf32, #tpu.memory_space<vmem_shared>> -> memref<64x128xf32, #tpu.memory_space<vmem_shared>>
    %dma_start3A_425 = arith.constant 0 : i32
    %dma_start3A_426 = tpu.memref_slice %arg24[%add3A_422, %dma_start3A_425] : memref<10240x128xf32, #tpu.memory_space<vmem_shared>> -> memref<64x128xf32, #tpu.memory_space<vmem_shared>>
    tpu.enqueue_dma source(%arg19 : memref<64x128xf32, #tpu.memory_space<vmem>>) target(%dma_start3A_426 : memref<64x128xf32, #tpu.memory_space<vmem_shared>>) target_semaphore(%arg20 : memref<!tpu.dma_semaphore, #tpu.memory_space<semaphore_mem>>)
    %mul3A_427 = arith.constant 640 : i32
    %mul3A_428 = arith.muli %arg1, %mul3A_427 : i32
    %add3A_429 = arith.constant 512 : i32
    %add3A_430 = arith.addi %mul3A_428, %add3A_429 : i32
    %dma_start3A_431 = arith.constant 0 : i32
    %dma_start3A_432 = tpu.memref_slice %arg24[%add3A_430, %dma_start3A_431] : memref<10240x128xf32, #tpu.memory_space<vmem_shared>> -> memref<64x128xf32, #tpu.memory_space<vmem_shared>>
    %dma_start3A_433 = arith.constant 0 : i32
    %dma_start3A_434 = tpu.memref_slice %arg24[%add3A_430, %dma_start3A_433] : memref<10240x128xf32, #tpu.memory_space<vmem_shared>> -> memref<64x128xf32, #tpu.memory_space<vmem_shared>>
    tpu.enqueue_dma source(%arg19 : memref<64x128xf32, #tpu.memory_space<vmem>>) target(%dma_start3A_434 : memref<64x128xf32, #tpu.memory_space<vmem_shared>>) target_semaphore(%arg20 : memref<!tpu.dma_semaphore, #tpu.memory_space<semaphore_mem>>)
    %mul3A_435 = arith.constant 640 : i32
    %mul3A_436 = arith.muli %arg1, %mul3A_435 : i32
    %add3A_437 = arith.constant 576 : i32
    %add3A_438 = arith.addi %mul3A_436, %add3A_437 : i32
    %dma_start3A_439 = arith.constant 0 : i32
    %dma_start3A_440 = tpu.memref_slice %arg24[%add3A_438, %dma_start3A_439] : memref<10240x128xf32, #tpu.memory_space<vmem_shared>> -> memref<64x128xf32, #tpu.memory_space<vmem_shared>>
    %dma_start3A_441 = arith.constant 0 : i32
    %dma_start3A_442 = tpu.memref_slice %arg24[%add3A_438, %dma_start3A_441] : memref<10240x128xf32, #tpu.memory_space<vmem_shared>> -> memref<64x128xf32, #tpu.memory_space<vmem_shared>>
    tpu.enqueue_dma source(%arg19 : memref<64x128xf32, #tpu.memory_space<vmem>>) target(%dma_start3A_442 : memref<64x128xf32, #tpu.memory_space<vmem_shared>>) target_semaphore(%arg20 : memref<!tpu.dma_semaphore, #tpu.memory_space<semaphore_mem>>)
    %mul3A_443 = arith.constant 640 : i32
    %mul3A_444 = arith.muli %arg1, %mul3A_443 : i32
    %add3A_445 = arith.constant 0 : i32
    %add3A_446 = arith.addi %mul3A_444, %add3A_445 : i32
    %dma_wait3A_447 = arith.constant 0 : i32
    %dma_wait3A_448 = tpu.memref_slice %arg24[%add3A_446, %dma_wait3A_447] : memref<10240x128xf32, #tpu.memory_space<vmem_shared>> -> memref<64x128xf32, #tpu.memory_space<vmem_shared>>
    %dma_wait3A_449 = arith.constant 0 : i32
    %dma_wait3A_450 = tpu.memref_slice %arg24[%add3A_446, %dma_wait3A_449] : memref<10240x128xf32, #tpu.memory_space<vmem_shared>> -> memref<64x128xf32, #tpu.memory_space<vmem_shared>>
    tpu.wait_dma2 semaphore(%arg20 : memref<!tpu.dma_semaphore, #tpu.memory_space<semaphore_mem>>) src(%arg19 : memref<64x128xf32, #tpu.memory_space<vmem>>) dst(%dma_wait3A_450 : memref<64x128xf32, #tpu.memory_space<vmem_shared>>)
    %mul3A_451 = arith.constant 640 : i32
    %mul3A_452 = arith.muli %arg1, %mul3A_451 : i32
    %add3A_453 = arith.constant 64 : i32
    %add3A_454 = arith.addi %mul3A_452, %add3A_453 : i32
    %dma_wait3A_455 = arith.constant 0 : i32
    %dma_wait3A_456 = tpu.memref_slice %arg24[%add3A_454, %dma_wait3A_455] : memref<10240x128xf32, #tpu.memory_space<vmem_shared>> -> memref<64x128xf32, #tpu.memory_space<vmem_shared>>
    %dma_wait3A_457 = arith.constant 0 : i32
    %dma_wait3A_458 = tpu.memref_slice %arg24[%add3A_454, %dma_wait3A_457] : memref<10240x128xf32, #tpu.memory_space<vmem_shared>> -> memref<64x128xf32, #tpu.memory_space<vmem_shared>>
    tpu.wait_dma2 semaphore(%arg20 : memref<!tpu.dma_semaphore, #tpu.memory_space<semaphore_mem>>) src(%arg19 : memref<64x128xf32, #tpu.memory_space<vmem>>) dst(%dma_wait3A_458 : memref<64x128xf32, #tpu.memory_space<vmem_shared>>)
    %mul3A_459 = arith.constant 640 : i32
    %mul3A_460 = arith.muli %arg1, %mul3A_459 : i32
    %add3A_461 = arith.constant 128 : i32
    %add3A_462 = arith.addi %mul3A_460, %add3A_461 : i32
    %dma_wait3A_463 = arith.constant 0 : i32
    %dma_wait3A_464 = tpu.memref_slice %arg24[%add3A_462, %dma_wait3A_463] : memref<10240x128xf32, #tpu.memory_space<vmem_shared>> -> memref<64x128xf32, #tpu.memory_space<vmem_shared>>
    %dma_wait3A_465 = arith.constant 0 : i32
    %dma_wait3A_466 = tpu.memref_slice %arg24[%add3A_462, %dma_wait3A_465] : memref<10240x128xf32, #tpu.memory_space<vmem_shared>> -> memref<64x128xf32, #tpu.memory_space<vmem_shared>>
    tpu.wait_dma2 semaphore(%arg20 : memref<!tpu.dma_semaphore, #tpu.memory_space<semaphore_mem>>) src(%arg19 : memref<64x128xf32, #tpu.memory_space<vmem>>) dst(%dma_wait3A_466 : memref<64x128xf32, #tpu.memory_space<vmem_shared>>)
    %mul3A_467 = arith.constant 640 : i32
    %mul3A_468 = arith.muli %arg1, %mul3A_467 : i32
    %add3A_469 = arith.constant 192 : i32
    %add3A_470 = arith.addi %mul3A_468, %add3A_469 : i32
    %dma_wait3A_471 = arith.constant 0 : i32
    %dma_wait3A_472 = tpu.memref_slice %arg24[%add3A_470, %dma_wait3A_471] : memref<10240x128xf32, #tpu.memory_space<vmem_shared>> -> memref<64x128xf32, #tpu.memory_space<vmem_shared>>
    %dma_wait3A_473 = arith.constant 0 : i32
    %dma_wait3A_474 = tpu.memref_slice %arg24[%add3A_470, %dma_wait3A_473] : memref<10240x128xf32, #tpu.memory_space<vmem_shared>> -> memref<64x128xf32, #tpu.memory_space<vmem_shared>>
    tpu.wait_dma2 semaphore(%arg20 : memref<!tpu.dma_semaphore, #tpu.memory_space<semaphore_mem>>) src(%arg19 : memref<64x128xf32, #tpu.memory_space<vmem>>) dst(%dma_wait3A_474 : memref<64x128xf32, #tpu.memory_space<vmem_shared>>)
    %mul3A_475 = arith.constant 640 : i32
    %mul3A_476 = arith.muli %arg1, %mul3A_475 : i32
    %add3A_477 = arith.constant 256 : i32
    %add3A_478 = arith.addi %mul3A_476, %add3A_477 : i32
    %dma_wait3A_479 = arith.constant 0 : i32
    %dma_wait3A_480 = tpu.memref_slice %arg24[%add3A_478, %dma_wait3A_479] : memref<10240x128xf32, #tpu.memory_space<vmem_shared>> -> memref<64x128xf32, #tpu.memory_space<vmem_shared>>
    %dma_wait3A_481 = arith.constant 0 : i32
    %dma_wait3A_482 = tpu.memref_slice %arg24[%add3A_478, %dma_wait3A_481] : memref<10240x128xf32, #tpu.memory_space<vmem_shared>> -> memref<64x128xf32, #tpu.memory_space<vmem_shared>>
    tpu.wait_dma2 semaphore(%arg20 : memref<!tpu.dma_semaphore, #tpu.memory_space<semaphore_mem>>) src(%arg19 : memref<64x128xf32, #tpu.memory_space<vmem>>) dst(%dma_wait3A_482 : memref<64x128xf32, #tpu.memory_space<vmem_shared>>)
    %mul3A_483 = arith.constant 640 : i32
    %mul3A_484 = arith.muli %arg1, %mul3A_483 : i32
    %add3A_485 = arith.constant 320 : i32
    %add3A_486 = arith.addi %mul3A_484, %add3A_485 : i32
    %dma_wait3A_487 = arith.constant 0 : i32
    %dma_wait3A_488 = tpu.memref_slice %arg24[%add3A_486, %dma_wait3A_487] : memref<10240x128xf32, #tpu.memory_space<vmem_shared>> -> memref<64x128xf32, #tpu.memory_space<vmem_shared>>
    %dma_wait3A_489 = arith.constant 0 : i32
    %dma_wait3A_490 = tpu.memref_slice %arg24[%add3A_486, %dma_wait3A_489] : memref<10240x128xf32, #tpu.memory_space<vmem_shared>> -> memref<64x128xf32, #tpu.memory_space<vmem_shared>>
    tpu.wait_dma2 semaphore(%arg20 : memref<!tpu.dma_semaphore, #tpu.memory_space<semaphore_mem>>) src(%arg19 : memref<64x128xf32, #tpu.memory_space<vmem>>) dst(%dma_wait3A_490 : memref<64x128xf32, #tpu.memory_space<vmem_shared>>)
    %mul3A_491 = arith.constant 640 : i32
    %mul3A_492 = arith.muli %arg1, %mul3A_491 : i32
    %add3A_493 = arith.constant 384 : i32
    %add3A_494 = arith.addi %mul3A_492, %add3A_493 : i32
    %dma_wait3A_495 = arith.constant 0 : i32
    %dma_wait3A_496 = tpu.memref_slice %arg24[%add3A_494, %dma_wait3A_495] : memref<10240x128xf32, #tpu.memory_space<vmem_shared>> -> memref<64x128xf32, #tpu.memory_space<vmem_shared>>
    %dma_wait3A_497 = arith.constant 0 : i32
    %dma_wait3A_498 = tpu.memref_slice %arg24[%add3A_494, %dma_wait3A_497] : memref<10240x128xf32, #tpu.memory_space<vmem_shared>> -> memref<64x128xf32, #tpu.memory_space<vmem_shared>>
    tpu.wait_dma2 semaphore(%arg20 : memref<!tpu.dma_semaphore, #tpu.memory_space<semaphore_mem>>) src(%arg19 : memref<64x128xf32, #tpu.memory_space<vmem>>) dst(%dma_wait3A_498 : memref<64x128xf32, #tpu.memory_space<vmem_shared>>)
    %mul3A_499 = arith.constant 640 : i32
    %mul3A_500 = arith.muli %arg1, %mul3A_499 : i32
    %add3A_501 = arith.constant 448 : i32
    %add3A_502 = arith.addi %mul3A_500, %add3A_501 : i32
    %dma_wait3A_503 = arith.constant 0 : i32
    %dma_wait3A_504 = tpu.memref_slice %arg24[%add3A_502, %dma_wait3A_503] : memref<10240x128xf32, #tpu.memory_space<vmem_shared>> -> memref<64x128xf32, #tpu.memory_space<vmem_shared>>
    %dma_wait3A_505 = arith.constant 0 : i32
    %dma_wait3A_506 = tpu.memref_slice %arg24[%add3A_502, %dma_wait3A_505] : memref<10240x128xf32, #tpu.memory_space<vmem_shared>> -> memref<64x128xf32, #tpu.memory_space<vmem_shared>>
    tpu.wait_dma2 semaphore(%arg20 : memref<!tpu.dma_semaphore, #tpu.memory_space<semaphore_mem>>) src(%arg19 : memref<64x128xf32, #tpu.memory_space<vmem>>) dst(%dma_wait3A_506 : memref<64x128xf32, #tpu.memory_space<vmem_shared>>)
    %mul3A_507 = arith.constant 640 : i32
    %mul3A_508 = arith.muli %arg1, %mul3A_507 : i32
    %add3A_509 = arith.constant 512 : i32
    %add3A_510 = arith.addi %mul3A_508, %add3A_509 : i32
    %dma_wait3A_511 = arith.constant 0 : i32
    %dma_wait3A_512 = tpu.memref_slice %arg24[%add3A_510, %dma_wait3A_511] : memref<10240x128xf32, #tpu.memory_space<vmem_shared>> -> memref<64x128xf32, #tpu.memory_space<vmem_shared>>
    %dma_wait3A_513 = arith.constant 0 : i32
    %dma_wait3A_514 = tpu.memref_slice %arg24[%add3A_510, %dma_wait3A_513] : memref<10240x128xf32, #tpu.memory_space<vmem_shared>> -> memref<64x128xf32, #tpu.memory_space<vmem_shared>>
    tpu.wait_dma2 semaphore(%arg20 : memref<!tpu.dma_semaphore, #tpu.memory_space<semaphore_mem>>) src(%arg19 : memref<64x128xf32, #tpu.memory_space<vmem>>) dst(%dma_wait3A_514 : memref<64x128xf32, #tpu.memory_space<vmem_shared>>)
    %mul3A_515 = arith.constant 640 : i32
    %mul3A_516 = arith.muli %arg1, %mul3A_515 : i32
    %add3A_517 = arith.constant 576 : i32
    %add3A_518 = arith.addi %mul3A_516, %add3A_517 : i32
    %dma_wait3A_519 = arith.constant 0 : i32
    %dma_wait3A_520 = tpu.memref_slice %arg24[%add3A_518, %dma_wait3A_519] : memref<10240x128xf32, #tpu.memory_space<vmem_shared>> -> memref<64x128xf32, #tpu.memory_space<vmem_shared>>
    %dma_wait3A_521 = arith.constant 0 : i32
    %dma_wait3A_522 = tpu.memref_slice %arg24[%add3A_518, %dma_wait3A_521] : memref<10240x128xf32, #tpu.memory_space<vmem_shared>> -> memref<64x128xf32, #tpu.memory_space<vmem_shared>>
    tpu.wait_dma2 semaphore(%arg20 : memref<!tpu.dma_semaphore, #tpu.memory_space<semaphore_mem>>) src(%arg19 : memref<64x128xf32, #tpu.memory_space<vmem>>) dst(%dma_wait3A_522 : memref<64x128xf32, #tpu.memory_space<vmem_shared>>)
    %barrier3A_523 = arith.constant 0 : index
    tpu.barrier barrier_id(%barrier3A_523)
    %scan3A_524 = arith.constant 0 : i32
    %scan3A_525 = arith.constant 0 : i32
    %scan3A_526 = arith.constant 5 : i32
    %scan3A_527 = arith.addi %scan3A_525, %scan3A_526 : i32
    %scan3A_528 = arith.constant 1 : i32
    scf.for %scan3A_717 = %scan3A_525 to %scan3A_527 step %scan3A_528  : i32 {
      "tpu.region"() ({
        %run_scoped3A_752 = tpu.sem_alloc : memref<!tpu.dma_semaphore, #tpu.memory_space<semaphore_mem>>
        %dma_start3A_753 = arith.constant 0 : i32
        %dma_start3A_754 = arith.constant 0 : i32
        %dma_start3A_755 = tpu.memref_slice %arg10[%add3A, %scan3A_717, %dma_start3A_753, %dma_start3A_754] : memref<32x5x32x64xi32, #tpu.memory_space<hbm>> -> memref<1x1x32x64xi32, #tpu.memory_space<hbm>>
        %dma_start3A_756 = tpu.memref_squeeze %dma_start3A_755 : memref<1x1x32x64xi32, #tpu.memory_space<hbm>> -> memref<32x64xi32, #tpu.memory_space<hbm>>
        %dma_start3A_757 = arith.constant 0 : i32
        %dma_start3A_758 = arith.constant 0 : i32
        %dma_start3A_759 = tpu.memref_slice %arg10[%add3A, %scan3A_717, %dma_start3A_757, %dma_start3A_758] : memref<32x5x32x64xi32, #tpu.memory_space<hbm>> -> memref<1x1x32x64xi32, #tpu.memory_space<hbm>>
        %dma_start3A_760 = tpu.memref_squeeze %dma_start3A_759 : memref<1x1x32x64xi32, #tpu.memory_space<hbm>> -> memref<32x64xi32, #tpu.memory_space<hbm>>
        tpu.enqueue_dma source(%dma_start3A_760 : memref<32x64xi32, #tpu.memory_space<hbm>>) target(%arg13 : memref<32x64xi32, #tpu.memory_space<vmem>>) target_semaphore(%run_scoped3A_752 : memref<!tpu.dma_semaphore, #tpu.memory_space<semaphore_mem>>)
        %dma_wait3A_761 = arith.constant 0 : i32
        %dma_wait3A_762 = arith.constant 0 : i32
        %dma_wait3A_763 = tpu.memref_slice %arg10[%add3A, %scan3A_717, %dma_wait3A_761, %dma_wait3A_762] : memref<32x5x32x64xi32, #tpu.memory_space<hbm>> -> memref<1x1x32x64xi32, #tpu.memory_space<hbm>>
        %dma_wait3A_764 = tpu.memref_squeeze %dma_wait3A_763 : memref<1x1x32x64xi32, #tpu.memory_space<hbm>> -> memref<32x64xi32, #tpu.memory_space<hbm>>
        %dma_wait3A_765 = arith.constant 0 : i32
        %dma_wait3A_766 = arith.constant 0 : i32
        %dma_wait3A_767 = tpu.memref_slice %arg10[%add3A, %scan3A_717, %dma_wait3A_765, %dma_wait3A_766] : memref<32x5x32x64xi32, #tpu.memory_space<hbm>> -> memref<1x1x32x64xi32, #tpu.memory_space<hbm>>
        %dma_wait3A_768 = tpu.memref_squeeze %dma_wait3A_767 : memref<1x1x32x64xi32, #tpu.memory_space<hbm>> -> memref<32x64xi32, #tpu.memory_space<hbm>>
        tpu.wait_dma2 semaphore(%run_scoped3A_752 : memref<!tpu.dma_semaphore, #tpu.memory_space<semaphore_mem>>) src(%dma_wait3A_768 : memref<32x64xi32, #tpu.memory_space<hbm>>) dst(%arg13 : memref<32x64xi32, #tpu.memory_space<vmem>>)
        tpu.yield
      }) : () -> ()
      "tpu.region"() ({
        %run_scoped3A_752 = tpu.sem_alloc : memref<!tpu.dma_semaphore, #tpu.memory_space<semaphore_mem>>
        %dma_start3A_753 = arith.constant 0 : i32
        %dma_start3A_754 = arith.constant 0 : i32
        %dma_start3A_755 = tpu.memref_slice %arg11[%add3A, %scan3A_717, %dma_start3A_753, %dma_start3A_754] : memref<32x5x32x64xi32, #tpu.memory_space<hbm>> -> memref<1x1x32x64xi32, #tpu.memory_space<hbm>>
        %dma_start3A_756 = tpu.memref_squeeze %dma_start3A_755 : memref<1x1x32x64xi32, #tpu.memory_space<hbm>> -> memref<32x64xi32, #tpu.memory_space<hbm>>
        %dma_start3A_757 = arith.constant 0 : i32
        %dma_start3A_758 = arith.constant 0 : i32
        %dma_start3A_759 = tpu.memref_slice %arg11[%add3A, %scan3A_717, %dma_start3A_757, %dma_start3A_758] : memref<32x5x32x64xi32, #tpu.memory_space<hbm>> -> memref<1x1x32x64xi32, #tpu.memory_space<hbm>>
        %dma_start3A_760 = tpu.memref_squeeze %dma_start3A_759 : memref<1x1x32x64xi32, #tpu.memory_space<hbm>> -> memref<32x64xi32, #tpu.memory_space<hbm>>
        tpu.enqueue_dma source(%dma_start3A_760 : memref<32x64xi32, #tpu.memory_space<hbm>>) target(%arg14 : memref<32x64xi32, #tpu.memory_space<vmem>>) target_semaphore(%run_scoped3A_752 : memref<!tpu.dma_semaphore, #tpu.memory_space<semaphore_mem>>)
        %dma_wait3A_761 = arith.constant 0 : i32
        %dma_wait3A_762 = arith.constant 0 : i32
        %dma_wait3A_763 = tpu.memref_slice %arg11[%add3A, %scan3A_717, %dma_wait3A_761, %dma_wait3A_762] : memref<32x5x32x64xi32, #tpu.memory_space<hbm>> -> memref<1x1x32x64xi32, #tpu.memory_space<hbm>>
        %dma_wait3A_764 = tpu.memref_squeeze %dma_wait3A_763 : memref<1x1x32x64xi32, #tpu.memory_space<hbm>> -> memref<32x64xi32, #tpu.memory_space<hbm>>
        %dma_wait3A_765 = arith.constant 0 : i32
        %dma_wait3A_766 = arith.constant 0 : i32
        %dma_wait3A_767 = tpu.memref_slice %arg11[%add3A, %scan3A_717, %dma_wait3A_765, %dma_wait3A_766] : memref<32x5x32x64xi32, #tpu.memory_space<hbm>> -> memref<1x1x32x64xi32, #tpu.memory_space<hbm>>
        %dma_wait3A_768 = tpu.memref_squeeze %dma_wait3A_767 : memref<1x1x32x64xi32, #tpu.memory_space<hbm>> -> memref<32x64xi32, #tpu.memory_space<hbm>>
        tpu.wait_dma2 semaphore(%run_scoped3A_752 : memref<!tpu.dma_semaphore, #tpu.memory_space<semaphore_mem>>) src(%dma_wait3A_768 : memref<32x64xi32, #tpu.memory_space<hbm>>) dst(%arg14 : memref<32x64xi32, #tpu.memory_space<vmem>>)
        tpu.yield
      }) : () -> ()
      %dma_start3A_718 = arith.constant 0 : i32
      %dma_start3A_719 = arith.constant 0 : i32
      %dma_start3A_720 = tpu.memref_slice %arg13[%dma_start3A_718, %dma_start3A_719] : memref<32x64xi32, #tpu.memory_space<vmem>> -> memref<1x64xi32, #tpu.memory_space<vmem>>
      %dma_start3A_721 = tpu.memref_squeeze %dma_start3A_720 : memref<1x64xi32, #tpu.memory_space<vmem>> -> memref<64xi32, #tpu.memory_space<vmem>>
      %dma_start3A_722 = arith.constant 0 : i32
      %dma_start3A_723 = arith.constant 0 : i32
      %dma_start3A_724 = tpu.memref_slice %arg4[%dma_start3A_722, %dma_start3A_723] : memref<10240x128xf32, #tpu.memory_space<hbm>> -> memref<10240x128xf32, #tpu.memory_space<hbm>>
      tpu.enqueue_indirect_dma source(%dma_start3A_724 : memref<10240x128xf32, #tpu.memory_space<hbm>>) target(%arg15 : memref<64x128xf32, #tpu.memory_space<vmem>>) offsets(%dma_start3A_721 : memref<64xi32, #tpu.memory_space<vmem>>) semaphore(%arg20 : memref<!tpu.dma_semaphore, #tpu.memory_space<semaphore_mem>>)
      %dma_start3A_725 = arith.constant 0 : i32
      %dma_start3A_726 = arith.constant 0 : i32
      %dma_start3A_727 = tpu.memref_slice %arg14[%dma_start3A_725, %dma_start3A_726] : memref<32x64xi32, #tpu.memory_space<vmem>> -> memref<1x64xi32, #tpu.memory_space<vmem>>
      %dma_start3A_728 = tpu.memref_squeeze %dma_start3A_727 : memref<1x64xi32, #tpu.memory_space<vmem>> -> memref<64xi32, #tpu.memory_space<vmem>>
      %dma_start3A_729 = arith.constant 0 : i32
      %dma_start3A_730 = arith.constant 0 : i32
      %dma_start3A_731 = tpu.memref_slice %arg8[%dma_start3A_729, %dma_start3A_730] : memref<10240x128xf32, #tpu.memory_space<hbm>> -> memref<10240x128xf32, #tpu.memory_space<hbm>>
      tpu.enqueue_indirect_dma source(%dma_start3A_731 : memref<10240x128xf32, #tpu.memory_space<hbm>>) target(%arg17 : memref<64x128xf32, #tpu.memory_space<vmem>>) offsets(%dma_start3A_728 : memref<64xi32, #tpu.memory_space<vmem>>) semaphore(%arg22 : memref<!tpu.dma_semaphore, #tpu.memory_space<semaphore_mem>>)
      %dma_start3A_732 = arith.constant 1 : i32
      %dma_start3A_733 = arith.constant 0 : i32
      %dma_start3A_734 = tpu.memref_slice %arg13[%dma_start3A_732, %dma_start3A_733] : memref<32x64xi32, #tpu.memory_space<vmem>> -> memref<1x64xi32, #tpu.memory_space<vmem>>
      %dma_start3A_735 = tpu.memref_squeeze %dma_start3A_734 : memref<1x64xi32, #tpu.memory_space<vmem>> -> memref<64xi32, #tpu.memory_space<vmem>>
      %dma_start3A_736 = arith.constant 0 : i32
      %dma_start3A_737 = arith.constant 0 : i32
      %dma_start3A_738 = tpu.memref_slice %arg4[%dma_start3A_736, %dma_start3A_737] : memref<10240x128xf32, #tpu.memory_space<hbm>> -> memref<10240x128xf32, #tpu.memory_space<hbm>>
      tpu.enqueue_indirect_dma source(%dma_start3A_738 : memref<10240x128xf32, #tpu.memory_space<hbm>>) target(%arg16 : memref<64x128xf32, #tpu.memory_space<vmem>>) offsets(%dma_start3A_735 : memref<64xi32, #tpu.memory_space<vmem>>) semaphore(%arg21 : memref<!tpu.dma_semaphore, #tpu.memory_space<semaphore_mem>>)
      %dma_start3A_739 = arith.constant 1 : i32
      %dma_start3A_740 = arith.constant 0 : i32
      %dma_start3A_741 = tpu.memref_slice %arg14[%dma_start3A_739, %dma_start3A_740] : memref<32x64xi32, #tpu.memory_space<vmem>> -> memref<1x64xi32, #tpu.memory_space<vmem>>
      %dma_start3A_742 = tpu.memref_squeeze %dma_start3A_741 : memref<1x64xi32, #tpu.memory_space<vmem>> -> memref<64xi32, #tpu.memory_space<vmem>>
      %dma_start3A_743 = arith.constant 0 : i32
      %dma_start3A_744 = arith.constant 0 : i32
      %dma_start3A_745 = tpu.memref_slice %arg8[%dma_start3A_743, %dma_start3A_744] : memref<10240x128xf32, #tpu.memory_space<hbm>> -> memref<10240x128xf32, #tpu.memory_space<hbm>>
      tpu.enqueue_indirect_dma source(%dma_start3A_745 : memref<10240x128xf32, #tpu.memory_space<hbm>>) target(%arg18 : memref<64x128xf32, #tpu.memory_space<vmem>>) offsets(%dma_start3A_742 : memref<64xi32, #tpu.memory_space<vmem>>) semaphore(%arg23 : memref<!tpu.dma_semaphore, #tpu.memory_space<semaphore_mem>>)
      %scan3A_746 = arith.constant 0 : i32
      %scan3A_747 = arith.constant 0 : i32
      %scan3A_748 = arith.constant 16 : i32
      %scan3A_749 = arith.addi %scan3A_747, %scan3A_748 : i32
      %scan3A_750 = arith.constant 1 : i32
      scf.for %scan3A_752 = %scan3A_747 to %scan3A_749 step %scan3A_750  : i32 {
        %mul3A_753 = arith.constant 2 : i32
        %mul3A_754 = arith.muli %mul3A_753, %scan3A_752 : i32
        %dma_wait3A_755 = arith.constant 0 : i32
        %dma_wait3A_756 = tpu.memref_slice %arg13[%mul3A_754, %dma_wait3A_755] : memref<32x64xi32, #tpu.memory_space<vmem>> -> memref<1x64xi32, #tpu.memory_space<vmem>>
        %dma_wait3A_757 = tpu.memref_squeeze %dma_wait3A_756 : memref<1x64xi32, #tpu.memory_space<vmem>> -> memref<64xi32, #tpu.memory_space<vmem>>
        %dma_wait3A_758 = arith.constant 0 : i32
        %dma_wait3A_759 = arith.constant 0 : i32
        %dma_wait3A_760 = tpu.memref_slice %arg4[%dma_wait3A_758, %dma_wait3A_759] : memref<10240x128xf32, #tpu.memory_space<hbm>> -> memref<10240x128xf32, #tpu.memory_space<hbm>>
        tpu.wait_indirect_dma semaphore(%arg20 : memref<!tpu.dma_semaphore, #tpu.memory_space<semaphore_mem>>) src(%dma_wait3A_760 : memref<10240x128xf32, #tpu.memory_space<hbm>>) dst(%arg15 : memref<64x128xf32, #tpu.memory_space<vmem>>)
        %dma_wait3A_761 = arith.constant 0 : i32
        %dma_wait3A_762 = tpu.memref_slice %arg14[%mul3A_754, %dma_wait3A_761] : memref<32x64xi32, #tpu.memory_space<vmem>> -> memref<1x64xi32, #tpu.memory_space<vmem>>
        %dma_wait3A_763 = tpu.memref_squeeze %dma_wait3A_762 : memref<1x64xi32, #tpu.memory_space<vmem>> -> memref<64xi32, #tpu.memory_space<vmem>>
        %dma_wait3A_764 = arith.constant 0 : i32
        %dma_wait3A_765 = arith.constant 0 : i32
        %dma_wait3A_766 = tpu.memref_slice %arg8[%dma_wait3A_764, %dma_wait3A_765] : memref<10240x128xf32, #tpu.memory_space<hbm>> -> memref<10240x128xf32, #tpu.memory_space<hbm>>
        tpu.wait_indirect_dma semaphore(%arg22 : memref<!tpu.dma_semaphore, #tpu.memory_space<semaphore_mem>>) src(%dma_wait3A_766 : memref<10240x128xf32, #tpu.memory_space<hbm>>) dst(%arg17 : memref<64x128xf32, #tpu.memory_space<vmem>>)
        %parallel_loop3A = arith.constant 0 : i32
        %parallel_loop3A_767 = arith.constant 64 : i32
        %parallel_loop3A_768 = arith.constant 1 : i32
        scf.for %parallel_loop3A_797 = %parallel_loop3A to %parallel_loop3A_767 step %parallel_loop3A_768  : i32 {
          %parallel_loop3A_798 = arith.index_cast %parallel_loop3A_797 : i32 to index
          %parallel_loop3A_799 = arith.constant 0 : index
          %parallel_loop3A_800 = tpu.vector_load %arg15[%parallel_loop3A_798, %parallel_loop3A_799] {strides = array<i32>} : memref<64x128xf32, #tpu.memory_space<vmem>>, vector<1x16xf32>,
          %parallel_loop3A_801 = vector.shape_cast %parallel_loop3A_800 : vector<1x16xf32> to vector<16xf32>
          %parallel_loop3A_802 = arith.index_cast %parallel_loop3A_797 : i32 to index
          %parallel_loop3A_803 = arith.constant 0 : index
          %parallel_loop3A_804 = tpu.vector_load %arg17[%parallel_loop3A_802, %parallel_loop3A_803] {strides = array<i32>} : memref<64x128xf32, #tpu.memory_space<vmem>>, vector<1x16xf32>,
          %parallel_loop3A_805 = vector.shape_cast %parallel_loop3A_804 : vector<1x16xf32> to vector<16xf32>
          %parallel_loop3A_806 = arith.addf %parallel_loop3A_801, %parallel_loop3A_805 : vector<16xf32>
          %parallel_loop3A_807 = arith.maximumf %parallel_loop3A_806, %broadcast_in_dim3A_1 : vector<16xf32>
          %parallel_loop3A_808 = arith.index_cast %parallel_loop3A_797 : i32 to index
          %parallel_loop3A_809 = arith.constant 0 : index
          %parallel_loop3A_810 = tpu.vector_load %arg19[%parallel_loop3A_808, %parallel_loop3A_809] {strides = array<i32>} : memref<64x128xf32, #tpu.memory_space<vmem>>, vector<1x16xf32>,
          %parallel_loop3A_811 = vector.shape_cast %parallel_loop3A_810 : vector<1x16xf32> to vector<16xf32>
          %parallel_loop3A_812 = vector.shape_cast %parallel_loop3A_807 : vector<16xf32> to vector<1x16xf32>
          tpu.vector_store %arg19[%parallel_loop3A_808, %parallel_loop3A_809], %parallel_loop3A_812 {strides = array<i32>} : memref<64x128xf32, #tpu.memory_space<vmem>>, vector<1x16xf32>,
          %parallel_loop3A_813 = arith.index_cast %parallel_loop3A_797 : i32 to index
          %parallel_loop3A_814 = arith.constant 16 : index
          %parallel_loop3A_815 = tpu.vector_load %arg15[%parallel_loop3A_813, %parallel_loop3A_814] {strides = array<i32>} : memref<64x128xf32, #tpu.memory_space<vmem>>, vector<1x16xf32>,
          %parallel_loop3A_816 = vector.shape_cast %parallel_loop3A_815 : vector<1x16xf32> to vector<16xf32>
          %parallel_loop3A_817 = arith.index_cast %parallel_loop3A_797 : i32 to index
          %parallel_loop3A_818 = arith.constant 16 : index
          %parallel_loop3A_819 = tpu.vector_load %arg17[%parallel_loop3A_817, %parallel_loop3A_818] {strides = array<i32>} : memref<64x128xf32, #tpu.memory_space<vmem>>, vector<1x16xf32>,
          %parallel_loop3A_820 = vector.shape_cast %parallel_loop3A_819 : vector<1x16xf32> to vector<16xf32>
          %parallel_loop3A_821 = arith.addf %parallel_loop3A_816, %parallel_loop3A_820 : vector<16xf32>
          %parallel_loop3A_822 = arith.maximumf %parallel_loop3A_821, %broadcast_in_dim3A_1 : vector<16xf32>
          %parallel_loop3A_823 = arith.index_cast %parallel_loop3A_797 : i32 to index
          %parallel_loop3A_824 = arith.constant 16 : index
          %parallel_loop3A_825 = tpu.vector_load %arg19[%parallel_loop3A_823, %parallel_loop3A_824] {strides = array<i32>} : memref<64x128xf32, #tpu.memory_space<vmem>>, vector<1x16xf32>,
          %parallel_loop3A_826 = vector.shape_cast %parallel_loop3A_825 : vector<1x16xf32> to vector<16xf32>
          %parallel_loop3A_827 = vector.shape_cast %parallel_loop3A_822 : vector<16xf32> to vector<1x16xf32>
          tpu.vector_store %arg19[%parallel_loop3A_823, %parallel_loop3A_824], %parallel_loop3A_827 {strides = array<i32>} : memref<64x128xf32, #tpu.memory_space<vmem>>, vector<1x16xf32>,
          %parallel_loop3A_828 = arith.index_cast %parallel_loop3A_797 : i32 to index
          %parallel_loop3A_829 = arith.constant 32 : index
          %parallel_loop3A_830 = tpu.vector_load %arg15[%parallel_loop3A_828, %parallel_loop3A_829] {strides = array<i32>} : memref<64x128xf32, #tpu.memory_space<vmem>>, vector<1x16xf32>,
          %parallel_loop3A_831 = vector.shape_cast %parallel_loop3A_830 : vector<1x16xf32> to vector<16xf32>
          %parallel_loop3A_832 = arith.index_cast %parallel_loop3A_797 : i32 to index
          %parallel_loop3A_833 = arith.constant 32 : index
          %parallel_loop3A_834 = tpu.vector_load %arg17[%parallel_loop3A_832, %parallel_loop3A_833] {strides = array<i32>} : memref<64x128xf32, #tpu.memory_space<vmem>>, vector<1x16xf32>,
          %parallel_loop3A_835 = vector.shape_cast %parallel_loop3A_834 : vector<1x16xf32> to vector<16xf32>
          %parallel_loop3A_836 = arith.addf %parallel_loop3A_831, %parallel_loop3A_835 : vector<16xf32>
          %parallel_loop3A_837 = arith.maximumf %parallel_loop3A_836, %broadcast_in_dim3A_1 : vector<16xf32>
          %parallel_loop3A_838 = arith.index_cast %parallel_loop3A_797 : i32 to index
          %parallel_loop3A_839 = arith.constant 32 : index
          %parallel_loop3A_840 = tpu.vector_load %arg19[%parallel_loop3A_838, %parallel_loop3A_839] {strides = array<i32>} : memref<64x128xf32, #tpu.memory_space<vmem>>, vector<1x16xf32>,
          %parallel_loop3A_841 = vector.shape_cast %parallel_loop3A_840 : vector<1x16xf32> to vector<16xf32>
          %parallel_loop3A_842 = vector.shape_cast %parallel_loop3A_837 : vector<16xf32> to vector<1x16xf32>
          tpu.vector_store %arg19[%parallel_loop3A_838, %parallel_loop3A_839], %parallel_loop3A_842 {strides = array<i32>} : memref<64x128xf32, #tpu.memory_space<vmem>>, vector<1x16xf32>,
          %parallel_loop3A_843 = arith.index_cast %parallel_loop3A_797 : i32 to index
          %parallel_loop3A_844 = arith.constant 48 : index
          %parallel_loop3A_845 = tpu.vector_load %arg15[%parallel_loop3A_843, %parallel_loop3A_844] {strides = array<i32>} : memref<64x128xf32, #tpu.memory_space<vmem>>, vector<1x16xf32>,
          %parallel_loop3A_846 = vector.shape_cast %parallel_loop3A_845 : vector<1x16xf32> to vector<16xf32>
          %parallel_loop3A_847 = arith.index_cast %parallel_loop3A_797 : i32 to index
          %parallel_loop3A_848 = arith.constant 48 : index
          %parallel_loop3A_849 = tpu.vector_load %arg17[%parallel_loop3A_847, %parallel_loop3A_848] {strides = array<i32>} : memref<64x128xf32, #tpu.memory_space<vmem>>, vector<1x16xf32>,
          %parallel_loop3A_850 = vector.shape_cast %parallel_loop3A_849 : vector<1x16xf32> to vector<16xf32>
          %parallel_loop3A_851 = arith.addf %parallel_loop3A_846, %parallel_loop3A_850 : vector<16xf32>
          %parallel_loop3A_852 = arith.maximumf %parallel_loop3A_851, %broadcast_in_dim3A_1 : vector<16xf32>
          %parallel_loop3A_853 = arith.index_cast %parallel_loop3A_797 : i32 to index
          %parallel_loop3A_854 = arith.constant 48 : index
          %parallel_loop3A_855 = tpu.vector_load %arg19[%parallel_loop3A_853, %parallel_loop3A_854] {strides = array<i32>} : memref<64x128xf32, #tpu.memory_space<vmem>>, vector<1x16xf32>,
          %parallel_loop3A_856 = vector.shape_cast %parallel_loop3A_855 : vector<1x16xf32> to vector<16xf32>
          %parallel_loop3A_857 = vector.shape_cast %parallel_loop3A_852 : vector<16xf32> to vector<1x16xf32>
          tpu.vector_store %arg19[%parallel_loop3A_853, %parallel_loop3A_854], %parallel_loop3A_857 {strides = array<i32>} : memref<64x128xf32, #tpu.memory_space<vmem>>, vector<1x16xf32>,
          %parallel_loop3A_858 = arith.index_cast %parallel_loop3A_797 : i32 to index
          %parallel_loop3A_859 = arith.constant 64 : index
          %parallel_loop3A_860 = tpu.vector_load %arg15[%parallel_loop3A_858, %parallel_loop3A_859] {strides = array<i32>} : memref<64x128xf32, #tpu.memory_space<vmem>>, vector<1x16xf32>,
          %parallel_loop3A_861 = vector.shape_cast %parallel_loop3A_860 : vector<1x16xf32> to vector<16xf32>
          %parallel_loop3A_862 = arith.index_cast %parallel_loop3A_797 : i32 to index
          %parallel_loop3A_863 = arith.constant 64 : index
          %parallel_loop3A_864 = tpu.vector_load %arg17[%parallel_loop3A_862, %parallel_loop3A_863] {strides = array<i32>} : memref<64x128xf32, #tpu.memory_space<vmem>>, vector<1x16xf32>,
          %parallel_loop3A_865 = vector.shape_cast %parallel_loop3A_864 : vector<1x16xf32> to vector<16xf32>
          %parallel_loop3A_866 = arith.addf %parallel_loop3A_861, %parallel_loop3A_865 : vector<16xf32>
          %parallel_loop3A_867 = arith.maximumf %parallel_loop3A_866, %broadcast_in_dim3A_1 : vector<16xf32>
          %parallel_loop3A_868 = arith.index_cast %parallel_loop3A_797 : i32 to index
          %parallel_loop3A_869 = arith.constant 64 : index
          %parallel_loop3A_870 = tpu.vector_load %arg19[%parallel_loop3A_868, %parallel_loop3A_869] {strides = array<i32>} : memref<64x128xf32, #tpu.memory_space<vmem>>, vector<1x16xf32>,
          %parallel_loop3A_871 = vector.shape_cast %parallel_loop3A_870 : vector<1x16xf32> to vector<16xf32>
          %parallel_loop3A_872 = vector.shape_cast %parallel_loop3A_867 : vector<16xf32> to vector<1x16xf32>
          tpu.vector_store %arg19[%parallel_loop3A_868, %parallel_loop3A_869], %parallel_loop3A_872 {strides = array<i32>} : memref<64x128xf32, #tpu.memory_space<vmem>>, vector<1x16xf32>,
          %parallel_loop3A_873 = arith.index_cast %parallel_loop3A_797 : i32 to index
          %parallel_loop3A_874 = arith.constant 80 : index
          %parallel_loop3A_875 = tpu.vector_load %arg15[%parallel_loop3A_873, %parallel_loop3A_874] {strides = array<i32>} : memref<64x128xf32, #tpu.memory_space<vmem>>, vector<1x16xf32>,
          %parallel_loop3A_876 = vector.shape_cast %parallel_loop3A_875 : vector<1x16xf32> to vector<16xf32>
          %parallel_loop3A_877 = arith.index_cast %parallel_loop3A_797 : i32 to index
          %parallel_loop3A_878 = arith.constant 80 : index
          %parallel_loop3A_879 = tpu.vector_load %arg17[%parallel_loop3A_877, %parallel_loop3A_878] {strides = array<i32>} : memref<64x128xf32, #tpu.memory_space<vmem>>, vector<1x16xf32>,
          %parallel_loop3A_880 = vector.shape_cast %parallel_loop3A_879 : vector<1x16xf32> to vector<16xf32>
          %parallel_loop3A_881 = arith.addf %parallel_loop3A_876, %parallel_loop3A_880 : vector<16xf32>
          %parallel_loop3A_882 = arith.maximumf %parallel_loop3A_881, %broadcast_in_dim3A_1 : vector<16xf32>
          %parallel_loop3A_883 = arith.index_cast %parallel_loop3A_797 : i32 to index
          %parallel_loop3A_884 = arith.constant 80 : index
          %parallel_loop3A_885 = tpu.vector_load %arg19[%parallel_loop3A_883, %parallel_loop3A_884] {strides = array<i32>} : memref<64x128xf32, #tpu.memory_space<vmem>>, vector<1x16xf32>,
          %parallel_loop3A_886 = vector.shape_cast %parallel_loop3A_885 : vector<1x16xf32> to vector<16xf32>
          %parallel_loop3A_887 = vector.shape_cast %parallel_loop3A_882 : vector<16xf32> to vector<1x16xf32>
          tpu.vector_store %arg19[%parallel_loop3A_883, %parallel_loop3A_884], %parallel_loop3A_887 {strides = array<i32>} : memref<64x128xf32, #tpu.memory_space<vmem>>, vector<1x16xf32>,
          %parallel_loop3A_888 = arith.index_cast %parallel_loop3A_797 : i32 to index
          %parallel_loop3A_889 = arith.constant 96 : index
          %parallel_loop3A_890 = tpu.vector_load %arg15[%parallel_loop3A_888, %parallel_loop3A_889] {strides = array<i32>} : memref<64x128xf32, #tpu.memory_space<vmem>>, vector<1x16xf32>,
          %parallel_loop3A_891 = vector.shape_cast %parallel_loop3A_890 : vector<1x16xf32> to vector<16xf32>
          %parallel_loop3A_892 = arith.index_cast %parallel_loop3A_797 : i32 to index
          %parallel_loop3A_893 = arith.constant 96 : index
          %parallel_loop3A_894 = tpu.vector_load %arg17[%parallel_loop3A_892, %parallel_loop3A_893] {strides = array<i32>} : memref<64x128xf32, #tpu.memory_space<vmem>>, vector<1x16xf32>,
          %parallel_loop3A_895 = vector.shape_cast %parallel_loop3A_894 : vector<1x16xf32> to vector<16xf32>
          %parallel_loop3A_896 = arith.addf %parallel_loop3A_891, %parallel_loop3A_895 : vector<16xf32>
          %parallel_loop3A_897 = arith.maximumf %parallel_loop3A_896, %broadcast_in_dim3A_1 : vector<16xf32>
          %parallel_loop3A_898 = arith.index_cast %parallel_loop3A_797 : i32 to index
          %parallel_loop3A_899 = arith.constant 96 : index
          %parallel_loop3A_900 = tpu.vector_load %arg19[%parallel_loop3A_898, %parallel_loop3A_899] {strides = array<i32>} : memref<64x128xf32, #tpu.memory_space<vmem>>, vector<1x16xf32>,
          %parallel_loop3A_901 = vector.shape_cast %parallel_loop3A_900 : vector<1x16xf32> to vector<16xf32>
          %parallel_loop3A_902 = vector.shape_cast %parallel_loop3A_897 : vector<16xf32> to vector<1x16xf32>
          tpu.vector_store %arg19[%parallel_loop3A_898, %parallel_loop3A_899], %parallel_loop3A_902 {strides = array<i32>} : memref<64x128xf32, #tpu.memory_space<vmem>>, vector<1x16xf32>,
          %parallel_loop3A_903 = arith.index_cast %parallel_loop3A_797 : i32 to index
          %parallel_loop3A_904 = arith.constant 112 : index
          %parallel_loop3A_905 = tpu.vector_load %arg15[%parallel_loop3A_903, %parallel_loop3A_904] {strides = array<i32>} : memref<64x128xf32, #tpu.memory_space<vmem>>, vector<1x16xf32>,
          %parallel_loop3A_906 = vector.shape_cast %parallel_loop3A_905 : vector<1x16xf32> to vector<16xf32>
          %parallel_loop3A_907 = arith.index_cast %parallel_loop3A_797 : i32 to index
          %parallel_loop3A_908 = arith.constant 112 : index
          %parallel_loop3A_909 = tpu.vector_load %arg17[%parallel_loop3A_907, %parallel_loop3A_908] {strides = array<i32>} : memref<64x128xf32, #tpu.memory_space<vmem>>, vector<1x16xf32>,
          %parallel_loop3A_910 = vector.shape_cast %parallel_loop3A_909 : vector<1x16xf32> to vector<16xf32>
          %parallel_loop3A_911 = arith.addf %parallel_loop3A_906, %parallel_loop3A_910 : vector<16xf32>
          %parallel_loop3A_912 = arith.maximumf %parallel_loop3A_911, %broadcast_in_dim3A_1 : vector<16xf32>
          %parallel_loop3A_913 = arith.index_cast %parallel_loop3A_797 : i32 to index
          %parallel_loop3A_914 = arith.constant 112 : index
          %parallel_loop3A_915 = tpu.vector_load %arg19[%parallel_loop3A_913, %parallel_loop3A_914] {strides = array<i32>} : memref<64x128xf32, #tpu.memory_space<vmem>>, vector<1x16xf32>,
          %parallel_loop3A_916 = vector.shape_cast %parallel_loop3A_915 : vector<1x16xf32> to vector<16xf32>
          %parallel_loop3A_917 = vector.shape_cast %parallel_loop3A_912 : vector<16xf32> to vector<1x16xf32>
          tpu.vector_store %arg19[%parallel_loop3A_913, %parallel_loop3A_914], %parallel_loop3A_917 {strides = array<i32>} : memref<64x128xf32, #tpu.memory_space<vmem>>, vector<1x16xf32>,
        } {sc.loop_unroll_factor = 2 : i64, sc.parallel_access}
        %lt3A = arith.constant 15 : i32
        %lt3A_769 = arith.cmpi slt, %scan3A_752, %lt3A : i32
        %convert_element_type3A = arith.extui %lt3A_769 : i1 to i32
        %cond3A = arith.constant 0 : i32
        %cond3A_770 = arith.cmpi ne, %convert_element_type3A, %cond3A : i32
        scf.if %cond3A_770 {
          %add3A_797 = arith.constant 2 : i32
          %add3A_798 = arith.addi %mul3A_754, %add3A_797 : i32
          %dma_start3A_799 = arith.constant 0 : i32
          %dma_start3A_800 = tpu.memref_slice %arg13[%add3A_798, %dma_start3A_799] : memref<32x64xi32, #tpu.memory_space<vmem>> -> memref<1x64xi32, #tpu.memory_space<vmem>>
          %dma_start3A_801 = tpu.memref_squeeze %dma_start3A_800 : memref<1x64xi32, #tpu.memory_space<vmem>> -> memref<64xi32, #tpu.memory_space<vmem>>
          %dma_start3A_802 = arith.constant 0 : i32
          %dma_start3A_803 = arith.constant 0 : i32
          %dma_start3A_804 = tpu.memref_slice %arg4[%dma_start3A_802, %dma_start3A_803] : memref<10240x128xf32, #tpu.memory_space<hbm>> -> memref<10240x128xf32, #tpu.memory_space<hbm>>
          tpu.enqueue_indirect_dma source(%dma_start3A_804 : memref<10240x128xf32, #tpu.memory_space<hbm>>) target(%arg15 : memref<64x128xf32, #tpu.memory_space<vmem>>) offsets(%dma_start3A_801 : memref<64xi32, #tpu.memory_space<vmem>>) semaphore(%arg20 : memref<!tpu.dma_semaphore, #tpu.memory_space<semaphore_mem>>)
          %add3A_805 = arith.constant 2 : i32
          %add3A_806 = arith.addi %mul3A_754, %add3A_805 : i32
          %dma_start3A_807 = arith.constant 0 : i32
          %dma_start3A_808 = tpu.memref_slice %arg14[%add3A_806, %dma_start3A_807] : memref<32x64xi32, #tpu.memory_space<vmem>> -> memref<1x64xi32, #tpu.memory_space<vmem>>
          %dma_start3A_809 = tpu.memref_squeeze %dma_start3A_808 : memref<1x64xi32, #tpu.memory_space<vmem>> -> memref<64xi32, #tpu.memory_space<vmem>>
          %dma_start3A_810 = arith.constant 0 : i32
          %dma_start3A_811 = arith.constant 0 : i32
          %dma_start3A_812 = tpu.memref_slice %arg8[%dma_start3A_810, %dma_start3A_811] : memref<10240x128xf32, #tpu.memory_space<hbm>> -> memref<10240x128xf32, #tpu.memory_space<hbm>>
          tpu.enqueue_indirect_dma source(%dma_start3A_812 : memref<10240x128xf32, #tpu.memory_space<hbm>>) target(%arg17 : memref<64x128xf32, #tpu.memory_space<vmem>>) offsets(%dma_start3A_809 : memref<64xi32, #tpu.memory_space<vmem>>) semaphore(%arg22 : memref<!tpu.dma_semaphore, #tpu.memory_space<semaphore_mem>>)
        } else {
        }
        "tpu.region"() ({
          %run_scoped3A_797 = tpu.sem_alloc : memref<!tpu.dma_semaphore, #tpu.memory_space<semaphore_mem>>
          %dma_start3A_798 = arith.constant 0 : i32
          %dma_start3A_799 = tpu.memref_slice %arg13[%mul3A_754, %dma_start3A_798] : memref<32x64xi32, #tpu.memory_space<vmem>> -> memref<1x64xi32, #tpu.memory_space<vmem>>
          %dma_start3A_800 = tpu.memref_squeeze %dma_start3A_799 : memref<1x64xi32, #tpu.memory_space<vmem>> -> memref<64xi32, #tpu.memory_space<vmem>>
          %dma_start3A_801 = arith.constant 0 : i32
          %dma_start3A_802 = arith.constant 0 : i32
          %dma_start3A_803 = tpu.memref_slice %arg24[%dma_start3A_801, %dma_start3A_802] : memref<10240x128xf32, #tpu.memory_space<vmem_shared>> -> memref<10240x128xf32, #tpu.memory_space<vmem_shared>>
          tpu.enqueue_indirect_dma source(%arg19 : memref<64x128xf32, #tpu.memory_space<vmem>>) target(%dma_start3A_803 : memref<10240x128xf32, #tpu.memory_space<vmem_shared>>) offsets(%dma_start3A_800 : memref<64xi32, #tpu.memory_space<vmem>>) semaphore(%run_scoped3A_797 : memref<!tpu.dma_semaphore, #tpu.memory_space<semaphore_mem>>) {add = true}
          %dma_wait3A_804 = arith.constant 0 : i32
          %dma_wait3A_805 = tpu.memref_slice %arg13[%mul3A_754, %dma_wait3A_804] : memref<32x64xi32, #tpu.memory_space<vmem>> -> memref<1x64xi32, #tpu.memory_space<vmem>>
          %dma_wait3A_806 = tpu.memref_squeeze %dma_wait3A_805 : memref<1x64xi32, #tpu.memory_space<vmem>> -> memref<64xi32, #tpu.memory_space<vmem>>
          %dma_wait3A_807 = arith.constant 0 : i32
          %dma_wait3A_808 = arith.constant 0 : i32
          %dma_wait3A_809 = tpu.memref_slice %arg24[%dma_wait3A_807, %dma_wait3A_808] : memref<10240x128xf32, #tpu.memory_space<vmem_shared>> -> memref<10240x128xf32, #tpu.memory_space<vmem_shared>>
          tpu.wait_indirect_dma semaphore(%run_scoped3A_797 : memref<!tpu.dma_semaphore, #tpu.memory_space<semaphore_mem>>) src(%arg19 : memref<64x128xf32, #tpu.memory_space<vmem>>) dst(%dma_wait3A_809 : memref<10240x128xf32, #tpu.memory_space<vmem_shared>>)
          tpu.yield
        }) : () -> ()
        %add3A_771 = arith.constant 1 : i32
        %add3A_772 = arith.addi %mul3A_754, %add3A_771 : i32
        %dma_wait3A_773 = arith.constant 0 : i32
        %dma_wait3A_774 = tpu.memref_slice %arg13[%add3A_772, %dma_wait3A_773] : memref<32x64xi32, #tpu.memory_space<vmem>> -> memref<1x64xi32, #tpu.memory_space<vmem>>
        %dma_wait3A_775 = tpu.memref_squeeze %dma_wait3A_774 : memref<1x64xi32, #tpu.memory_space<vmem>> -> memref<64xi32, #tpu.memory_space<vmem>>
        %dma_wait3A_776 = arith.constant 0 : i32
        %dma_wait3A_777 = arith.constant 0 : i32
        %dma_wait3A_778 = tpu.memref_slice %arg4[%dma_wait3A_776, %dma_wait3A_777] : memref<10240x128xf32, #tpu.memory_space<hbm>> -> memref<10240x128xf32, #tpu.memory_space<hbm>>
        tpu.wait_indirect_dma semaphore(%arg21 : memref<!tpu.dma_semaphore, #tpu.memory_space<semaphore_mem>>) src(%dma_wait3A_778 : memref<10240x128xf32, #tpu.memory_space<hbm>>) dst(%arg16 : memref<64x128xf32, #tpu.memory_space<vmem>>)
        %add3A_779 = arith.constant 1 : i32
        %add3A_780 = arith.addi %mul3A_754, %add3A_779 : i32
        %dma_wait3A_781 = arith.constant 0 : i32
        %dma_wait3A_782 = tpu.memref_slice %arg14[%add3A_780, %dma_wait3A_781] : memref<32x64xi32, #tpu.memory_space<vmem>> -> memref<1x64xi32, #tpu.memory_space<vmem>>
        %dma_wait3A_783 = tpu.memref_squeeze %dma_wait3A_782 : memref<1x64xi32, #tpu.memory_space<vmem>> -> memref<64xi32, #tpu.memory_space<vmem>>
        %dma_wait3A_784 = arith.constant 0 : i32
        %dma_wait3A_785 = arith.constant 0 : i32
        %dma_wait3A_786 = tpu.memref_slice %arg8[%dma_wait3A_784, %dma_wait3A_785] : memref<10240x128xf32, #tpu.memory_space<hbm>> -> memref<10240x128xf32, #tpu.memory_space<hbm>>
        tpu.wait_indirect_dma semaphore(%arg23 : memref<!tpu.dma_semaphore, #tpu.memory_space<semaphore_mem>>) src(%dma_wait3A_786 : memref<10240x128xf32, #tpu.memory_space<hbm>>) dst(%arg18 : memref<64x128xf32, #tpu.memory_space<vmem>>)
        %parallel_loop3A_787 = arith.constant 0 : i32
        %parallel_loop3A_788 = arith.constant 64 : i32
        %parallel_loop3A_789 = arith.constant 1 : i32
        scf.for %parallel_loop3A_797 = %parallel_loop3A_787 to %parallel_loop3A_788 step %parallel_loop3A_789  : i32 {
          %parallel_loop3A_798 = arith.index_cast %parallel_loop3A_797 : i32 to index
          %parallel_loop3A_799 = arith.constant 0 : index
          %parallel_loop3A_800 = tpu.vector_load %arg16[%parallel_loop3A_798, %parallel_loop3A_799] {strides = array<i32>} : memref<64x128xf32, #tpu.memory_space<vmem>>, vector<1x16xf32>,
          %parallel_loop3A_801 = vector.shape_cast %parallel_loop3A_800 : vector<1x16xf32> to vector<16xf32>
          %parallel_loop3A_802 = arith.index_cast %parallel_loop3A_797 : i32 to index
          %parallel_loop3A_803 = arith.constant 0 : index
          %parallel_loop3A_804 = tpu.vector_load %arg18[%parallel_loop3A_802, %parallel_loop3A_803] {strides = array<i32>} : memref<64x128xf32, #tpu.memory_space<vmem>>, vector<1x16xf32>,
          %parallel_loop3A_805 = vector.shape_cast %parallel_loop3A_804 : vector<1x16xf32> to vector<16xf32>
          %parallel_loop3A_806 = arith.addf %parallel_loop3A_801, %parallel_loop3A_805 : vector<16xf32>
          %parallel_loop3A_807 = arith.maximumf %parallel_loop3A_806, %broadcast_in_dim3A_1 : vector<16xf32>
          %parallel_loop3A_808 = arith.index_cast %parallel_loop3A_797 : i32 to index
          %parallel_loop3A_809 = arith.constant 0 : index
          %parallel_loop3A_810 = tpu.vector_load %arg19[%parallel_loop3A_808, %parallel_loop3A_809] {strides = array<i32>} : memref<64x128xf32, #tpu.memory_space<vmem>>, vector<1x16xf32>,
          %parallel_loop3A_811 = vector.shape_cast %parallel_loop3A_810 : vector<1x16xf32> to vector<16xf32>
          %parallel_loop3A_812 = vector.shape_cast %parallel_loop3A_807 : vector<16xf32> to vector<1x16xf32>
          tpu.vector_store %arg19[%parallel_loop3A_808, %parallel_loop3A_809], %parallel_loop3A_812 {strides = array<i32>} : memref<64x128xf32, #tpu.memory_space<vmem>>, vector<1x16xf32>,
          %parallel_loop3A_813 = arith.index_cast %parallel_loop3A_797 : i32 to index
          %parallel_loop3A_814 = arith.constant 16 : index
          %parallel_loop3A_815 = tpu.vector_load %arg16[%parallel_loop3A_813, %parallel_loop3A_814] {strides = array<i32>} : memref<64x128xf32, #tpu.memory_space<vmem>>, vector<1x16xf32>,
          %parallel_loop3A_816 = vector.shape_cast %parallel_loop3A_815 : vector<1x16xf32> to vector<16xf32>
          %parallel_loop3A_817 = arith.index_cast %parallel_loop3A_797 : i32 to index
          %parallel_loop3A_818 = arith.constant 16 : index
          %parallel_loop3A_819 = tpu.vector_load %arg18[%parallel_loop3A_817, %parallel_loop3A_818] {strides = array<i32>} : memref<64x128xf32, #tpu.memory_space<vmem>>, vector<1x16xf32>,
          %parallel_loop3A_820 = vector.shape_cast %parallel_loop3A_819 : vector<1x16xf32> to vector<16xf32>
          %parallel_loop3A_821 = arith.addf %parallel_loop3A_816, %parallel_loop3A_820 : vector<16xf32>
          %parallel_loop3A_822 = arith.maximumf %parallel_loop3A_821, %broadcast_in_dim3A_1 : vector<16xf32>
          %parallel_loop3A_823 = arith.index_cast %parallel_loop3A_797 : i32 to index
          %parallel_loop3A_824 = arith.constant 16 : index
          %parallel_loop3A_825 = tpu.vector_load %arg19[%parallel_loop3A_823, %parallel_loop3A_824] {strides = array<i32>} : memref<64x128xf32, #tpu.memory_space<vmem>>, vector<1x16xf32>,
          %parallel_loop3A_826 = vector.shape_cast %parallel_loop3A_825 : vector<1x16xf32> to vector<16xf32>
          %parallel_loop3A_827 = vector.shape_cast %parallel_loop3A_822 : vector<16xf32> to vector<1x16xf32>
          tpu.vector_store %arg19[%parallel_loop3A_823, %parallel_loop3A_824], %parallel_loop3A_827 {strides = array<i32>} : memref<64x128xf32, #tpu.memory_space<vmem>>, vector<1x16xf32>,
          %parallel_loop3A_828 = arith.index_cast %parallel_loop3A_797 : i32 to index
          %parallel_loop3A_829 = arith.constant 32 : index
          %parallel_loop3A_830 = tpu.vector_load %arg16[%parallel_loop3A_828, %parallel_loop3A_829] {strides = array<i32>} : memref<64x128xf32, #tpu.memory_space<vmem>>, vector<1x16xf32>,
          %parallel_loop3A_831 = vector.shape_cast %parallel_loop3A_830 : vector<1x16xf32> to vector<16xf32>
          %parallel_loop3A_832 = arith.index_cast %parallel_loop3A_797 : i32 to index
          %parallel_loop3A_833 = arith.constant 32 : index
          %parallel_loop3A_834 = tpu.vector_load %arg18[%parallel_loop3A_832, %parallel_loop3A_833] {strides = array<i32>} : memref<64x128xf32, #tpu.memory_space<vmem>>, vector<1x16xf32>,
          %parallel_loop3A_835 = vector.shape_cast %parallel_loop3A_834 : vector<1x16xf32> to vector<16xf32>
          %parallel_loop3A_836 = arith.addf %parallel_loop3A_831, %parallel_loop3A_835 : vector<16xf32>
          %parallel_loop3A_837 = arith.maximumf %parallel_loop3A_836, %broadcast_in_dim3A_1 : vector<16xf32>
          %parallel_loop3A_838 = arith.index_cast %parallel_loop3A_797 : i32 to index
          %parallel_loop3A_839 = arith.constant 32 : index
          %parallel_loop3A_840 = tpu.vector_load %arg19[%parallel_loop3A_838, %parallel_loop3A_839] {strides = array<i32>} : memref<64x128xf32, #tpu.memory_space<vmem>>, vector<1x16xf32>,
          %parallel_loop3A_841 = vector.shape_cast %parallel_loop3A_840 : vector<1x16xf32> to vector<16xf32>
          %parallel_loop3A_842 = vector.shape_cast %parallel_loop3A_837 : vector<16xf32> to vector<1x16xf32>
          tpu.vector_store %arg19[%parallel_loop3A_838, %parallel_loop3A_839], %parallel_loop3A_842 {strides = array<i32>} : memref<64x128xf32, #tpu.memory_space<vmem>>, vector<1x16xf32>,
          %parallel_loop3A_843 = arith.index_cast %parallel_loop3A_797 : i32 to index
          %parallel_loop3A_844 = arith.constant 48 : index
          %parallel_loop3A_845 = tpu.vector_load %arg16[%parallel_loop3A_843, %parallel_loop3A_844] {strides = array<i32>} : memref<64x128xf32, #tpu.memory_space<vmem>>, vector<1x16xf32>,
          %parallel_loop3A_846 = vector.shape_cast %parallel_loop3A_845 : vector<1x16xf32> to vector<16xf32>
          %parallel_loop3A_847 = arith.index_cast %parallel_loop3A_797 : i32 to index
          %parallel_loop3A_848 = arith.constant 48 : index
          %parallel_loop3A_849 = tpu.vector_load %arg18[%parallel_loop3A_847, %parallel_loop3A_848] {strides = array<i32>} : memref<64x128xf32, #tpu.memory_space<vmem>>, vector<1x16xf32>,
          %parallel_loop3A_850 = vector.shape_cast %parallel_loop3A_849 : vector<1x16xf32> to vector<16xf32>
          %parallel_loop3A_851 = arith.addf %parallel_loop3A_846, %parallel_loop3A_850 : vector<16xf32>
          %parallel_loop3A_852 = arith.maximumf %parallel_loop3A_851, %broadcast_in_dim3A_1 : vector<16xf32>
          %parallel_loop3A_853 = arith.index_cast %parallel_loop3A_797 : i32 to index
          %parallel_loop3A_854 = arith.constant 48 : index
          %parallel_loop3A_855 = tpu.vector_load %arg19[%parallel_loop3A_853, %parallel_loop3A_854] {strides = array<i32>} : memref<64x128xf32, #tpu.memory_space<vmem>>, vector<1x16xf32>,
          %parallel_loop3A_856 = vector.shape_cast %parallel_loop3A_855 : vector<1x16xf32> to vector<16xf32>
          %parallel_loop3A_857 = vector.shape_cast %parallel_loop3A_852 : vector<16xf32> to vector<1x16xf32>
          tpu.vector_store %arg19[%parallel_loop3A_853, %parallel_loop3A_854], %parallel_loop3A_857 {strides = array<i32>} : memref<64x128xf32, #tpu.memory_space<vmem>>, vector<1x16xf32>,
          %parallel_loop3A_858 = arith.index_cast %parallel_loop3A_797 : i32 to index
          %parallel_loop3A_859 = arith.constant 64 : index
          %parallel_loop3A_860 = tpu.vector_load %arg16[%parallel_loop3A_858, %parallel_loop3A_859] {strides = array<i32>} : memref<64x128xf32, #tpu.memory_space<vmem>>, vector<1x16xf32>,
          %parallel_loop3A_861 = vector.shape_cast %parallel_loop3A_860 : vector<1x16xf32> to vector<16xf32>
          %parallel_loop3A_862 = arith.index_cast %parallel_loop3A_797 : i32 to index
          %parallel_loop3A_863 = arith.constant 64 : index
          %parallel_loop3A_864 = tpu.vector_load %arg18[%parallel_loop3A_862, %parallel_loop3A_863] {strides = array<i32>} : memref<64x128xf32, #tpu.memory_space<vmem>>, vector<1x16xf32>,
          %parallel_loop3A_865 = vector.shape_cast %parallel_loop3A_864 : vector<1x16xf32> to vector<16xf32>
          %parallel_loop3A_866 = arith.addf %parallel_loop3A_861, %parallel_loop3A_865 : vector<16xf32>
          %parallel_loop3A_867 = arith.maximumf %parallel_loop3A_866, %broadcast_in_dim3A_1 : vector<16xf32>
          %parallel_loop3A_868 = arith.index_cast %parallel_loop3A_797 : i32 to index
          %parallel_loop3A_869 = arith.constant 64 : index
          %parallel_loop3A_870 = tpu.vector_load %arg19[%parallel_loop3A_868, %parallel_loop3A_869] {strides = array<i32>} : memref<64x128xf32, #tpu.memory_space<vmem>>, vector<1x16xf32>,
          %parallel_loop3A_871 = vector.shape_cast %parallel_loop3A_870 : vector<1x16xf32> to vector<16xf32>
          %parallel_loop3A_872 = vector.shape_cast %parallel_loop3A_867 : vector<16xf32> to vector<1x16xf32>
          tpu.vector_store %arg19[%parallel_loop3A_868, %parallel_loop3A_869], %parallel_loop3A_872 {strides = array<i32>} : memref<64x128xf32, #tpu.memory_space<vmem>>, vector<1x16xf32>,
          %parallel_loop3A_873 = arith.index_cast %parallel_loop3A_797 : i32 to index
          %parallel_loop3A_874 = arith.constant 80 : index
          %parallel_loop3A_875 = tpu.vector_load %arg16[%parallel_loop3A_873, %parallel_loop3A_874] {strides = array<i32>} : memref<64x128xf32, #tpu.memory_space<vmem>>, vector<1x16xf32>,
          %parallel_loop3A_876 = vector.shape_cast %parallel_loop3A_875 : vector<1x16xf32> to vector<16xf32>
          %parallel_loop3A_877 = arith.index_cast %parallel_loop3A_797 : i32 to index
          %parallel_loop3A_878 = arith.constant 80 : index
          %parallel_loop3A_879 = tpu.vector_load %arg18[%parallel_loop3A_877, %parallel_loop3A_878] {strides = array<i32>} : memref<64x128xf32, #tpu.memory_space<vmem>>, vector<1x16xf32>,
          %parallel_loop3A_880 = vector.shape_cast %parallel_loop3A_879 : vector<1x16xf32> to vector<16xf32>
          %parallel_loop3A_881 = arith.addf %parallel_loop3A_876, %parallel_loop3A_880 : vector<16xf32>
          %parallel_loop3A_882 = arith.maximumf %parallel_loop3A_881, %broadcast_in_dim3A_1 : vector<16xf32>
          %parallel_loop3A_883 = arith.index_cast %parallel_loop3A_797 : i32 to index
          %parallel_loop3A_884 = arith.constant 80 : index
          %parallel_loop3A_885 = tpu.vector_load %arg19[%parallel_loop3A_883, %parallel_loop3A_884] {strides = array<i32>} : memref<64x128xf32, #tpu.memory_space<vmem>>, vector<1x16xf32>,
          %parallel_loop3A_886 = vector.shape_cast %parallel_loop3A_885 : vector<1x16xf32> to vector<16xf32>
          %parallel_loop3A_887 = vector.shape_cast %parallel_loop3A_882 : vector<16xf32> to vector<1x16xf32>
          tpu.vector_store %arg19[%parallel_loop3A_883, %parallel_loop3A_884], %parallel_loop3A_887 {strides = array<i32>} : memref<64x128xf32, #tpu.memory_space<vmem>>, vector<1x16xf32>,
          %parallel_loop3A_888 = arith.index_cast %parallel_loop3A_797 : i32 to index
          %parallel_loop3A_889 = arith.constant 96 : index
          %parallel_loop3A_890 = tpu.vector_load %arg16[%parallel_loop3A_888, %parallel_loop3A_889] {strides = array<i32>} : memref<64x128xf32, #tpu.memory_space<vmem>>, vector<1x16xf32>,
          %parallel_loop3A_891 = vector.shape_cast %parallel_loop3A_890 : vector<1x16xf32> to vector<16xf32>
          %parallel_loop3A_892 = arith.index_cast %parallel_loop3A_797 : i32 to index
          %parallel_loop3A_893 = arith.constant 96 : index
          %parallel_loop3A_894 = tpu.vector_load %arg18[%parallel_loop3A_892, %parallel_loop3A_893] {strides = array<i32>} : memref<64x128xf32, #tpu.memory_space<vmem>>, vector<1x16xf32>,
          %parallel_loop3A_895 = vector.shape_cast %parallel_loop3A_894 : vector<1x16xf32> to vector<16xf32>
          %parallel_loop3A_896 = arith.addf %parallel_loop3A_891, %parallel_loop3A_895 : vector<16xf32>
          %parallel_loop3A_897 = arith.maximumf %parallel_loop3A_896, %broadcast_in_dim3A_1 : vector<16xf32>
          %parallel_loop3A_898 = arith.index_cast %parallel_loop3A_797 : i32 to index
          %parallel_loop3A_899 = arith.constant 96 : index
          %parallel_loop3A_900 = tpu.vector_load %arg19[%parallel_loop3A_898, %parallel_loop3A_899] {strides = array<i32>} : memref<64x128xf32, #tpu.memory_space<vmem>>, vector<1x16xf32>,
          %parallel_loop3A_901 = vector.shape_cast %parallel_loop3A_900 : vector<1x16xf32> to vector<16xf32>
          %parallel_loop3A_902 = vector.shape_cast %parallel_loop3A_897 : vector<16xf32> to vector<1x16xf32>
          tpu.vector_store %arg19[%parallel_loop3A_898, %parallel_loop3A_899], %parallel_loop3A_902 {strides = array<i32>} : memref<64x128xf32, #tpu.memory_space<vmem>>, vector<1x16xf32>,
          %parallel_loop3A_903 = arith.index_cast %parallel_loop3A_797 : i32 to index
          %parallel_loop3A_904 = arith.constant 112 : index
          %parallel_loop3A_905 = tpu.vector_load %arg16[%parallel_loop3A_903, %parallel_loop3A_904] {strides = array<i32>} : memref<64x128xf32, #tpu.memory_space<vmem>>, vector<1x16xf32>,
          %parallel_loop3A_906 = vector.shape_cast %parallel_loop3A_905 : vector<1x16xf32> to vector<16xf32>
          %parallel_loop3A_907 = arith.index_cast %parallel_loop3A_797 : i32 to index
          %parallel_loop3A_908 = arith.constant 112 : index
          %parallel_loop3A_909 = tpu.vector_load %arg18[%parallel_loop3A_907, %parallel_loop3A_908] {strides = array<i32>} : memref<64x128xf32, #tpu.memory_space<vmem>>, vector<1x16xf32>,
          %parallel_loop3A_910 = vector.shape_cast %parallel_loop3A_909 : vector<1x16xf32> to vector<16xf32>
          %parallel_loop3A_911 = arith.addf %parallel_loop3A_906, %parallel_loop3A_910 : vector<16xf32>
          %parallel_loop3A_912 = arith.maximumf %parallel_loop3A_911, %broadcast_in_dim3A_1 : vector<16xf32>
          %parallel_loop3A_913 = arith.index_cast %parallel_loop3A_797 : i32 to index
          %parallel_loop3A_914 = arith.constant 112 : index
          %parallel_loop3A_915 = tpu.vector_load %arg19[%parallel_loop3A_913, %parallel_loop3A_914] {strides = array<i32>} : memref<64x128xf32, #tpu.memory_space<vmem>>, vector<1x16xf32>,
          %parallel_loop3A_916 = vector.shape_cast %parallel_loop3A_915 : vector<1x16xf32> to vector<16xf32>
          %parallel_loop3A_917 = vector.shape_cast %parallel_loop3A_912 : vector<16xf32> to vector<1x16xf32>
          tpu.vector_store %arg19[%parallel_loop3A_913, %parallel_loop3A_914], %parallel_loop3A_917 {strides = array<i32>} : memref<64x128xf32, #tpu.memory_space<vmem>>, vector<1x16xf32>,
        } {sc.loop_unroll_factor = 2 : i64, sc.parallel_access}
        %lt3A_790 = arith.constant 15 : i32
        %lt3A_791 = arith.cmpi slt, %scan3A_752, %lt3A_790 : i32
        %convert_element_type3A_792 = arith.extui %lt3A_791 : i1 to i32
        %cond3A_793 = arith.constant 0 : i32
        %cond3A_794 = arith.cmpi ne, %convert_element_type3A_792, %cond3A_793 : i32
        scf.if %cond3A_794 {
          %add3A_797 = arith.constant 3 : i32
          %add3A_798 = arith.addi %mul3A_754, %add3A_797 : i32
          %dma_start3A_799 = arith.constant 0 : i32
          %dma_start3A_800 = tpu.memref_slice %arg13[%add3A_798, %dma_start3A_799] : memref<32x64xi32, #tpu.memory_space<vmem>> -> memref<1x64xi32, #tpu.memory_space<vmem>>
          %dma_start3A_801 = tpu.memref_squeeze %dma_start3A_800 : memref<1x64xi32, #tpu.memory_space<vmem>> -> memref<64xi32, #tpu.memory_space<vmem>>
          %dma_start3A_802 = arith.constant 0 : i32
          %dma_start3A_803 = arith.constant 0 : i32
          %dma_start3A_804 = tpu.memref_slice %arg4[%dma_start3A_802, %dma_start3A_803] : memref<10240x128xf32, #tpu.memory_space<hbm>> -> memref<10240x128xf32, #tpu.memory_space<hbm>>
          tpu.enqueue_indirect_dma source(%dma_start3A_804 : memref<10240x128xf32, #tpu.memory_space<hbm>>) target(%arg16 : memref<64x128xf32, #tpu.memory_space<vmem>>) offsets(%dma_start3A_801 : memref<64xi32, #tpu.memory_space<vmem>>) semaphore(%arg21 : memref<!tpu.dma_semaphore, #tpu.memory_space<semaphore_mem>>)
          %add3A_805 = arith.constant 3 : i32
          %add3A_806 = arith.addi %mul3A_754, %add3A_805 : i32
          %dma_start3A_807 = arith.constant 0 : i32
          %dma_start3A_808 = tpu.memref_slice %arg14[%add3A_806, %dma_start3A_807] : memref<32x64xi32, #tpu.memory_space<vmem>> -> memref<1x64xi32, #tpu.memory_space<vmem>>
          %dma_start3A_809 = tpu.memref_squeeze %dma_start3A_808 : memref<1x64xi32, #tpu.memory_space<vmem>> -> memref<64xi32, #tpu.memory_space<vmem>>
          %dma_start3A_810 = arith.constant 0 : i32
          %dma_start3A_811 = arith.constant 0 : i32
          %dma_start3A_812 = tpu.memref_slice %arg8[%dma_start3A_810, %dma_start3A_811] : memref<10240x128xf32, #tpu.memory_space<hbm>> -> memref<10240x128xf32, #tpu.memory_space<hbm>>
          tpu.enqueue_indirect_dma source(%dma_start3A_812 : memref<10240x128xf32, #tpu.memory_space<hbm>>) target(%arg18 : memref<64x128xf32, #tpu.memory_space<vmem>>) offsets(%dma_start3A_809 : memref<64xi32, #tpu.memory_space<vmem>>) semaphore(%arg23 : memref<!tpu.dma_semaphore, #tpu.memory_space<semaphore_mem>>)
        } else {
        }
        %add3A_795 = arith.constant 1 : i32
        %add3A_796 = arith.addi %mul3A_754, %add3A_795 : i32
        "tpu.region"() ({
          %run_scoped3A_797 = tpu.sem_alloc : memref<!tpu.dma_semaphore, #tpu.memory_space<semaphore_mem>>
          %dma_start3A_798 = arith.constant 0 : i32
          %dma_start3A_799 = tpu.memref_slice %arg13[%add3A_796, %dma_start3A_798] : memref<32x64xi32, #tpu.memory_space<vmem>> -> memref<1x64xi32, #tpu.memory_space<vmem>>
          %dma_start3A_800 = tpu.memref_squeeze %dma_start3A_799 : memref<1x64xi32, #tpu.memory_space<vmem>> -> memref<64xi32, #tpu.memory_space<vmem>>
          %dma_start3A_801 = arith.constant 0 : i32
          %dma_start3A_802 = arith.constant 0 : i32
          %dma_start3A_803 = tpu.memref_slice %arg24[%dma_start3A_801, %dma_start3A_802] : memref<10240x128xf32, #tpu.memory_space<vmem_shared>> -> memref<10240x128xf32, #tpu.memory_space<vmem_shared>>
          tpu.enqueue_indirect_dma source(%arg19 : memref<64x128xf32, #tpu.memory_space<vmem>>) target(%dma_start3A_803 : memref<10240x128xf32, #tpu.memory_space<vmem_shared>>) offsets(%dma_start3A_800 : memref<64xi32, #tpu.memory_space<vmem>>) semaphore(%run_scoped3A_797 : memref<!tpu.dma_semaphore, #tpu.memory_space<semaphore_mem>>) {add = true}
          %dma_wait3A_804 = arith.constant 0 : i32
          %dma_wait3A_805 = tpu.memref_slice %arg13[%add3A_796, %dma_wait3A_804] : memref<32x64xi32, #tpu.memory_space<vmem>> -> memref<1x64xi32, #tpu.memory_space<vmem>>
          %dma_wait3A_806 = tpu.memref_squeeze %dma_wait3A_805 : memref<1x64xi32, #tpu.memory_space<vmem>> -> memref<64xi32, #tpu.memory_space<vmem>>
          %dma_wait3A_807 = arith.constant 0 : i32
          %dma_wait3A_808 = arith.constant 0 : i32
          %dma_wait3A_809 = tpu.memref_slice %arg24[%dma_wait3A_807, %dma_wait3A_808] : memref<10240x128xf32, #tpu.memory_space<vmem_shared>> -> memref<10240x128xf32, #tpu.memory_space<vmem_shared>>
          tpu.wait_indirect_dma semaphore(%run_scoped3A_797 : memref<!tpu.dma_semaphore, #tpu.memory_space<semaphore_mem>>) src(%arg19 : memref<64x128xf32, #tpu.memory_space<vmem>>) dst(%dma_wait3A_809 : memref<10240x128xf32, #tpu.memory_space<vmem_shared>>)
          tpu.yield
        }) : () -> ()
      }
      %scan3A_751 = arith.constant 16 : i32
    }
    %scan3A_529 = arith.constant 5 : i32
    %barrier3A_530 = arith.constant 0 : index
    tpu.barrier barrier_id(%barrier3A_530)
    %mul3A_531 = arith.constant 640 : i32
    %mul3A_532 = arith.muli %arg1, %mul3A_531 : i32
    %mul3A_533 = arith.constant 640 : i32
    %mul3A_534 = arith.muli %arg1, %mul3A_533 : i32
    %run_scoped3A_535 = arith.constant 2 : i32
    "tpu.region"() ({
      %run_scoped3A_717 = tpu.sem_alloc : memref<!tpu.dma_semaphore, #tpu.memory_space<semaphore_mem>>
      %dma_start3A_718 = arith.constant 0 : i32
      %dma_start3A_719 = tpu.memref_slice %arg12[%arg0, %run_scoped3A_535, %mul3A_534, %dma_start3A_718] : memref<2x4x10240x128xf32, #tpu.memory_space<hbm>> -> memref<1x1x640x128xf32, #tpu.memory_space<hbm>>
      %dma_start3A_720 = tpu.memref_squeeze %dma_start3A_719 : memref<1x1x640x128xf32, #tpu.memory_space<hbm>> -> memref<640x128xf32, #tpu.memory_space<hbm>>
      %dma_start3A_721 = arith.constant 0 : i32
      %dma_start3A_722 = tpu.memref_slice %arg24[%mul3A_532, %dma_start3A_721] : memref<10240x128xf32, #tpu.memory_space<vmem_shared>> -> memref<640x128xf32, #tpu.memory_space<vmem_shared>>
      tpu.enqueue_dma source(%dma_start3A_722 : memref<640x128xf32, #tpu.memory_space<vmem_shared>>) target(%dma_start3A_720 : memref<640x128xf32, #tpu.memory_space<hbm>>) target_semaphore(%run_scoped3A_717 : memref<!tpu.dma_semaphore, #tpu.memory_space<semaphore_mem>>)
      %dma_wait3A_723 = arith.constant 0 : i32
      %dma_wait3A_724 = tpu.memref_slice %arg12[%arg0, %run_scoped3A_535, %mul3A_534, %dma_wait3A_723] : memref<2x4x10240x128xf32, #tpu.memory_space<hbm>> -> memref<1x1x640x128xf32, #tpu.memory_space<hbm>>
      %dma_wait3A_725 = tpu.memref_squeeze %dma_wait3A_724 : memref<1x1x640x128xf32, #tpu.memory_space<hbm>> -> memref<640x128xf32, #tpu.memory_space<hbm>>
      %dma_wait3A_726 = arith.constant 0 : i32
      %dma_wait3A_727 = tpu.memref_slice %arg24[%mul3A_532, %dma_wait3A_726] : memref<10240x128xf32, #tpu.memory_space<vmem_shared>> -> memref<640x128xf32, #tpu.memory_space<vmem_shared>>
      tpu.wait_dma2 semaphore(%run_scoped3A_717 : memref<!tpu.dma_semaphore, #tpu.memory_space<semaphore_mem>>) src(%dma_wait3A_727 : memref<640x128xf32, #tpu.memory_space<vmem_shared>>) dst(%dma_wait3A_725 : memref<640x128xf32, #tpu.memory_space<hbm>>)
      tpu.yield
    }) : () -> ()
    %barrier3A_536 = arith.constant 0 : index
    tpu.barrier barrier_id(%barrier3A_536)
    %scan3A_537 = arith.constant 0 : i32
    %scan3A_538 = arith.constant 0 : i32
    %scan3A_539 = arith.constant 64 : i32
    %scan3A_540 = arith.addi %scan3A_538, %scan3A_539 : i32
    %scan3A_541 = arith.constant 1 : i32
    scf.for %scan3A_717 = %scan3A_538 to %scan3A_540 step %scan3A_541  : i32 {
      %swap3A = arith.index_cast %scan3A_717 : i32 to index
      %swap3A_718 = arith.constant 0 : index
      %swap3A_719 = tpu.vector_load %arg19[%swap3A, %swap3A_718] {strides = array<i32>} : memref<64x128xf32, #tpu.memory_space<vmem>>, vector<1x16xf32>,
      %swap3A_720 = vector.shape_cast %swap3A_719 : vector<1x16xf32> to vector<16xf32>
      %swap3A_721 = vector.shape_cast %broadcast_in_dim3A_1 : vector<16xf32> to vector<1x16xf32>
      tpu.vector_store %arg19[%swap3A, %swap3A_718], %swap3A_721 {strides = array<i32>} : memref<64x128xf32, #tpu.memory_space<vmem>>, vector<1x16xf32>,
      %swap3A_722 = arith.index_cast %scan3A_717 : i32 to index
      %swap3A_723 = arith.constant 16 : index
      %swap3A_724 = tpu.vector_load %arg19[%swap3A_722, %swap3A_723] {strides = array<i32>} : memref<64x128xf32, #tpu.memory_space<vmem>>, vector<1x16xf32>,
      %swap3A_725 = vector.shape_cast %swap3A_724 : vector<1x16xf32> to vector<16xf32>
      %swap3A_726 = vector.shape_cast %broadcast_in_dim3A_1 : vector<16xf32> to vector<1x16xf32>
      tpu.vector_store %arg19[%swap3A_722, %swap3A_723], %swap3A_726 {strides = array<i32>} : memref<64x128xf32, #tpu.memory_space<vmem>>, vector<1x16xf32>,
      %swap3A_727 = arith.index_cast %scan3A_717 : i32 to index
      %swap3A_728 = arith.constant 32 : index
      %swap3A_729 = tpu.vector_load %arg19[%swap3A_727, %swap3A_728] {strides = array<i32>} : memref<64x128xf32, #tpu.memory_space<vmem>>, vector<1x16xf32>,
      %swap3A_730 = vector.shape_cast %swap3A_729 : vector<1x16xf32> to vector<16xf32>
      %swap3A_731 = vector.shape_cast %broadcast_in_dim3A_1 : vector<16xf32> to vector<1x16xf32>
      tpu.vector_store %arg19[%swap3A_727, %swap3A_728], %swap3A_731 {strides = array<i32>} : memref<64x128xf32, #tpu.memory_space<vmem>>, vector<1x16xf32>,
      %swap3A_732 = arith.index_cast %scan3A_717 : i32 to index
      %swap3A_733 = arith.constant 48 : index
      %swap3A_734 = tpu.vector_load %arg19[%swap3A_732, %swap3A_733] {strides = array<i32>} : memref<64x128xf32, #tpu.memory_space<vmem>>, vector<1x16xf32>,
      %swap3A_735 = vector.shape_cast %swap3A_734 : vector<1x16xf32> to vector<16xf32>
      %swap3A_736 = vector.shape_cast %broadcast_in_dim3A_1 : vector<16xf32> to vector<1x16xf32>
      tpu.vector_store %arg19[%swap3A_732, %swap3A_733], %swap3A_736 {strides = array<i32>} : memref<64x128xf32, #tpu.memory_space<vmem>>, vector<1x16xf32>,
      %swap3A_737 = arith.index_cast %scan3A_717 : i32 to index
      %swap3A_738 = arith.constant 64 : index
      %swap3A_739 = tpu.vector_load %arg19[%swap3A_737, %swap3A_738] {strides = array<i32>} : memref<64x128xf32, #tpu.memory_space<vmem>>, vector<1x16xf32>,
      %swap3A_740 = vector.shape_cast %swap3A_739 : vector<1x16xf32> to vector<16xf32>
      %swap3A_741 = vector.shape_cast %broadcast_in_dim3A_1 : vector<16xf32> to vector<1x16xf32>
      tpu.vector_store %arg19[%swap3A_737, %swap3A_738], %swap3A_741 {strides = array<i32>} : memref<64x128xf32, #tpu.memory_space<vmem>>, vector<1x16xf32>,
      %swap3A_742 = arith.index_cast %scan3A_717 : i32 to index
      %swap3A_743 = arith.constant 80 : index
      %swap3A_744 = tpu.vector_load %arg19[%swap3A_742, %swap3A_743] {strides = array<i32>} : memref<64x128xf32, #tpu.memory_space<vmem>>, vector<1x16xf32>,
      %swap3A_745 = vector.shape_cast %swap3A_744 : vector<1x16xf32> to vector<16xf32>
      %swap3A_746 = vector.shape_cast %broadcast_in_dim3A_1 : vector<16xf32> to vector<1x16xf32>
      tpu.vector_store %arg19[%swap3A_742, %swap3A_743], %swap3A_746 {strides = array<i32>} : memref<64x128xf32, #tpu.memory_space<vmem>>, vector<1x16xf32>,
      %swap3A_747 = arith.index_cast %scan3A_717 : i32 to index
      %swap3A_748 = arith.constant 96 : index
      %swap3A_749 = tpu.vector_load %arg19[%swap3A_747, %swap3A_748] {strides = array<i32>} : memref<64x128xf32, #tpu.memory_space<vmem>>, vector<1x16xf32>,
      %swap3A_750 = vector.shape_cast %swap3A_749 : vector<1x16xf32> to vector<16xf32>
      %swap3A_751 = vector.shape_cast %broadcast_in_dim3A_1 : vector<16xf32> to vector<1x16xf32>
      tpu.vector_store %arg19[%swap3A_747, %swap3A_748], %swap3A_751 {strides = array<i32>} : memref<64x128xf32, #tpu.memory_space<vmem>>, vector<1x16xf32>,
      %swap3A_752 = arith.index_cast %scan3A_717 : i32 to index
      %swap3A_753 = arith.constant 112 : index
      %swap3A_754 = tpu.vector_load %arg19[%swap3A_752, %swap3A_753] {strides = array<i32>} : memref<64x128xf32, #tpu.memory_space<vmem>>, vector<1x16xf32>,
      %swap3A_755 = vector.shape_cast %swap3A_754 : vector<1x16xf32> to vector<16xf32>
      %swap3A_756 = vector.shape_cast %broadcast_in_dim3A_1 : vector<16xf32> to vector<1x16xf32>
      tpu.vector_store %arg19[%swap3A_752, %swap3A_753], %swap3A_756 {strides = array<i32>} : memref<64x128xf32, #tpu.memory_space<vmem>>, vector<1x16xf32>,
    }
    %scan3A_542 = arith.constant 64 : i32
    %mul3A_543 = arith.constant 640 : i32
    %mul3A_544 = arith.muli %arg1, %mul3A_543 : i32
    %add3A_545 = arith.constant 0 : i32
    %add3A_546 = arith.addi %mul3A_544, %add3A_545 : i32
    %dma_start3A_547 = arith.constant 0 : i32
    %dma_start3A_548 = tpu.memref_slice %arg24[%add3A_546, %dma_start3A_547] : memref<10240x128xf32, #tpu.memory_space<vmem_shared>> -> memref<64x128xf32, #tpu.memory_space<vmem_shared>>
    %dma_start3A_549 = arith.constant 0 : i32
    %dma_start3A_550 = tpu.memref_slice %arg24[%add3A_546, %dma_start3A_549] : memref<10240x128xf32, #tpu.memory_space<vmem_shared>> -> memref<64x128xf32, #tpu.memory_space<vmem_shared>>
    tpu.enqueue_dma source(%arg19 : memref<64x128xf32, #tpu.memory_space<vmem>>) target(%dma_start3A_550 : memref<64x128xf32, #tpu.memory_space<vmem_shared>>) target_semaphore(%arg20 : memref<!tpu.dma_semaphore, #tpu.memory_space<semaphore_mem>>)
    %mul3A_551 = arith.constant 640 : i32
    %mul3A_552 = arith.muli %arg1, %mul3A_551 : i32
    %add3A_553 = arith.constant 64 : i32
    %add3A_554 = arith.addi %mul3A_552, %add3A_553 : i32
    %dma_start3A_555 = arith.constant 0 : i32
    %dma_start3A_556 = tpu.memref_slice %arg24[%add3A_554, %dma_start3A_555] : memref<10240x128xf32, #tpu.memory_space<vmem_shared>> -> memref<64x128xf32, #tpu.memory_space<vmem_shared>>
    %dma_start3A_557 = arith.constant 0 : i32
    %dma_start3A_558 = tpu.memref_slice %arg24[%add3A_554, %dma_start3A_557] : memref<10240x128xf32, #tpu.memory_space<vmem_shared>> -> memref<64x128xf32, #tpu.memory_space<vmem_shared>>
    tpu.enqueue_dma source(%arg19 : memref<64x128xf32, #tpu.memory_space<vmem>>) target(%dma_start3A_558 : memref<64x128xf32, #tpu.memory_space<vmem_shared>>) target_semaphore(%arg20 : memref<!tpu.dma_semaphore, #tpu.memory_space<semaphore_mem>>)
    %mul3A_559 = arith.constant 640 : i32
    %mul3A_560 = arith.muli %arg1, %mul3A_559 : i32
    %add3A_561 = arith.constant 128 : i32
    %add3A_562 = arith.addi %mul3A_560, %add3A_561 : i32
    %dma_start3A_563 = arith.constant 0 : i32
    %dma_start3A_564 = tpu.memref_slice %arg24[%add3A_562, %dma_start3A_563] : memref<10240x128xf32, #tpu.memory_space<vmem_shared>> -> memref<64x128xf32, #tpu.memory_space<vmem_shared>>
    %dma_start3A_565 = arith.constant 0 : i32
    %dma_start3A_566 = tpu.memref_slice %arg24[%add3A_562, %dma_start3A_565] : memref<10240x128xf32, #tpu.memory_space<vmem_shared>> -> memref<64x128xf32, #tpu.memory_space<vmem_shared>>
    tpu.enqueue_dma source(%arg19 : memref<64x128xf32, #tpu.memory_space<vmem>>) target(%dma_start3A_566 : memref<64x128xf32, #tpu.memory_space<vmem_shared>>) target_semaphore(%arg20 : memref<!tpu.dma_semaphore, #tpu.memory_space<semaphore_mem>>)
    %mul3A_567 = arith.constant 640 : i32
    %mul3A_568 = arith.muli %arg1, %mul3A_567 : i32
    %add3A_569 = arith.constant 192 : i32
    %add3A_570 = arith.addi %mul3A_568, %add3A_569 : i32
    %dma_start3A_571 = arith.constant 0 : i32
    %dma_start3A_572 = tpu.memref_slice %arg24[%add3A_570, %dma_start3A_571] : memref<10240x128xf32, #tpu.memory_space<vmem_shared>> -> memref<64x128xf32, #tpu.memory_space<vmem_shared>>
    %dma_start3A_573 = arith.constant 0 : i32
    %dma_start3A_574 = tpu.memref_slice %arg24[%add3A_570, %dma_start3A_573] : memref<10240x128xf32, #tpu.memory_space<vmem_shared>> -> memref<64x128xf32, #tpu.memory_space<vmem_shared>>
    tpu.enqueue_dma source(%arg19 : memref<64x128xf32, #tpu.memory_space<vmem>>) target(%dma_start3A_574 : memref<64x128xf32, #tpu.memory_space<vmem_shared>>) target_semaphore(%arg20 : memref<!tpu.dma_semaphore, #tpu.memory_space<semaphore_mem>>)
    %mul3A_575 = arith.constant 640 : i32
    %mul3A_576 = arith.muli %arg1, %mul3A_575 : i32
    %add3A_577 = arith.constant 256 : i32
    %add3A_578 = arith.addi %mul3A_576, %add3A_577 : i32
    %dma_start3A_579 = arith.constant 0 : i32
    %dma_start3A_580 = tpu.memref_slice %arg24[%add3A_578, %dma_start3A_579] : memref<10240x128xf32, #tpu.memory_space<vmem_shared>> -> memref<64x128xf32, #tpu.memory_space<vmem_shared>>
    %dma_start3A_581 = arith.constant 0 : i32
    %dma_start3A_582 = tpu.memref_slice %arg24[%add3A_578, %dma_start3A_581] : memref<10240x128xf32, #tpu.memory_space<vmem_shared>> -> memref<64x128xf32, #tpu.memory_space<vmem_shared>>
    tpu.enqueue_dma source(%arg19 : memref<64x128xf32, #tpu.memory_space<vmem>>) target(%dma_start3A_582 : memref<64x128xf32, #tpu.memory_space<vmem_shared>>) target_semaphore(%arg20 : memref<!tpu.dma_semaphore, #tpu.memory_space<semaphore_mem>>)
    %mul3A_583 = arith.constant 640 : i32
    %mul3A_584 = arith.muli %arg1, %mul3A_583 : i32
    %add3A_585 = arith.constant 320 : i32
    %add3A_586 = arith.addi %mul3A_584, %add3A_585 : i32
    %dma_start3A_587 = arith.constant 0 : i32
    %dma_start3A_588 = tpu.memref_slice %arg24[%add3A_586, %dma_start3A_587] : memref<10240x128xf32, #tpu.memory_space<vmem_shared>> -> memref<64x128xf32, #tpu.memory_space<vmem_shared>>
    %dma_start3A_589 = arith.constant 0 : i32
    %dma_start3A_590 = tpu.memref_slice %arg24[%add3A_586, %dma_start3A_589] : memref<10240x128xf32, #tpu.memory_space<vmem_shared>> -> memref<64x128xf32, #tpu.memory_space<vmem_shared>>
    tpu.enqueue_dma source(%arg19 : memref<64x128xf32, #tpu.memory_space<vmem>>) target(%dma_start3A_590 : memref<64x128xf32, #tpu.memory_space<vmem_shared>>) target_semaphore(%arg20 : memref<!tpu.dma_semaphore, #tpu.memory_space<semaphore_mem>>)
    %mul3A_591 = arith.constant 640 : i32
    %mul3A_592 = arith.muli %arg1, %mul3A_591 : i32
    %add3A_593 = arith.constant 384 : i32
    %add3A_594 = arith.addi %mul3A_592, %add3A_593 : i32
    %dma_start3A_595 = arith.constant 0 : i32
    %dma_start3A_596 = tpu.memref_slice %arg24[%add3A_594, %dma_start3A_595] : memref<10240x128xf32, #tpu.memory_space<vmem_shared>> -> memref<64x128xf32, #tpu.memory_space<vmem_shared>>
    %dma_start3A_597 = arith.constant 0 : i32
    %dma_start3A_598 = tpu.memref_slice %arg24[%add3A_594, %dma_start3A_597] : memref<10240x128xf32, #tpu.memory_space<vmem_shared>> -> memref<64x128xf32, #tpu.memory_space<vmem_shared>>
    tpu.enqueue_dma source(%arg19 : memref<64x128xf32, #tpu.memory_space<vmem>>) target(%dma_start3A_598 : memref<64x128xf32, #tpu.memory_space<vmem_shared>>) target_semaphore(%arg20 : memref<!tpu.dma_semaphore, #tpu.memory_space<semaphore_mem>>)
    %mul3A_599 = arith.constant 640 : i32
    %mul3A_600 = arith.muli %arg1, %mul3A_599 : i32
    %add3A_601 = arith.constant 448 : i32
    %add3A_602 = arith.addi %mul3A_600, %add3A_601 : i32
    %dma_start3A_603 = arith.constant 0 : i32
    %dma_start3A_604 = tpu.memref_slice %arg24[%add3A_602, %dma_start3A_603] : memref<10240x128xf32, #tpu.memory_space<vmem_shared>> -> memref<64x128xf32, #tpu.memory_space<vmem_shared>>
    %dma_start3A_605 = arith.constant 0 : i32
    %dma_start3A_606 = tpu.memref_slice %arg24[%add3A_602, %dma_start3A_605] : memref<10240x128xf32, #tpu.memory_space<vmem_shared>> -> memref<64x128xf32, #tpu.memory_space<vmem_shared>>
    tpu.enqueue_dma source(%arg19 : memref<64x128xf32, #tpu.memory_space<vmem>>) target(%dma_start3A_606 : memref<64x128xf32, #tpu.memory_space<vmem_shared>>) target_semaphore(%arg20 : memref<!tpu.dma_semaphore, #tpu.memory_space<semaphore_mem>>)
    %mul3A_607 = arith.constant 640 : i32
    %mul3A_608 = arith.muli %arg1, %mul3A_607 : i32
    %add3A_609 = arith.constant 512 : i32
    %add3A_610 = arith.addi %mul3A_608, %add3A_609 : i32
    %dma_start3A_611 = arith.constant 0 : i32
    %dma_start3A_612 = tpu.memref_slice %arg24[%add3A_610, %dma_start3A_611] : memref<10240x128xf32, #tpu.memory_space<vmem_shared>> -> memref<64x128xf32, #tpu.memory_space<vmem_shared>>
    %dma_start3A_613 = arith.constant 0 : i32
    %dma_start3A_614 = tpu.memref_slice %arg24[%add3A_610, %dma_start3A_613] : memref<10240x128xf32, #tpu.memory_space<vmem_shared>> -> memref<64x128xf32, #tpu.memory_space<vmem_shared>>
    tpu.enqueue_dma source(%arg19 : memref<64x128xf32, #tpu.memory_space<vmem>>) target(%dma_start3A_614 : memref<64x128xf32, #tpu.memory_space<vmem_shared>>) target_semaphore(%arg20 : memref<!tpu.dma_semaphore, #tpu.memory_space<semaphore_mem>>)
    %mul3A_615 = arith.constant 640 : i32
    %mul3A_616 = arith.muli %arg1, %mul3A_615 : i32
    %add3A_617 = arith.constant 576 : i32
    %add3A_618 = arith.addi %mul3A_616, %add3A_617 : i32
    %dma_start3A_619 = arith.constant 0 : i32
    %dma_start3A_620 = tpu.memref_slice %arg24[%add3A_618, %dma_start3A_619] : memref<10240x128xf32, #tpu.memory_space<vmem_shared>> -> memref<64x128xf32, #tpu.memory_space<vmem_shared>>
    %dma_start3A_621 = arith.constant 0 : i32
    %dma_start3A_622 = tpu.memref_slice %arg24[%add3A_618, %dma_start3A_621] : memref<10240x128xf32, #tpu.memory_space<vmem_shared>> -> memref<64x128xf32, #tpu.memory_space<vmem_shared>>
    tpu.enqueue_dma source(%arg19 : memref<64x128xf32, #tpu.memory_space<vmem>>) target(%dma_start3A_622 : memref<64x128xf32, #tpu.memory_space<vmem_shared>>) target_semaphore(%arg20 : memref<!tpu.dma_semaphore, #tpu.memory_space<semaphore_mem>>)
    %mul3A_623 = arith.constant 640 : i32
    %mul3A_624 = arith.muli %arg1, %mul3A_623 : i32
    %add3A_625 = arith.constant 0 : i32
    %add3A_626 = arith.addi %mul3A_624, %add3A_625 : i32
    %dma_wait3A_627 = arith.constant 0 : i32
    %dma_wait3A_628 = tpu.memref_slice %arg24[%add3A_626, %dma_wait3A_627] : memref<10240x128xf32, #tpu.memory_space<vmem_shared>> -> memref<64x128xf32, #tpu.memory_space<vmem_shared>>
    %dma_wait3A_629 = arith.constant 0 : i32
    %dma_wait3A_630 = tpu.memref_slice %arg24[%add3A_626, %dma_wait3A_629] : memref<10240x128xf32, #tpu.memory_space<vmem_shared>> -> memref<64x128xf32, #tpu.memory_space<vmem_shared>>
    tpu.wait_dma2 semaphore(%arg20 : memref<!tpu.dma_semaphore, #tpu.memory_space<semaphore_mem>>) src(%arg19 : memref<64x128xf32, #tpu.memory_space<vmem>>) dst(%dma_wait3A_630 : memref<64x128xf32, #tpu.memory_space<vmem_shared>>)
    %mul3A_631 = arith.constant 640 : i32
    %mul3A_632 = arith.muli %arg1, %mul3A_631 : i32
    %add3A_633 = arith.constant 64 : i32
    %add3A_634 = arith.addi %mul3A_632, %add3A_633 : i32
    %dma_wait3A_635 = arith.constant 0 : i32
    %dma_wait3A_636 = tpu.memref_slice %arg24[%add3A_634, %dma_wait3A_635] : memref<10240x128xf32, #tpu.memory_space<vmem_shared>> -> memref<64x128xf32, #tpu.memory_space<vmem_shared>>
    %dma_wait3A_637 = arith.constant 0 : i32
    %dma_wait3A_638 = tpu.memref_slice %arg24[%add3A_634, %dma_wait3A_637] : memref<10240x128xf32, #tpu.memory_space<vmem_shared>> -> memref<64x128xf32, #tpu.memory_space<vmem_shared>>
    tpu.wait_dma2 semaphore(%arg20 : memref<!tpu.dma_semaphore, #tpu.memory_space<semaphore_mem>>) src(%arg19 : memref<64x128xf32, #tpu.memory_space<vmem>>) dst(%dma_wait3A_638 : memref<64x128xf32, #tpu.memory_space<vmem_shared>>)
    %mul3A_639 = arith.constant 640 : i32
    %mul3A_640 = arith.muli %arg1, %mul3A_639 : i32
    %add3A_641 = arith.constant 128 : i32
    %add3A_642 = arith.addi %mul3A_640, %add3A_641 : i32
    %dma_wait3A_643 = arith.constant 0 : i32
    %dma_wait3A_644 = tpu.memref_slice %arg24[%add3A_642, %dma_wait3A_643] : memref<10240x128xf32, #tpu.memory_space<vmem_shared>> -> memref<64x128xf32, #tpu.memory_space<vmem_shared>>
    %dma_wait3A_645 = arith.constant 0 : i32
    %dma_wait3A_646 = tpu.memref_slice %arg24[%add3A_642, %dma_wait3A_645] : memref<10240x128xf32, #tpu.memory_space<vmem_shared>> -> memref<64x128xf32, #tpu.memory_space<vmem_shared>>
    tpu.wait_dma2 semaphore(%arg20 : memref<!tpu.dma_semaphore, #tpu.memory_space<semaphore_mem>>) src(%arg19 : memref<64x128xf32, #tpu.memory_space<vmem>>) dst(%dma_wait3A_646 : memref<64x128xf32, #tpu.memory_space<vmem_shared>>)
    %mul3A_647 = arith.constant 640 : i32
    %mul3A_648 = arith.muli %arg1, %mul3A_647 : i32
    %add3A_649 = arith.constant 192 : i32
    %add3A_650 = arith.addi %mul3A_648, %add3A_649 : i32
    %dma_wait3A_651 = arith.constant 0 : i32
    %dma_wait3A_652 = tpu.memref_slice %arg24[%add3A_650, %dma_wait3A_651] : memref<10240x128xf32, #tpu.memory_space<vmem_shared>> -> memref<64x128xf32, #tpu.memory_space<vmem_shared>>
    %dma_wait3A_653 = arith.constant 0 : i32
    %dma_wait3A_654 = tpu.memref_slice %arg24[%add3A_650, %dma_wait3A_653] : memref<10240x128xf32, #tpu.memory_space<vmem_shared>> -> memref<64x128xf32, #tpu.memory_space<vmem_shared>>
    tpu.wait_dma2 semaphore(%arg20 : memref<!tpu.dma_semaphore, #tpu.memory_space<semaphore_mem>>) src(%arg19 : memref<64x128xf32, #tpu.memory_space<vmem>>) dst(%dma_wait3A_654 : memref<64x128xf32, #tpu.memory_space<vmem_shared>>)
    %mul3A_655 = arith.constant 640 : i32
    %mul3A_656 = arith.muli %arg1, %mul3A_655 : i32
    %add3A_657 = arith.constant 256 : i32
    %add3A_658 = arith.addi %mul3A_656, %add3A_657 : i32
    %dma_wait3A_659 = arith.constant 0 : i32
    %dma_wait3A_660 = tpu.memref_slice %arg24[%add3A_658, %dma_wait3A_659] : memref<10240x128xf32, #tpu.memory_space<vmem_shared>> -> memref<64x128xf32, #tpu.memory_space<vmem_shared>>
    %dma_wait3A_661 = arith.constant 0 : i32
    %dma_wait3A_662 = tpu.memref_slice %arg24[%add3A_658, %dma_wait3A_661] : memref<10240x128xf32, #tpu.memory_space<vmem_shared>> -> memref<64x128xf32, #tpu.memory_space<vmem_shared>>
    tpu.wait_dma2 semaphore(%arg20 : memref<!tpu.dma_semaphore, #tpu.memory_space<semaphore_mem>>) src(%arg19 : memref<64x128xf32, #tpu.memory_space<vmem>>) dst(%dma_wait3A_662 : memref<64x128xf32, #tpu.memory_space<vmem_shared>>)
    %mul3A_663 = arith.constant 640 : i32
    %mul3A_664 = arith.muli %arg1, %mul3A_663 : i32
    %add3A_665 = arith.constant 320 : i32
    %add3A_666 = arith.addi %mul3A_664, %add3A_665 : i32
    %dma_wait3A_667 = arith.constant 0 : i32
    %dma_wait3A_668 = tpu.memref_slice %arg24[%add3A_666, %dma_wait3A_667] : memref<10240x128xf32, #tpu.memory_space<vmem_shared>> -> memref<64x128xf32, #tpu.memory_space<vmem_shared>>
    %dma_wait3A_669 = arith.constant 0 : i32
    %dma_wait3A_670 = tpu.memref_slice %arg24[%add3A_666, %dma_wait3A_669] : memref<10240x128xf32, #tpu.memory_space<vmem_shared>> -> memref<64x128xf32, #tpu.memory_space<vmem_shared>>
    tpu.wait_dma2 semaphore(%arg20 : memref<!tpu.dma_semaphore, #tpu.memory_space<semaphore_mem>>) src(%arg19 : memref<64x128xf32, #tpu.memory_space<vmem>>) dst(%dma_wait3A_670 : memref<64x128xf32, #tpu.memory_space<vmem_shared>>)
    %mul3A_671 = arith.constant 640 : i32
    %mul3A_672 = arith.muli %arg1, %mul3A_671 : i32
    %add3A_673 = arith.constant 384 : i32
    %add3A_674 = arith.addi %mul3A_672, %add3A_673 : i32
    %dma_wait3A_675 = arith.constant 0 : i32
    %dma_wait3A_676 = tpu.memref_slice %arg24[%add3A_674, %dma_wait3A_675] : memref<10240x128xf32, #tpu.memory_space<vmem_shared>> -> memref<64x128xf32, #tpu.memory_space<vmem_shared>>
    %dma_wait3A_677 = arith.constant 0 : i32
    %dma_wait3A_678 = tpu.memref_slice %arg24[%add3A_674, %dma_wait3A_677] : memref<10240x128xf32, #tpu.memory_space<vmem_shared>> -> memref<64x128xf32, #tpu.memory_space<vmem_shared>>
    tpu.wait_dma2 semaphore(%arg20 : memref<!tpu.dma_semaphore, #tpu.memory_space<semaphore_mem>>) src(%arg19 : memref<64x128xf32, #tpu.memory_space<vmem>>) dst(%dma_wait3A_678 : memref<64x128xf32, #tpu.memory_space<vmem_shared>>)
    %mul3A_679 = arith.constant 640 : i32
    %mul3A_680 = arith.muli %arg1, %mul3A_679 : i32
    %add3A_681 = arith.constant 448 : i32
    %add3A_682 = arith.addi %mul3A_680, %add3A_681 : i32
    %dma_wait3A_683 = arith.constant 0 : i32
    %dma_wait3A_684 = tpu.memref_slice %arg24[%add3A_682, %dma_wait3A_683] : memref<10240x128xf32, #tpu.memory_space<vmem_shared>> -> memref<64x128xf32, #tpu.memory_space<vmem_shared>>
    %dma_wait3A_685 = arith.constant 0 : i32
    %dma_wait3A_686 = tpu.memref_slice %arg24[%add3A_682, %dma_wait3A_685] : memref<10240x128xf32, #tpu.memory_space<vmem_shared>> -> memref<64x128xf32, #tpu.memory_space<vmem_shared>>
    tpu.wait_dma2 semaphore(%arg20 : memref<!tpu.dma_semaphore, #tpu.memory_space<semaphore_mem>>) src(%arg19 : memref<64x128xf32, #tpu.memory_space<vmem>>) dst(%dma_wait3A_686 : memref<64x128xf32, #tpu.memory_space<vmem_shared>>)
    %mul3A_687 = arith.constant 640 : i32
    %mul3A_688 = arith.muli %arg1, %mul3A_687 : i32
    %add3A_689 = arith.constant 512 : i32
    %add3A_690 = arith.addi %mul3A_688, %add3A_689 : i32
    %dma_wait3A_691 = arith.constant 0 : i32
    %dma_wait3A_692 = tpu.memref_slice %arg24[%add3A_690, %dma_wait3A_691] : memref<10240x128xf32, #tpu.memory_space<vmem_shared>> -> memref<64x128xf32, #tpu.memory_space<vmem_shared>>
    %dma_wait3A_693 = arith.constant 0 : i32
    %dma_wait3A_694 = tpu.memref_slice %arg24[%add3A_690, %dma_wait3A_693] : memref<10240x128xf32, #tpu.memory_space<vmem_shared>> -> memref<64x128xf32, #tpu.memory_space<vmem_shared>>
    tpu.wait_dma2 semaphore(%arg20 : memref<!tpu.dma_semaphore, #tpu.memory_space<semaphore_mem>>) src(%arg19 : memref<64x128xf32, #tpu.memory_space<vmem>>) dst(%dma_wait3A_694 : memref<64x128xf32, #tpu.memory_space<vmem_shared>>)
    %mul3A_695 = arith.constant 640 : i32
    %mul3A_696 = arith.muli %arg1, %mul3A_695 : i32
    %add3A_697 = arith.constant 576 : i32
    %add3A_698 = arith.addi %mul3A_696, %add3A_697 : i32
    %dma_wait3A_699 = arith.constant 0 : i32
    %dma_wait3A_700 = tpu.memref_slice %arg24[%add3A_698, %dma_wait3A_699] : memref<10240x128xf32, #tpu.memory_space<vmem_shared>> -> memref<64x128xf32, #tpu.memory_space<vmem_shared>>
    %dma_wait3A_701 = arith.constant 0 : i32
    %dma_wait3A_702 = tpu.memref_slice %arg24[%add3A_698, %dma_wait3A_701] : memref<10240x128xf32, #tpu.memory_space<vmem_shared>> -> memref<64x128xf32, #tpu.memory_space<vmem_shared>>
    tpu.wait_dma2 semaphore(%arg20 : memref<!tpu.dma_semaphore, #tpu.memory_space<semaphore_mem>>) src(%arg19 : memref<64x128xf32, #tpu.memory_space<vmem>>) dst(%dma_wait3A_702 : memref<64x128xf32, #tpu.memory_space<vmem_shared>>)
    %barrier3A_703 = arith.constant 0 : index
    tpu.barrier barrier_id(%barrier3A_703)
    %scan3A_704 = arith.constant 0 : i32
    %scan3A_705 = arith.constant 0 : i32
    %scan3A_706 = arith.constant 5 : i32
    %scan3A_707 = arith.addi %scan3A_705, %scan3A_706 : i32
    %scan3A_708 = arith.constant 1 : i32
    scf.for %scan3A_717 = %scan3A_705 to %scan3A_707 step %scan3A_708  : i32 {
      "tpu.region"() ({
        %run_scoped3A_752 = tpu.sem_alloc : memref<!tpu.dma_semaphore, #tpu.memory_space<semaphore_mem>>
        %dma_start3A_753 = arith.constant 0 : i32
        %dma_start3A_754 = arith.constant 0 : i32
        %dma_start3A_755 = tpu.memref_slice %arg10[%add3A, %scan3A_717, %dma_start3A_753, %dma_start3A_754] : memref<32x5x32x64xi32, #tpu.memory_space<hbm>> -> memref<1x1x32x64xi32, #tpu.memory_space<hbm>>
        %dma_start3A_756 = tpu.memref_squeeze %dma_start3A_755 : memref<1x1x32x64xi32, #tpu.memory_space<hbm>> -> memref<32x64xi32, #tpu.memory_space<hbm>>
        %dma_start3A_757 = arith.constant 0 : i32
        %dma_start3A_758 = arith.constant 0 : i32
        %dma_start3A_759 = tpu.memref_slice %arg10[%add3A, %scan3A_717, %dma_start3A_757, %dma_start3A_758] : memref<32x5x32x64xi32, #tpu.memory_space<hbm>> -> memref<1x1x32x64xi32, #tpu.memory_space<hbm>>
        %dma_start3A_760 = tpu.memref_squeeze %dma_start3A_759 : memref<1x1x32x64xi32, #tpu.memory_space<hbm>> -> memref<32x64xi32, #tpu.memory_space<hbm>>
        tpu.enqueue_dma source(%dma_start3A_760 : memref<32x64xi32, #tpu.memory_space<hbm>>) target(%arg13 : memref<32x64xi32, #tpu.memory_space<vmem>>) target_semaphore(%run_scoped3A_752 : memref<!tpu.dma_semaphore, #tpu.memory_space<semaphore_mem>>)
        %dma_wait3A_761 = arith.constant 0 : i32
        %dma_wait3A_762 = arith.constant 0 : i32
        %dma_wait3A_763 = tpu.memref_slice %arg10[%add3A, %scan3A_717, %dma_wait3A_761, %dma_wait3A_762] : memref<32x5x32x64xi32, #tpu.memory_space<hbm>> -> memref<1x1x32x64xi32, #tpu.memory_space<hbm>>
        %dma_wait3A_764 = tpu.memref_squeeze %dma_wait3A_763 : memref<1x1x32x64xi32, #tpu.memory_space<hbm>> -> memref<32x64xi32, #tpu.memory_space<hbm>>
        %dma_wait3A_765 = arith.constant 0 : i32
        %dma_wait3A_766 = arith.constant 0 : i32
        %dma_wait3A_767 = tpu.memref_slice %arg10[%add3A, %scan3A_717, %dma_wait3A_765, %dma_wait3A_766] : memref<32x5x32x64xi32, #tpu.memory_space<hbm>> -> memref<1x1x32x64xi32, #tpu.memory_space<hbm>>
        %dma_wait3A_768 = tpu.memref_squeeze %dma_wait3A_767 : memref<1x1x32x64xi32, #tpu.memory_space<hbm>> -> memref<32x64xi32, #tpu.memory_space<hbm>>
        tpu.wait_dma2 semaphore(%run_scoped3A_752 : memref<!tpu.dma_semaphore, #tpu.memory_space<semaphore_mem>>) src(%dma_wait3A_768 : memref<32x64xi32, #tpu.memory_space<hbm>>) dst(%arg13 : memref<32x64xi32, #tpu.memory_space<vmem>>)
        tpu.yield
      }) : () -> ()
      "tpu.region"() ({
        %run_scoped3A_752 = tpu.sem_alloc : memref<!tpu.dma_semaphore, #tpu.memory_space<semaphore_mem>>
        %dma_start3A_753 = arith.constant 0 : i32
        %dma_start3A_754 = arith.constant 0 : i32
        %dma_start3A_755 = tpu.memref_slice %arg11[%add3A, %scan3A_717, %dma_start3A_753, %dma_start3A_754] : memref<32x5x32x64xi32, #tpu.memory_space<hbm>> -> memref<1x1x32x64xi32, #tpu.memory_space<hbm>>
        %dma_start3A_756 = tpu.memref_squeeze %dma_start3A_755 : memref<1x1x32x64xi32, #tpu.memory_space<hbm>> -> memref<32x64xi32, #tpu.memory_space<hbm>>
        %dma_start3A_757 = arith.constant 0 : i32
        %dma_start3A_758 = arith.constant 0 : i32
        %dma_start3A_759 = tpu.memref_slice %arg11[%add3A, %scan3A_717, %dma_start3A_757, %dma_start3A_758] : memref<32x5x32x64xi32, #tpu.memory_space<hbm>> -> memref<1x1x32x64xi32, #tpu.memory_space<hbm>>
        %dma_start3A_760 = tpu.memref_squeeze %dma_start3A_759 : memref<1x1x32x64xi32, #tpu.memory_space<hbm>> -> memref<32x64xi32, #tpu.memory_space<hbm>>
        tpu.enqueue_dma source(%dma_start3A_760 : memref<32x64xi32, #tpu.memory_space<hbm>>) target(%arg14 : memref<32x64xi32, #tpu.memory_space<vmem>>) target_semaphore(%run_scoped3A_752 : memref<!tpu.dma_semaphore, #tpu.memory_space<semaphore_mem>>)
        %dma_wait3A_761 = arith.constant 0 : i32
        %dma_wait3A_762 = arith.constant 0 : i32
        %dma_wait3A_763 = tpu.memref_slice %arg11[%add3A, %scan3A_717, %dma_wait3A_761, %dma_wait3A_762] : memref<32x5x32x64xi32, #tpu.memory_space<hbm>> -> memref<1x1x32x64xi32, #tpu.memory_space<hbm>>
        %dma_wait3A_764 = tpu.memref_squeeze %dma_wait3A_763 : memref<1x1x32x64xi32, #tpu.memory_space<hbm>> -> memref<32x64xi32, #tpu.memory_space<hbm>>
        %dma_wait3A_765 = arith.constant 0 : i32
        %dma_wait3A_766 = arith.constant 0 : i32
        %dma_wait3A_767 = tpu.memref_slice %arg11[%add3A, %scan3A_717, %dma_wait3A_765, %dma_wait3A_766] : memref<32x5x32x64xi32, #tpu.memory_space<hbm>> -> memref<1x1x32x64xi32, #tpu.memory_space<hbm>>
        %dma_wait3A_768 = tpu.memref_squeeze %dma_wait3A_767 : memref<1x1x32x64xi32, #tpu.memory_space<hbm>> -> memref<32x64xi32, #tpu.memory_space<hbm>>
        tpu.wait_dma2 semaphore(%run_scoped3A_752 : memref<!tpu.dma_semaphore, #tpu.memory_space<semaphore_mem>>) src(%dma_wait3A_768 : memref<32x64xi32, #tpu.memory_space<hbm>>) dst(%arg14 : memref<32x64xi32, #tpu.memory_space<vmem>>)
        tpu.yield
      }) : () -> ()
      %dma_start3A_718 = arith.constant 0 : i32
      %dma_start3A_719 = arith.constant 0 : i32
      %dma_start3A_720 = tpu.memref_slice %arg13[%dma_start3A_718, %dma_start3A_719] : memref<32x64xi32, #tpu.memory_space<vmem>> -> memref<1x64xi32, #tpu.memory_space<vmem>>
      %dma_start3A_721 = tpu.memref_squeeze %dma_start3A_720 : memref<1x64xi32, #tpu.memory_space<vmem>> -> memref<64xi32, #tpu.memory_space<vmem>>
      %dma_start3A_722 = arith.constant 0 : i32
      %dma_start3A_723 = arith.constant 0 : i32
      %dma_start3A_724 = tpu.memref_slice %arg5[%dma_start3A_722, %dma_start3A_723] : memref<10240x128xf32, #tpu.memory_space<hbm>> -> memref<10240x128xf32, #tpu.memory_space<hbm>>
      tpu.enqueue_indirect_dma source(%dma_start3A_724 : memref<10240x128xf32, #tpu.memory_space<hbm>>) target(%arg15 : memref<64x128xf32, #tpu.memory_space<vmem>>) offsets(%dma_start3A_721 : memref<64xi32, #tpu.memory_space<vmem>>) semaphore(%arg20 : memref<!tpu.dma_semaphore, #tpu.memory_space<semaphore_mem>>)
      %dma_start3A_725 = arith.constant 0 : i32
      %dma_start3A_726 = arith.constant 0 : i32
      %dma_start3A_727 = tpu.memref_slice %arg14[%dma_start3A_725, %dma_start3A_726] : memref<32x64xi32, #tpu.memory_space<vmem>> -> memref<1x64xi32, #tpu.memory_space<vmem>>
      %dma_start3A_728 = tpu.memref_squeeze %dma_start3A_727 : memref<1x64xi32, #tpu.memory_space<vmem>> -> memref<64xi32, #tpu.memory_space<vmem>>
      %dma_start3A_729 = arith.constant 0 : i32
      %dma_start3A_730 = arith.constant 0 : i32
      %dma_start3A_731 = tpu.memref_slice %arg9[%dma_start3A_729, %dma_start3A_730] : memref<10240x128xf32, #tpu.memory_space<hbm>> -> memref<10240x128xf32, #tpu.memory_space<hbm>>
      tpu.enqueue_indirect_dma source(%dma_start3A_731 : memref<10240x128xf32, #tpu.memory_space<hbm>>) target(%arg17 : memref<64x128xf32, #tpu.memory_space<vmem>>) offsets(%dma_start3A_728 : memref<64xi32, #tpu.memory_space<vmem>>) semaphore(%arg22 : memref<!tpu.dma_semaphore, #tpu.memory_space<semaphore_mem>>)
      %dma_start3A_732 = arith.constant 1 : i32
      %dma_start3A_733 = arith.constant 0 : i32
      %dma_start3A_734 = tpu.memref_slice %arg13[%dma_start3A_732, %dma_start3A_733] : memref<32x64xi32, #tpu.memory_space<vmem>> -> memref<1x64xi32, #tpu.memory_space<vmem>>
      %dma_start3A_735 = tpu.memref_squeeze %dma_start3A_734 : memref<1x64xi32, #tpu.memory_space<vmem>> -> memref<64xi32, #tpu.memory_space<vmem>>
      %dma_start3A_736 = arith.constant 0 : i32
      %dma_start3A_737 = arith.constant 0 : i32
      %dma_start3A_738 = tpu.memref_slice %arg5[%dma_start3A_736, %dma_start3A_737] : memref<10240x128xf32, #tpu.memory_space<hbm>> -> memref<10240x128xf32, #tpu.memory_space<hbm>>
      tpu.enqueue_indirect_dma source(%dma_start3A_738 : memref<10240x128xf32, #tpu.memory_space<hbm>>) target(%arg16 : memref<64x128xf32, #tpu.memory_space<vmem>>) offsets(%dma_start3A_735 : memref<64xi32, #tpu.memory_space<vmem>>) semaphore(%arg21 : memref<!tpu.dma_semaphore, #tpu.memory_space<semaphore_mem>>)
      %dma_start3A_739 = arith.constant 1 : i32
      %dma_start3A_740 = arith.constant 0 : i32
      %dma_start3A_741 = tpu.memref_slice %arg14[%dma_start3A_739, %dma_start3A_740] : memref<32x64xi32, #tpu.memory_space<vmem>> -> memref<1x64xi32, #tpu.memory_space<vmem>>
      %dma_start3A_742 = tpu.memref_squeeze %dma_start3A_741 : memref<1x64xi32, #tpu.memory_space<vmem>> -> memref<64xi32, #tpu.memory_space<vmem>>
      %dma_start3A_743 = arith.constant 0 : i32
      %dma_start3A_744 = arith.constant 0 : i32
      %dma_start3A_745 = tpu.memref_slice %arg9[%dma_start3A_743, %dma_start3A_744] : memref<10240x128xf32, #tpu.memory_space<hbm>> -> memref<10240x128xf32, #tpu.memory_space<hbm>>
      tpu.enqueue_indirect_dma source(%dma_start3A_745 : memref<10240x128xf32, #tpu.memory_space<hbm>>) target(%arg18 : memref<64x128xf32, #tpu.memory_space<vmem>>) offsets(%dma_start3A_742 : memref<64xi32, #tpu.memory_space<vmem>>) semaphore(%arg23 : memref<!tpu.dma_semaphore, #tpu.memory_space<semaphore_mem>>)
      %scan3A_746 = arith.constant 0 : i32
      %scan3A_747 = arith.constant 0 : i32
      %scan3A_748 = arith.constant 16 : i32
      %scan3A_749 = arith.addi %scan3A_747, %scan3A_748 : i32
      %scan3A_750 = arith.constant 1 : i32
      scf.for %scan3A_752 = %scan3A_747 to %scan3A_749 step %scan3A_750  : i32 {
        %mul3A_753 = arith.constant 2 : i32
        %mul3A_754 = arith.muli %mul3A_753, %scan3A_752 : i32
        %dma_wait3A_755 = arith.constant 0 : i32
        %dma_wait3A_756 = tpu.memref_slice %arg13[%mul3A_754, %dma_wait3A_755] : memref<32x64xi32, #tpu.memory_space<vmem>> -> memref<1x64xi32, #tpu.memory_space<vmem>>
        %dma_wait3A_757 = tpu.memref_squeeze %dma_wait3A_756 : memref<1x64xi32, #tpu.memory_space<vmem>> -> memref<64xi32, #tpu.memory_space<vmem>>
        %dma_wait3A_758 = arith.constant 0 : i32
        %dma_wait3A_759 = arith.constant 0 : i32
        %dma_wait3A_760 = tpu.memref_slice %arg5[%dma_wait3A_758, %dma_wait3A_759] : memref<10240x128xf32, #tpu.memory_space<hbm>> -> memref<10240x128xf32, #tpu.memory_space<hbm>>
        tpu.wait_indirect_dma semaphore(%arg20 : memref<!tpu.dma_semaphore, #tpu.memory_space<semaphore_mem>>) src(%dma_wait3A_760 : memref<10240x128xf32, #tpu.memory_space<hbm>>) dst(%arg15 : memref<64x128xf32, #tpu.memory_space<vmem>>)
        %dma_wait3A_761 = arith.constant 0 : i32
        %dma_wait3A_762 = tpu.memref_slice %arg14[%mul3A_754, %dma_wait3A_761] : memref<32x64xi32, #tpu.memory_space<vmem>> -> memref<1x64xi32, #tpu.memory_space<vmem>>
        %dma_wait3A_763 = tpu.memref_squeeze %dma_wait3A_762 : memref<1x64xi32, #tpu.memory_space<vmem>> -> memref<64xi32, #tpu.memory_space<vmem>>
        %dma_wait3A_764 = arith.constant 0 : i32
        %dma_wait3A_765 = arith.constant 0 : i32
        %dma_wait3A_766 = tpu.memref_slice %arg9[%dma_wait3A_764, %dma_wait3A_765] : memref<10240x128xf32, #tpu.memory_space<hbm>> -> memref<10240x128xf32, #tpu.memory_space<hbm>>
        tpu.wait_indirect_dma semaphore(%arg22 : memref<!tpu.dma_semaphore, #tpu.memory_space<semaphore_mem>>) src(%dma_wait3A_766 : memref<10240x128xf32, #tpu.memory_space<hbm>>) dst(%arg17 : memref<64x128xf32, #tpu.memory_space<vmem>>)
        %parallel_loop3A = arith.constant 0 : i32
        %parallel_loop3A_767 = arith.constant 64 : i32
        %parallel_loop3A_768 = arith.constant 1 : i32
        scf.for %parallel_loop3A_797 = %parallel_loop3A to %parallel_loop3A_767 step %parallel_loop3A_768  : i32 {
          %parallel_loop3A_798 = arith.index_cast %parallel_loop3A_797 : i32 to index
          %parallel_loop3A_799 = arith.constant 0 : index
          %parallel_loop3A_800 = tpu.vector_load %arg15[%parallel_loop3A_798, %parallel_loop3A_799] {strides = array<i32>} : memref<64x128xf32, #tpu.memory_space<vmem>>, vector<1x16xf32>,
          %parallel_loop3A_801 = vector.shape_cast %parallel_loop3A_800 : vector<1x16xf32> to vector<16xf32>
          %parallel_loop3A_802 = arith.index_cast %parallel_loop3A_797 : i32 to index
          %parallel_loop3A_803 = arith.constant 0 : index
          %parallel_loop3A_804 = tpu.vector_load %arg17[%parallel_loop3A_802, %parallel_loop3A_803] {strides = array<i32>} : memref<64x128xf32, #tpu.memory_space<vmem>>, vector<1x16xf32>,
          %parallel_loop3A_805 = vector.shape_cast %parallel_loop3A_804 : vector<1x16xf32> to vector<16xf32>
          %parallel_loop3A_806 = arith.addf %parallel_loop3A_801, %parallel_loop3A_805 : vector<16xf32>
          %parallel_loop3A_807 = arith.maximumf %parallel_loop3A_806, %broadcast_in_dim3A_1 : vector<16xf32>
          %parallel_loop3A_808 = arith.index_cast %parallel_loop3A_797 : i32 to index
          %parallel_loop3A_809 = arith.constant 0 : index
          %parallel_loop3A_810 = tpu.vector_load %arg19[%parallel_loop3A_808, %parallel_loop3A_809] {strides = array<i32>} : memref<64x128xf32, #tpu.memory_space<vmem>>, vector<1x16xf32>,
          %parallel_loop3A_811 = vector.shape_cast %parallel_loop3A_810 : vector<1x16xf32> to vector<16xf32>
          %parallel_loop3A_812 = vector.shape_cast %parallel_loop3A_807 : vector<16xf32> to vector<1x16xf32>
          tpu.vector_store %arg19[%parallel_loop3A_808, %parallel_loop3A_809], %parallel_loop3A_812 {strides = array<i32>} : memref<64x128xf32, #tpu.memory_space<vmem>>, vector<1x16xf32>,
          %parallel_loop3A_813 = arith.index_cast %parallel_loop3A_797 : i32 to index
          %parallel_loop3A_814 = arith.constant 16 : index
          %parallel_loop3A_815 = tpu.vector_load %arg15[%parallel_loop3A_813, %parallel_loop3A_814] {strides = array<i32>} : memref<64x128xf32, #tpu.memory_space<vmem>>, vector<1x16xf32>,
          %parallel_loop3A_816 = vector.shape_cast %parallel_loop3A_815 : vector<1x16xf32> to vector<16xf32>
          %parallel_loop3A_817 = arith.index_cast %parallel_loop3A_797 : i32 to index
          %parallel_loop3A_818 = arith.constant 16 : index
          %parallel_loop3A_819 = tpu.vector_load %arg17[%parallel_loop3A_817, %parallel_loop3A_818] {strides = array<i32>} : memref<64x128xf32, #tpu.memory_space<vmem>>, vector<1x16xf32>,
          %parallel_loop3A_820 = vector.shape_cast %parallel_loop3A_819 : vector<1x16xf32> to vector<16xf32>
          %parallel_loop3A_821 = arith.addf %parallel_loop3A_816, %parallel_loop3A_820 : vector<16xf32>
          %parallel_loop3A_822 = arith.maximumf %parallel_loop3A_821, %broadcast_in_dim3A_1 : vector<16xf32>
          %parallel_loop3A_823 = arith.index_cast %parallel_loop3A_797 : i32 to index
          %parallel_loop3A_824 = arith.constant 16 : index
          %parallel_loop3A_825 = tpu.vector_load %arg19[%parallel_loop3A_823, %parallel_loop3A_824] {strides = array<i32>} : memref<64x128xf32, #tpu.memory_space<vmem>>, vector<1x16xf32>,
          %parallel_loop3A_826 = vector.shape_cast %parallel_loop3A_825 : vector<1x16xf32> to vector<16xf32>
          %parallel_loop3A_827 = vector.shape_cast %parallel_loop3A_822 : vector<16xf32> to vector<1x16xf32>
          tpu.vector_store %arg19[%parallel_loop3A_823, %parallel_loop3A_824], %parallel_loop3A_827 {strides = array<i32>} : memref<64x128xf32, #tpu.memory_space<vmem>>, vector<1x16xf32>,
          %parallel_loop3A_828 = arith.index_cast %parallel_loop3A_797 : i32 to index
          %parallel_loop3A_829 = arith.constant 32 : index
          %parallel_loop3A_830 = tpu.vector_load %arg15[%parallel_loop3A_828, %parallel_loop3A_829] {strides = array<i32>} : memref<64x128xf32, #tpu.memory_space<vmem>>, vector<1x16xf32>,
          %parallel_loop3A_831 = vector.shape_cast %parallel_loop3A_830 : vector<1x16xf32> to vector<16xf32>
          %parallel_loop3A_832 = arith.index_cast %parallel_loop3A_797 : i32 to index
          %parallel_loop3A_833 = arith.constant 32 : index
          %parallel_loop3A_834 = tpu.vector_load %arg17[%parallel_loop3A_832, %parallel_loop3A_833] {strides = array<i32>} : memref<64x128xf32, #tpu.memory_space<vmem>>, vector<1x16xf32>,
          %parallel_loop3A_835 = vector.shape_cast %parallel_loop3A_834 : vector<1x16xf32> to vector<16xf32>
          %parallel_loop3A_836 = arith.addf %parallel_loop3A_831, %parallel_loop3A_835 : vector<16xf32>
          %parallel_loop3A_837 = arith.maximumf %parallel_loop3A_836, %broadcast_in_dim3A_1 : vector<16xf32>
          %parallel_loop3A_838 = arith.index_cast %parallel_loop3A_797 : i32 to index
          %parallel_loop3A_839 = arith.constant 32 : index
          %parallel_loop3A_840 = tpu.vector_load %arg19[%parallel_loop3A_838, %parallel_loop3A_839] {strides = array<i32>} : memref<64x128xf32, #tpu.memory_space<vmem>>, vector<1x16xf32>,
          %parallel_loop3A_841 = vector.shape_cast %parallel_loop3A_840 : vector<1x16xf32> to vector<16xf32>
          %parallel_loop3A_842 = vector.shape_cast %parallel_loop3A_837 : vector<16xf32> to vector<1x16xf32>
          tpu.vector_store %arg19[%parallel_loop3A_838, %parallel_loop3A_839], %parallel_loop3A_842 {strides = array<i32>} : memref<64x128xf32, #tpu.memory_space<vmem>>, vector<1x16xf32>,
          %parallel_loop3A_843 = arith.index_cast %parallel_loop3A_797 : i32 to index
          %parallel_loop3A_844 = arith.constant 48 : index
          %parallel_loop3A_845 = tpu.vector_load %arg15[%parallel_loop3A_843, %parallel_loop3A_844] {strides = array<i32>} : memref<64x128xf32, #tpu.memory_space<vmem>>, vector<1x16xf32>,
          %parallel_loop3A_846 = vector.shape_cast %parallel_loop3A_845 : vector<1x16xf32> to vector<16xf32>
          %parallel_loop3A_847 = arith.index_cast %parallel_loop3A_797 : i32 to index
          %parallel_loop3A_848 = arith.constant 48 : index
          %parallel_loop3A_849 = tpu.vector_load %arg17[%parallel_loop3A_847, %parallel_loop3A_848] {strides = array<i32>} : memref<64x128xf32, #tpu.memory_space<vmem>>, vector<1x16xf32>,
          %parallel_loop3A_850 = vector.shape_cast %parallel_loop3A_849 : vector<1x16xf32> to vector<16xf32>
          %parallel_loop3A_851 = arith.addf %parallel_loop3A_846, %parallel_loop3A_850 : vector<16xf32>
          %parallel_loop3A_852 = arith.maximumf %parallel_loop3A_851, %broadcast_in_dim3A_1 : vector<16xf32>
          %parallel_loop3A_853 = arith.index_cast %parallel_loop3A_797 : i32 to index
          %parallel_loop3A_854 = arith.constant 48 : index
          %parallel_loop3A_855 = tpu.vector_load %arg19[%parallel_loop3A_853, %parallel_loop3A_854] {strides = array<i32>} : memref<64x128xf32, #tpu.memory_space<vmem>>, vector<1x16xf32>,
          %parallel_loop3A_856 = vector.shape_cast %parallel_loop3A_855 : vector<1x16xf32> to vector<16xf32>
          %parallel_loop3A_857 = vector.shape_cast %parallel_loop3A_852 : vector<16xf32> to vector<1x16xf32>
          tpu.vector_store %arg19[%parallel_loop3A_853, %parallel_loop3A_854], %parallel_loop3A_857 {strides = array<i32>} : memref<64x128xf32, #tpu.memory_space<vmem>>, vector<1x16xf32>,
          %parallel_loop3A_858 = arith.index_cast %parallel_loop3A_797 : i32 to index
          %parallel_loop3A_859 = arith.constant 64 : index
          %parallel_loop3A_860 = tpu.vector_load %arg15[%parallel_loop3A_858, %parallel_loop3A_859] {strides = array<i32>} : memref<64x128xf32, #tpu.memory_space<vmem>>, vector<1x16xf32>,
          %parallel_loop3A_861 = vector.shape_cast %parallel_loop3A_860 : vector<1x16xf32> to vector<16xf32>
          %parallel_loop3A_862 = arith.index_cast %parallel_loop3A_797 : i32 to index
          %parallel_loop3A_863 = arith.constant 64 : index
          %parallel_loop3A_864 = tpu.vector_load %arg17[%parallel_loop3A_862, %parallel_loop3A_863] {strides = array<i32>} : memref<64x128xf32, #tpu.memory_space<vmem>>, vector<1x16xf32>,
          %parallel_loop3A_865 = vector.shape_cast %parallel_loop3A_864 : vector<1x16xf32> to vector<16xf32>
          %parallel_loop3A_866 = arith.addf %parallel_loop3A_861, %parallel_loop3A_865 : vector<16xf32>
          %parallel_loop3A_867 = arith.maximumf %parallel_loop3A_866, %broadcast_in_dim3A_1 : vector<16xf32>
          %parallel_loop3A_868 = arith.index_cast %parallel_loop3A_797 : i32 to index
          %parallel_loop3A_869 = arith.constant 64 : index
          %parallel_loop3A_870 = tpu.vector_load %arg19[%parallel_loop3A_868, %parallel_loop3A_869] {strides = array<i32>} : memref<64x128xf32, #tpu.memory_space<vmem>>, vector<1x16xf32>,
          %parallel_loop3A_871 = vector.shape_cast %parallel_loop3A_870 : vector<1x16xf32> to vector<16xf32>
          %parallel_loop3A_872 = vector.shape_cast %parallel_loop3A_867 : vector<16xf32> to vector<1x16xf32>
          tpu.vector_store %arg19[%parallel_loop3A_868, %parallel_loop3A_869], %parallel_loop3A_872 {strides = array<i32>} : memref<64x128xf32, #tpu.memory_space<vmem>>, vector<1x16xf32>,
          %parallel_loop3A_873 = arith.index_cast %parallel_loop3A_797 : i32 to index
          %parallel_loop3A_874 = arith.constant 80 : index
          %parallel_loop3A_875 = tpu.vector_load %arg15[%parallel_loop3A_873, %parallel_loop3A_874] {strides = array<i32>} : memref<64x128xf32, #tpu.memory_space<vmem>>, vector<1x16xf32>,
          %parallel_loop3A_876 = vector.shape_cast %parallel_loop3A_875 : vector<1x16xf32> to vector<16xf32>
          %parallel_loop3A_877 = arith.index_cast %parallel_loop3A_797 : i32 to index
          %parallel_loop3A_878 = arith.constant 80 : index
          %parallel_loop3A_879 = tpu.vector_load %arg17[%parallel_loop3A_877, %parallel_loop3A_878] {strides = array<i32>} : memref<64x128xf32, #tpu.memory_space<vmem>>, vector<1x16xf32>,
          %parallel_loop3A_880 = vector.shape_cast %parallel_loop3A_879 : vector<1x16xf32> to vector<16xf32>
          %parallel_loop3A_881 = arith.addf %parallel_loop3A_876, %parallel_loop3A_880 : vector<16xf32>
          %parallel_loop3A_882 = arith.maximumf %parallel_loop3A_881, %broadcast_in_dim3A_1 : vector<16xf32>
          %parallel_loop3A_883 = arith.index_cast %parallel_loop3A_797 : i32 to index
          %parallel_loop3A_884 = arith.constant 80 : index
          %parallel_loop3A_885 = tpu.vector_load %arg19[%parallel_loop3A_883, %parallel_loop3A_884] {strides = array<i32>} : memref<64x128xf32, #tpu.memory_space<vmem>>, vector<1x16xf32>,
          %parallel_loop3A_886 = vector.shape_cast %parallel_loop3A_885 : vector<1x16xf32> to vector<16xf32>
          %parallel_loop3A_887 = vector.shape_cast %parallel_loop3A_882 : vector<16xf32> to vector<1x16xf32>
          tpu.vector_store %arg19[%parallel_loop3A_883, %parallel_loop3A_884], %parallel_loop3A_887 {strides = array<i32>} : memref<64x128xf32, #tpu.memory_space<vmem>>, vector<1x16xf32>,
          %parallel_loop3A_888 = arith.index_cast %parallel_loop3A_797 : i32 to index
          %parallel_loop3A_889 = arith.constant 96 : index
          %parallel_loop3A_890 = tpu.vector_load %arg15[%parallel_loop3A_888, %parallel_loop3A_889] {strides = array<i32>} : memref<64x128xf32, #tpu.memory_space<vmem>>, vector<1x16xf32>,
          %parallel_loop3A_891 = vector.shape_cast %parallel_loop3A_890 : vector<1x16xf32> to vector<16xf32>
          %parallel_loop3A_892 = arith.index_cast %parallel_loop3A_797 : i32 to index
          %parallel_loop3A_893 = arith.constant 96 : index
          %parallel_loop3A_894 = tpu.vector_load %arg17[%parallel_loop3A_892, %parallel_loop3A_893] {strides = array<i32>} : memref<64x128xf32, #tpu.memory_space<vmem>>, vector<1x16xf32>,
          %parallel_loop3A_895 = vector.shape_cast %parallel_loop3A_894 : vector<1x16xf32> to vector<16xf32>
          %parallel_loop3A_896 = arith.addf %parallel_loop3A_891, %parallel_loop3A_895 : vector<16xf32>
          %parallel_loop3A_897 = arith.maximumf %parallel_loop3A_896, %broadcast_in_dim3A_1 : vector<16xf32>
          %parallel_loop3A_898 = arith.index_cast %parallel_loop3A_797 : i32 to index
          %parallel_loop3A_899 = arith.constant 96 : index
          %parallel_loop3A_900 = tpu.vector_load %arg19[%parallel_loop3A_898, %parallel_loop3A_899] {strides = array<i32>} : memref<64x128xf32, #tpu.memory_space<vmem>>, vector<1x16xf32>,
          %parallel_loop3A_901 = vector.shape_cast %parallel_loop3A_900 : vector<1x16xf32> to vector<16xf32>
          %parallel_loop3A_902 = vector.shape_cast %parallel_loop3A_897 : vector<16xf32> to vector<1x16xf32>
          tpu.vector_store %arg19[%parallel_loop3A_898, %parallel_loop3A_899], %parallel_loop3A_902 {strides = array<i32>} : memref<64x128xf32, #tpu.memory_space<vmem>>, vector<1x16xf32>,
          %parallel_loop3A_903 = arith.index_cast %parallel_loop3A_797 : i32 to index
          %parallel_loop3A_904 = arith.constant 112 : index
          %parallel_loop3A_905 = tpu.vector_load %arg15[%parallel_loop3A_903, %parallel_loop3A_904] {strides = array<i32>} : memref<64x128xf32, #tpu.memory_space<vmem>>, vector<1x16xf32>,
          %parallel_loop3A_906 = vector.shape_cast %parallel_loop3A_905 : vector<1x16xf32> to vector<16xf32>
          %parallel_loop3A_907 = arith.index_cast %parallel_loop3A_797 : i32 to index
          %parallel_loop3A_908 = arith.constant 112 : index
          %parallel_loop3A_909 = tpu.vector_load %arg17[%parallel_loop3A_907, %parallel_loop3A_908] {strides = array<i32>} : memref<64x128xf32, #tpu.memory_space<vmem>>, vector<1x16xf32>,
          %parallel_loop3A_910 = vector.shape_cast %parallel_loop3A_909 : vector<1x16xf32> to vector<16xf32>
          %parallel_loop3A_911 = arith.addf %parallel_loop3A_906, %parallel_loop3A_910 : vector<16xf32>
          %parallel_loop3A_912 = arith.maximumf %parallel_loop3A_911, %broadcast_in_dim3A_1 : vector<16xf32>
          %parallel_loop3A_913 = arith.index_cast %parallel_loop3A_797 : i32 to index
          %parallel_loop3A_914 = arith.constant 112 : index
          %parallel_loop3A_915 = tpu.vector_load %arg19[%parallel_loop3A_913, %parallel_loop3A_914] {strides = array<i32>} : memref<64x128xf32, #tpu.memory_space<vmem>>, vector<1x16xf32>,
          %parallel_loop3A_916 = vector.shape_cast %parallel_loop3A_915 : vector<1x16xf32> to vector<16xf32>
          %parallel_loop3A_917 = vector.shape_cast %parallel_loop3A_912 : vector<16xf32> to vector<1x16xf32>
          tpu.vector_store %arg19[%parallel_loop3A_913, %parallel_loop3A_914], %parallel_loop3A_917 {strides = array<i32>} : memref<64x128xf32, #tpu.memory_space<vmem>>, vector<1x16xf32>,
        } {sc.loop_unroll_factor = 2 : i64, sc.parallel_access}
        %lt3A = arith.constant 15 : i32
        %lt3A_769 = arith.cmpi slt, %scan3A_752, %lt3A : i32
        %convert_element_type3A = arith.extui %lt3A_769 : i1 to i32
        %cond3A = arith.constant 0 : i32
        %cond3A_770 = arith.cmpi ne, %convert_element_type3A, %cond3A : i32
        scf.if %cond3A_770 {
          %add3A_797 = arith.constant 2 : i32
          %add3A_798 = arith.addi %mul3A_754, %add3A_797 : i32
          %dma_start3A_799 = arith.constant 0 : i32
          %dma_start3A_800 = tpu.memref_slice %arg13[%add3A_798, %dma_start3A_799] : memref<32x64xi32, #tpu.memory_space<vmem>> -> memref<1x64xi32, #tpu.memory_space<vmem>>
          %dma_start3A_801 = tpu.memref_squeeze %dma_start3A_800 : memref<1x64xi32, #tpu.memory_space<vmem>> -> memref<64xi32, #tpu.memory_space<vmem>>
          %dma_start3A_802 = arith.constant 0 : i32
          %dma_start3A_803 = arith.constant 0 : i32
          %dma_start3A_804 = tpu.memref_slice %arg5[%dma_start3A_802, %dma_start3A_803] : memref<10240x128xf32, #tpu.memory_space<hbm>> -> memref<10240x128xf32, #tpu.memory_space<hbm>>
          tpu.enqueue_indirect_dma source(%dma_start3A_804 : memref<10240x128xf32, #tpu.memory_space<hbm>>) target(%arg15 : memref<64x128xf32, #tpu.memory_space<vmem>>) offsets(%dma_start3A_801 : memref<64xi32, #tpu.memory_space<vmem>>) semaphore(%arg20 : memref<!tpu.dma_semaphore, #tpu.memory_space<semaphore_mem>>)
          %add3A_805 = arith.constant 2 : i32
          %add3A_806 = arith.addi %mul3A_754, %add3A_805 : i32
          %dma_start3A_807 = arith.constant 0 : i32
          %dma_start3A_808 = tpu.memref_slice %arg14[%add3A_806, %dma_start3A_807] : memref<32x64xi32, #tpu.memory_space<vmem>> -> memref<1x64xi32, #tpu.memory_space<vmem>>
          %dma_start3A_809 = tpu.memref_squeeze %dma_start3A_808 : memref<1x64xi32, #tpu.memory_space<vmem>> -> memref<64xi32, #tpu.memory_space<vmem>>
          %dma_start3A_810 = arith.constant 0 : i32
          %dma_start3A_811 = arith.constant 0 : i32
          %dma_start3A_812 = tpu.memref_slice %arg9[%dma_start3A_810, %dma_start3A_811] : memref<10240x128xf32, #tpu.memory_space<hbm>> -> memref<10240x128xf32, #tpu.memory_space<hbm>>
          tpu.enqueue_indirect_dma source(%dma_start3A_812 : memref<10240x128xf32, #tpu.memory_space<hbm>>) target(%arg17 : memref<64x128xf32, #tpu.memory_space<vmem>>) offsets(%dma_start3A_809 : memref<64xi32, #tpu.memory_space<vmem>>) semaphore(%arg22 : memref<!tpu.dma_semaphore, #tpu.memory_space<semaphore_mem>>)
        } else {
        }
        "tpu.region"() ({
          %run_scoped3A_797 = tpu.sem_alloc : memref<!tpu.dma_semaphore, #tpu.memory_space<semaphore_mem>>
          %dma_start3A_798 = arith.constant 0 : i32
          %dma_start3A_799 = tpu.memref_slice %arg13[%mul3A_754, %dma_start3A_798] : memref<32x64xi32, #tpu.memory_space<vmem>> -> memref<1x64xi32, #tpu.memory_space<vmem>>
          %dma_start3A_800 = tpu.memref_squeeze %dma_start3A_799 : memref<1x64xi32, #tpu.memory_space<vmem>> -> memref<64xi32, #tpu.memory_space<vmem>>
          %dma_start3A_801 = arith.constant 0 : i32
          %dma_start3A_802 = arith.constant 0 : i32
          %dma_start3A_803 = tpu.memref_slice %arg24[%dma_start3A_801, %dma_start3A_802] : memref<10240x128xf32, #tpu.memory_space<vmem_shared>> -> memref<10240x128xf32, #tpu.memory_space<vmem_shared>>
          tpu.enqueue_indirect_dma source(%arg19 : memref<64x128xf32, #tpu.memory_space<vmem>>) target(%dma_start3A_803 : memref<10240x128xf32, #tpu.memory_space<vmem_shared>>) offsets(%dma_start3A_800 : memref<64xi32, #tpu.memory_space<vmem>>) semaphore(%run_scoped3A_797 : memref<!tpu.dma_semaphore, #tpu.memory_space<semaphore_mem>>) {add = true}
          %dma_wait3A_804 = arith.constant 0 : i32
          %dma_wait3A_805 = tpu.memref_slice %arg13[%mul3A_754, %dma_wait3A_804] : memref<32x64xi32, #tpu.memory_space<vmem>> -> memref<1x64xi32, #tpu.memory_space<vmem>>
          %dma_wait3A_806 = tpu.memref_squeeze %dma_wait3A_805 : memref<1x64xi32, #tpu.memory_space<vmem>> -> memref<64xi32, #tpu.memory_space<vmem>>
          %dma_wait3A_807 = arith.constant 0 : i32
          %dma_wait3A_808 = arith.constant 0 : i32
          %dma_wait3A_809 = tpu.memref_slice %arg24[%dma_wait3A_807, %dma_wait3A_808] : memref<10240x128xf32, #tpu.memory_space<vmem_shared>> -> memref<10240x128xf32, #tpu.memory_space<vmem_shared>>
          tpu.wait_indirect_dma semaphore(%run_scoped3A_797 : memref<!tpu.dma_semaphore, #tpu.memory_space<semaphore_mem>>) src(%arg19 : memref<64x128xf32, #tpu.memory_space<vmem>>) dst(%dma_wait3A_809 : memref<10240x128xf32, #tpu.memory_space<vmem_shared>>)
          tpu.yield
        }) : () -> ()
        %add3A_771 = arith.constant 1 : i32
        %add3A_772 = arith.addi %mul3A_754, %add3A_771 : i32
        %dma_wait3A_773 = arith.constant 0 : i32
        %dma_wait3A_774 = tpu.memref_slice %arg13[%add3A_772, %dma_wait3A_773] : memref<32x64xi32, #tpu.memory_space<vmem>> -> memref<1x64xi32, #tpu.memory_space<vmem>>
        %dma_wait3A_775 = tpu.memref_squeeze %dma_wait3A_774 : memref<1x64xi32, #tpu.memory_space<vmem>> -> memref<64xi32, #tpu.memory_space<vmem>>
        %dma_wait3A_776 = arith.constant 0 : i32
        %dma_wait3A_777 = arith.constant 0 : i32
        %dma_wait3A_778 = tpu.memref_slice %arg5[%dma_wait3A_776, %dma_wait3A_777] : memref<10240x128xf32, #tpu.memory_space<hbm>> -> memref<10240x128xf32, #tpu.memory_space<hbm>>
        tpu.wait_indirect_dma semaphore(%arg21 : memref<!tpu.dma_semaphore, #tpu.memory_space<semaphore_mem>>) src(%dma_wait3A_778 : memref<10240x128xf32, #tpu.memory_space<hbm>>) dst(%arg16 : memref<64x128xf32, #tpu.memory_space<vmem>>)
        %add3A_779 = arith.constant 1 : i32
        %add3A_780 = arith.addi %mul3A_754, %add3A_779 : i32
        %dma_wait3A_781 = arith.constant 0 : i32
        %dma_wait3A_782 = tpu.memref_slice %arg14[%add3A_780, %dma_wait3A_781] : memref<32x64xi32, #tpu.memory_space<vmem>> -> memref<1x64xi32, #tpu.memory_space<vmem>>
        %dma_wait3A_783 = tpu.memref_squeeze %dma_wait3A_782 : memref<1x64xi32, #tpu.memory_space<vmem>> -> memref<64xi32, #tpu.memory_space<vmem>>
        %dma_wait3A_784 = arith.constant 0 : i32
        %dma_wait3A_785 = arith.constant 0 : i32
        %dma_wait3A_786 = tpu.memref_slice %arg9[%dma_wait3A_784, %dma_wait3A_785] : memref<10240x128xf32, #tpu.memory_space<hbm>> -> memref<10240x128xf32, #tpu.memory_space<hbm>>
        tpu.wait_indirect_dma semaphore(%arg23 : memref<!tpu.dma_semaphore, #tpu.memory_space<semaphore_mem>>) src(%dma_wait3A_786 : memref<10240x128xf32, #tpu.memory_space<hbm>>) dst(%arg18 : memref<64x128xf32, #tpu.memory_space<vmem>>)
        %parallel_loop3A_787 = arith.constant 0 : i32
        %parallel_loop3A_788 = arith.constant 64 : i32
        %parallel_loop3A_789 = arith.constant 1 : i32
        scf.for %parallel_loop3A_797 = %parallel_loop3A_787 to %parallel_loop3A_788 step %parallel_loop3A_789  : i32 {
          %parallel_loop3A_798 = arith.index_cast %parallel_loop3A_797 : i32 to index
          %parallel_loop3A_799 = arith.constant 0 : index
          %parallel_loop3A_800 = tpu.vector_load %arg16[%parallel_loop3A_798, %parallel_loop3A_799] {strides = array<i32>} : memref<64x128xf32, #tpu.memory_space<vmem>>, vector<1x16xf32>,
          %parallel_loop3A_801 = vector.shape_cast %parallel_loop3A_800 : vector<1x16xf32> to vector<16xf32>
          %parallel_loop3A_802 = arith.index_cast %parallel_loop3A_797 : i32 to index
          %parallel_loop3A_803 = arith.constant 0 : index
          %parallel_loop3A_804 = tpu.vector_load %arg18[%parallel_loop3A_802, %parallel_loop3A_803] {strides = array<i32>} : memref<64x128xf32, #tpu.memory_space<vmem>>, vector<1x16xf32>,
          %parallel_loop3A_805 = vector.shape_cast %parallel_loop3A_804 : vector<1x16xf32> to vector<16xf32>
          %parallel_loop3A_806 = arith.addf %parallel_loop3A_801, %parallel_loop3A_805 : vector<16xf32>
          %parallel_loop3A_807 = arith.maximumf %parallel_loop3A_806, %broadcast_in_dim3A_1 : vector<16xf32>
          %parallel_loop3A_808 = arith.index_cast %parallel_loop3A_797 : i32 to index
          %parallel_loop3A_809 = arith.constant 0 : index
          %parallel_loop3A_810 = tpu.vector_load %arg19[%parallel_loop3A_808, %parallel_loop3A_809] {strides = array<i32>} : memref<64x128xf32, #tpu.memory_space<vmem>>, vector<1x16xf32>,
          %parallel_loop3A_811 = vector.shape_cast %parallel_loop3A_810 : vector<1x16xf32> to vector<16xf32>
          %parallel_loop3A_812 = vector.shape_cast %parallel_loop3A_807 : vector<16xf32> to vector<1x16xf32>
          tpu.vector_store %arg19[%parallel_loop3A_808, %parallel_loop3A_809], %parallel_loop3A_812 {strides = array<i32>} : memref<64x128xf32, #tpu.memory_space<vmem>>, vector<1x16xf32>,
          %parallel_loop3A_813 = arith.index_cast %parallel_loop3A_797 : i32 to index
          %parallel_loop3A_814 = arith.constant 16 : index
          %parallel_loop3A_815 = tpu.vector_load %arg16[%parallel_loop3A_813, %parallel_loop3A_814] {strides = array<i32>} : memref<64x128xf32, #tpu.memory_space<vmem>>, vector<1x16xf32>,
          %parallel_loop3A_816 = vector.shape_cast %parallel_loop3A_815 : vector<1x16xf32> to vector<16xf32>
          %parallel_loop3A_817 = arith.index_cast %parallel_loop3A_797 : i32 to index
          %parallel_loop3A_818 = arith.constant 16 : index
          %parallel_loop3A_819 = tpu.vector_load %arg18[%parallel_loop3A_817, %parallel_loop3A_818] {strides = array<i32>} : memref<64x128xf32, #tpu.memory_space<vmem>>, vector<1x16xf32>,
          %parallel_loop3A_820 = vector.shape_cast %parallel_loop3A_819 : vector<1x16xf32> to vector<16xf32>
          %parallel_loop3A_821 = arith.addf %parallel_loop3A_816, %parallel_loop3A_820 : vector<16xf32>
          %parallel_loop3A_822 = arith.maximumf %parallel_loop3A_821, %broadcast_in_dim3A_1 : vector<16xf32>
          %parallel_loop3A_823 = arith.index_cast %parallel_loop3A_797 : i32 to index
          %parallel_loop3A_824 = arith.constant 16 : index
          %parallel_loop3A_825 = tpu.vector_load %arg19[%parallel_loop3A_823, %parallel_loop3A_824] {strides = array<i32>} : memref<64x128xf32, #tpu.memory_space<vmem>>, vector<1x16xf32>,
          %parallel_loop3A_826 = vector.shape_cast %parallel_loop3A_825 : vector<1x16xf32> to vector<16xf32>
          %parallel_loop3A_827 = vector.shape_cast %parallel_loop3A_822 : vector<16xf32> to vector<1x16xf32>
          tpu.vector_store %arg19[%parallel_loop3A_823, %parallel_loop3A_824], %parallel_loop3A_827 {strides = array<i32>} : memref<64x128xf32, #tpu.memory_space<vmem>>, vector<1x16xf32>,
          %parallel_loop3A_828 = arith.index_cast %parallel_loop3A_797 : i32 to index
          %parallel_loop3A_829 = arith.constant 32 : index
          %parallel_loop3A_830 = tpu.vector_load %arg16[%parallel_loop3A_828, %parallel_loop3A_829] {strides = array<i32>} : memref<64x128xf32, #tpu.memory_space<vmem>>, vector<1x16xf32>,
          %parallel_loop3A_831 = vector.shape_cast %parallel_loop3A_830 : vector<1x16xf32> to vector<16xf32>
          %parallel_loop3A_832 = arith.index_cast %parallel_loop3A_797 : i32 to index
          %parallel_loop3A_833 = arith.constant 32 : index
          %parallel_loop3A_834 = tpu.vector_load %arg18[%parallel_loop3A_832, %parallel_loop3A_833] {strides = array<i32>} : memref<64x128xf32, #tpu.memory_space<vmem>>, vector<1x16xf32>,
          %parallel_loop3A_835 = vector.shape_cast %parallel_loop3A_834 : vector<1x16xf32> to vector<16xf32>
          %parallel_loop3A_836 = arith.addf %parallel_loop3A_831, %parallel_loop3A_835 : vector<16xf32>
          %parallel_loop3A_837 = arith.maximumf %parallel_loop3A_836, %broadcast_in_dim3A_1 : vector<16xf32>
          %parallel_loop3A_838 = arith.index_cast %parallel_loop3A_797 : i32 to index
          %parallel_loop3A_839 = arith.constant 32 : index
          %parallel_loop3A_840 = tpu.vector_load %arg19[%parallel_loop3A_838, %parallel_loop3A_839] {strides = array<i32>} : memref<64x128xf32, #tpu.memory_space<vmem>>, vector<1x16xf32>,
          %parallel_loop3A_841 = vector.shape_cast %parallel_loop3A_840 : vector<1x16xf32> to vector<16xf32>
          %parallel_loop3A_842 = vector.shape_cast %parallel_loop3A_837 : vector<16xf32> to vector<1x16xf32>
          tpu.vector_store %arg19[%parallel_loop3A_838, %parallel_loop3A_839], %parallel_loop3A_842 {strides = array<i32>} : memref<64x128xf32, #tpu.memory_space<vmem>>, vector<1x16xf32>,
          %parallel_loop3A_843 = arith.index_cast %parallel_loop3A_797 : i32 to index
          %parallel_loop3A_844 = arith.constant 48 : index
          %parallel_loop3A_845 = tpu.vector_load %arg16[%parallel_loop3A_843, %parallel_loop3A_844] {strides = array<i32>} : memref<64x128xf32, #tpu.memory_space<vmem>>, vector<1x16xf32>,
          %parallel_loop3A_846 = vector.shape_cast %parallel_loop3A_845 : vector<1x16xf32> to vector<16xf32>
          %parallel_loop3A_847 = arith.index_cast %parallel_loop3A_797 : i32 to index
          %parallel_loop3A_848 = arith.constant 48 : index
          %parallel_loop3A_849 = tpu.vector_load %arg18[%parallel_loop3A_847, %parallel_loop3A_848] {strides = array<i32>} : memref<64x128xf32, #tpu.memory_space<vmem>>, vector<1x16xf32>,
          %parallel_loop3A_850 = vector.shape_cast %parallel_loop3A_849 : vector<1x16xf32> to vector<16xf32>
          %parallel_loop3A_851 = arith.addf %parallel_loop3A_846, %parallel_loop3A_850 : vector<16xf32>
          %parallel_loop3A_852 = arith.maximumf %parallel_loop3A_851, %broadcast_in_dim3A_1 : vector<16xf32>
          %parallel_loop3A_853 = arith.index_cast %parallel_loop3A_797 : i32 to index
          %parallel_loop3A_854 = arith.constant 48 : index
          %parallel_loop3A_855 = tpu.vector_load %arg19[%parallel_loop3A_853, %parallel_loop3A_854] {strides = array<i32>} : memref<64x128xf32, #tpu.memory_space<vmem>>, vector<1x16xf32>,
          %parallel_loop3A_856 = vector.shape_cast %parallel_loop3A_855 : vector<1x16xf32> to vector<16xf32>
          %parallel_loop3A_857 = vector.shape_cast %parallel_loop3A_852 : vector<16xf32> to vector<1x16xf32>
          tpu.vector_store %arg19[%parallel_loop3A_853, %parallel_loop3A_854], %parallel_loop3A_857 {strides = array<i32>} : memref<64x128xf32, #tpu.memory_space<vmem>>, vector<1x16xf32>,
          %parallel_loop3A_858 = arith.index_cast %parallel_loop3A_797 : i32 to index
          %parallel_loop3A_859 = arith.constant 64 : index
          %parallel_loop3A_860 = tpu.vector_load %arg16[%parallel_loop3A_858, %parallel_loop3A_859] {strides = array<i32>} : memref<64x128xf32, #tpu.memory_space<vmem>>, vector<1x16xf32>,
          %parallel_loop3A_861 = vector.shape_cast %parallel_loop3A_860 : vector<1x16xf32> to vector<16xf32>
          %parallel_loop3A_862 = arith.index_cast %parallel_loop3A_797 : i32 to index
          %parallel_loop3A_863 = arith.constant 64 : index
          %parallel_loop3A_864 = tpu.vector_load %arg18[%parallel_loop3A_862, %parallel_loop3A_863] {strides = array<i32>} : memref<64x128xf32, #tpu.memory_space<vmem>>, vector<1x16xf32>,
          %parallel_loop3A_865 = vector.shape_cast %parallel_loop3A_864 : vector<1x16xf32> to vector<16xf32>
          %parallel_loop3A_866 = arith.addf %parallel_loop3A_861, %parallel_loop3A_865 : vector<16xf32>
          %parallel_loop3A_867 = arith.maximumf %parallel_loop3A_866, %broadcast_in_dim3A_1 : vector<16xf32>
          %parallel_loop3A_868 = arith.index_cast %parallel_loop3A_797 : i32 to index
          %parallel_loop3A_869 = arith.constant 64 : index
          %parallel_loop3A_870 = tpu.vector_load %arg19[%parallel_loop3A_868, %parallel_loop3A_869] {strides = array<i32>} : memref<64x128xf32, #tpu.memory_space<vmem>>, vector<1x16xf32>,
          %parallel_loop3A_871 = vector.shape_cast %parallel_loop3A_870 : vector<1x16xf32> to vector<16xf32>
          %parallel_loop3A_872 = vector.shape_cast %parallel_loop3A_867 : vector<16xf32> to vector<1x16xf32>
          tpu.vector_store %arg19[%parallel_loop3A_868, %parallel_loop3A_869], %parallel_loop3A_872 {strides = array<i32>} : memref<64x128xf32, #tpu.memory_space<vmem>>, vector<1x16xf32>,
          %parallel_loop3A_873 = arith.index_cast %parallel_loop3A_797 : i32 to index
          %parallel_loop3A_874 = arith.constant 80 : index
          %parallel_loop3A_875 = tpu.vector_load %arg16[%parallel_loop3A_873, %parallel_loop3A_874] {strides = array<i32>} : memref<64x128xf32, #tpu.memory_space<vmem>>, vector<1x16xf32>,
          %parallel_loop3A_876 = vector.shape_cast %parallel_loop3A_875 : vector<1x16xf32> to vector<16xf32>
          %parallel_loop3A_877 = arith.index_cast %parallel_loop3A_797 : i32 to index
          %parallel_loop3A_878 = arith.constant 80 : index
          %parallel_loop3A_879 = tpu.vector_load %arg18[%parallel_loop3A_877, %parallel_loop3A_878] {strides = array<i32>} : memref<64x128xf32, #tpu.memory_space<vmem>>, vector<1x16xf32>,
          %parallel_loop3A_880 = vector.shape_cast %parallel_loop3A_879 : vector<1x16xf32> to vector<16xf32>
          %parallel_loop3A_881 = arith.addf %parallel_loop3A_876, %parallel_loop3A_880 : vector<16xf32>
          %parallel_loop3A_882 = arith.maximumf %parallel_loop3A_881, %broadcast_in_dim3A_1 : vector<16xf32>
          %parallel_loop3A_883 = arith.index_cast %parallel_loop3A_797 : i32 to index
          %parallel_loop3A_884 = arith.constant 80 : index
          %parallel_loop3A_885 = tpu.vector_load %arg19[%parallel_loop3A_883, %parallel_loop3A_884] {strides = array<i32>} : memref<64x128xf32, #tpu.memory_space<vmem>>, vector<1x16xf32>,
          %parallel_loop3A_886 = vector.shape_cast %parallel_loop3A_885 : vector<1x16xf32> to vector<16xf32>
          %parallel_loop3A_887 = vector.shape_cast %parallel_loop3A_882 : vector<16xf32> to vector<1x16xf32>
          tpu.vector_store %arg19[%parallel_loop3A_883, %parallel_loop3A_884], %parallel_loop3A_887 {strides = array<i32>} : memref<64x128xf32, #tpu.memory_space<vmem>>, vector<1x16xf32>,
          %parallel_loop3A_888 = arith.index_cast %parallel_loop3A_797 : i32 to index
          %parallel_loop3A_889 = arith.constant 96 : index
          %parallel_loop3A_890 = tpu.vector_load %arg16[%parallel_loop3A_888, %parallel_loop3A_889] {strides = array<i32>} : memref<64x128xf32, #tpu.memory_space<vmem>>, vector<1x16xf32>,
          %parallel_loop3A_891 = vector.shape_cast %parallel_loop3A_890 : vector<1x16xf32> to vector<16xf32>
          %parallel_loop3A_892 = arith.index_cast %parallel_loop3A_797 : i32 to index
          %parallel_loop3A_893 = arith.constant 96 : index
          %parallel_loop3A_894 = tpu.vector_load %arg18[%parallel_loop3A_892, %parallel_loop3A_893] {strides = array<i32>} : memref<64x128xf32, #tpu.memory_space<vmem>>, vector<1x16xf32>,
          %parallel_loop3A_895 = vector.shape_cast %parallel_loop3A_894 : vector<1x16xf32> to vector<16xf32>
          %parallel_loop3A_896 = arith.addf %parallel_loop3A_891, %parallel_loop3A_895 : vector<16xf32>
          %parallel_loop3A_897 = arith.maximumf %parallel_loop3A_896, %broadcast_in_dim3A_1 : vector<16xf32>
          %parallel_loop3A_898 = arith.index_cast %parallel_loop3A_797 : i32 to index
          %parallel_loop3A_899 = arith.constant 96 : index
          %parallel_loop3A_900 = tpu.vector_load %arg19[%parallel_loop3A_898, %parallel_loop3A_899] {strides = array<i32>} : memref<64x128xf32, #tpu.memory_space<vmem>>, vector<1x16xf32>,
          %parallel_loop3A_901 = vector.shape_cast %parallel_loop3A_900 : vector<1x16xf32> to vector<16xf32>
          %parallel_loop3A_902 = vector.shape_cast %parallel_loop3A_897 : vector<16xf32> to vector<1x16xf32>
          tpu.vector_store %arg19[%parallel_loop3A_898, %parallel_loop3A_899], %parallel_loop3A_902 {strides = array<i32>} : memref<64x128xf32, #tpu.memory_space<vmem>>, vector<1x16xf32>,
          %parallel_loop3A_903 = arith.index_cast %parallel_loop3A_797 : i32 to index
          %parallel_loop3A_904 = arith.constant 112 : index
          %parallel_loop3A_905 = tpu.vector_load %arg16[%parallel_loop3A_903, %parallel_loop3A_904] {strides = array<i32>} : memref<64x128xf32, #tpu.memory_space<vmem>>, vector<1x16xf32>,
          %parallel_loop3A_906 = vector.shape_cast %parallel_loop3A_905 : vector<1x16xf32> to vector<16xf32>
          %parallel_loop3A_907 = arith.index_cast %parallel_loop3A_797 : i32 to index
          %parallel_loop3A_908 = arith.constant 112 : index
          %parallel_loop3A_909 = tpu.vector_load %arg18[%parallel_loop3A_907, %parallel_loop3A_908] {strides = array<i32>} : memref<64x128xf32, #tpu.memory_space<vmem>>, vector<1x16xf32>,
          %parallel_loop3A_910 = vector.shape_cast %parallel_loop3A_909 : vector<1x16xf32> to vector<16xf32>
          %parallel_loop3A_911 = arith.addf %parallel_loop3A_906, %parallel_loop3A_910 : vector<16xf32>
          %parallel_loop3A_912 = arith.maximumf %parallel_loop3A_911, %broadcast_in_dim3A_1 : vector<16xf32>
          %parallel_loop3A_913 = arith.index_cast %parallel_loop3A_797 : i32 to index
          %parallel_loop3A_914 = arith.constant 112 : index
          %parallel_loop3A_915 = tpu.vector_load %arg19[%parallel_loop3A_913, %parallel_loop3A_914] {strides = array<i32>} : memref<64x128xf32, #tpu.memory_space<vmem>>, vector<1x16xf32>,
          %parallel_loop3A_916 = vector.shape_cast %parallel_loop3A_915 : vector<1x16xf32> to vector<16xf32>
          %parallel_loop3A_917 = vector.shape_cast %parallel_loop3A_912 : vector<16xf32> to vector<1x16xf32>
          tpu.vector_store %arg19[%parallel_loop3A_913, %parallel_loop3A_914], %parallel_loop3A_917 {strides = array<i32>} : memref<64x128xf32, #tpu.memory_space<vmem>>, vector<1x16xf32>,
        } {sc.loop_unroll_factor = 2 : i64, sc.parallel_access}
        %lt3A_790 = arith.constant 15 : i32
        %lt3A_791 = arith.cmpi slt, %scan3A_752, %lt3A_790 : i32
        %convert_element_type3A_792 = arith.extui %lt3A_791 : i1 to i32
        %cond3A_793 = arith.constant 0 : i32
        %cond3A_794 = arith.cmpi ne, %convert_element_type3A_792, %cond3A_793 : i32
        scf.if %cond3A_794 {
          %add3A_797 = arith.constant 3 : i32
          %add3A_798 = arith.addi %mul3A_754, %add3A_797 : i32
          %dma_start3A_799 = arith.constant 0 : i32
          %dma_start3A_800 = tpu.memref_slice %arg13[%add3A_798, %dma_start3A_799] : memref<32x64xi32, #tpu.memory_space<vmem>> -> memref<1x64xi32, #tpu.memory_space<vmem>>
          %dma_start3A_801 = tpu.memref_squeeze %dma_start3A_800 : memref<1x64xi32, #tpu.memory_space<vmem>> -> memref<64xi32, #tpu.memory_space<vmem>>
          %dma_start3A_802 = arith.constant 0 : i32
          %dma_start3A_803 = arith.constant 0 : i32
          %dma_start3A_804 = tpu.memref_slice %arg5[%dma_start3A_802, %dma_start3A_803] : memref<10240x128xf32, #tpu.memory_space<hbm>> -> memref<10240x128xf32, #tpu.memory_space<hbm>>
          tpu.enqueue_indirect_dma source(%dma_start3A_804 : memref<10240x128xf32, #tpu.memory_space<hbm>>) target(%arg16 : memref<64x128xf32, #tpu.memory_space<vmem>>) offsets(%dma_start3A_801 : memref<64xi32, #tpu.memory_space<vmem>>) semaphore(%arg21 : memref<!tpu.dma_semaphore, #tpu.memory_space<semaphore_mem>>)
          %add3A_805 = arith.constant 3 : i32
          %add3A_806 = arith.addi %mul3A_754, %add3A_805 : i32
          %dma_start3A_807 = arith.constant 0 : i32
          %dma_start3A_808 = tpu.memref_slice %arg14[%add3A_806, %dma_start3A_807] : memref<32x64xi32, #tpu.memory_space<vmem>> -> memref<1x64xi32, #tpu.memory_space<vmem>>
          %dma_start3A_809 = tpu.memref_squeeze %dma_start3A_808 : memref<1x64xi32, #tpu.memory_space<vmem>> -> memref<64xi32, #tpu.memory_space<vmem>>
          %dma_start3A_810 = arith.constant 0 : i32
          %dma_start3A_811 = arith.constant 0 : i32
          %dma_start3A_812 = tpu.memref_slice %arg9[%dma_start3A_810, %dma_start3A_811] : memref<10240x128xf32, #tpu.memory_space<hbm>> -> memref<10240x128xf32, #tpu.memory_space<hbm>>
          tpu.enqueue_indirect_dma source(%dma_start3A_812 : memref<10240x128xf32, #tpu.memory_space<hbm>>) target(%arg18 : memref<64x128xf32, #tpu.memory_space<vmem>>) offsets(%dma_start3A_809 : memref<64xi32, #tpu.memory_space<vmem>>) semaphore(%arg23 : memref<!tpu.dma_semaphore, #tpu.memory_space<semaphore_mem>>)
        } else {
        }
        %add3A_795 = arith.constant 1 : i32
        %add3A_796 = arith.addi %mul3A_754, %add3A_795 : i32
        "tpu.region"() ({
          %run_scoped3A_797 = tpu.sem_alloc : memref<!tpu.dma_semaphore, #tpu.memory_space<semaphore_mem>>
          %dma_start3A_798 = arith.constant 0 : i32
          %dma_start3A_799 = tpu.memref_slice %arg13[%add3A_796, %dma_start3A_798] : memref<32x64xi32, #tpu.memory_space<vmem>> -> memref<1x64xi32, #tpu.memory_space<vmem>>
          %dma_start3A_800 = tpu.memref_squeeze %dma_start3A_799 : memref<1x64xi32, #tpu.memory_space<vmem>> -> memref<64xi32, #tpu.memory_space<vmem>>
          %dma_start3A_801 = arith.constant 0 : i32
          %dma_start3A_802 = arith.constant 0 : i32
          %dma_start3A_803 = tpu.memref_slice %arg24[%dma_start3A_801, %dma_start3A_802] : memref<10240x128xf32, #tpu.memory_space<vmem_shared>> -> memref<10240x128xf32, #tpu.memory_space<vmem_shared>>
          tpu.enqueue_indirect_dma source(%arg19 : memref<64x128xf32, #tpu.memory_space<vmem>>) target(%dma_start3A_803 : memref<10240x128xf32, #tpu.memory_space<vmem_shared>>) offsets(%dma_start3A_800 : memref<64xi32, #tpu.memory_space<vmem>>) semaphore(%run_scoped3A_797 : memref<!tpu.dma_semaphore, #tpu.memory_space<semaphore_mem>>) {add = true}
          %dma_wait3A_804 = arith.constant 0 : i32
          %dma_wait3A_805 = tpu.memref_slice %arg13[%add3A_796, %dma_wait3A_804] : memref<32x64xi32, #tpu.memory_space<vmem>> -> memref<1x64xi32, #tpu.memory_space<vmem>>
          %dma_wait3A_806 = tpu.memref_squeeze %dma_wait3A_805 : memref<1x64xi32, #tpu.memory_space<vmem>> -> memref<64xi32, #tpu.memory_space<vmem>>
          %dma_wait3A_807 = arith.constant 0 : i32
          %dma_wait3A_808 = arith.constant 0 : i32
          %dma_wait3A_809 = tpu.memref_slice %arg24[%dma_wait3A_807, %dma_wait3A_808] : memref<10240x128xf32, #tpu.memory_space<vmem_shared>> -> memref<10240x128xf32, #tpu.memory_space<vmem_shared>>
          tpu.wait_indirect_dma semaphore(%run_scoped3A_797 : memref<!tpu.dma_semaphore, #tpu.memory_space<semaphore_mem>>) src(%arg19 : memref<64x128xf32, #tpu.memory_space<vmem>>) dst(%dma_wait3A_809 : memref<10240x128xf32, #tpu.memory_space<vmem_shared>>)
          tpu.yield
        }) : () -> ()
      }
      %scan3A_751 = arith.constant 16 : i32
    }
    %scan3A_709 = arith.constant 5 : i32
    %barrier3A_710 = arith.constant 0 : index
    tpu.barrier barrier_id(%barrier3A_710)
    %mul3A_711 = arith.constant 640 : i32
    %mul3A_712 = arith.muli %arg1, %mul3A_711 : i32
    %mul3A_713 = arith.constant 640 : i32
    %mul3A_714 = arith.muli %arg1, %mul3A_713 : i32
    %run_scoped3A_715 = arith.constant 3 : i32
    "tpu.region"() ({
      %run_scoped3A_717 = tpu.sem_alloc : memref<!tpu.dma_semaphore, #tpu.memory_space<semaphore_mem>>
      %dma_start3A_718 = arith.constant 0 : i32
      %dma_start3A_719 = tpu.memref_slice %arg12[%arg0, %run_scoped3A_715, %mul3A_714, %dma_start3A_718] : memref<2x4x10240x128xf32, #tpu.memory_space<hbm>> -> memref<1x1x640x128xf32, #tpu.memory_space<hbm>>
      %dma_start3A_720 = tpu.memref_squeeze %dma_start3A_719 : memref<1x1x640x128xf32, #tpu.memory_space<hbm>> -> memref<640x128xf32, #tpu.memory_space<hbm>>
      %dma_start3A_721 = arith.constant 0 : i32
      %dma_start3A_722 = tpu.memref_slice %arg24[%mul3A_712, %dma_start3A_721] : memref<10240x128xf32, #tpu.memory_space<vmem_shared>> -> memref<640x128xf32, #tpu.memory_space<vmem_shared>>
      tpu.enqueue_dma source(%dma_start3A_722 : memref<640x128xf32, #tpu.memory_space<vmem_shared>>) target(%dma_start3A_720 : memref<640x128xf32, #tpu.memory_space<hbm>>) target_semaphore(%run_scoped3A_717 : memref<!tpu.dma_semaphore, #tpu.memory_space<semaphore_mem>>)
      %dma_wait3A_723 = arith.constant 0 : i32
      %dma_wait3A_724 = tpu.memref_slice %arg12[%arg0, %run_scoped3A_715, %mul3A_714, %dma_wait3A_723] : memref<2x4x10240x128xf32, #tpu.memory_space<hbm>> -> memref<1x1x640x128xf32, #tpu.memory_space<hbm>>
      %dma_wait3A_725 = tpu.memref_squeeze %dma_wait3A_724 : memref<1x1x640x128xf32, #tpu.memory_space<hbm>> -> memref<640x128xf32, #tpu.memory_space<hbm>>
      %dma_wait3A_726 = arith.constant 0 : i32
      %dma_wait3A_727 = tpu.memref_slice %arg24[%mul3A_712, %dma_wait3A_726] : memref<10240x128xf32, #tpu.memory_space<vmem_shared>> -> memref<640x128xf32, #tpu.memory_space<vmem_shared>>
      tpu.wait_dma2 semaphore(%run_scoped3A_717 : memref<!tpu.dma_semaphore, #tpu.memory_space<semaphore_mem>>) src(%dma_wait3A_727 : memref<640x128xf32, #tpu.memory_space<vmem_shared>>) dst(%dma_wait3A_725 : memref<640x128xf32, #tpu.memory_space<hbm>>)
      tpu.yield
    }) : () -> ()
    %barrier3A_716 = arith.constant 0 : index
    tpu.barrier barrier_id(%barrier3A_716)
    return
  }
}

module attributes {stable_mosaic.version = 14 : i64} {
  func.func @_prep_body(%arg0: i32, %arg1: i32, %arg2: memref<1280x128xf32, #tpu.memory_space<vmem>>, %arg3: memref<128x128xf32, #tpu.memory_space<vmem>>, %arg4: memref<1x1x128xf32, #tpu.memory_space<vmem>>, %arg5: memref<1x1280x128xf32, #tpu.memory_space<vmem>>) attributes {dimension_semantics = [#tpu.dimension_semantics<arbitrary>, #tpu.dimension_semantics<arbitrary>], iteration_bounds = array<i64: 8, 8>, scalar_prefetch = 0 : i64, scratch_operands = 0 : i64, tpu.core_type = #tpu.core_type<tc>, window_params = [{transform_indices = @transform_0, window_bounds = array<i64: 1280, 128>}, {transform_indices = @transform_1, window_bounds = array<i64: 128, 128>}, {transform_indices = @transform_2, window_bounds = array<i64: 1, 1, 128>}, {transform_indices = @transform_3, window_bounds = array<i64: 1, 1280, 128>}]} {
    %get3A = arith.constant 0 : index
    %get3A_0 = arith.constant 0 : index
    %get3A_1 = vector.load %arg2[%get3A, %get3A_0] : memref<1280x128xf32, #tpu.memory_space<vmem>>, vector<1280x128xf32>
    %get3A_2 = arith.constant 0 : index
    %get3A_3 = arith.constant 0 : index
    %get3A_4 = vector.load %arg3[%get3A_2, %get3A_3] : memref<128x128xf32, #tpu.memory_space<vmem>>, vector<128x128xf32>
    %dot_general3A = arith.constant dense<0.000000e+00> : vector<1280x128xf32>
    %dot_general3A_5 = tpu.matmul %get3A_1, %get3A_4, %dot_general3A {dimension_numbers = #tpu.dot_dimension_numbers<[1], [0], [0], [1], [0, 0, 1, 1], [], []>, transpose_lhs_hint = false} : vector<1280x128xf32>, vector<128x128xf32>, vector<1280x128xf32> -> vector<1280x128xf32>
    %get3A_6 = arith.constant 0 : index
    %get3A_7 = arith.constant 0 : index
    %get3A_8 = arith.constant 0 : index
    %get3A_9 = vector.load %arg4[%get3A_6, %get3A_7, %get3A_8] : memref<1x1x128xf32, #tpu.memory_space<vmem>>, vector<1x1x128xf32>
    %get3A_10 = vector.shape_cast %get3A_9 : vector<1x1x128xf32> to vector<128xf32>
    %broadcast_in_dim3A = vector.shape_cast %get3A_10 : vector<128xf32> to vector<1x128xf32>
    %add3A = vector.broadcast %broadcast_in_dim3A : vector<1x128xf32> to vector<1280x128xf32>
    %add3A_11 = arith.addf %dot_general3A_5, %add3A : vector<1280x128xf32>
    %swap3A = arith.constant 0 : index
    %swap3A_12 = arith.constant 0 : index
    %swap3A_13 = arith.constant 0 : index
    %swap3A_14 = vector.load %arg5[%swap3A, %swap3A_12, %swap3A_13] : memref<1x1280x128xf32, #tpu.memory_space<vmem>>, vector<1x1280x128xf32>
    %swap3A_15 = vector.shape_cast %swap3A_14 : vector<1x1280x128xf32> to vector<1280x128xf32>
    %swap3A_16 = vector.shape_cast %add3A_11 : vector<1280x128xf32> to vector<1x1280x128xf32>
    tpu.vector_store %arg5[%swap3A, %swap3A_12, %swap3A_13], %swap3A_16 {strides = array<i32>} : memref<1x1280x128xf32, #tpu.memory_space<vmem>>, vector<1x1280x128xf32>,
    return
  }
  func.func @transform_0(%arg0: i32, %arg1: i32) -> (i32, i32) {
    %c0_i32 = arith.constant 0 : i32
    %c0_i32_0 = arith.constant 0 : i32
    return %arg1, %c0_i32 : i32, i32
  }
  func.func @transform_1(%arg0: i32, %arg1: i32) -> (i32, i32) {
    %c0_i32 = arith.constant 0 : i32
    %c0_i32_0 = arith.constant 0 : i32
    return %c0_i32, %arg0 : i32, i32
  }
  func.func @transform_2(%arg0: i32, %arg1: i32) -> (i32, i32, i32) {
    %c0_i32 = arith.constant 0 : i32
    %c0_i32_0 = arith.constant 0 : i32
    %c0_i32_1 = arith.constant 0 : i32
    return %arg0, %c0_i32, %c0_i32_0 : i32, i32, i32
  }
  func.func @transform_3(%arg0: i32, %arg1: i32) -> (i32, i32, i32) {
    %c0_i32 = arith.constant 0 : i32
    %c0_i32_0 = arith.constant 0 : i32
    return %arg0, %arg1, %c0_i32 : i32, i32, i32
  }
}

module attributes {stable_mosaic.version = 14 : i64} {
  func.func @_post_body(%arg0: i32, %arg1: memref<2x4x1000x128xf32, #tpu.memory_space<vmem>>, %arg2: memref<1000x128xf32, #tpu.memory_space<vmem>>, %arg3: memref<256x256xf32, #tpu.memory_space<vmem>>, %arg4: memref<256x256xf32, #tpu.memory_space<vmem>>, %arg5: memref<256x256xf32, #tpu.memory_space<vmem>>, %arg6: memref<128x256xf32, #tpu.memory_space<vmem>>, %arg7: memref<1x256xf32, #tpu.memory_space<vmem>>, %arg8: memref<256x128xf32, #tpu.memory_space<vmem>>, %arg9: memref<1x128xf32, #tpu.memory_space<vmem>>, %arg10: memref<1000x128xf32, #tpu.memory_space<vmem>>) attributes {dimension_semantics = [#tpu.dimension_semantics<arbitrary>], iteration_bounds = array<i64: 10>, scalar_prefetch = 0 : i64, scratch_operands = 0 : i64, tpu.core_type = #tpu.core_type<tc>, window_params = [{transform_indices = @transform_0, window_bounds = array<i64: 2, 4, 1000, 128>}, {transform_indices = @transform_1, window_bounds = array<i64: 1000, 128>}, {pipeline_mode = #tpu.pipeline_mode<synchronous>, transform_indices = @transform_2, window_bounds = array<i64: 256, 256>}, {pipeline_mode = #tpu.pipeline_mode<synchronous>, transform_indices = @transform_3, window_bounds = array<i64: 256, 256>}, {pipeline_mode = #tpu.pipeline_mode<synchronous>, transform_indices = @transform_4, window_bounds = array<i64: 256, 256>}, {pipeline_mode = #tpu.pipeline_mode<synchronous>, transform_indices = @transform_5, window_bounds = array<i64: 128, 256>}, {pipeline_mode = #tpu.pipeline_mode<synchronous>, transform_indices = @transform_6, window_bounds = array<i64: 1, 256>}, {pipeline_mode = #tpu.pipeline_mode<synchronous>, transform_indices = @transform_7, window_bounds = array<i64: 256, 128>}, {pipeline_mode = #tpu.pipeline_mode<synchronous>, transform_indices = @transform_8, window_bounds = array<i64: 1, 128>}, {transform_indices = @transform_9, window_bounds = array<i64: 1000, 128>}]} {
    %get3A = arith.constant 0 : index
    %get3A_0 = arith.constant 0 : index
    %get3A_1 = arith.constant 0 : index
    %get3A_2 = arith.constant 0 : index
    %get3A_3 = vector.load %arg1[%get3A, %get3A_0, %get3A_1, %get3A_2] : memref<2x4x1000x128xf32, #tpu.memory_space<vmem>>, vector<1x1x1000x128xf32>
    %get3A_4 = vector.shape_cast %get3A_3 : vector<1x1x1000x128xf32> to vector<1000x128xf32>
    %get3A_5 = arith.constant 1 : index
    %get3A_6 = arith.constant 0 : index
    %get3A_7 = arith.constant 0 : index
    %get3A_8 = arith.constant 0 : index
    %get3A_9 = vector.load %arg1[%get3A_5, %get3A_6, %get3A_7, %get3A_8] : memref<2x4x1000x128xf32, #tpu.memory_space<vmem>>, vector<1x1x1000x128xf32>
    %get3A_10 = vector.shape_cast %get3A_9 : vector<1x1x1000x128xf32> to vector<1000x128xf32>
    %add3A = arith.addf %get3A_4, %get3A_10 : vector<1000x128xf32>
    %get3A_11 = arith.constant 0 : index
    %get3A_12 = arith.constant 1 : index
    %get3A_13 = arith.constant 0 : index
    %get3A_14 = arith.constant 0 : index
    %get3A_15 = vector.load %arg1[%get3A_11, %get3A_12, %get3A_13, %get3A_14] : memref<2x4x1000x128xf32, #tpu.memory_space<vmem>>, vector<1x1x1000x128xf32>
    %get3A_16 = vector.shape_cast %get3A_15 : vector<1x1x1000x128xf32> to vector<1000x128xf32>
    %get3A_17 = arith.constant 1 : index
    %get3A_18 = arith.constant 1 : index
    %get3A_19 = arith.constant 0 : index
    %get3A_20 = arith.constant 0 : index
    %get3A_21 = vector.load %arg1[%get3A_17, %get3A_18, %get3A_19, %get3A_20] : memref<2x4x1000x128xf32, #tpu.memory_space<vmem>>, vector<1x1x1000x128xf32>
    %get3A_22 = vector.shape_cast %get3A_21 : vector<1x1x1000x128xf32> to vector<1000x128xf32>
    %add3A_23 = arith.addf %get3A_16, %get3A_22 : vector<1000x128xf32>
    %concatenate3A = tpu.concatenate %add3A, %add3A_23 in 1 : vector<1000x128xf32>, vector<1000x128xf32> -> vector<1000x256xf32>
    %get3A_24 = arith.constant 0 : index
    %get3A_25 = arith.constant 2 : index
    %get3A_26 = arith.constant 0 : index
    %get3A_27 = arith.constant 0 : index
    %get3A_28 = vector.load %arg1[%get3A_24, %get3A_25, %get3A_26, %get3A_27] : memref<2x4x1000x128xf32, #tpu.memory_space<vmem>>, vector<1x1x1000x128xf32>
    %get3A_29 = vector.shape_cast %get3A_28 : vector<1x1x1000x128xf32> to vector<1000x128xf32>
    %get3A_30 = arith.constant 1 : index
    %get3A_31 = arith.constant 2 : index
    %get3A_32 = arith.constant 0 : index
    %get3A_33 = arith.constant 0 : index
    %get3A_34 = vector.load %arg1[%get3A_30, %get3A_31, %get3A_32, %get3A_33] : memref<2x4x1000x128xf32, #tpu.memory_space<vmem>>, vector<1x1x1000x128xf32>
    %get3A_35 = vector.shape_cast %get3A_34 : vector<1x1x1000x128xf32> to vector<1000x128xf32>
    %add3A_36 = arith.addf %get3A_29, %get3A_35 : vector<1000x128xf32>
    %get3A_37 = arith.constant 0 : index
    %get3A_38 = arith.constant 3 : index
    %get3A_39 = arith.constant 0 : index
    %get3A_40 = arith.constant 0 : index
    %get3A_41 = vector.load %arg1[%get3A_37, %get3A_38, %get3A_39, %get3A_40] : memref<2x4x1000x128xf32, #tpu.memory_space<vmem>>, vector<1x1x1000x128xf32>
    %get3A_42 = vector.shape_cast %get3A_41 : vector<1x1x1000x128xf32> to vector<1000x128xf32>
    %get3A_43 = arith.constant 1 : index
    %get3A_44 = arith.constant 3 : index
    %get3A_45 = arith.constant 0 : index
    %get3A_46 = arith.constant 0 : index
    %get3A_47 = vector.load %arg1[%get3A_43, %get3A_44, %get3A_45, %get3A_46] : memref<2x4x1000x128xf32, #tpu.memory_space<vmem>>, vector<1x1x1000x128xf32>
    %get3A_48 = vector.shape_cast %get3A_47 : vector<1x1x1000x128xf32> to vector<1000x128xf32>
    %add3A_49 = arith.addf %get3A_42, %get3A_48 : vector<1000x128xf32>
    %concatenate3A_50 = tpu.concatenate %add3A_36, %add3A_49 in 1 : vector<1000x128xf32>, vector<1000x128xf32> -> vector<1000x256xf32>
    %get3A_51 = arith.constant 0 : index
    %get3A_52 = arith.constant 0 : index
    %get3A_53 = vector.load %arg3[%get3A_51, %get3A_52] : memref<256x256xf32, #tpu.memory_space<vmem>>, vector<256x256xf32>
    %dot_general3A = arith.constant dense<0.000000e+00> : vector<1000x256xf32>
    %dot_general3A_54 = tpu.matmul %concatenate3A, %get3A_53, %dot_general3A {dimension_numbers = #tpu.dot_dimension_numbers<[1], [0], [0], [1], [0, 0, 1, 1], [], []>, transpose_lhs_hint = false} : vector<1000x256xf32>, vector<256x256xf32>, vector<1000x256xf32> -> vector<1000x256xf32>
    %get3A_55 = arith.constant 0 : index
    %get3A_56 = arith.constant 0 : index
    %get3A_57 = vector.load %arg4[%get3A_55, %get3A_56] : memref<256x256xf32, #tpu.memory_space<vmem>>, vector<256x256xf32>
    %dot_general3A_58 = arith.constant dense<0.000000e+00> : vector<1000x256xf32>
    %dot_general3A_59 = tpu.matmul %concatenate3A_50, %get3A_57, %dot_general3A_58 {dimension_numbers = #tpu.dot_dimension_numbers<[1], [0], [0], [1], [0, 0, 1, 1], [], []>, transpose_lhs_hint = false} : vector<1000x256xf32>, vector<256x256xf32>, vector<1000x256xf32> -> vector<1000x256xf32>
    %add3A_60 = arith.addf %dot_general3A_54, %dot_general3A_59 : vector<1000x256xf32>
    %get3A_61 = arith.constant 0 : index
    %get3A_62 = arith.constant 0 : index
    %get3A_63 = vector.load %arg2[%get3A_61, %get3A_62] : memref<1000x128xf32, #tpu.memory_space<vmem>>, vector<1000x128xf32>
    %get3A_64 = arith.constant 0 : index
    %get3A_65 = arith.constant 0 : index
    %get3A_66 = vector.load %arg5[%get3A_64, %get3A_65] : memref<256x256xf32, #tpu.memory_space<vmem>>, vector<256x256xf32>
    %dot_general3A_67 = arith.constant dense<0.000000e+00> : vector<1000x256xf32>
    %dot_general3A_68 = tpu.matmul %add3A_60, %get3A_66, %dot_general3A_67 {dimension_numbers = #tpu.dot_dimension_numbers<[1], [0], [0], [1], [0, 0, 1, 1], [], []>, transpose_lhs_hint = false} : vector<1000x256xf32>, vector<256x256xf32>, vector<1000x256xf32> -> vector<1000x256xf32>
    %get3A_69 = arith.constant 0 : index
    %get3A_70 = arith.constant 0 : index
    %get3A_71 = vector.load %arg6[%get3A_69, %get3A_70] : memref<128x256xf32, #tpu.memory_space<vmem>>, vector<128x256xf32>
    %dot_general3A_72 = arith.constant dense<0.000000e+00> : vector<1000x256xf32>
    %dot_general3A_73 = tpu.matmul %get3A_63, %get3A_71, %dot_general3A_72 {dimension_numbers = #tpu.dot_dimension_numbers<[1], [0], [0], [1], [0, 0, 1, 1], [], []>, transpose_lhs_hint = false} : vector<1000x128xf32>, vector<128x256xf32>, vector<1000x256xf32> -> vector<1000x256xf32>
    %add3A_74 = arith.addf %dot_general3A_68, %dot_general3A_73 : vector<1000x256xf32>
    %get3A_75 = arith.constant 0 : index
    %get3A_76 = arith.constant 0 : index
    %get3A_77 = vector.load %arg7[%get3A_75, %get3A_76] : memref<1x256xf32, #tpu.memory_space<vmem>>, vector<1x256xf32>
    %get3A_78 = vector.shape_cast %get3A_77 : vector<1x256xf32> to vector<256xf32>
    %broadcast_in_dim3A = vector.shape_cast %get3A_78 : vector<256xf32> to vector<1x256xf32>
    %add3A_79 = vector.broadcast %broadcast_in_dim3A : vector<1x256xf32> to vector<1000x256xf32>
    %add3A_80 = arith.addf %add3A_74, %add3A_79 : vector<1000x256xf32>
    %max3A = arith.constant 0.000000e+00 : f32
    %max3A_81 = vector.broadcast %max3A : f32 to vector<1000x256xf32>
    %max3A_82 = arith.maximumf %add3A_80, %max3A_81 : vector<1000x256xf32>
    %get3A_83 = arith.constant 0 : index
    %get3A_84 = arith.constant 0 : index
    %get3A_85 = vector.load %arg8[%get3A_83, %get3A_84] : memref<256x128xf32, #tpu.memory_space<vmem>>, vector<256x128xf32>
    %dot_general3A_86 = arith.constant dense<0.000000e+00> : vector<1000x128xf32>
    %dot_general3A_87 = tpu.matmul %max3A_82, %get3A_85, %dot_general3A_86 {dimension_numbers = #tpu.dot_dimension_numbers<[1], [0], [0], [1], [0, 0, 1, 1], [], []>, transpose_lhs_hint = false} : vector<1000x256xf32>, vector<256x128xf32>, vector<1000x128xf32> -> vector<1000x128xf32>
    %add3A_88 = arith.addf %get3A_63, %dot_general3A_87 : vector<1000x128xf32>
    %get3A_89 = arith.constant 0 : index
    %get3A_90 = arith.constant 0 : index
    %get3A_91 = vector.load %arg9[%get3A_89, %get3A_90] : memref<1x128xf32, #tpu.memory_space<vmem>>, vector<1x128xf32>
    %get3A_92 = vector.shape_cast %get3A_91 : vector<1x128xf32> to vector<128xf32>
    %broadcast_in_dim3A_93 = vector.shape_cast %get3A_92 : vector<128xf32> to vector<1x128xf32>
    %add3A_94 = vector.broadcast %broadcast_in_dim3A_93 : vector<1x128xf32> to vector<1000x128xf32>
    %add3A_95 = arith.addf %add3A_88, %add3A_94 : vector<1000x128xf32>
    %swap3A = arith.constant 0 : index
    %swap3A_96 = arith.constant 0 : index
    %swap3A_97 = vector.load %arg10[%swap3A, %swap3A_96] : memref<1000x128xf32, #tpu.memory_space<vmem>>, vector<1000x128xf32>
    tpu.vector_store %arg10[%swap3A, %swap3A_96], %add3A_95 {strides = array<i32>} : memref<1000x128xf32, #tpu.memory_space<vmem>>, vector<1000x128xf32>,
    return
  }
  func.func @transform_0(%arg0: i32) -> (i32, i32, i32, i32) {
    %c0_i32 = arith.constant 0 : i32
    %c0_i32_0 = arith.constant 0 : i32
    %c0_i32_1 = arith.constant 0 : i32
    %c0_i32_2 = arith.constant 0 : i32
    return %c0_i32, %c0_i32_0, %arg0, %c0_i32_1 : i32, i32, i32, i32
  }
  func.func @transform_1(%arg0: i32) -> (i32, i32) {
    %c0_i32 = arith.constant 0 : i32
    %c0_i32_0 = arith.constant 0 : i32
    return %arg0, %c0_i32 : i32, i32
  }
  func.func @transform_2(%arg0: i32) -> (i32, i32) {
    %c0_i32 = arith.constant 0 : i32
    %c0_i32_0 = arith.constant 0 : i32
    %c0_i32_1 = arith.constant 0 : i32
    return %c0_i32, %c0_i32_0 : i32, i32
  }
  func.func @transform_3(%arg0: i32) -> (i32, i32) {
    %c0_i32 = arith.constant 0 : i32
    %c0_i32_0 = arith.constant 0 : i32
    %c0_i32_1 = arith.constant 0 : i32
    return %c0_i32, %c0_i32_0 : i32, i32
  }
  func.func @transform_4(%arg0: i32) -> (i32, i32) {
    %c0_i32 = arith.constant 0 : i32
    %c0_i32_0 = arith.constant 0 : i32
    %c0_i32_1 = arith.constant 0 : i32
    return %c0_i32, %c0_i32_0 : i32, i32
  }
  func.func @transform_5(%arg0: i32) -> (i32, i32) {
    %c0_i32 = arith.constant 0 : i32
    %c0_i32_0 = arith.constant 0 : i32
    %c0_i32_1 = arith.constant 0 : i32
    return %c0_i32, %c0_i32_0 : i32, i32
  }
  func.func @transform_6(%arg0: i32) -> (i32, i32) {
    %c0_i32 = arith.constant 0 : i32
    %c0_i32_0 = arith.constant 0 : i32
    %c0_i32_1 = arith.constant 0 : i32
    return %c0_i32, %c0_i32_0 : i32, i32
  }
  func.func @transform_7(%arg0: i32) -> (i32, i32) {
    %c0_i32 = arith.constant 0 : i32
    %c0_i32_0 = arith.constant 0 : i32
    %c0_i32_1 = arith.constant 0 : i32
    return %c0_i32, %c0_i32_0 : i32, i32
  }
  func.func @transform_8(%arg0: i32) -> (i32, i32) {
    %c0_i32 = arith.constant 0 : i32
    %c0_i32_0 = arith.constant 0 : i32
    %c0_i32_1 = arith.constant 0 : i32
    return %c0_i32, %c0_i32_0 : i32, i32
  }
  func.func @transform_9(%arg0: i32) -> (i32, i32) {
    %c0_i32 = arith.constant 0 : i32
    %c0_i32_0 = arith.constant 0 : i32
    return %arg0, %c0_i32 : i32, i32
  }
}

</mosaic_0001>

<sc_bundles>
// kernel: kernel.5.cloned.1.call-start
scs
__scs_entry_jumppad:
0x0: {  	(pc) =	sbr.rel $0x88, $3  }
0x1: {  	(tag) =	ssettag $0x0;
	lr =	simm.s32 $0x1  }
0x2: {  	[smem:$0x3F92] =	sst lr;
	_ =	strace $0xD0000000  }
0x3: {  	_ = 	snop  }
0x4: {  	_ = 	snop  }
0x5: {  	_ = 	snop  }
0x6: {  	_ = 	snop  }
0x7: {  	_ = 	snop  }
__scs_overlays_trampoline_lowered:
0x8: {  	[smem:$0x3FA1] =	sst s0  }
0x9: {  	[smem:$0x3FA2] =	sst s1  }
0xa: {  	[smem:$0x3FA3] =	sst s2  }
0xb: {  	[smem:$0x3FA4] =	sst s3  }
0xc: {  	[smem:$0x3FA5] =	sst s4  }
0xd: {  	[smem:$0x3FA6] =	sst s5  }
0xe: {  	[smem:$0x3FA7] =	sst s6  }
0xf: {  	[smem:$0x3FA8] =	sst s7  }
0x10: {  	[smem:$0x3FA9] =	sst s8  }
0x11: {  	[smem:$0x3FAA] =	sst s9;
	s0 =	simm.s32 @!p0 $0x0  }
0x12: {  	s1 =	sld [smem:$0x3F90];
	s0 =	simm.s32 @p0 $0x1  }
0x13: {  	[smem:$0x3FAB] =	sst s0;
	s0 =	simm.s32 @!p1 $0x0  }
0x14: {  	s2 =	sld [smem:$0x3F8F];
	s0 =	simm.s32 @p1 $0x1  }
0x15: {  	[smem:$0x3FAC] =	sst s0;
	s0 =	simm.s32 @!p2 $0x0  }
0x16: {  	s3 =	sld [smem:$0x3FDB];
	s0 =	simm.s32 @p2 $0x1  }
0x17: {  	s4 =	simm.s32 $0x1BF5;
	[smem:$0x3FAE] =	sst s0  }
0x18: {  	s0 =	sld [smem:$0x3F91];
	_ =	swait.ge [sflag:s4], $0x0  }
0x19: {  	s7 =	sld [smem:$0x3F92]  }
0x1a: {  	s8 =	sadd.s32 $0xFFFFE003, lr  }
0x1b: {  	s9 =	sadd.s32 $0xFFFFFEF7, lr;
	s5 =	simm.s32 $0xFFFFFFFF;
	p2 =	slt.u32 s8, $0xFFFFF086  }
0x1c: {  	p1 =	slt.u32 s9, $0xF7A;
	s5 =	simm.s32 @!p2 $0x0  }
0x1d: {  	s5 =	simm.s32 @p1 $0x1;
	p0 =	seq.s32 s7, s2  }
0x1e: {  	s7 =	smul.u32 @!p0 $0xF7A, s2;
	p2 =	seq.s32 @!p0 s5, $0x0  }
0x1f: {  	s9 =	smul.u32 $0xF7A, s1;
	s8 =	simm.s32 @!p0 $0x1BF5;
	p2 =	por !p2, p0  }
0x20: {  	[sflag:s8] =	ssyncset.s32 @!p0 $0xFFFFF086;
	s6 =	sadd.s32 @!p0 s3, s7;
	s7 =	simm.s32 @!p0 $0x108  }
0x21: {  	s3 =	sadd.s32 s3, s9;
	s6 =	sadd.s32 @!p0 $0x88, s6;
	s7 =	simm.s32 @p2 $0x1082  }
0x22: {  	[simem:s7], [sflag:s8] =	dma.local @!p0 [hbm:s6], $0xF7A  }
0x23: {  	s9 =	sor.u32 $0xD0000000, s2;
	s6 =	simm.s32 $0x108;
	_ =	swait.ge @!p0 [sflag:s8], $0x0  }
0x24: {  	s3 =	sadd.s32 $0x88, s3;
	s6 =	simm.s32 @!p1 $0x1082;
	[sflag:s4] =	ssyncset.s32 $0xFFFFF086  }
0x25: {  	[simem:s6], [sflag:s4] =	dma.local [hbm:s3], $0xF7A  }
0x26: {  	[smem:$0x3F92] =	sst s1;
	(tag) =	ssettag s2;
	_ =	strace s9  }
0x27: {  	s1 =	sld [smem:$0x3FA2]  }
0x28: {  	s2 =	sld [smem:$0x3FA3]  }
0x29: {  	s4 =	sld [smem:$0x3FA5]  }
0x2a: {  	p0 =	seq.s32 s5, $0x0;
	s5 =	sld [smem:$0x3FA6]  }
0x2b: {  	s6 =	sld [smem:$0x3FA7]  }
0x2c: {  	s7 =	sld [smem:$0x3FA8]  }
0x2d: {  	s3 =	simm.s32 $0x108;
	s8 =	sld [smem:$0x3FA9]  }
0x2e: {  	s3 =	simm.s32 @!p0 $0x1082;
	s9 =	sld [smem:$0x3FAA]  }
0x2f: {  	lr =	sadd.s32 s0, s3;
	s0 =	sld [smem:$0x3FA1]  }
0x30: {  	s3 =	sld [smem:$0x3FA4]  }
0x31: {  	[smem:$0x3FAD] =	sst s10  }
0x32: {  	s10 =	sld [smem:$0x3FAB];
	_ =	sdelay $0x3  }
0x33: {  	p0 =	seq.s32 s10, $0x1;
	s10 =	sld [smem:$0x3FAD];
	_ =	sdelay $0x3  }
0x34: {  	[smem:$0x3FAD] =	sst s10  }
0x35: {  	s10 =	sld [smem:$0x3FAC];
	_ =	sdelay $0x3  }
0x36: {  	p1 =	seq.s32 s10, $0x1;
	s10 =	sld [smem:$0x3FAD];
	_ =	sdelay $0x3  }
0x37: {  	[smem:$0x3FAD] =	sst s10  }
0x38: {  	s10 =	sld [smem:$0x3FAE]  }
0x39: {  	_ = 	snop;
	(pc) =	sbr.ind lr, $3  }
0x3a: {  	_ = 	snop  }
0x3b: {  	_ = 	snop  }
0x3c: {  	p2 =	seq.s32 s10, $0x1;
	s10 =	sld [smem:$0x3FAD]  }
0x3d: {  	_ =	shalt  }
0x3e: {  	_ =	shalt  }
0x3f: {  	_ =	shalt  }
0x40: {  	_ =	shalt  }
0x41: {  	_ =	shalt  }
0x42: {  	_ =	shalt  }
0x43: {  	_ =	shalt  }
0x44: {  	_ =	shalt  }
0x45: {  	_ =	shalt  }
0x46: {  	_ =	shalt  }
0x47: {  	_ =	shalt  }
0x48: {  	_ =	shalt  }
0x49: {  	_ =	shalt  }
0x4a: {  	_ =	shalt  }
0x4b: {  	_ =	shalt  }
0x4c: {  	_ =	shalt  }
0x4d: {  	_ =	shalt  }
0x4e: {  	_ =	shalt  }
0x4f: {  	_ =	shalt  }
0x50: {  	_ =	shalt  }
0x51: {  	_ =	shalt  }
0x52: {  	_ =	shalt  }
0x53: {  	_ =	shalt  }
0x54: {  	_ =	shalt  }
0x55: {  	_ =	shalt  }
0x56: {  	_ =	shalt  }
0x57: {  	_ =	shalt  }
0x58: {  	_ =	shalt  }
0x59: {  	_ =	shalt  }
0x5a: {  	_ =	shalt  }
0x5b: {  	_ =	shalt  }
0x5c: {  	_ =	shalt  }
0x5d: {  	_ =	shalt  }
0x5e: {  	_ =	shalt  }
0x5f: {  	_ =	shalt  }
0x60: {  	_ =	shalt  }
0x61: {  	_ =	shalt  }
0x62: {  	_ =	shalt  }
0x63: {  	_ =	shalt  }
0x64: {  	_ =	shalt  }
0x65: {  	_ =	shalt  }
0x66: {  	_ =	shalt  }
0x67: {  	_ =	shalt  }
0x68: {  	_ =	shalt  }
0x69: {  	_ =	shalt  }
0x6a: {  	_ =	shalt  }
0x6b: {  	_ =	shalt  }
0x6c: {  	_ =	shalt  }
0x6d: {  	_ =	shalt  }
0x6e: {  	_ =	shalt  }
0x6f: {  	_ =	shalt  }
0x70: {  	_ =	shalt  }
0x71: {  	_ =	shalt  }
0x72: {  	_ =	shalt  }
0x73: {  	_ =	shalt  }
0x74: {  	_ =	shalt  }
0x75: {  	_ =	shalt  }
0x76: {  	_ =	shalt  }
0x77: {  	_ =	shalt  }
0x78: {  	_ =	shalt  }
0x79: {  	_ =	shalt  }
0x7a: {  	_ =	shalt  }
0x7b: {  	_ =	shalt  }
0x7c: {  	_ =	shalt  }
0x7d: {  	_ =	shalt  }
0x7e: {  	_ =	shalt  }
0x7f: {  	_ =	shalt  }
0x80: {  	_ =	shalt  }
0x81: {  	_ =	shalt  }
0x82: {  	_ =	shalt  }
0x83: {  	_ =	shalt  }
0x84: {  	_ =	shalt  }
0x85: {  	_ =	shalt  }
0x86: {  	_ =	shalt  }
0x87: {  	_ =	shalt  }
.Lfunc_end0:
.L_simem_size_0:
called_computation_lowered:
.L_overlay_start_0:
0x88: {  	s2 =	sld [smem:$0x3FD9]  }
0x89: {  	s3 =	sld [smem:$0x3FFE];
	_ =	sdelay $0x1  }
0x8a: {  	s1 =	srdreg.scid  }
0x8b: {  	s0 =	sand.u32 $0x1, s1  }
0x8c: {  	s17 =	sshll.u32 s0, $0xA;
	s2 =	sadd.s32 s3, s2  }
0x8d: {  	s2 =	sadd.s32 s2, s17  }
0x8e: {  	[smem:$0x3FB9] =	sst s2  }
0x8f: {  	_ = 	snop  }
0x90: {  	s2 =	sld [smem:$0x3FD0];
	(tm) =	ssettm $0x1  }
0x91: {  	s18 =	sld [smem:$0x3FFB];
	_ =	sdelay $0x3  }
0x92: {  	_ =	strace s18  }
0x93: {  	s3 =	sld [smem:$0x3FFC];
	_ =	sdelay $0x3  }
0x94: {  	_ =	strace s3  }
0x95: {  	s3 =	sld [smem:$0x3FFD];
	_ =	sdelay $0x3  }
0x96: {  	_ =	strace s3  }
0x97: {  	_ =	strace $0x8FFFFFFF  }
0x98: {  	s19 =	sld [smem:$0x3FDB];
	_ =	sdelay $0x1  }
0x99: {  	s4 =	simm.s32 $_scs_section_size  }
0x9a: {  	s5 =	simm.s32 $_size__tile_overlayer_lowered;
	s6 =	simm.s32 $_tile_overlayer_lowered  }
0x9b: {  	s22 =	simm.s32 $0x1BFF;
	s21 =	sshll.u32 s6, $0x1;
	s3 =	sadd.s32 s4, s19  }
0x9c: {  	s7 =	simm.s32 $0x0;
	s20 =	sshll.u32 s5, $0x1;
	s5 =	sadd.s32 s21, s3  }
0x9d: {  	[timem:s7], [sflag:s22] =	dma.local [hbm:s5], s20  }
0x9e: {  	_ =	swait.ge [sflag:s22], s20  }
0x9f: {  	s4 =	ssub.s32 $0x0, s20;
	[sflag:s22] =	ssyncset.done $0x0  }
0xa0: {  	[sflag:s22] =	ssyncadd.s32 s4;
	_ =	sdelay $0x1  }
0xa1: {  	s23 =	simm.s32 $0x1B8B  }
0xa2: {  	_ =	swait.ge [sflag:s23], $0x1  }
0xa3: {  	[sflag:s23] =	ssyncset.done $0x0  }
0xa4: {  	s25 =	simm.s32 $0x1B8E;
	s24 =	sld [smem:$0x3FFE];
	[sflag:s23] =	ssyncadd.s32 $0xFFFFFFFF  }
0xa5: {  	s26 =	simm.s32 $execute0_lowered;
	[smem:$0x3FD2] =	sst s25  }
0xa6: {  	s5 =	sshll.u32 s26, $0x1;
	_ =	strace $0x80000046;
	[dreg:$0x1] =	wrdreg $0xFFFFFFFF  }
0xa7: {  	s28 =	simm.s32 $_size_execute0_lowered;
	s3 =	sadd.s32 s3, s5;
	[dreg:$0x0] =	wrdreg $0x0  }
0xa8: {  	s5 =	sshll.u32 s28, $0x1;
	[dreg:$0x2] =	wrdreg s3  }
0xa9: {  	[dreg:$0x3] =	wrdreg s5  }
0xaa: {  	[dreg:$0x4] =	wrdreg $0xC0  }
0xab: {  	_ =	task [dreg:s7], $0x5FFFF  }
0xac: {  	[dreg:$0x1] =	wrdreg $0xFFFFFFFF  }
0xad: {  	[dreg:$0x0] =	wrdreg $0x60  }
0xae: {  	[dreg:$0x2] =	wrdreg s24  }
0xaf: {  	[dreg:$0x3] =	wrdreg s2  }
0xb0: {  	[dreg:$0x4] =	wrdreg $0xC0000  }
0xb1: {  	[dreg:$0x5] =	wrdreg $0x9  }
0xb2: {  	_ =	task.clear_ibuf [dreg:s7], $0x6FFFF;
	_ =	strace $0x90000046  }
0xb3: {  	s29 =	simm.s32 $0x9;
	_ =	strace $0x80000048  }
0xb4: {  	_ =	swait.ge [sflag:s29], $0x1  }
0xb5: {  	[sflag:s29] =	ssyncadd.s32 $0xFFFFFFFF  }
0xb6: {  	_ =	strace $0x90000048  }
0xb7: {  	_ =	sfence  }
0xb8: {  	s30 =	sld [smem:$0x0];
	_ =	sdelay $0x2  }
0xb9: {  	s31 =	sshll.u32 s1, $0xD;
	s1 =	sshrl.u32 s1, $0x2  }
0xba: {  	s3 =	sand.u32 $0x4000, s31;
	s1 =	sadd.s32 s1, s30  }
0xbb: {  	s0 =	sor.u32 s3, s0;
	s1 =	sshll.u32 s1, $0x11  }
0xbc: {  	s0 =	sor.u32 s1, s0  }
0xbd: {  	s0 =	sadd.s32 $0x8F2B, s0  }
0xbe: {  	[sflag:s0] =	ssyncadd.remote.s32 $0x1  }
0xbf: {  	_ =	sfence.sel $0xFFFF  }
0xc0: {  	[dreg:$0x0] =	wrdreg $0xFFFFFFFF;
	(pc) =	sbr.abs _section_cstart, $3  }
0xc1: {  	[dreg:$0x1] =	wrdreg $0xFFFFFFFF  }
0xc2: {  	_ =	task.clear_ibuf [dreg:s7], $0x2FFFF;
	_ =	strace $0x9FFFFFFF  }
0xc3: {  	(tm) =	ssettm $0x7FFFFFFF  }
tec
execute0_lowered:
.L_overlay_start_1:
0x0: {  	(tag) =	ssettag $0x1  }
0x1: {  	s0 =	rddreg [dreg:$0x0]  }
0x2: {  	s2 =	rddreg [dreg:$0x2];
	s15 =	simm.s32 $0x0  }
0x3: {  	s1 =	srdreg.scid;
	s13 =	stileid.u32;
	s31 =	simm.s32 $0xA000  }
0x4: {  	[smem:$0x7FF] =	sst s15;
	s1 =	sand.u32 $0x1, s1;
	s4 =	smul.u32 $0x14000, s13  }
0x5: {  	s28 =	smul.u32 $0x50000, s13;
	s14 =	sadd.s32 $0x2C00, s0;
	s13 =	sshll.u32 s13, $0x1  }
0x6: {  	s3 =	smul.u32 $0x500000, s1;
	s29 =	ssub.s32 $0x2, s1;
	s1 =	sor.u32 s1, s13  }
0x7: {  	_ =	strace $0x80000047;
	s30 =	sshrl.u32 s29, $0x1;
	s1 =	smul.u32 $0x5000, s1  }
0x8: {  	[dreg:$0x5] =	wrdreg s14;
	s3 =	sadd.s32 s4, s3;
	s21 =	ssub.s32 s29, s30  }
0x9: {  	s4 =	sshrl.u32 s28, $0x2;
	[dreg:$0xc] =	wrdreg s1;
	s25 =	smax.u32 s21, $0x1  }
0xa: {  	s5 =	sadd.s32 $0x25AC00, s0;
	s4 =	sadd.s32 s4, s2;
	[dreg:$0x11] =	wrdreg s25  }
0xb: {  	s6 =	sadd.s32 $0x232C00, s0;
	s16 =	sadd.s32 $0x2000, s4;
	[dreg:$0x6] =	wrdreg s4  }
0xc: {  	s7 =	sadd.s32 $0x20AC00, s0;
	s17 =	sadd.s32 $0x4000, s4;
	[dreg:$0x7] =	wrdreg s16  }
0xd: {  	s8 =	sadd.s32 $0x1E2C00, s0;
	s18 =	sadd.s32 $0x6000, s4;
	[dreg:$0x8] =	wrdreg s17  }
0xe: {  	s9 =	sadd.s32 $0x1BAC00, s0;
	s19 =	sadd.s32 $0x8000, s4;
	[dreg:$0x9] =	wrdreg s18  }
0xf: {  	s10 =	sadd.s32 $0x192C00, s0;
	s20 =	sadd.s32 $0xA000, s4;
	[dreg:$0xa] =	wrdreg s19  }
0x10: {  	s11 =	sadd.s32 $0x16AC00, s0;
	s26 =	sadd.s32 $0xC000, s4;
	[dreg:$0xb] =	wrdreg s20  }
0x11: {  	s12 =	sadd.s32 $0x142C00, s0;
	s28 =	sadd.s32 $0xE000, s4;
	[dreg:$0x12] =	wrdreg s26  }
0x12: {  	s3 =	sshrl.u32 s3, $0x3;
	s29 =	sadd.s32 $0x10000, s4;
	[dreg:$0x13] =	wrdreg s28  }
0x13: {  	s0 =	sadd.s32 s3, s0;
	s30 =	sadd.s32 $0x12000, s4;
	[dreg:$0x14] =	wrdreg s29  }
0x14: {  	s4 =	simm.s32 $0x5;
	s22 =	sadd.s32 $0x282C00, s0;
	[dreg:$0x15] =	wrdreg s30  }
0x15: {  	s23 =	sadd.s32 $0x2AAC00, s0;
	s24 =	sadd.s32 $0x2D2C00, s0;
	[dreg:$0xd] =	wrdreg s22  }
0x16: {  	s0 =	sadd.s32 $0x2FAC00, s0;
	s18 =	simm.s32 $0x3;
	[dreg:$0xe] =	wrdreg s23  }
0x17: {  	s19 =	simm.s32 $0x2;
	s26 =	simm.s32 $0x4;
	[dreg:$0xf] =	wrdreg s24  }
0x18: {  	v0 =	vimm.f32 $0.0e+00;
	[dreg:$0x10] =	wrdreg s0;
	s0 =	simm.s32 $0x1;
	s22 =	simm.s32 $0x40  }
.LBB2_1:
0x19: {  	[dreg:$0x4] =	wrdreg s15;
	s1 =	simm.s32 $0x0;
	s3 =	simm.s32 $0x200  }
.LBB2_2:
0x1a: {  	p0 =	sne.s32 s3, $0x7E00;
	[tilespmem:s1+$0xA070] =	vst v0  }
0x1b: {  	[tilespmem:s1+$0xA000] =	vst v0  }
0x1c: {  	[tilespmem:s1+$0xA010] =	vst v0  }
.Ltmp0:
0x1d: {  	[tilespmem:s1+$0xA020] =	vst v0;
	(pc) =	sbr.rel @p0 .LBB2_2-.Ltmp0, $4  }
0x1e: {  	[tilespmem:s1+$0xA030] =	vst v0  }
0x1f: {  	[tilespmem:s1+$0xA040] =	vst v0  }
0x20: {  	[tilespmem:s1+$0xA050] =	vst v0  }
0x21: {  	[tilespmem:s1+$0xA060] =	vst v0;
	s1 =	sshra.s32 s3, $0x2;
	s3 =	sadd.s32 $0x200, s3  }
0x22: {  	[tilespmem:s1+$0xA070] =	vst v0  }
0x23: {  	[tilespmem:s1+$0xA000] =	vst v0  }
0x24: {  	[tilespmem:s1+$0xA010] =	vst v0  }
0x25: {  	[tilespmem:s1+$0xA020] =	vst v0  }
0x26: {  	[tilespmem:s1+$0xA030] =	vst v0  }
0x27: {  	[tilespmem:s1+$0xA040] =	vst v0  }
0x28: {  	[tilespmem:s1+$0xA050] =	vst v0  }
0x29: {  	[tilespmem:s1+$0xA060] =	vst v0;
	s14 =	rddreg [dreg:$0x6]  }
0x2a: {  	[spmem:s14] =	stream.linear.scatter [tilespmem:s31], [sflag:$0x1], $0x2000, $0x38;
	v63 =	vld [tilespmem:$0x0]  }
0x2b: {  	s15 =	rddreg [dreg:$0x7]  }
0x2c: {  	[spmem:s15] =	stream.linear.scatter [tilespmem:s31], [sflag:$0x1], $0x2000, $0x38;
	v63 =	vld [tilespmem:$0x0]  }
0x2d: {  	s16 =	rddreg [dreg:$0x8]  }
0x2e: {  	[spmem:s16] =	stream.linear.scatter [tilespmem:s31], [sflag:$0x1], $0x2000, $0x38;
	v63 =	vld [tilespmem:$0x0]  }
0x2f: {  	s17 =	rddreg [dreg:$0x9]  }
0x30: {  	[spmem:s17] =	stream.linear.scatter [tilespmem:s31], [sflag:$0x1], $0x2000, $0x38;
	v63 =	vld [tilespmem:$0x0]  }
0x31: {  	s20 =	rddreg [dreg:$0xa]  }
0x32: {  	[spmem:s20] =	stream.linear.scatter [tilespmem:s31], [sflag:$0x1], $0x2000, $0x38;
	v63 =	vld [tilespmem:$0x0]  }
0x33: {  	s21 =	rddreg [dreg:$0xb]  }
0x34: {  	[spmem:s21] =	stream.linear.scatter [tilespmem:s31], [sflag:$0x1], $0x2000, $0x38;
	v63 =	vld [tilespmem:$0x0]  }
0x35: {  	s23 =	rddreg [dreg:$0x12]  }
0x36: {  	[spmem:s23] =	stream.linear.scatter [tilespmem:s31], [sflag:$0x1], $0x2000, $0x38;
	v63 =	vld [tilespmem:$0x0]  }
0x37: {  	s24 =	rddreg [dreg:$0x13]  }
0x38: {  	[spmem:s24] =	stream.linear.scatter [tilespmem:s31], [sflag:$0x1], $0x2000, $0x38;
	v63 =	vld [tilespmem:$0x0]  }
0x39: {  	s25 =	rddreg [dreg:$0x14]  }
0x3a: {  	[spmem:s25] =	stream.linear.scatter [tilespmem:s31], [sflag:$0x1], $0x2000, $0x38;
	v63 =	vld [tilespmem:$0x0]  }
0x3b: {  	s30 =	rddreg [dreg:$0x15]  }
0x3c: {  	[spmem:s30] =	stream.linear.scatter [tilespmem:s31], [sflag:$0x1], $0x2000, $0x38;
	v63 =	vld [tilespmem:$0x0]  }
0x3d: {  	_ =	swait.ge [sflag:s0], $0x2000  }
0x3e: {  	[sflag:s0] =	ssyncset.done $0x0  }
0x3f: {  	[sflag:s0] =	ssyncadd.s32 $0xFFFFE000  }
0x40: {  	_ =	swait.ge [sflag:s0], $0x2000  }
0x41: {  	[sflag:s0] =	ssyncset.done $0x0  }
0x42: {  	[sflag:s0] =	ssyncadd.s32 $0xFFFFE000  }
0x43: {  	_ =	swait.ge [sflag:s0], $0x2000  }
0x44: {  	[sflag:s0] =	ssyncset.done $0x0  }
0x45: {  	[sflag:s0] =	ssyncadd.s32 $0xFFFFE000  }
0x46: {  	_ =	swait.ge [sflag:s0], $0x2000  }
0x47: {  	[sflag:s0] =	ssyncset.done $0x0  }
0x48: {  	[sflag:s0] =	ssyncadd.s32 $0xFFFFE000  }
0x49: {  	_ =	swait.ge [sflag:s0], $0x2000  }
0x4a: {  	[sflag:s0] =	ssyncset.done $0x0  }
0x4b: {  	[sflag:s0] =	ssyncadd.s32 $0xFFFFE000  }
0x4c: {  	_ =	swait.ge [sflag:s0], $0x2000  }
0x4d: {  	[sflag:s0] =	ssyncset.done $0x0  }
0x4e: {  	[sflag:s0] =	ssyncadd.s32 $0xFFFFE000  }
0x4f: {  	_ =	swait.ge [sflag:s0], $0x2000  }
0x50: {  	[sflag:s0] =	ssyncset.done $0x0  }
0x51: {  	[sflag:s0] =	ssyncadd.s32 $0xFFFFE000  }
0x52: {  	_ =	swait.ge [sflag:s0], $0x2000  }
0x53: {  	[sflag:s0] =	ssyncset.done $0x0  }
0x54: {  	[sflag:s0] =	ssyncadd.s32 $0xFFFFE000  }
0x55: {  	_ =	swait.ge [sflag:s0], $0x2000  }
0x56: {  	[sflag:s0] =	ssyncset.done $0x0  }
0x57: {  	[sflag:s0] =	ssyncadd.s32 $0xFFFFE000  }
0x58: {  	_ =	swait.ge [sflag:s0], $0x2000  }
0x59: {  	[sflag:s0] =	ssyncset.done $0x0  }
0x5a: {  	[sflag:s0] =	ssyncadd.s32 $0xFFFFE000  }
0x5b: {  	s28 =	simm.s32 $0x0;
	s29 =	simm.s32 $0x0;
	[bflag:$0x0] =	sbarrier.arrive $0xFFFF  }
.LBB2_4:
0x5c: {  	s1 =	sshll.u32 s29, $0xC;
	s3 =	rddreg [dreg:$0xc]  }
0x5d: {  	s1 =	sadd.s32 s3, s1  }
0x5e: {  	s15 =	rddreg [dreg:$0x1];
	s1 =	sshrl.u32 s1, $0x3  }
0x5f: {  	s3 =	sadd.s32 s15, s1  }
0x60: {  	[tilespmem:s28], [sflag:$0x5] =	stream.linear.gather [hbm4b:s3+s28], $0x1000, $0x38;
	v63 =	vld [tilespmem:$0x0]  }
0x61: {  	_ =	swait.ge [sflag:s4], $0x1000  }
0x62: {  	[sflag:s4] =	ssyncset.done $0x0;
	s16 =	rddreg [dreg:$0x5]  }
0x63: {  	s17 =	simm.s32 $0x1000;
	[sflag:s4] =	ssyncadd.s32 $0xFFFFF000;
	s1 =	sadd.s32 s16, s1  }
0x64: {  	[tilespmem:s17], [sflag:$0x5] =	stream.linear.gather [hbm4b:s1+s28], $0x1000, $0x38;
	v63 =	vld [tilespmem:$0x0]  }
0x65: {  	_ =	swait.ge [sflag:s4], $0x1000  }
0x66: {  	[sflag:s4] =	ssyncset.done $0x0  }
0x67: {  	s20 =	simm.s32 $0x2000;
	[sflag:s4] =	ssyncadd.s32 $0xFFFFF000  }
0x68: {  	[tilespmem:s20], [sflag:$0x1] =	stream.indirect.gather [hbm4b:s5+s22], $0x80, s28, s22, $0xb8;
	v63 =	vld [tilespmem:$0x0]  }
0x69: {  	s21 =	simm.s32 $0x6000  }
0x6a: {  	[tilespmem:s21], [sflag:$0x3] =	stream.indirect.gather [hbm4b:s9+s22], $0x80, s17, s22, $0xb8;
	v63 =	vld [tilespmem:$0x0]  }
0x6b: {  	s23 =	simm.s32 $0x80;
	s24 =	simm.s32 $0x4000  }
0x6c: {  	[tilespmem:s24], [sflag:$0x2] =	stream.indirect.gather [hbm4b:s5+s22], $0x80, s23, s22, $0xb8;
	v63 =	vld [tilespmem:$0x0]  }
0x6d: {  	s25 =	simm.s32 $0x1080;
	s30 =	simm.s32 $0x8000;
	s14 =	simm.s32 $0x0  }
0x6e: {  	[tilespmem:s30], [sflag:$0x4] =	stream.indirect.gather [hbm4b:s9+s22], $0x80, s25, s22, $0xb8;
	v63 =	vld [tilespmem:$0x0]  }
.LBB2_5:
0x6f: {  	_ =	swait.ge [sflag:s0], $0x2000  }
0x70: {  	[sflag:s0] =	ssyncset.done $0x0  }
0x71: {  	[sflag:s0] =	ssyncadd.s32 $0xFFFFE000  }
0x72: {  	_ =	swait.ge [sflag:s18], $0x2000  }
0x73: {  	[sflag:s18] =	ssyncset.done $0x0  }
0x74: {  	s17 =	simm.s32 $0x2080;
	[sflag:s18] =	ssyncadd.s32 $0xFFFFE000  }
0x75: {  	s13 =	simm.s32 $0x6080;
	v1 =	vld [tilespmem:s17+$0x0]  }
0x76: {  	v2 =	vld [tilespmem:s13+$0x0];
	_ =	sdelay $0x4  }
0x77: {  	v1 =	vadd.f32 v2, v1;
	_ =	sdelay $0x1  }
0x78: {  	s3 =	simm.s32 $0xA080;
	v3 =	vld [tilespmem:s17+$0xFFFFFF80];
	v1 =	vmax.f32 v1, $0.0e+00  }
0x79: {  	v2 =	vld [tilespmem:s13+$0xFFFFFF80];
	[tilespmem:s3+$0x0] =	vst v1  }
0x7a: {  	v1 =	vld [tilespmem:s17+$0x10]  }
0x7b: {  	v4 =	vld [tilespmem:s13+$0x10];
	_ =	sdelay $0x2  }
0x7c: {  	v2 =	vadd.f32 v2, v3;
	_ =	sdelay $0x1  }
0x7d: {  	v2 =	vmax.f32 v2, $0.0e+00;
	v1 =	vadd.f32 v4, v1  }
0x7e: {  	[tilespmem:s3+$0xFFFFFF80] =	vst v2  }
0x7f: {  	v2 =	vld [tilespmem:s17+$0xFFFFFF90];
	v1 =	vmax.f32 v1, $0.0e+00  }
0x80: {  	v3 =	vld [tilespmem:s13+$0xFFFFFF90];
	[tilespmem:s3+$0x10] =	vst v1  }
0x81: {  	v1 =	vld [tilespmem:s17+$0x20]  }
0x82: {  	v4 =	vld [tilespmem:s13+$0x20];
	_ =	sdelay $0x2  }
0x83: {  	v2 =	vadd.f32 v3, v2;
	_ =	sdelay $0x1  }
0x84: {  	v2 =	vmax.f32 v2, $0.0e+00;
	v1 =	vadd.f32 v4, v1  }
0x85: {  	[tilespmem:s3+$0xFFFFFF90] =	vst v2  }
0x86: {  	v2 =	vld [tilespmem:s17+$0xFFFFFFA0];
	v1 =	vmax.f32 v1, $0.0e+00  }
0x87: {  	v3 =	vld [tilespmem:s13+$0xFFFFFFA0];
	[tilespmem:s3+$0x20] =	vst v1  }
0x88: {  	v1 =	vld [tilespmem:s17+$0x30]  }
0x89: {  	s24 =	simm.s32 $0x2180;
	v4 =	vld [tilespmem:s13+$0x30]  }
0x8a: {  	s23 =	simm.s32 $0x6180;
	v5 =	vld [tilespmem:s24+$0x0]  }
0x8b: {  	v6 =	vld [tilespmem:s23+$0x0]  }
0x8c: {  	v2 =	vadd.f32 v3, v2;
	_ =	sdelay $0x1  }
0x8d: {  	v3 =	vld [tilespmem:s23+$0xFFFFFF80];
	v2 =	vmax.f32 v2, $0.0e+00;
	v1 =	vadd.f32 v4, v1  }
0x8e: {  	[tilespmem:s3+$0xFFFFFFA0] =	vst v2;
	v2 =	vld [tilespmem:s24+$0xFFFFFF80]  }
0x8f: {  	v5 =	vadd.f32 v6, v5;
	v4 =	vld [tilespmem:s17+$0xFFFFFFB0];
	v1 =	vmax.f32 v1, $0.0e+00  }
0x90: {  	v6 =	vld [tilespmem:s13+$0xFFFFFFB0];
	[tilespmem:s3+$0x30] =	vst v1  }
0x91: {  	s1 =	simm.s32 $0xA180;
	v1 =	vmax.f32 v5, $0.0e+00;
	v5 =	vld [tilespmem:s17+$0x40]  }
0x92: {  	[tilespmem:s1+$0x0] =	vst v1;
	v1 =	vld [tilespmem:s13+$0x40]  }
0x93: {  	v2 =	vadd.f32 v3, v2;
	v3 =	vld [tilespmem:s24+$0x10]  }
0x94: {  	v7 =	vld [tilespmem:s23+$0x10]  }
0x95: {  	v4 =	vadd.f32 v6, v4;
	v2 =	vmax.f32 v2, $0.0e+00  }
0x96: {  	[tilespmem:s1+$0xFFFFFF80] =	vst v2  }
0x97: {  	v4 =	vmax.f32 v4, $0.0e+00;
	v2 =	vld [tilespmem:s24+$0xFFFFFF90];
	v1 =	vadd.f32 v1, v5  }
0x98: {  	[tilespmem:s3+$0xFFFFFFB0] =	vst v4;
	v5 =	vld [tilespmem:s23+$0xFFFFFF90]  }
0x99: {  	v4 =	vld [tilespmem:s17+$0xFFFFFFC0];
	v3 =	vadd.f32 v7, v3;
	v1 =	vmax.f32 v1, $0.0e+00  }
0x9a: {  	v6 =	vld [tilespmem:s13+$0xFFFFFFC0];
	[tilespmem:s3+$0x40] =	vst v1  }
0x9b: {  	v1 =	vmax.f32 v3, $0.0e+00;
	v3 =	vld [tilespmem:s17+$0x50]  }
0x9c: {  	[tilespmem:s1+$0x10] =	vst v1;
	v1 =	vld [tilespmem:s13+$0x50]  }
0x9d: {  	v2 =	vadd.f32 v5, v2;
	v5 =	vld [tilespmem:s24+$0x20]  }
0x9e: {  	v7 =	vld [tilespmem:s23+$0x20];
	_ =	sdelay $0x1  }
0x9f: {  	s16 =	simm.s32 $0x6280;
	v4 =	vadd.f32 v6, v4;
	v2 =	vmax.f32 v2, $0.0e+00  }
0xa0: {  	v9 =	vld [tilespmem:s16+$0x0];
	[tilespmem:s1+$0xFFFFFF90] =	vst v2;
	v1 =	vadd.f32 v1, v3  }
0xa1: {  	v4 =	vmax.f32 v4, $0.0e+00;
	v2 =	vld [tilespmem:s24+$0xFFFFFFA0]  }
0xa2: {  	[tilespmem:s3+$0xFFFFFFC0] =	vst v4;
	v3 =	vld [tilespmem:s23+$0xFFFFFFA0];
	v5 =	vadd.f32 v7, v5;
	v1 =	vmax.f32 v1, $0.0e+00  }
0xa3: {  	v4 =	vld [tilespmem:s17+$0xFFFFFFD0];
	[tilespmem:s3+$0x50] =	vst v1  }
0xa4: {  	v1 =	vmax.f32 v5, $0.0e+00;
	v5 =	vld [tilespmem:s17+$0x60]  }
0xa5: {  	[tilespmem:s1+$0x20] =	vst v1;
	v1 =	vld [tilespmem:s13+$0x60]  }
0xa6: {  	v7 =	vld [tilespmem:s24+$0x30]  }
0xa7: {  	v8 =	vld [tilespmem:s23+$0x30];
	v2 =	vadd.f32 v3, v2  }
0xa8: {  	s25 =	simm.s32 $0x2280;
	v6 =	vld [tilespmem:s13+$0xFFFFFFD0]  }
0xa9: {  	v3 =	vld [tilespmem:s25+$0x0];
	v2 =	vmax.f32 v2, $0.0e+00  }
0xaa: {  	[tilespmem:s1+$0xFFFFFFA0] =	vst v2;
	v2 =	vld [tilespmem:s25+$0xFFFFFF80];
	v1 =	vadd.f32 v1, v5  }
0xab: {  	v5 =	vld [tilespmem:s16+$0xFFFFFF80]  }
0xac: {  	v7 =	vadd.f32 v8, v7;
	v8 =	vld [tilespmem:s24+$0xFFFFFFB0];
	v1 =	vmax.f32 v1, $0.0e+00  }
0xad: {  	[tilespmem:s3+$0x60] =	vst v1;
	v1 =	vld [tilespmem:s23+$0xFFFFFFB0]  }
0xae: {  	v3 =	vadd.f32 v9, v3;
	v7 =	vmax.f32 v7, $0.0e+00;
	v62 =	vld [tilespmem:s17+$0x70]  }
0xaf: {  	[tilespmem:s1+$0x30] =	vst v7;
	v7 =	vld [tilespmem:s13+$0x70]  }
0xb0: {  	s15 =	simm.s32 $0xA280;
	v3 =	vmax.f32 v3, $0.0e+00;
	v2 =	vadd.f32 v5, v2;
	v5 =	vld [tilespmem:s24+$0x40]  }
0xb1: {  	[tilespmem:s15+$0x0] =	vst v3;
	v3 =	vld [tilespmem:s23+$0x40]  }
0xb2: {  	v2 =	vmax.f32 v2, $0.0e+00;
	v1 =	vadd.f32 v1, v8;
	v8 =	vld [tilespmem:s25+$0x10]  }
0xb3: {  	[tilespmem:s15+$0xFFFFFF80] =	vst v2;
	v2 =	vld [tilespmem:s16+$0x10]  }
0xb4: {  	v4 =	vadd.f32 v6, v4;
	v6 =	vld [tilespmem:s25+$0xFFFFFF90];
	v1 =	vmax.f32 v1, $0.0e+00  }
0xb5: {  	[tilespmem:s1+$0xFFFFFFB0] =	vst v1;
	v1 =	vld [tilespmem:s16+$0xFFFFFF90]  }
0xb6: {  	v4 =	vmax.f32 v4, $0.0e+00;
	v3 =	vadd.f32 v3, v5;
	v5 =	vld [tilespmem:s24+$0xFFFFFFC0]  }
0xb7: {  	[tilespmem:s3+$0xFFFFFFD0] =	vst v4;
	v4 =	vld [tilespmem:s23+$0xFFFFFFC0]  }
0xb8: {  	v3 =	vmax.f32 v3, $0.0e+00;
	v2 =	vadd.f32 v2, v8;
	v8 =	vld [tilespmem:s17+$0xFFFFFFE0]  }
0xb9: {  	[tilespmem:s1+$0x40] =	vst v3;
	v3 =	vld [tilespmem:s13+$0xFFFFFFE0]  }
0xba: {  	v2 =	vmax.f32 v2, $0.0e+00;
	v1 =	vadd.f32 v1, v6;
	v6 =	vld [tilespmem:s24+$0x50]  }
0xbb: {  	[tilespmem:s15+$0x10] =	vst v2;
	v2 =	vld [tilespmem:s23+$0x50]  }
0xbc: {  	v4 =	vadd.f32 v4, v5;
	v5 =	vld [tilespmem:s25+$0x20];
	v1 =	vmax.f32 v1, $0.0e+00  }
0xbd: {  	[tilespmem:s15+$0xFFFFFF90] =	vst v1;
	v1 =	vld [tilespmem:s16+$0x20]  }
0xbe: {  	v3 =	vadd.f32 v3, v8;
	v4 =	vmax.f32 v4, $0.0e+00;
	v8 =	vld [tilespmem:s25+$0xFFFFFFA0]  }
0xbf: {  	[tilespmem:s1+$0xFFFFFFC0] =	vst v4;
	v4 =	vld [tilespmem:s16+$0xFFFFFFA0]  }
0xc0: {  	v3 =	vmax.f32 v3, $0.0e+00;
	v2 =	vadd.f32 v2, v6;
	v10 =	vld [tilespmem:s24+$0xFFFFFFD0]  }
0xc1: {  	[tilespmem:s3+$0xFFFFFFE0] =	vst v3;
	v11 =	vld [tilespmem:s23+$0xFFFFFFD0]  }
0xc2: {  	v2 =	vmax.f32 v2, $0.0e+00;
	v3 =	vadd.f32 v1, v5;
	v1 =	vld [tilespmem:s17+$0xFFFFFFF0]  }
0xc3: {  	v5 =	vadd.f32 v7, v62;
	[tilespmem:s1+$0x50] =	vst v2;
	v2 =	vld [tilespmem:s13+$0xFFFFFFF0]  }
0xc4: {  	v6 =	vadd.f32 v4, v8;
	v4 =	vmax.f32 v3, $0.0e+00;
	v3 =	vld [tilespmem:s24+$0x60]  }
0xc5: {  	v5 =	vmax.f32 v5, $0.0e+00;
	[tilespmem:s15+$0x20] =	vst v4;
	v4 =	vld [tilespmem:s23+$0x60]  }
0xc6: {  	[tilespmem:s3+$0x70] =	vst v5;
	v7 =	vmax.f32 v6, $0.0e+00;
	v5 =	vadd.f32 v11, v10;
	v6 =	vld [tilespmem:s25+$0x30]  }
0xc7: {  	s20 =	simm.s32 $0x2380;
	s13 =	simm.s32 $0x4;
	s17 =	simm.s32 $0x6280;
	[tilespmem:s15+$0xFFFFFFA0] =	vst v7;
	v7 =	vld [tilespmem:s16+$0x30]  }
.LBB2_6:
0xc8: {  	v8 =	vld [tilespmem:s20+$0x0];
	s16 =	sadd.s32 $0x100, s16;
	v5 =	vmax.f32 v5, $0.0e+00;
	v1 =	vadd.f32 v2, v1  }
0xc9: {  	v2 =	vld [tilespmem:s16+$0x0];
	[tilespmem:s1+$0xFFFFFFD0] =	vst v5  }
0xca: {  	v5 =	vld [tilespmem:s16+$0xFFFFFF80];
	v3 =	vadd.f32 v4, v3;
	v1 =	vmax.f32 v1, $0.0e+00  }
0xcb: {  	v4 =	vld [tilespmem:s20+$0xFFFFFF80];
	[tilespmem:s3+$0xFFFFFFF0] =	vst v1;
	s3 =	smov.u32 s1;
	s1 =	smov.u32 s15  }
0xcc: {  	v1 =	vld [tilespmem:s25+$0xFFFFFFB0];
	v6 =	vadd.f32 v7, v6;
	v3 =	vmax.f32 v3, $0.0e+00  }
0xcd: {  	v7 =	vld [tilespmem:s17+$0xFFFFFFB0];
	[tilespmem:s3+$0x60] =	vst v3  }
0xce: {  	v2 =	vadd.f32 v2, v8;
	v3 =	vmax.f32 v6, $0.0e+00;
	v6 =	vld [tilespmem:s24+$0x70]  }
0xcf: {  	[tilespmem:s15+$0x30] =	vst v3;
	v3 =	vld [tilespmem:s23+$0x70]  }
0xd0: {  	s13 =	sadd.s32 $0x2, s13;
	s15 =	sadd.s32 $0x100, s15;
	v4 =	vadd.f32 v5, v4;
	v2 =	vmax.f32 v2, $0.0e+00;
	v5 =	vld [tilespmem:s25+$0x40]  }
0xd1: {  	p0 =	slt.u32 s13, $0x3E;
	[tilespmem:s15+$0x0] =	vst v2;
	v2 =	vld [tilespmem:s17+$0x40]  }
0xd2: {  	v4 =	vmax.f32 v4, $0.0e+00;
	v8 =	vld [tilespmem:s20+$0x10];
	v1 =	vadd.f32 v7, v1  }
0xd3: {  	[tilespmem:s15+$0xFFFFFF80] =	vst v4;
	v4 =	vld [tilespmem:s16+$0x10]  }
0xd4: {  	v7 =	vld [tilespmem:s20+$0xFFFFFF90];
	v1 =	vmax.f32 v1, $0.0e+00;
	v3 =	vadd.f32 v3, v6  }
0xd5: {  	v6 =	vld [tilespmem:s16+$0xFFFFFF90];
	[tilespmem:s1+$0xFFFFFFB0] =	vst v1  }
0xd6: {  	v1 =	vld [tilespmem:s25+$0xFFFFFFC0];
	v2 =	vadd.f32 v2, v5;
	v3 =	vmax.f32 v3, $0.0e+00  }
0xd7: {  	v5 =	vld [tilespmem:s17+$0xFFFFFFC0];
	[tilespmem:s3+$0x70] =	vst v3  }
0xd8: {  	v3 =	vadd.f32 v4, v8;
	v2 =	vmax.f32 v2, $0.0e+00;
	v4 =	vld [tilespmem:s24+$0xFFFFFFE0]  }
0xd9: {  	[tilespmem:s1+$0x40] =	vst v2;
	v2 =	vld [tilespmem:s23+$0xFFFFFFE0]  }
0xda: {  	v6 =	vadd.f32 v6, v7;
	v3 =	vmax.f32 v3, $0.0e+00;
	v7 =	vld [tilespmem:s25+$0x50]  }
0xdb: {  	[tilespmem:s15+$0x10] =	vst v3;
	v3 =	vld [tilespmem:s17+$0x50]  }
0xdc: {  	v6 =	vmax.f32 v6, $0.0e+00;
	v8 =	vld [tilespmem:s20+$0x20];
	v1 =	vadd.f32 v5, v1  }
0xdd: {  	[tilespmem:s15+$0xFFFFFF90] =	vst v6;
	v5 =	vld [tilespmem:s16+$0x20]  }
0xde: {  	v6 =	vld [tilespmem:s20+$0xFFFFFFA0];
	v1 =	vmax.f32 v1, $0.0e+00;
	v2 =	vadd.f32 v2, v4  }
0xdf: {  	v4 =	vld [tilespmem:s16+$0xFFFFFFA0];
	[tilespmem:s1+$0xFFFFFFC0] =	vst v1  }
0xe0: {  	v9 =	vld [tilespmem:s25+$0xFFFFFFD0];
	v1 =	vadd.f32 v3, v7;
	v2 =	vmax.f32 v2, $0.0e+00  }
0xe1: {  	v7 =	vld [tilespmem:s17+$0xFFFFFFD0];
	[tilespmem:s3+$0xFFFFFFE0] =	vst v2  }
0xe2: {  	v3 =	vadd.f32 v5, v8;
	v2 =	vmax.f32 v1, $0.0e+00;
	v1 =	vld [tilespmem:s24+$0xFFFFFFF0];
	s24 =	smov.u32 s25;
	s25 =	smov.u32 s20  }
.Ltmp1:
0xe3: {  	[tilespmem:s1+$0x50] =	vst v2;
	v2 =	vld [tilespmem:s23+$0xFFFFFFF0];
	s23 =	smov.u32 s17;
	s17 =	smov.u32 s16;
	(pc) =	sbr.rel @p0 .LBB2_6-.Ltmp1, $4  }
0xe4: {  	v5 =	vadd.f32 v4, v6;
	v4 =	vmax.f32 v3, $0.0e+00;
	v3 =	vld [tilespmem:s24+$0x60]  }
0xe5: {  	[tilespmem:s15+$0x20] =	vst v4;
	v4 =	vld [tilespmem:s23+$0x60]  }
0xe6: {  	v8 =	vmax.f32 v5, $0.0e+00;
	v6 =	vld [tilespmem:s20+$0x30];
	v5 =	vadd.f32 v7, v9  }
0xe7: {  	s20 =	sadd.s32 $0x100, s20;
	[tilespmem:s15+$0xFFFFFFA0] =	vst v8;
	v7 =	vld [tilespmem:s16+$0x30]  }
0xe8: {  	v8 =	vld [tilespmem:s25+$0xFFFFFFB0]  }
0xe9: {  	v9 =	vld [tilespmem:s17+$0xFFFFFFB0];
	_ =	sdelay $0x2  }
0xea: {  	v6 =	vadd.f32 v7, v6;
	_ =	sdelay $0x1  }
0xeb: {  	v7 =	vadd.f32 v9, v8;
	v6 =	vmax.f32 v6, $0.0e+00  }
0xec: {  	[tilespmem:s15+$0x30] =	vst v6  }
0xed: {  	v7 =	vmax.f32 v7, $0.0e+00;
	v6 =	vld [tilespmem:s25+$0x40]  }
0xee: {  	v8 =	vld [tilespmem:s17+$0x40];
	[tilespmem:s15+$0xFFFFFFB0] =	vst v7  }
0xef: {  	v7 =	vld [tilespmem:s25+$0xFFFFFFC0]  }
0xf0: {  	v56 =	vld [tilespmem:s17+$0xFFFFFFC0];
	_ =	sdelay $0x2  }
0xf1: {  	v6 =	vadd.f32 v8, v6;
	_ =	sdelay $0x1  }
0xf2: {  	v7 =	vadd.f32 v56, v7;
	v6 =	vmax.f32 v6, $0.0e+00  }
0xf3: {  	[tilespmem:s15+$0x40] =	vst v6  }
0xf4: {  	v7 =	vmax.f32 v7, $0.0e+00;
	v6 =	vld [tilespmem:s25+$0x50]  }
0xf5: {  	v8 =	vld [tilespmem:s17+$0x50];
	[tilespmem:s15+$0xFFFFFFC0] =	vst v7  }
0xf6: {  	v7 =	vld [tilespmem:s25+$0xFFFFFFD0]  }
0xf7: {  	v57 =	vld [tilespmem:s17+$0xFFFFFFD0];
	_ =	sdelay $0x2  }
0xf8: {  	v5 =	vmax.f32 v5, $0.0e+00;
	v6 =	vadd.f32 v8, v6  }
0xf9: {  	[tilespmem:s1+$0xFFFFFFD0] =	vst v5  }
0xfa: {  	v5 =	vld [tilespmem:s24+$0xFFFFFFE0];
	v7 =	vadd.f32 v57, v7;
	v6 =	vmax.f32 v6, $0.0e+00  }
0xfb: {  	v8 =	vld [tilespmem:s23+$0xFFFFFFE0];
	[tilespmem:s15+$0x50] =	vst v6  }
0xfc: {  	v7 =	vmax.f32 v7, $0.0e+00;
	v6 =	vld [tilespmem:s25+$0x60]  }
0xfd: {  	v58 =	vld [tilespmem:s17+$0x60];
	[tilespmem:s15+$0xFFFFFFD0] =	vst v7  }
0xfe: {  	v3 =	vadd.f32 v4, v3;
	v4 =	vld [tilespmem:s25+$0xFFFFFFE0]  }
0xff: {  	v7 =	vld [tilespmem:s17+$0xFFFFFFE0]  }
0x100: {  	v3 =	vmax.f32 v3, $0.0e+00;
	v5 =	vadd.f32 v8, v5  }
0x101: {  	[tilespmem:s1+$0x60] =	vst v3  }
0x102: {  	v3 =	vld [tilespmem:s24+$0x70];
	v5 =	vmax.f32 v5, $0.0e+00;
	v6 =	vadd.f32 v58, v6  }
0x103: {  	v8 =	vld [tilespmem:s23+$0x70];
	[tilespmem:s1+$0xFFFFFFE0] =	vst v5  }
0x104: {  	v5 =	vld [tilespmem:s24+$0xFFFFFFF0];
	v4 =	vadd.f32 v7, v4;
	v6 =	vmax.f32 v6, $0.0e+00  }
0x105: {  	v7 =	vld [tilespmem:s23+$0xFFFFFFF0];
	[tilespmem:s15+$0x60] =	vst v6  }
0x106: {  	v4 =	vmax.f32 v4, $0.0e+00;
	v6 =	vld [tilespmem:s25+$0x70]  }
0x107: {  	v59 =	vld [tilespmem:s17+$0x70];
	[tilespmem:s15+$0xFFFFFFE0] =	vst v4  }
0x108: {  	v4 =	vld [tilespmem:s25+$0xFFFFFFF0]  }
0x109: {  	v10 =	vld [tilespmem:s17+$0xFFFFFFF0]  }
0x10a: {  	v1 =	vadd.f32 v2, v1  }
0x10b: {  	v2 =	vadd.f32 v8, v3  }
0x10c: {  	v1 =	vmax.f32 v1, $0.0e+00;
	v3 =	vadd.f32 v7, v5  }
0x10d: {  	[tilespmem:s3+$0xFFFFFFF0] =	vst v1;
	v1 =	vmax.f32 v2, $0.0e+00;
	v2 =	vadd.f32 v59, v6  }
0x10e: {  	[tilespmem:s1+$0x70] =	vst v1;
	v1 =	vmax.f32 v3, $0.0e+00;
	v3 =	vadd.f32 v10, v4  }
0x10f: {  	p0 =	seq.s32 s14, $0xF;
	[tilespmem:s1+$0xFFFFFFF0] =	vst v1;
	v1 =	vmax.f32 v2, $0.0e+00  }
0x110: {  	s30 =	sshll.u32 @!p0 s14, $0x8;
	[tilespmem:s15+$0x70] =	vst v1;
	v1 =	vmax.f32 v3, $0.0e+00  }
0x111: {  	s13 =	simm.s32 @!p0 $0x2000;
	s3 =	simm.s32 @!p0 $0x40;
	s1 =	sadd.s32 @!p0 $0x100, s30;
	[tilespmem:s15+$0xFFFFFFF0] =	vst v1  }
0x112: {  	[tilespmem:s13], [sflag:$0x1] =	stream.indirect.gather @!p0 [hbm4b:s5+s3], $0x80, s1, s3, $0xb8;
	v63 =	vld [tilespmem:$0x0]  }
0x113: {  	s20 =	sshll.u32 s14, $0x8;
	s1 =	sadd.s32 @!p0 $0x1100, s30;
	s13 =	simm.s32 @!p0 $0x6000  }
0x114: {  	[tilespmem:s13], [sflag:$0x3] =	stream.indirect.gather @!p0 [hbm4b:s9+s3], $0x80, s1, s3, $0xb8;
	v63 =	vld [tilespmem:$0x0]  }
0x115: {  	s3 =	sand.u32 $0x3FFFFF00, s20  }
0x116: {  	s1 =	sadd.s32 $0x1000, s3  }
0x117: {  	[spmem:s2] =	stream.indirect.scatter.add.f32 [tilespmem:s31], [sflag:$0x5], $0x80, s1, s22, $0xb8;
	v63 =	vld [tilespmem:$0x0]  }
0x118: {  	_ =	swait.ge [sflag:s4], $0x2000  }
0x119: {  	[sflag:s4] =	ssyncset.done $0x0  }
0x11a: {  	[sflag:s4] =	ssyncadd.s32 $0xFFFFE000  }
0x11b: {  	_ =	swait.ge [sflag:s19], $0x2000  }
0x11c: {  	[sflag:s19] =	ssyncset.done $0x0  }
0x11d: {  	[sflag:s19] =	ssyncadd.s32 $0xFFFFE000  }
0x11e: {  	_ =	swait.ge [sflag:s26], $0x2000  }
0x11f: {  	[sflag:s26] =	ssyncset.done $0x0  }
0x120: {  	s20 =	simm.s32 $0x4080;
	[sflag:s26] =	ssyncadd.s32 $0xFFFFE000  }
0x121: {  	s21 =	simm.s32 $0x8080;
	v1 =	vld [tilespmem:s20+$0x0]  }
0x122: {  	v2 =	vld [tilespmem:s21+$0x0];
	_ =	sdelay $0x4  }
0x123: {  	v1 =	vadd.f32 v2, v1;
	_ =	sdelay $0x1  }
0x124: {  	s1 =	simm.s32 $0xA080;
	v3 =	vld [tilespmem:s20+$0xFFFFFF80];
	v1 =	vmax.f32 v1, $0.0e+00  }
0x125: {  	v2 =	vld [tilespmem:s21+$0xFFFFFF80];
	[tilespmem:s1+$0x0] =	vst v1  }
0x126: {  	v1 =	vld [tilespmem:s20+$0x10]  }
0x127: {  	v4 =	vld [tilespmem:s21+$0x10];
	_ =	sdelay $0x2  }
0x128: {  	v2 =	vadd.f32 v2, v3;
	_ =	sdelay $0x1  }
0x129: {  	v2 =	vmax.f32 v2, $0.0e+00;
	v1 =	vadd.f32 v4, v1  }
0x12a: {  	[tilespmem:s1+$0xFFFFFF80] =	vst v2  }
0x12b: {  	v2 =	vld [tilespmem:s20+$0xFFFFFF90];
	v1 =	vmax.f32 v1, $0.0e+00  }
0x12c: {  	v3 =	vld [tilespmem:s21+$0xFFFFFF90];
	[tilespmem:s1+$0x10] =	vst v1  }
0x12d: {  	v1 =	vld [tilespmem:s20+$0x20]  }
0x12e: {  	v4 =	vld [tilespmem:s21+$0x20];
	_ =	sdelay $0x2  }
0x12f: {  	v2 =	vadd.f32 v3, v2;
	_ =	sdelay $0x1  }
0x130: {  	v2 =	vmax.f32 v2, $0.0e+00;
	v1 =	vadd.f32 v4, v1  }
0x131: {  	[tilespmem:s1+$0xFFFFFF90] =	vst v2  }
0x132: {  	v2 =	vld [tilespmem:s20+$0xFFFFFFA0];
	v1 =	vmax.f32 v1, $0.0e+00  }
0x133: {  	v3 =	vld [tilespmem:s21+$0xFFFFFFA0];
	[tilespmem:s1+$0x20] =	vst v1  }
0x134: {  	v1 =	vld [tilespmem:s20+$0x30]  }
0x135: {  	s25 =	simm.s32 $0x4180;
	v4 =	vld [tilespmem:s21+$0x30]  }
0x136: {  	s24 =	simm.s32 $0x8180;
	v5 =	vld [tilespmem:s25+$0x0]  }
0x137: {  	v6 =	vld [tilespmem:s24+$0x0]  }
0x138: {  	v2 =	vadd.f32 v3, v2;
	_ =	sdelay $0x1  }
0x139: {  	v3 =	vld [tilespmem:s24+$0xFFFFFF80];
	v2 =	vmax.f32 v2, $0.0e+00;
	v1 =	vadd.f32 v4, v1  }
0x13a: {  	[tilespmem:s1+$0xFFFFFFA0] =	vst v2;
	v2 =	vld [tilespmem:s25+$0xFFFFFF80]  }
0x13b: {  	v5 =	vadd.f32 v6, v5;
	v4 =	vld [tilespmem:s20+$0xFFFFFFB0];
	v1 =	vmax.f32 v1, $0.0e+00  }
0x13c: {  	v6 =	vld [tilespmem:s21+$0xFFFFFFB0];
	[tilespmem:s1+$0x30] =	vst v1  }
0x13d: {  	s23 =	simm.s32 $0xA180;
	v1 =	vmax.f32 v5, $0.0e+00;
	v5 =	vld [tilespmem:s20+$0x40]  }
0x13e: {  	[tilespmem:s23+$0x0] =	vst v1;
	v1 =	vld [tilespmem:s21+$0x40]  }
0x13f: {  	v2 =	vadd.f32 v3, v2;
	v3 =	vld [tilespmem:s25+$0x10]  }
0x140: {  	v7 =	vld [tilespmem:s24+$0x10]  }
0x141: {  	v4 =	vadd.f32 v6, v4;
	v2 =	vmax.f32 v2, $0.0e+00  }
0x142: {  	[tilespmem:s23+$0xFFFFFF80] =	vst v2  }
0x143: {  	v4 =	vmax.f32 v4, $0.0e+00;
	v2 =	vld [tilespmem:s25+$0xFFFFFF90];
	v1 =	vadd.f32 v1, v5  }
0x144: {  	[tilespmem:s1+$0xFFFFFFB0] =	vst v4;
	v5 =	vld [tilespmem:s24+$0xFFFFFF90]  }
0x145: {  	v4 =	vld [tilespmem:s20+$0xFFFFFFC0];
	v3 =	vadd.f32 v7, v3;
	v1 =	vmax.f32 v1, $0.0e+00  }
0x146: {  	v6 =	vld [tilespmem:s21+$0xFFFFFFC0];
	[tilespmem:s1+$0x40] =	vst v1  }
0x147: {  	v1 =	vmax.f32 v3, $0.0e+00;
	v3 =	vld [tilespmem:s20+$0x50]  }
0x148: {  	[tilespmem:s23+$0x10] =	vst v1;
	v1 =	vld [tilespmem:s21+$0x50]  }
0x149: {  	v2 =	vadd.f32 v5, v2;
	v5 =	vld [tilespmem:s25+$0x20]  }
0x14a: {  	v7 =	vld [tilespmem:s24+$0x20];
	_ =	sdelay $0x1  }
0x14b: {  	s17 =	simm.s32 $0x8280;
	v4 =	vadd.f32 v6, v4;
	v2 =	vmax.f32 v2, $0.0e+00  }
0x14c: {  	v60 =	vld [tilespmem:s17+$0x0];
	[tilespmem:s23+$0xFFFFFF90] =	vst v2;
	v1 =	vadd.f32 v1, v3  }
0x14d: {  	v4 =	vmax.f32 v4, $0.0e+00;
	v2 =	vld [tilespmem:s25+$0xFFFFFFA0]  }
0x14e: {  	[tilespmem:s1+$0xFFFFFFC0] =	vst v4;
	v3 =	vld [tilespmem:s24+$0xFFFFFFA0];
	v5 =	vadd.f32 v7, v5;
	v1 =	vmax.f32 v1, $0.0e+00  }
0x14f: {  	v4 =	vld [tilespmem:s20+$0xFFFFFFD0];
	[tilespmem:s1+$0x50] =	vst v1  }
0x150: {  	v1 =	vmax.f32 v5, $0.0e+00;
	v5 =	vld [tilespmem:s20+$0x60]  }
0x151: {  	[tilespmem:s23+$0x20] =	vst v1;
	v1 =	vld [tilespmem:s21+$0x60]  }
0x152: {  	v7 =	vld [tilespmem:s25+$0x30]  }
0x153: {  	v8 =	vld [tilespmem:s24+$0x30];
	v2 =	vadd.f32 v3, v2  }
0x154: {  	s15 =	simm.s32 $0x4280;
	v6 =	vld [tilespmem:s21+$0xFFFFFFD0]  }
0x155: {  	v3 =	vld [tilespmem:s15+$0x0];
	v2 =	vmax.f32 v2, $0.0e+00  }
0x156: {  	[tilespmem:s23+$0xFFFFFFA0] =	vst v2;
	v2 =	vld [tilespmem:s15+$0xFFFFFF80];
	v1 =	vadd.f32 v1, v5  }
0x157: {  	v5 =	vld [tilespmem:s17+$0xFFFFFF80]  }
0x158: {  	v7 =	vadd.f32 v8, v7;
	v8 =	vld [tilespmem:s25+$0xFFFFFFB0];
	v1 =	vmax.f32 v1, $0.0e+00  }
0x159: {  	[tilespmem:s1+$0x60] =	vst v1;
	v1 =	vld [tilespmem:s24+$0xFFFFFFB0]  }
0x15a: {  	v3 =	vadd.f32 v60, v3;
	v7 =	vmax.f32 v7, $0.0e+00;
	v61 =	vld [tilespmem:s20+$0x70]  }
0x15b: {  	[tilespmem:s23+$0x30] =	vst v7;
	v7 =	vld [tilespmem:s21+$0x70]  }
0x15c: {  	s16 =	simm.s32 $0xA280;
	v3 =	vmax.f32 v3, $0.0e+00;
	v2 =	vadd.f32 v5, v2;
	v5 =	vld [tilespmem:s25+$0x40]  }
0x15d: {  	[tilespmem:s16+$0x0] =	vst v3;
	v3 =	vld [tilespmem:s24+$0x40]  }
0x15e: {  	v2 =	vmax.f32 v2, $0.0e+00;
	v1 =	vadd.f32 v1, v8;
	v8 =	vld [tilespmem:s15+$0x10]  }
0x15f: {  	[tilespmem:s16+$0xFFFFFF80] =	vst v2;
	v2 =	vld [tilespmem:s17+$0x10]  }
0x160: {  	v4 =	vadd.f32 v6, v4;
	v6 =	vld [tilespmem:s15+$0xFFFFFF90];
	v1 =	vmax.f32 v1, $0.0e+00  }
0x161: {  	[tilespmem:s23+$0xFFFFFFB0] =	vst v1;
	v1 =	vld [tilespmem:s17+$0xFFFFFF90]  }
0x162: {  	v4 =	vmax.f32 v4, $0.0e+00;
	v3 =	vadd.f32 v3, v5;
	v5 =	vld [tilespmem:s25+$0xFFFFFFC0]  }
0x163: {  	[tilespmem:s1+$0xFFFFFFD0] =	vst v4;
	v4 =	vld [tilespmem:s24+$0xFFFFFFC0]  }
0x164: {  	v3 =	vmax.f32 v3, $0.0e+00;
	v2 =	vadd.f32 v2, v8;
	v8 =	vld [tilespmem:s20+$0xFFFFFFE0]  }
0x165: {  	[tilespmem:s23+$0x40] =	vst v3;
	v3 =	vld [tilespmem:s21+$0xFFFFFFE0]  }
0x166: {  	v2 =	vmax.f32 v2, $0.0e+00;
	v1 =	vadd.f32 v1, v6;
	v6 =	vld [tilespmem:s25+$0x50]  }
0x167: {  	[tilespmem:s16+$0x10] =	vst v2;
	v2 =	vld [tilespmem:s24+$0x50]  }
0x168: {  	v4 =	vadd.f32 v4, v5;
	v5 =	vld [tilespmem:s15+$0x20];
	v1 =	vmax.f32 v1, $0.0e+00  }
0x169: {  	[tilespmem:s16+$0xFFFFFF90] =	vst v1;
	v1 =	vld [tilespmem:s17+$0x20]  }
0x16a: {  	v3 =	vadd.f32 v3, v8;
	v4 =	vmax.f32 v4, $0.0e+00;
	v8 =	vld [tilespmem:s15+$0xFFFFFFA0]  }
0x16b: {  	[tilespmem:s23+$0xFFFFFFC0] =	vst v4;
	v4 =	vld [tilespmem:s17+$0xFFFFFFA0]  }
0x16c: {  	v3 =	vmax.f32 v3, $0.0e+00;
	v2 =	vadd.f32 v2, v6;
	v62 =	vld [tilespmem:s25+$0xFFFFFFD0]  }
0x16d: {  	[tilespmem:s1+$0xFFFFFFE0] =	vst v3;
	v11 =	vld [tilespmem:s24+$0xFFFFFFD0]  }
0x16e: {  	v2 =	vmax.f32 v2, $0.0e+00;
	v3 =	vadd.f32 v1, v5;
	v1 =	vld [tilespmem:s20+$0xFFFFFFF0]  }
0x16f: {  	v5 =	vadd.f32 v7, v61;
	[tilespmem:s23+$0x50] =	vst v2;
	v2 =	vld [tilespmem:s21+$0xFFFFFFF0]  }
0x170: {  	v6 =	vadd.f32 v4, v8;
	v4 =	vmax.f32 v3, $0.0e+00;
	v3 =	vld [tilespmem:s25+$0x60]  }
0x171: {  	v5 =	vmax.f32 v5, $0.0e+00;
	[tilespmem:s16+$0x20] =	vst v4;
	v4 =	vld [tilespmem:s24+$0x60]  }
0x172: {  	[tilespmem:s1+$0x70] =	vst v5;
	v7 =	vmax.f32 v6, $0.0e+00;
	v5 =	vadd.f32 v11, v62;
	v6 =	vld [tilespmem:s15+$0x30]  }
0x173: {  	s13 =	simm.s32 $0x8280;
	s20 =	simm.s32 $0x4;
	s21 =	simm.s32 $0x4380;
	[tilespmem:s16+$0xFFFFFFA0] =	vst v7;
	v7 =	vld [tilespmem:s17+$0x30]  }
.LBB2_8:
0x174: {  	v8 =	vld [tilespmem:s21+$0x0];
	s17 =	sadd.s32 $0x100, s17;
	v5 =	vmax.f32 v5, $0.0e+00;
	v1 =	vadd.f32 v2, v1  }
0x175: {  	v2 =	vld [tilespmem:s17+$0x0];
	[tilespmem:s23+$0xFFFFFFD0] =	vst v5  }
0x176: {  	v5 =	vld [tilespmem:s17+$0xFFFFFF80];
	v3 =	vadd.f32 v4, v3;
	v1 =	vmax.f32 v1, $0.0e+00  }
0x177: {  	v4 =	vld [tilespmem:s21+$0xFFFFFF80];
	[tilespmem:s1+$0xFFFFFFF0] =	vst v1;
	s1 =	smov.u32 s23;
	s23 =	smov.u32 s16  }
0x178: {  	v1 =	vld [tilespmem:s15+$0xFFFFFFB0];
	v6 =	vadd.f32 v7, v6;
	v3 =	vmax.f32 v3, $0.0e+00  }
0x179: {  	v7 =	vld [tilespmem:s13+$0xFFFFFFB0];
	[tilespmem:s1+$0x60] =	vst v3  }
0x17a: {  	v2 =	vadd.f32 v2, v8;
	v3 =	vmax.f32 v6, $0.0e+00;
	v6 =	vld [tilespmem:s25+$0x70]  }
0x17b: {  	[tilespmem:s16+$0x30] =	vst v3;
	v3 =	vld [tilespmem:s24+$0x70]  }
0x17c: {  	s20 =	sadd.s32 $0x2, s20;
	s16 =	sadd.s32 $0x100, s16;
	v4 =	vadd.f32 v5, v4;
	v2 =	vmax.f32 v2, $0.0e+00;
	v5 =	vld [tilespmem:s15+$0x40]  }
0x17d: {  	p1 =	slt.u32 s20, $0x3E;
	[tilespmem:s16+$0x0] =	vst v2;
	v2 =	vld [tilespmem:s13+$0x40]  }
0x17e: {  	v4 =	vmax.f32 v4, $0.0e+00;
	v8 =	vld [tilespmem:s21+$0x10];
	v1 =	vadd.f32 v7, v1  }
0x17f: {  	[tilespmem:s16+$0xFFFFFF80] =	vst v4;
	v4 =	vld [tilespmem:s17+$0x10]  }
0x180: {  	v7 =	vld [tilespmem:s21+$0xFFFFFF90];
	v1 =	vmax.f32 v1, $0.0e+00;
	v3 =	vadd.f32 v3, v6  }
0x181: {  	v6 =	vld [tilespmem:s17+$0xFFFFFF90];
	[tilespmem:s23+$0xFFFFFFB0] =	vst v1  }
0x182: {  	v1 =	vld [tilespmem:s15+$0xFFFFFFC0];
	v2 =	vadd.f32 v2, v5;
	v3 =	vmax.f32 v3, $0.0e+00  }
0x183: {  	v5 =	vld [tilespmem:s13+$0xFFFFFFC0];
	[tilespmem:s1+$0x70] =	vst v3  }
0x184: {  	v3 =	vadd.f32 v4, v8;
	v2 =	vmax.f32 v2, $0.0e+00;
	v4 =	vld [tilespmem:s25+$0xFFFFFFE0]  }
0x185: {  	[tilespmem:s23+$0x40] =	vst v2;
	v2 =	vld [tilespmem:s24+$0xFFFFFFE0]  }
0x186: {  	v6 =	vadd.f32 v6, v7;
	v3 =	vmax.f32 v3, $0.0e+00;
	v7 =	vld [tilespmem:s15+$0x50]  }
0x187: {  	[tilespmem:s16+$0x10] =	vst v3;
	v3 =	vld [tilespmem:s13+$0x50]  }
0x188: {  	v6 =	vmax.f32 v6, $0.0e+00;
	v8 =	vld [tilespmem:s21+$0x20];
	v1 =	vadd.f32 v5, v1  }
0x189: {  	[tilespmem:s16+$0xFFFFFF90] =	vst v6;
	v5 =	vld [tilespmem:s17+$0x20]  }
0x18a: {  	v6 =	vld [tilespmem:s21+$0xFFFFFFA0];
	v1 =	vmax.f32 v1, $0.0e+00;
	v2 =	vadd.f32 v2, v4  }
0x18b: {  	v4 =	vld [tilespmem:s17+$0xFFFFFFA0];
	[tilespmem:s23+$0xFFFFFFC0] =	vst v1  }
0x18c: {  	v9 =	vld [tilespmem:s15+$0xFFFFFFD0];
	v1 =	vadd.f32 v3, v7;
	v2 =	vmax.f32 v2, $0.0e+00  }
0x18d: {  	v7 =	vld [tilespmem:s13+$0xFFFFFFD0];
	[tilespmem:s1+$0xFFFFFFE0] =	vst v2  }
0x18e: {  	v3 =	vadd.f32 v5, v8;
	v2 =	vmax.f32 v1, $0.0e+00;
	v1 =	vld [tilespmem:s25+$0xFFFFFFF0];
	s25 =	smov.u32 s15;
	s15 =	smov.u32 s21  }
.Ltmp2:
0x18f: {  	[tilespmem:s23+$0x50] =	vst v2;
	v2 =	vld [tilespmem:s24+$0xFFFFFFF0];
	s24 =	smov.u32 s13;
	s13 =	smov.u32 s17;
	(pc) =	sbr.rel @p1 .LBB2_8-.Ltmp2, $4  }
0x190: {  	v5 =	vadd.f32 v4, v6;
	v4 =	vmax.f32 v3, $0.0e+00;
	v3 =	vld [tilespmem:s25+$0x60]  }
0x191: {  	[tilespmem:s16+$0x20] =	vst v4;
	v4 =	vld [tilespmem:s24+$0x60]  }
0x192: {  	v8 =	vmax.f32 v5, $0.0e+00;
	v6 =	vld [tilespmem:s21+$0x30];
	v5 =	vadd.f32 v7, v9  }
0x193: {  	s21 =	sadd.s32 $0x100, s21;
	[tilespmem:s16+$0xFFFFFFA0] =	vst v8;
	v7 =	vld [tilespmem:s17+$0x30]  }
0x194: {  	v8 =	vld [tilespmem:s15+$0xFFFFFFB0]  }
0x195: {  	v9 =	vld [tilespmem:s13+$0xFFFFFFB0];
	_ =	sdelay $0x2  }
0x196: {  	v6 =	vadd.f32 v7, v6;
	_ =	sdelay $0x1  }
0x197: {  	v52 =	vadd.f32 v9, v8;
	v6 =	vmax.f32 v6, $0.0e+00  }
0x198: {  	[tilespmem:s16+$0x30] =	vst v6  }
0x199: {  	v7 =	vmax.f32 v52, $0.0e+00;
	v6 =	vld [tilespmem:s15+$0x40]  }
0x19a: {  	v53 =	vld [tilespmem:s13+$0x40];
	[tilespmem:s16+$0xFFFFFFB0] =	vst v7  }
0x19b: {  	v7 =	vld [tilespmem:s15+$0xFFFFFFC0]  }
0x19c: {  	v54 =	vld [tilespmem:s13+$0xFFFFFFC0];
	_ =	sdelay $0x2  }
0x19d: {  	v6 =	vadd.f32 v53, v6;
	_ =	sdelay $0x1  }
0x19e: {  	v7 =	vadd.f32 v54, v7;
	v6 =	vmax.f32 v6, $0.0e+00  }
0x19f: {  	[tilespmem:s16+$0x40] =	vst v6  }
0x1a0: {  	v7 =	vmax.f32 v7, $0.0e+00;
	v6 =	vld [tilespmem:s15+$0x50]  }
0x1a1: {  	v55 =	vld [tilespmem:s13+$0x50];
	[tilespmem:s16+$0xFFFFFFC0] =	vst v7  }
0x1a2: {  	v7 =	vld [tilespmem:s15+$0xFFFFFFD0]  }
0x1a3: {  	v56 =	vld [tilespmem:s13+$0xFFFFFFD0];
	_ =	sdelay $0x2  }
0x1a4: {  	v5 =	vmax.f32 v5, $0.0e+00;
	v6 =	vadd.f32 v55, v6  }
0x1a5: {  	[tilespmem:s23+$0xFFFFFFD0] =	vst v5  }
0x1a6: {  	v5 =	vld [tilespmem:s25+$0xFFFFFFE0];
	v7 =	vadd.f32 v56, v7;
	v6 =	vmax.f32 v6, $0.0e+00  }
0x1a7: {  	v57 =	vld [tilespmem:s24+$0xFFFFFFE0];
	[tilespmem:s16+$0x50] =	vst v6  }
0x1a8: {  	v7 =	vmax.f32 v7, $0.0e+00;
	v6 =	vld [tilespmem:s15+$0x60]  }
0x1a9: {  	v58 =	vld [tilespmem:s13+$0x60];
	[tilespmem:s16+$0xFFFFFFD0] =	vst v7  }
0x1aa: {  	v3 =	vadd.f32 v4, v3;
	v59 =	vld [tilespmem:s15+$0xFFFFFFE0]  }
0x1ab: {  	v7 =	vld [tilespmem:s13+$0xFFFFFFE0]  }
0x1ac: {  	v3 =	vmax.f32 v3, $0.0e+00;
	v5 =	vadd.f32 v57, v5  }
0x1ad: {  	[tilespmem:s23+$0x60] =	vst v3  }
0x1ae: {  	v3 =	vld [tilespmem:s25+$0x70];
	v5 =	vmax.f32 v5, $0.0e+00;
	v6 =	vadd.f32 v58, v6  }
0x1af: {  	v60 =	vld [tilespmem:s24+$0x70];
	[tilespmem:s23+$0xFFFFFFE0] =	vst v5  }
0x1b0: {  	v5 =	vld [tilespmem:s25+$0xFFFFFFF0];
	v4 =	vadd.f32 v7, v59;
	v6 =	vmax.f32 v6, $0.0e+00  }
0x1b1: {  	v61 =	vld [tilespmem:s24+$0xFFFFFFF0];
	[tilespmem:s16+$0x60] =	vst v6  }
0x1b2: {  	v4 =	vmax.f32 v4, $0.0e+00;
	v6 =	vld [tilespmem:s15+$0x70]  }
0x1b3: {  	v62 =	vld [tilespmem:s13+$0x70];
	[tilespmem:s16+$0xFFFFFFE0] =	vst v4  }
0x1b4: {  	v4 =	vld [tilespmem:s15+$0xFFFFFFF0]  }
0x1b5: {  	v10 =	vld [tilespmem:s13+$0xFFFFFFF0]  }
0x1b6: {  	v1 =	vadd.f32 v2, v1  }
0x1b7: {  	v2 =	vadd.f32 v60, v3  }
0x1b8: {  	v1 =	vmax.f32 v1, $0.0e+00;
	v3 =	vadd.f32 v61, v5  }
0x1b9: {  	[tilespmem:s1+$0xFFFFFFF0] =	vst v1;
	v1 =	vmax.f32 v2, $0.0e+00;
	v2 =	vadd.f32 v62, v6  }
0x1ba: {  	[tilespmem:s23+$0x70] =	vst v1;
	v1 =	vmax.f32 v3, $0.0e+00;
	v3 =	vadd.f32 v10, v4  }
0x1bb: {  	[tilespmem:s23+$0xFFFFFFF0] =	vst v1;
	v1 =	vmax.f32 v2, $0.0e+00  }
0x1bc: {  	[tilespmem:s16+$0x70] =	vst v1;
	v1 =	vmax.f32 v3, $0.0e+00  }
0x1bd: {  	s1 =	sadd.s32 @!p0 $0x180, s30;
	s13 =	simm.s32 @!p0 $0x40;
	s15 =	simm.s32 @!p0 $0x4000;
	[tilespmem:s16+$0xFFFFFFF0] =	vst v1  }
0x1be: {  	[tilespmem:s15], [sflag:$0x2] =	stream.indirect.gather @!p0 [hbm4b:s5+s13], $0x80, s1, s13, $0xb8;
	v63 =	vld [tilespmem:$0x0]  }
0x1bf: {  	s14 =	sadd.s32 $0x1, s14;
	s1 =	sadd.s32 @!p0 $0x1180, s30;
	s15 =	simm.s32 @!p0 $0x8000  }
0x1c0: {  	[tilespmem:s15], [sflag:$0x4] =	stream.indirect.gather @!p0 [hbm4b:s9+s13], $0x80, s1, s13, $0xb8;
	v63 =	vld [tilespmem:$0x0]  }
0x1c1: {  	p0 =	sne.s32 s14, $0x10  }
.Ltmp3:
0x1c2: {  	s30 =	sadd.s32 $0x1080, s3;
	(pc) =	sbr.rel @p0 .LBB2_5-.Ltmp3, $4  }
0x1c3: {  	[spmem:s2] =	stream.indirect.scatter.add.f32 [tilespmem:s31], [sflag:$0x5], $0x80, s30, s22, $0xb8;
	v63 =	vld [tilespmem:$0x0]  }
0x1c4: {  	_ =	swait.ge [sflag:s4], $0x2000  }
0x1c5: {  	[sflag:s4] =	ssyncset.done $0x0  }
0x1c6: {  	[sflag:s4] =	ssyncadd.s32 $0xFFFFE000  }
0x1c7: {  	s29 =	sadd.s32 $0x1, s29  }
0x1c8: {  	p0 =	sne.s32 s29, $0x5  }
.Ltmp4:
0x1c9: {  	_ = 	snop;
	(pc) =	sbr.rel @p0 .LBB2_4-.Ltmp4, $1  }
0x1ca: {  	_ =	sdelay $0x3  }
0x1cb: {  	s1 =	stileid.u32;
	[bflag:$0x0] =	sbarrier.arrive $0xFFFF  }
0x1cc: {  	s1 =	sshll.u32 s1, $0x6;
	s29 =	rddreg [dreg:$0x6]  }
0x1cd: {  	s30 =	rddreg [dreg:$0xd];
	s3 =	sor.u32 $0x1C05, s1  }
0x1ce: {  	s13 =	sshrl.u32 s29, $0x3;
	[dreg:$0x16] =	wrdreg s3  }
0x1cf: {  	[dreg:$0x17] =	wrdreg s13  }
0x1d0: {  	[hbm:s30], [sflag:s3] =	dma.local [spmem:s13], $0x2800  }
0x1d1: {  	_ =	swait.ge [sflag:s4], $0x2800  }
0x1d2: {  	[sflag:s4] =	ssyncset.done $0x0  }
0x1d3: {  	[sflag:s4] =	ssyncadd.s32 $0xFFFFD800  }
0x1d4: {  	s1 =	simm.s32 $0x0;
	s3 =	simm.s32 $0x200;
	[bflag:$0x0] =	sbarrier.arrive $0xFFFF  }
.LBB2_12:
0x1d5: {  	p0 =	sne.s32 s3, $0x7E00;
	[tilespmem:s1+$0xA070] =	vst v0  }
0x1d6: {  	[tilespmem:s1+$0xA000] =	vst v0  }
0x1d7: {  	[tilespmem:s1+$0xA010] =	vst v0  }
.Ltmp5:
0x1d8: {  	[tilespmem:s1+$0xA020] =	vst v0;
	(pc) =	sbr.rel @p0 .LBB2_12-.Ltmp5, $4  }
0x1d9: {  	[tilespmem:s1+$0xA030] =	vst v0  }
0x1da: {  	[tilespmem:s1+$0xA040] =	vst v0  }
0x1db: {  	[tilespmem:s1+$0xA050] =	vst v0  }
0x1dc: {  	[tilespmem:s1+$0xA060] =	vst v0;
	s1 =	sshra.s32 s3, $0x2;
	s3 =	sadd.s32 $0x200, s3  }
0x1dd: {  	[tilespmem:s1+$0xA070] =	vst v0  }
0x1de: {  	[tilespmem:s1+$0xA000] =	vst v0  }
0x1df: {  	[tilespmem:s1+$0xA010] =	vst v0  }
0x1e0: {  	[tilespmem:s1+$0xA020] =	vst v0  }
0x1e1: {  	[tilespmem:s1+$0xA030] =	vst v0  }
0x1e2: {  	[tilespmem:s1+$0xA040] =	vst v0  }
0x1e3: {  	[tilespmem:s1+$0xA050] =	vst v0  }
0x1e4: {  	[tilespmem:s1+$0xA060] =	vst v0;
	s15 =	rddreg [dreg:$0x6]  }
0x1e5: {  	[spmem:s15] =	stream.linear.scatter [tilespmem:s31], [sflag:$0x1], $0x2000, $0x38;
	v63 =	vld [tilespmem:$0x0]  }
0x1e6: {  	s16 =	rddreg [dreg:$0x7]  }
0x1e7: {  	[spmem:s16] =	stream.linear.scatter [tilespmem:s31], [sflag:$0x1], $0x2000, $0x38;
	v63 =	vld [tilespmem:$0x0]  }
0x1e8: {  	s17 =	rddreg [dreg:$0x8]  }
0x1e9: {  	[spmem:s17] =	stream.linear.scatter [tilespmem:s31], [sflag:$0x1], $0x2000, $0x38;
	v63 =	vld [tilespmem:$0x0]  }
0x1ea: {  	s20 =	rddreg [dreg:$0x9]  }
0x1eb: {  	[spmem:s20] =	stream.linear.scatter [tilespmem:s31], [sflag:$0x1], $0x2000, $0x38;
	v63 =	vld [tilespmem:$0x0]  }
0x1ec: {  	s21 =	rddreg [dreg:$0xa]  }
0x1ed: {  	[spmem:s21] =	stream.linear.scatter [tilespmem:s31], [sflag:$0x1], $0x2000, $0x38;
	v63 =	vld [tilespmem:$0x0]  }
0x1ee: {  	s23 =	rddreg [dreg:$0xb]  }
0x1ef: {  	[spmem:s23] =	stream.linear.scatter [tilespmem:s31], [sflag:$0x1], $0x2000, $0x38;
	v63 =	vld [tilespmem:$0x0]  }
0x1f0: {  	s24 =	rddreg [dreg:$0x12]  }
0x1f1: {  	[spmem:s24] =	stream.linear.scatter [tilespmem:s31], [sflag:$0x1], $0x2000, $0x38;
	v63 =	vld [tilespmem:$0x0]  }
0x1f2: {  	s25 =	rddreg [dreg:$0x13]  }
0x1f3: {  	[spmem:s25] =	stream.linear.scatter [tilespmem:s31], [sflag:$0x1], $0x2000, $0x38;
	v63 =	vld [tilespmem:$0x0]  }
0x1f4: {  	s28 =	rddreg [dreg:$0x14]  }
0x1f5: {  	[spmem:s28] =	stream.linear.scatter [tilespmem:s31], [sflag:$0x1], $0x2000, $0x38;
	v63 =	vld [tilespmem:$0x0]  }
0x1f6: {  	s29 =	rddreg [dreg:$0x15]  }
0x1f7: {  	[spmem:s29] =	stream.linear.scatter [tilespmem:s31], [sflag:$0x1], $0x2000, $0x38;
	v63 =	vld [tilespmem:$0x0]  }
0x1f8: {  	_ =	swait.ge [sflag:s0], $0x2000  }
0x1f9: {  	[sflag:s0] =	ssyncset.done $0x0  }
0x1fa: {  	[sflag:s0] =	ssyncadd.s32 $0xFFFFE000  }
0x1fb: {  	_ =	swait.ge [sflag:s0], $0x2000  }
0x1fc: {  	[sflag:s0] =	ssyncset.done $0x0  }
0x1fd: {  	[sflag:s0] =	ssyncadd.s32 $0xFFFFE000  }
0x1fe: {  	_ =	swait.ge [sflag:s0], $0x2000  }
0x1ff: {  	[sflag:s0] =	ssyncset.done $0x0  }
0x200: {  	[sflag:s0] =	ssyncadd.s32 $0xFFFFE000  }
0x201: {  	_ =	swait.ge [sflag:s0], $0x2000  }
0x202: {  	[sflag:s0] =	ssyncset.done $0x0  }
0x203: {  	[sflag:s0] =	ssyncadd.s32 $0xFFFFE000  }
0x204: {  	_ =	swait.ge [sflag:s0], $0x2000  }
0x205: {  	[sflag:s0] =	ssyncset.done $0x0  }
0x206: {  	[sflag:s0] =	ssyncadd.s32 $0xFFFFE000  }
0x207: {  	_ =	swait.ge [sflag:s0], $0x2000  }
0x208: {  	[sflag:s0] =	ssyncset.done $0x0  }
0x209: {  	[sflag:s0] =	ssyncadd.s32 $0xFFFFE000  }
0x20a: {  	_ =	swait.ge [sflag:s0], $0x2000  }
0x20b: {  	[sflag:s0] =	ssyncset.done $0x0  }
0x20c: {  	[sflag:s0] =	ssyncadd.s32 $0xFFFFE000  }
0x20d: {  	_ =	swait.ge [sflag:s0], $0x2000  }
0x20e: {  	[sflag:s0] =	ssyncset.done $0x0  }
0x20f: {  	[sflag:s0] =	ssyncadd.s32 $0xFFFFE000  }
0x210: {  	_ =	swait.ge [sflag:s0], $0x2000  }
0x211: {  	[sflag:s0] =	ssyncset.done $0x0  }
0x212: {  	[sflag:s0] =	ssyncadd.s32 $0xFFFFE000  }
0x213: {  	_ =	swait.ge [sflag:s0], $0x2000  }
0x214: {  	[sflag:s0] =	ssyncset.done $0x0  }
0x215: {  	[sflag:s0] =	ssyncadd.s32 $0xFFFFE000  }
0x216: {  	s30 =	simm.s32 $0x0;
	s14 =	simm.s32 $0x0;
	[bflag:$0x0] =	sbarrier.arrive $0xFFFF  }
.LBB2_14:
0x217: {  	s1 =	sshll.u32 s14, $0xC;
	s3 =	rddreg [dreg:$0xc]  }
0x218: {  	s1 =	sadd.s32 s3, s1  }
0x219: {  	s15 =	rddreg [dreg:$0x1];
	s1 =	sshrl.u32 s1, $0x3  }
0x21a: {  	s3 =	sadd.s32 s15, s1  }
0x21b: {  	[tilespmem:s30], [sflag:$0x5] =	stream.linear.gather [hbm4b:s3+s30], $0x1000, $0x38;
	v63 =	vld [tilespmem:$0x0]  }
0x21c: {  	_ =	swait.ge [sflag:s4], $0x1000  }
0x21d: {  	[sflag:s4] =	ssyncset.done $0x0;
	s16 =	rddreg [dreg:$0x5]  }
0x21e: {  	s17 =	simm.s32 $0x1000;
	[sflag:s4] =	ssyncadd.s32 $0xFFFFF000;
	s1 =	sadd.s32 s16, s1  }
0x21f: {  	[tilespmem:s17], [sflag:$0x5] =	stream.linear.gather [hbm4b:s1+s30], $0x1000, $0x38;
	v63 =	vld [tilespmem:$0x0]  }
0x220: {  	_ =	swait.ge [sflag:s4], $0x1000  }
0x221: {  	[sflag:s4] =	ssyncset.done $0x0  }
0x222: {  	s20 =	simm.s32 $0x2000;
	[sflag:s4] =	ssyncadd.s32 $0xFFFFF000  }
0x223: {  	[tilespmem:s20], [sflag:$0x1] =	stream.indirect.gather [hbm4b:s6+s22], $0x80, s30, s22, $0xb8;
	v63 =	vld [tilespmem:$0x0]  }
0x224: {  	s21 =	simm.s32 $0x6000  }
0x225: {  	[tilespmem:s21], [sflag:$0x3] =	stream.indirect.gather [hbm4b:s10+s22], $0x80, s17, s22, $0xb8;
	v63 =	vld [tilespmem:$0x0]  }
0x226: {  	s23 =	simm.s32 $0x80;
	s24 =	simm.s32 $0x4000  }
0x227: {  	[tilespmem:s24], [sflag:$0x2] =	stream.indirect.gather [hbm4b:s6+s22], $0x80, s23, s22, $0xb8;
	v63 =	vld [tilespmem:$0x0]  }
0x228: {  	s25 =	simm.s32 $0x1080;
	s29 =	simm.s32 $0x8000;
	s28 =	simm.s32 $0x0  }
0x229: {  	[tilespmem:s29], [sflag:$0x4] =	stream.indirect.gather [hbm4b:s10+s22], $0x80, s25, s22, $0xb8;
	v63 =	vld [tilespmem:$0x0]  }
.LBB2_15:
0x22a: {  	_ =	swait.ge [sflag:s0], $0x2000  }
0x22b: {  	[sflag:s0] =	ssyncset.done $0x0  }
0x22c: {  	[sflag:s0] =	ssyncadd.s32 $0xFFFFE000  }
0x22d: {  	_ =	swait.ge [sflag:s18], $0x2000  }
0x22e: {  	[sflag:s18] =	ssyncset.done $0x0  }
0x22f: {  	s17 =	simm.s32 $0x2080;
	[sflag:s18] =	ssyncadd.s32 $0xFFFFE000  }
0x230: {  	s13 =	simm.s32 $0x6080;
	v1 =	vld [tilespmem:s17+$0x0]  }
0x231: {  	v2 =	vld [tilespmem:s13+$0x0];
	_ =	sdelay $0x4  }
0x232: {  	v1 =	vadd.f32 v2, v1;
	_ =	sdelay $0x1  }
0x233: {  	s1 =	simm.s32 $0xA080;
	v3 =	vld [tilespmem:s17+$0xFFFFFF80];
	v1 =	vmax.f32 v1, $0.0e+00  }
0x234: {  	v2 =	vld [tilespmem:s13+$0xFFFFFF80];
	[tilespmem:s1+$0x0] =	vst v1  }
0x235: {  	v1 =	vld [tilespmem:s17+$0x10]  }
0x236: {  	v4 =	vld [tilespmem:s13+$0x10];
	_ =	sdelay $0x2  }
0x237: {  	v2 =	vadd.f32 v2, v3;
	_ =	sdelay $0x1  }
0x238: {  	v2 =	vmax.f32 v2, $0.0e+00;
	v1 =	vadd.f32 v4, v1  }
0x239: {  	[tilespmem:s1+$0xFFFFFF80] =	vst v2  }
0x23a: {  	v2 =	vld [tilespmem:s17+$0xFFFFFF90];
	v1 =	vmax.f32 v1, $0.0e+00  }
0x23b: {  	v3 =	vld [tilespmem:s13+$0xFFFFFF90];
	[tilespmem:s1+$0x10] =	vst v1  }
0x23c: {  	v1 =	vld [tilespmem:s17+$0x20]  }
0x23d: {  	v4 =	vld [tilespmem:s13+$0x20];
	_ =	sdelay $0x2  }
0x23e: {  	v2 =	vadd.f32 v3, v2;
	_ =	sdelay $0x1  }
0x23f: {  	v2 =	vmax.f32 v2, $0.0e+00;
	v1 =	vadd.f32 v4, v1  }
0x240: {  	[tilespmem:s1+$0xFFFFFF90] =	vst v2  }
0x241: {  	v2 =	vld [tilespmem:s17+$0xFFFFFFA0];
	v1 =	vmax.f32 v1, $0.0e+00  }
0x242: {  	v3 =	vld [tilespmem:s13+$0xFFFFFFA0];
	[tilespmem:s1+$0x20] =	vst v1  }
0x243: {  	v1 =	vld [tilespmem:s17+$0x30]  }
0x244: {  	s24 =	simm.s32 $0x2180;
	v4 =	vld [tilespmem:s13+$0x30]  }
0x245: {  	s23 =	simm.s32 $0x6180;
	v5 =	vld [tilespmem:s24+$0x0]  }
0x246: {  	v6 =	vld [tilespmem:s23+$0x0]  }
0x247: {  	v2 =	vadd.f32 v3, v2;
	_ =	sdelay $0x1  }
0x248: {  	v3 =	vld [tilespmem:s23+$0xFFFFFF80];
	v2 =	vmax.f32 v2, $0.0e+00;
	v1 =	vadd.f32 v4, v1  }
0x249: {  	[tilespmem:s1+$0xFFFFFFA0] =	vst v2;
	v2 =	vld [tilespmem:s24+$0xFFFFFF80]  }
0x24a: {  	v5 =	vadd.f32 v6, v5;
	v4 =	vld [tilespmem:s17+$0xFFFFFFB0];
	v1 =	vmax.f32 v1, $0.0e+00  }
0x24b: {  	v6 =	vld [tilespmem:s13+$0xFFFFFFB0];
	[tilespmem:s1+$0x30] =	vst v1  }
0x24c: {  	s3 =	simm.s32 $0xA180;
	v1 =	vmax.f32 v5, $0.0e+00;
	v5 =	vld [tilespmem:s17+$0x40]  }
0x24d: {  	[tilespmem:s3+$0x0] =	vst v1;
	v1 =	vld [tilespmem:s13+$0x40]  }
0x24e: {  	v2 =	vadd.f32 v3, v2;
	v3 =	vld [tilespmem:s24+$0x10]  }
0x24f: {  	v7 =	vld [tilespmem:s23+$0x10]  }
0x250: {  	v4 =	vadd.f32 v6, v4;
	v2 =	vmax.f32 v2, $0.0e+00  }
0x251: {  	[tilespmem:s3+$0xFFFFFF80] =	vst v2  }
0x252: {  	v4 =	vmax.f32 v4, $0.0e+00;
	v2 =	vld [tilespmem:s24+$0xFFFFFF90];
	v1 =	vadd.f32 v1, v5  }
0x253: {  	[tilespmem:s1+$0xFFFFFFB0] =	vst v4;
	v5 =	vld [tilespmem:s23+$0xFFFFFF90]  }
0x254: {  	v4 =	vld [tilespmem:s17+$0xFFFFFFC0];
	v3 =	vadd.f32 v7, v3;
	v1 =	vmax.f32 v1, $0.0e+00  }
0x255: {  	v6 =	vld [tilespmem:s13+$0xFFFFFFC0];
	[tilespmem:s1+$0x40] =	vst v1  }
0x256: {  	v1 =	vmax.f32 v3, $0.0e+00;
	v3 =	vld [tilespmem:s17+$0x50]  }
0x257: {  	[tilespmem:s3+$0x10] =	vst v1;
	v1 =	vld [tilespmem:s13+$0x50]  }
0x258: {  	v2 =	vadd.f32 v5, v2;
	v5 =	vld [tilespmem:s24+$0x20]  }
0x259: {  	v7 =	vld [tilespmem:s23+$0x20];
	_ =	sdelay $0x1  }
0x25a: {  	s16 =	simm.s32 $0x6280;
	v4 =	vadd.f32 v6, v4;
	v2 =	vmax.f32 v2, $0.0e+00  }
0x25b: {  	v9 =	vld [tilespmem:s16+$0x0];
	[tilespmem:s3+$0xFFFFFF90] =	vst v2;
	v1 =	vadd.f32 v1, v3  }
0x25c: {  	v4 =	vmax.f32 v4, $0.0e+00;
	v2 =	vld [tilespmem:s24+$0xFFFFFFA0]  }
0x25d: {  	[tilespmem:s1+$0xFFFFFFC0] =	vst v4;
	v3 =	vld [tilespmem:s23+$0xFFFFFFA0];
	v5 =	vadd.f32 v7, v5;
	v1 =	vmax.f32 v1, $0.0e+00  }
0x25e: {  	v4 =	vld [tilespmem:s17+$0xFFFFFFD0];
	[tilespmem:s1+$0x50] =	vst v1  }
0x25f: {  	v1 =	vmax.f32 v5, $0.0e+00;
	v5 =	vld [tilespmem:s17+$0x60]  }
0x260: {  	[tilespmem:s3+$0x20] =	vst v1;
	v1 =	vld [tilespmem:s13+$0x60]  }
0x261: {  	v7 =	vld [tilespmem:s24+$0x30]  }
0x262: {  	v8 =	vld [tilespmem:s23+$0x30];
	v2 =	vadd.f32 v3, v2  }
0x263: {  	s15 =	simm.s32 $0x2280;
	v6 =	vld [tilespmem:s13+$0xFFFFFFD0]  }
0x264: {  	v3 =	vld [tilespmem:s15+$0x0];
	v2 =	vmax.f32 v2, $0.0e+00  }
0x265: {  	[tilespmem:s3+$0xFFFFFFA0] =	vst v2;
	v2 =	vld [tilespmem:s15+$0xFFFFFF80];
	v1 =	vadd.f32 v1, v5  }
0x266: {  	v5 =	vld [tilespmem:s16+$0xFFFFFF80]  }
0x267: {  	v7 =	vadd.f32 v8, v7;
	v8 =	vld [tilespmem:s24+$0xFFFFFFB0];
	v1 =	vmax.f32 v1, $0.0e+00  }
0x268: {  	[tilespmem:s1+$0x60] =	vst v1;
	v1 =	vld [tilespmem:s23+$0xFFFFFFB0]  }
0x269: {  	v3 =	vadd.f32 v9, v3;
	v7 =	vmax.f32 v7, $0.0e+00;
	v62 =	vld [tilespmem:s17+$0x70]  }
0x26a: {  	[tilespmem:s3+$0x30] =	vst v7;
	v7 =	vld [tilespmem:s13+$0x70]  }
0x26b: {  	s25 =	simm.s32 $0xA280;
	v3 =	vmax.f32 v3, $0.0e+00;
	v2 =	vadd.f32 v5, v2;
	v5 =	vld [tilespmem:s24+$0x40]  }
0x26c: {  	[tilespmem:s25+$0x0] =	vst v3;
	v3 =	vld [tilespmem:s23+$0x40]  }
0x26d: {  	v2 =	vmax.f32 v2, $0.0e+00;
	v1 =	vadd.f32 v1, v8;
	v8 =	vld [tilespmem:s15+$0x10]  }
0x26e: {  	[tilespmem:s25+$0xFFFFFF80] =	vst v2;
	v2 =	vld [tilespmem:s16+$0x10]  }
0x26f: {  	v4 =	vadd.f32 v6, v4;
	v6 =	vld [tilespmem:s15+$0xFFFFFF90];
	v1 =	vmax.f32 v1, $0.0e+00  }
0x270: {  	[tilespmem:s3+$0xFFFFFFB0] =	vst v1;
	v1 =	vld [tilespmem:s16+$0xFFFFFF90]  }
0x271: {  	v4 =	vmax.f32 v4, $0.0e+00;
	v3 =	vadd.f32 v3, v5;
	v5 =	vld [tilespmem:s24+$0xFFFFFFC0]  }
0x272: {  	[tilespmem:s1+$0xFFFFFFD0] =	vst v4;
	v4 =	vld [tilespmem:s23+$0xFFFFFFC0]  }
0x273: {  	v3 =	vmax.f32 v3, $0.0e+00;
	v2 =	vadd.f32 v2, v8;
	v8 =	vld [tilespmem:s17+$0xFFFFFFE0]  }
0x274: {  	[tilespmem:s3+$0x40] =	vst v3;
	v3 =	vld [tilespmem:s13+$0xFFFFFFE0]  }
0x275: {  	v2 =	vmax.f32 v2, $0.0e+00;
	v1 =	vadd.f32 v1, v6;
	v6 =	vld [tilespmem:s24+$0x50]  }
0x276: {  	[tilespmem:s25+$0x10] =	vst v2;
	v2 =	vld [tilespmem:s23+$0x50]  }
0x277: {  	v4 =	vadd.f32 v4, v5;
	v5 =	vld [tilespmem:s15+$0x20];
	v1 =	vmax.f32 v1, $0.0e+00  }
0x278: {  	[tilespmem:s25+$0xFFFFFF90] =	vst v1;
	v1 =	vld [tilespmem:s16+$0x20]  }
0x279: {  	v3 =	vadd.f32 v3, v8;
	v4 =	vmax.f32 v4, $0.0e+00;
	v8 =	vld [tilespmem:s15+$0xFFFFFFA0]  }
0x27a: {  	[tilespmem:s3+$0xFFFFFFC0] =	vst v4;
	v4 =	vld [tilespmem:s16+$0xFFFFFFA0]  }
0x27b: {  	v3 =	vmax.f32 v3, $0.0e+00;
	v2 =	vadd.f32 v2, v6;
	v10 =	vld [tilespmem:s24+$0xFFFFFFD0]  }
0x27c: {  	[tilespmem:s1+$0xFFFFFFE0] =	vst v3;
	v11 =	vld [tilespmem:s23+$0xFFFFFFD0]  }
0x27d: {  	v2 =	vmax.f32 v2, $0.0e+00;
	v3 =	vadd.f32 v1, v5;
	v1 =	vld [tilespmem:s17+$0xFFFFFFF0]  }
0x27e: {  	v5 =	vadd.f32 v7, v62;
	[tilespmem:s3+$0x50] =	vst v2;
	v2 =	vld [tilespmem:s13+$0xFFFFFFF0]  }
0x27f: {  	v6 =	vadd.f32 v4, v8;
	v4 =	vmax.f32 v3, $0.0e+00;
	v3 =	vld [tilespmem:s24+$0x60]  }
0x280: {  	v5 =	vmax.f32 v5, $0.0e+00;
	[tilespmem:s25+$0x20] =	vst v4;
	v4 =	vld [tilespmem:s23+$0x60]  }
0x281: {  	[tilespmem:s1+$0x70] =	vst v5;
	v7 =	vmax.f32 v6, $0.0e+00;
	v5 =	vadd.f32 v11, v10;
	v6 =	vld [tilespmem:s15+$0x30]  }
0x282: {  	s20 =	simm.s32 $0x2380;
	s17 =	simm.s32 $0x4;
	s13 =	simm.s32 $0x6280;
	[tilespmem:s25+$0xFFFFFFA0] =	vst v7;
	v7 =	vld [tilespmem:s16+$0x30]  }
.LBB2_16:
0x283: {  	v8 =	vld [tilespmem:s20+$0x0];
	s16 =	sadd.s32 $0x100, s16;
	v5 =	vmax.f32 v5, $0.0e+00;
	v1 =	vadd.f32 v2, v1  }
0x284: {  	v2 =	vld [tilespmem:s16+$0x0];
	[tilespmem:s3+$0xFFFFFFD0] =	vst v5  }
0x285: {  	v5 =	vld [tilespmem:s16+$0xFFFFFF80];
	v3 =	vadd.f32 v4, v3;
	v1 =	vmax.f32 v1, $0.0e+00  }
0x286: {  	v4 =	vld [tilespmem:s20+$0xFFFFFF80];
	[tilespmem:s1+$0xFFFFFFF0] =	vst v1;
	s1 =	smov.u32 s3;
	s3 =	smov.u32 s25  }
0x287: {  	v1 =	vld [tilespmem:s15+$0xFFFFFFB0];
	v6 =	vadd.f32 v7, v6;
	v3 =	vmax.f32 v3, $0.0e+00  }
0x288: {  	v7 =	vld [tilespmem:s13+$0xFFFFFFB0];
	[tilespmem:s1+$0x60] =	vst v3  }
0x289: {  	v2 =	vadd.f32 v2, v8;
	v3 =	vmax.f32 v6, $0.0e+00;
	v6 =	vld [tilespmem:s24+$0x70]  }
0x28a: {  	[tilespmem:s25+$0x30] =	vst v3;
	v3 =	vld [tilespmem:s23+$0x70]  }
0x28b: {  	s17 =	sadd.s32 $0x2, s17;
	s25 =	sadd.s32 $0x100, s25;
	v4 =	vadd.f32 v5, v4;
	v2 =	vmax.f32 v2, $0.0e+00;
	v5 =	vld [tilespmem:s15+$0x40]  }
0x28c: {  	p0 =	slt.u32 s17, $0x3E;
	[tilespmem:s25+$0x0] =	vst v2;
	v2 =	vld [tilespmem:s13+$0x40]  }
0x28d: {  	v4 =	vmax.f32 v4, $0.0e+00;
	v8 =	vld [tilespmem:s20+$0x10];
	v1 =	vadd.f32 v7, v1  }
0x28e: {  	[tilespmem:s25+$0xFFFFFF80] =	vst v4;
	v4 =	vld [tilespmem:s16+$0x10]  }
0x28f: {  	v7 =	vld [tilespmem:s20+$0xFFFFFF90];
	v1 =	vmax.f32 v1, $0.0e+00;
	v3 =	vadd.f32 v3, v6  }
0x290: {  	v6 =	vld [tilespmem:s16+$0xFFFFFF90];
	[tilespmem:s3+$0xFFFFFFB0] =	vst v1  }
0x291: {  	v1 =	vld [tilespmem:s15+$0xFFFFFFC0];
	v2 =	vadd.f32 v2, v5;
	v3 =	vmax.f32 v3, $0.0e+00  }
0x292: {  	v5 =	vld [tilespmem:s13+$0xFFFFFFC0];
	[tilespmem:s1+$0x70] =	vst v3  }
0x293: {  	v3 =	vadd.f32 v4, v8;
	v2 =	vmax.f32 v2, $0.0e+00;
	v4 =	vld [tilespmem:s24+$0xFFFFFFE0]  }
0x294: {  	[tilespmem:s3+$0x40] =	vst v2;
	v2 =	vld [tilespmem:s23+$0xFFFFFFE0]  }
0x295: {  	v6 =	vadd.f32 v6, v7;
	v3 =	vmax.f32 v3, $0.0e+00;
	v7 =	vld [tilespmem:s15+$0x50]  }
0x296: {  	[tilespmem:s25+$0x10] =	vst v3;
	v3 =	vld [tilespmem:s13+$0x50]  }
0x297: {  	v6 =	vmax.f32 v6, $0.0e+00;
	v8 =	vld [tilespmem:s20+$0x20];
	v1 =	vadd.f32 v5, v1  }
0x298: {  	[tilespmem:s25+$0xFFFFFF90] =	vst v6;
	v5 =	vld [tilespmem:s16+$0x20]  }
0x299: {  	v6 =	vld [tilespmem:s20+$0xFFFFFFA0];
	v1 =	vmax.f32 v1, $0.0e+00;
	v2 =	vadd.f32 v2, v4  }
0x29a: {  	v4 =	vld [tilespmem:s16+$0xFFFFFFA0];
	[tilespmem:s3+$0xFFFFFFC0] =	vst v1  }
0x29b: {  	v9 =	vld [tilespmem:s15+$0xFFFFFFD0];
	v1 =	vadd.f32 v3, v7;
	v2 =	vmax.f32 v2, $0.0e+00  }
0x29c: {  	v7 =	vld [tilespmem:s13+$0xFFFFFFD0];
	[tilespmem:s1+$0xFFFFFFE0] =	vst v2  }
0x29d: {  	v3 =	vadd.f32 v5, v8;
	v2 =	vmax.f32 v1, $0.0e+00;
	v1 =	vld [tilespmem:s24+$0xFFFFFFF0];
	s24 =	smov.u32 s15;
	s15 =	smov.u32 s20  }
.Ltmp6:
0x29e: {  	[tilespmem:s3+$0x50] =	vst v2;
	v2 =	vld [tilespmem:s23+$0xFFFFFFF0];
	s23 =	smov.u32 s13;
	s13 =	smov.u32 s16;
	(pc) =	sbr.rel @p0 .LBB2_16-.Ltmp6, $4  }
0x29f: {  	v5 =	vadd.f32 v4, v6;
	v4 =	vmax.f32 v3, $0.0e+00;
	v3 =	vld [tilespmem:s24+$0x60]  }
0x2a0: {  	[tilespmem:s25+$0x20] =	vst v4;
	v4 =	vld [tilespmem:s23+$0x60]  }
0x2a1: {  	v8 =	vmax.f32 v5, $0.0e+00;
	v6 =	vld [tilespmem:s20+$0x30];
	v5 =	vadd.f32 v7, v9  }
0x2a2: {  	s20 =	sadd.s32 $0x100, s20;
	[tilespmem:s25+$0xFFFFFFA0] =	vst v8;
	v7 =	vld [tilespmem:s16+$0x30]  }
0x2a3: {  	v8 =	vld [tilespmem:s15+$0xFFFFFFB0]  }
0x2a4: {  	v9 =	vld [tilespmem:s13+$0xFFFFFFB0];
	_ =	sdelay $0x2  }
0x2a5: {  	v6 =	vadd.f32 v7, v6;
	_ =	sdelay $0x1  }
0x2a6: {  	v7 =	vadd.f32 v9, v8;
	v6 =	vmax.f32 v6, $0.0e+00  }
0x2a7: {  	[tilespmem:s25+$0x30] =	vst v6  }
0x2a8: {  	v7 =	vmax.f32 v7, $0.0e+00;
	v6 =	vld [tilespmem:s15+$0x40]  }
0x2a9: {  	v8 =	vld [tilespmem:s13+$0x40];
	[tilespmem:s25+$0xFFFFFFB0] =	vst v7  }
0x2aa: {  	v7 =	vld [tilespmem:s15+$0xFFFFFFC0]  }
0x2ab: {  	v56 =	vld [tilespmem:s13+$0xFFFFFFC0];
	_ =	sdelay $0x2  }
0x2ac: {  	v6 =	vadd.f32 v8, v6;
	_ =	sdelay $0x1  }
0x2ad: {  	v7 =	vadd.f32 v56, v7;
	v6 =	vmax.f32 v6, $0.0e+00  }
0x2ae: {  	[tilespmem:s25+$0x40] =	vst v6  }
0x2af: {  	v7 =	vmax.f32 v7, $0.0e+00;
	v6 =	vld [tilespmem:s15+$0x50]  }
0x2b0: {  	v8 =	vld [tilespmem:s13+$0x50];
	[tilespmem:s25+$0xFFFFFFC0] =	vst v7  }
0x2b1: {  	v7 =	vld [tilespmem:s15+$0xFFFFFFD0]  }
0x2b2: {  	v57 =	vld [tilespmem:s13+$0xFFFFFFD0];
	_ =	sdelay $0x2  }
0x2b3: {  	v5 =	vmax.f32 v5, $0.0e+00;
	v6 =	vadd.f32 v8, v6  }
0x2b4: {  	[tilespmem:s3+$0xFFFFFFD0] =	vst v5  }
0x2b5: {  	v5 =	vld [tilespmem:s24+$0xFFFFFFE0];
	v7 =	vadd.f32 v57, v7;
	v6 =	vmax.f32 v6, $0.0e+00  }
0x2b6: {  	v8 =	vld [tilespmem:s23+$0xFFFFFFE0];
	[tilespmem:s25+$0x50] =	vst v6  }
0x2b7: {  	v7 =	vmax.f32 v7, $0.0e+00;
	v6 =	vld [tilespmem:s15+$0x60]  }
0x2b8: {  	v58 =	vld [tilespmem:s13+$0x60];
	[tilespmem:s25+$0xFFFFFFD0] =	vst v7  }
0x2b9: {  	v3 =	vadd.f32 v4, v3;
	v4 =	vld [tilespmem:s15+$0xFFFFFFE0]  }
0x2ba: {  	v7 =	vld [tilespmem:s13+$0xFFFFFFE0]  }
0x2bb: {  	v3 =	vmax.f32 v3, $0.0e+00;
	v5 =	vadd.f32 v8, v5  }
0x2bc: {  	[tilespmem:s3+$0x60] =	vst v3  }
0x2bd: {  	v3 =	vld [tilespmem:s24+$0x70];
	v5 =	vmax.f32 v5, $0.0e+00;
	v6 =	vadd.f32 v58, v6  }
0x2be: {  	v8 =	vld [tilespmem:s23+$0x70];
	[tilespmem:s3+$0xFFFFFFE0] =	vst v5  }
0x2bf: {  	v5 =	vld [tilespmem:s24+$0xFFFFFFF0];
	v4 =	vadd.f32 v7, v4;
	v6 =	vmax.f32 v6, $0.0e+00  }
0x2c0: {  	v7 =	vld [tilespmem:s23+$0xFFFFFFF0];
	[tilespmem:s25+$0x60] =	vst v6  }
0x2c1: {  	v4 =	vmax.f32 v4, $0.0e+00;
	v6 =	vld [tilespmem:s15+$0x70]  }
0x2c2: {  	v59 =	vld [tilespmem:s13+$0x70];
	[tilespmem:s25+$0xFFFFFFE0] =	vst v4  }
0x2c3: {  	v4 =	vld [tilespmem:s15+$0xFFFFFFF0]  }
0x2c4: {  	v10 =	vld [tilespmem:s13+$0xFFFFFFF0]  }
0x2c5: {  	v1 =	vadd.f32 v2, v1  }
0x2c6: {  	v2 =	vadd.f32 v8, v3  }
0x2c7: {  	v1 =	vmax.f32 v1, $0.0e+00;
	v3 =	vadd.f32 v7, v5  }
0x2c8: {  	[tilespmem:s1+$0xFFFFFFF0] =	vst v1;
	v1 =	vmax.f32 v2, $0.0e+00;
	v2 =	vadd.f32 v59, v6  }
0x2c9: {  	[tilespmem:s3+$0x70] =	vst v1;
	v1 =	vmax.f32 v3, $0.0e+00;
	v3 =	vadd.f32 v10, v4  }
0x2ca: {  	p0 =	seq.s32 s28, $0xF;
	[tilespmem:s3+$0xFFFFFFF0] =	vst v1;
	v1 =	vmax.f32 v2, $0.0e+00  }
0x2cb: {  	s29 =	sshll.u32 @!p0 s28, $0x8;
	[tilespmem:s25+$0x70] =	vst v1;
	v1 =	vmax.f32 v3, $0.0e+00  }
0x2cc: {  	s1 =	sadd.s32 @!p0 $0x100, s29;
	s13 =	simm.s32 @!p0 $0x2000;
	s3 =	simm.s32 @!p0 $0x40;
	[tilespmem:s25+$0xFFFFFFF0] =	vst v1  }
0x2cd: {  	[tilespmem:s13], [sflag:$0x1] =	stream.indirect.gather @!p0 [hbm4b:s6+s3], $0x80, s1, s3, $0xb8;
	v63 =	vld [tilespmem:$0x0]  }
0x2ce: {  	s20 =	sshll.u32 s28, $0x8;
	s1 =	sadd.s32 @!p0 $0x1100, s29;
	s13 =	simm.s32 @!p0 $0x6000  }
0x2cf: {  	[tilespmem:s13], [sflag:$0x3] =	stream.indirect.gather @!p0 [hbm4b:s10+s3], $0x80, s1, s3, $0xb8;
	v63 =	vld [tilespmem:$0x0]  }
0x2d0: {  	s3 =	sand.u32 $0x3FFFFF00, s20  }
0x2d1: {  	s1 =	sadd.s32 $0x1000, s3  }
0x2d2: {  	[spmem:s2] =	stream.indirect.scatter.add.f32 [tilespmem:s31], [sflag:$0x5], $0x80, s1, s22, $0xb8;
	v63 =	vld [tilespmem:$0x0]  }
0x2d3: {  	_ =	swait.ge [sflag:s4], $0x2000  }
0x2d4: {  	[sflag:s4] =	ssyncset.done $0x0  }
0x2d5: {  	[sflag:s4] =	ssyncadd.s32 $0xFFFFE000  }
0x2d6: {  	_ =	swait.ge [sflag:s19], $0x2000  }
0x2d7: {  	[sflag:s19] =	ssyncset.done $0x0  }
0x2d8: {  	[sflag:s19] =	ssyncadd.s32 $0xFFFFE000  }
0x2d9: {  	_ =	swait.ge [sflag:s26], $0x2000  }
0x2da: {  	[sflag:s26] =	ssyncset.done $0x0  }
0x2db: {  	s20 =	simm.s32 $0x4080;
	[sflag:s26] =	ssyncadd.s32 $0xFFFFE000  }
0x2dc: {  	s21 =	simm.s32 $0x8080;
	v1 =	vld [tilespmem:s20+$0x0]  }
0x2dd: {  	v2 =	vld [tilespmem:s21+$0x0];
	_ =	sdelay $0x4  }
0x2de: {  	v1 =	vadd.f32 v2, v1;
	_ =	sdelay $0x1  }
0x2df: {  	s1 =	simm.s32 $0xA080;
	v3 =	vld [tilespmem:s20+$0xFFFFFF80];
	v1 =	vmax.f32 v1, $0.0e+00  }
0x2e0: {  	v2 =	vld [tilespmem:s21+$0xFFFFFF80];
	[tilespmem:s1+$0x0] =	vst v1  }
0x2e1: {  	v1 =	vld [tilespmem:s20+$0x10]  }
0x2e2: {  	v4 =	vld [tilespmem:s21+$0x10];
	_ =	sdelay $0x2  }
0x2e3: {  	v2 =	vadd.f32 v2, v3;
	_ =	sdelay $0x1  }
0x2e4: {  	v2 =	vmax.f32 v2, $0.0e+00;
	v1 =	vadd.f32 v4, v1  }
0x2e5: {  	[tilespmem:s1+$0xFFFFFF80] =	vst v2  }
0x2e6: {  	v2 =	vld [tilespmem:s20+$0xFFFFFF90];
	v1 =	vmax.f32 v1, $0.0e+00  }
0x2e7: {  	v3 =	vld [tilespmem:s21+$0xFFFFFF90];
	[tilespmem:s1+$0x10] =	vst v1  }
0x2e8: {  	v1 =	vld [tilespmem:s20+$0x20]  }
0x2e9: {  	v4 =	vld [tilespmem:s21+$0x20];
	_ =	sdelay $0x2  }
0x2ea: {  	v2 =	vadd.f32 v3, v2;
	_ =	sdelay $0x1  }
0x2eb: {  	v2 =	vmax.f32 v2, $0.0e+00;
	v1 =	vadd.f32 v4, v1  }
0x2ec: {  	[tilespmem:s1+$0xFFFFFF90] =	vst v2  }
0x2ed: {  	v2 =	vld [tilespmem:s20+$0xFFFFFFA0];
	v1 =	vmax.f32 v1, $0.0e+00  }
0x2ee: {  	v3 =	vld [tilespmem:s21+$0xFFFFFFA0];
	[tilespmem:s1+$0x20] =	vst v1  }
0x2ef: {  	v1 =	vld [tilespmem:s20+$0x30]  }
0x2f0: {  	s25 =	simm.s32 $0x4180;
	v4 =	vld [tilespmem:s21+$0x30]  }
0x2f1: {  	s24 =	simm.s32 $0x8180;
	v5 =	vld [tilespmem:s25+$0x0]  }
0x2f2: {  	v6 =	vld [tilespmem:s24+$0x0]  }
0x2f3: {  	v2 =	vadd.f32 v3, v2;
	_ =	sdelay $0x1  }
0x2f4: {  	v3 =	vld [tilespmem:s24+$0xFFFFFF80];
	v2 =	vmax.f32 v2, $0.0e+00;
	v1 =	vadd.f32 v4, v1  }
0x2f5: {  	[tilespmem:s1+$0xFFFFFFA0] =	vst v2;
	v2 =	vld [tilespmem:s25+$0xFFFFFF80]  }
0x2f6: {  	v5 =	vadd.f32 v6, v5;
	v4 =	vld [tilespmem:s20+$0xFFFFFFB0];
	v1 =	vmax.f32 v1, $0.0e+00  }
0x2f7: {  	v6 =	vld [tilespmem:s21+$0xFFFFFFB0];
	[tilespmem:s1+$0x30] =	vst v1  }
0x2f8: {  	s23 =	simm.s32 $0xA180;
	v1 =	vmax.f32 v5, $0.0e+00;
	v5 =	vld [tilespmem:s20+$0x40]  }
0x2f9: {  	[tilespmem:s23+$0x0] =	vst v1;
	v1 =	vld [tilespmem:s21+$0x40]  }
0x2fa: {  	v2 =	vadd.f32 v3, v2;
	v3 =	vld [tilespmem:s25+$0x10]  }
0x2fb: {  	v7 =	vld [tilespmem:s24+$0x10]  }
0x2fc: {  	v4 =	vadd.f32 v6, v4;
	v2 =	vmax.f32 v2, $0.0e+00  }
0x2fd: {  	[tilespmem:s23+$0xFFFFFF80] =	vst v2  }
0x2fe: {  	v4 =	vmax.f32 v4, $0.0e+00;
	v2 =	vld [tilespmem:s25+$0xFFFFFF90];
	v1 =	vadd.f32 v1, v5  }
0x2ff: {  	[tilespmem:s1+$0xFFFFFFB0] =	vst v4;
	v5 =	vld [tilespmem:s24+$0xFFFFFF90]  }
0x300: {  	v4 =	vld [tilespmem:s20+$0xFFFFFFC0];
	v3 =	vadd.f32 v7, v3;
	v1 =	vmax.f32 v1, $0.0e+00  }
0x301: {  	v6 =	vld [tilespmem:s21+$0xFFFFFFC0];
	[tilespmem:s1+$0x40] =	vst v1  }
0x302: {  	v1 =	vmax.f32 v3, $0.0e+00;
	v3 =	vld [tilespmem:s20+$0x50]  }
0x303: {  	[tilespmem:s23+$0x10] =	vst v1;
	v1 =	vld [tilespmem:s21+$0x50]  }
0x304: {  	v2 =	vadd.f32 v5, v2;
	v5 =	vld [tilespmem:s25+$0x20]  }
0x305: {  	v7 =	vld [tilespmem:s24+$0x20];
	_ =	sdelay $0x1  }
0x306: {  	s17 =	simm.s32 $0x8280;
	v4 =	vadd.f32 v6, v4;
	v2 =	vmax.f32 v2, $0.0e+00  }
0x307: {  	v60 =	vld [tilespmem:s17+$0x0];
	[tilespmem:s23+$0xFFFFFF90] =	vst v2;
	v1 =	vadd.f32 v1, v3  }
0x308: {  	v4 =	vmax.f32 v4, $0.0e+00;
	v2 =	vld [tilespmem:s25+$0xFFFFFFA0]  }
0x309: {  	[tilespmem:s1+$0xFFFFFFC0] =	vst v4;
	v3 =	vld [tilespmem:s24+$0xFFFFFFA0];
	v5 =	vadd.f32 v7, v5;
	v1 =	vmax.f32 v1, $0.0e+00  }
0x30a: {  	v4 =	vld [tilespmem:s20+$0xFFFFFFD0];
	[tilespmem:s1+$0x50] =	vst v1  }
0x30b: {  	v1 =	vmax.f32 v5, $0.0e+00;
	v5 =	vld [tilespmem:s20+$0x60]  }
0x30c: {  	[tilespmem:s23+$0x20] =	vst v1;
	v1 =	vld [tilespmem:s21+$0x60]  }
0x30d: {  	v7 =	vld [tilespmem:s25+$0x30]  }
0x30e: {  	v8 =	vld [tilespmem:s24+$0x30];
	v2 =	vadd.f32 v3, v2  }
0x30f: {  	s15 =	simm.s32 $0x4280;
	v6 =	vld [tilespmem:s21+$0xFFFFFFD0]  }
0x310: {  	v3 =	vld [tilespmem:s15+$0x0];
	v2 =	vmax.f32 v2, $0.0e+00  }
0x311: {  	[tilespmem:s23+$0xFFFFFFA0] =	vst v2;
	v2 =	vld [tilespmem:s15+$0xFFFFFF80];
	v1 =	vadd.f32 v1, v5  }
0x312: {  	v5 =	vld [tilespmem:s17+$0xFFFFFF80]  }
0x313: {  	v7 =	vadd.f32 v8, v7;
	v8 =	vld [tilespmem:s25+$0xFFFFFFB0];
	v1 =	vmax.f32 v1, $0.0e+00  }
0x314: {  	[tilespmem:s1+$0x60] =	vst v1;
	v1 =	vld [tilespmem:s24+$0xFFFFFFB0]  }
0x315: {  	v3 =	vadd.f32 v60, v3;
	v7 =	vmax.f32 v7, $0.0e+00;
	v61 =	vld [tilespmem:s20+$0x70]  }
0x316: {  	[tilespmem:s23+$0x30] =	vst v7;
	v7 =	vld [tilespmem:s21+$0x70]  }
0x317: {  	s16 =	simm.s32 $0xA280;
	v3 =	vmax.f32 v3, $0.0e+00;
	v2 =	vadd.f32 v5, v2;
	v5 =	vld [tilespmem:s25+$0x40]  }
0x318: {  	[tilespmem:s16+$0x0] =	vst v3;
	v3 =	vld [tilespmem:s24+$0x40]  }
0x319: {  	v2 =	vmax.f32 v2, $0.0e+00;
	v1 =	vadd.f32 v1, v8;
	v8 =	vld [tilespmem:s15+$0x10]  }
0x31a: {  	[tilespmem:s16+$0xFFFFFF80] =	vst v2;
	v2 =	vld [tilespmem:s17+$0x10]  }
0x31b: {  	v4 =	vadd.f32 v6, v4;
	v6 =	vld [tilespmem:s15+$0xFFFFFF90];
	v1 =	vmax.f32 v1, $0.0e+00  }
0x31c: {  	[tilespmem:s23+$0xFFFFFFB0] =	vst v1;
	v1 =	vld [tilespmem:s17+$0xFFFFFF90]  }
0x31d: {  	v4 =	vmax.f32 v4, $0.0e+00;
	v3 =	vadd.f32 v3, v5;
	v5 =	vld [tilespmem:s25+$0xFFFFFFC0]  }
0x31e: {  	[tilespmem:s1+$0xFFFFFFD0] =	vst v4;
	v4 =	vld [tilespmem:s24+$0xFFFFFFC0]  }
0x31f: {  	v3 =	vmax.f32 v3, $0.0e+00;
	v2 =	vadd.f32 v2, v8;
	v8 =	vld [tilespmem:s20+$0xFFFFFFE0]  }
0x320: {  	[tilespmem:s23+$0x40] =	vst v3;
	v3 =	vld [tilespmem:s21+$0xFFFFFFE0]  }
0x321: {  	v2 =	vmax.f32 v2, $0.0e+00;
	v1 =	vadd.f32 v1, v6;
	v6 =	vld [tilespmem:s25+$0x50]  }
0x322: {  	[tilespmem:s16+$0x10] =	vst v2;
	v2 =	vld [tilespmem:s24+$0x50]  }
0x323: {  	v4 =	vadd.f32 v4, v5;
	v5 =	vld [tilespmem:s15+$0x20];
	v1 =	vmax.f32 v1, $0.0e+00  }
0x324: {  	[tilespmem:s16+$0xFFFFFF90] =	vst v1;
	v1 =	vld [tilespmem:s17+$0x20]  }
0x325: {  	v3 =	vadd.f32 v3, v8;
	v4 =	vmax.f32 v4, $0.0e+00;
	v8 =	vld [tilespmem:s15+$0xFFFFFFA0]  }
0x326: {  	[tilespmem:s23+$0xFFFFFFC0] =	vst v4;
	v4 =	vld [tilespmem:s17+$0xFFFFFFA0]  }
0x327: {  	v3 =	vmax.f32 v3, $0.0e+00;
	v2 =	vadd.f32 v2, v6;
	v62 =	vld [tilespmem:s25+$0xFFFFFFD0]  }
0x328: {  	[tilespmem:s1+$0xFFFFFFE0] =	vst v3;
	v11 =	vld [tilespmem:s24+$0xFFFFFFD0]  }
0x329: {  	v2 =	vmax.f32 v2, $0.0e+00;
	v3 =	vadd.f32 v1, v5;
	v1 =	vld [tilespmem:s20+$0xFFFFFFF0]  }
0x32a: {  	v5 =	vadd.f32 v7, v61;
	[tilespmem:s23+$0x50] =	vst v2;
	v2 =	vld [tilespmem:s21+$0xFFFFFFF0]  }
0x32b: {  	v6 =	vadd.f32 v4, v8;
	v4 =	vmax.f32 v3, $0.0e+00;
	v3 =	vld [tilespmem:s25+$0x60]  }
0x32c: {  	v5 =	vmax.f32 v5, $0.0e+00;
	[tilespmem:s16+$0x20] =	vst v4;
	v4 =	vld [tilespmem:s24+$0x60]  }
0x32d: {  	[tilespmem:s1+$0x70] =	vst v5;
	v7 =	vmax.f32 v6, $0.0e+00;
	v5 =	vadd.f32 v11, v62;
	v6 =	vld [tilespmem:s15+$0x30]  }
0x32e: {  	s13 =	simm.s32 $0x8280;
	s20 =	simm.s32 $0x4;
	s21 =	simm.s32 $0x4380;
	[tilespmem:s16+$0xFFFFFFA0] =	vst v7;
	v7 =	vld [tilespmem:s17+$0x30]  }
.LBB2_18:
0x32f: {  	v8 =	vld [tilespmem:s21+$0x0];
	s17 =	sadd.s32 $0x100, s17;
	v5 =	vmax.f32 v5, $0.0e+00;
	v1 =	vadd.f32 v2, v1  }
0x330: {  	v2 =	vld [tilespmem:s17+$0x0];
	[tilespmem:s23+$0xFFFFFFD0] =	vst v5  }
0x331: {  	v5 =	vld [tilespmem:s17+$0xFFFFFF80];
	v3 =	vadd.f32 v4, v3;
	v1 =	vmax.f32 v1, $0.0e+00  }
0x332: {  	v4 =	vld [tilespmem:s21+$0xFFFFFF80];
	[tilespmem:s1+$0xFFFFFFF0] =	vst v1;
	s1 =	smov.u32 s23;
	s23 =	smov.u32 s16  }
0x333: {  	v1 =	vld [tilespmem:s15+$0xFFFFFFB0];
	v6 =	vadd.f32 v7, v6;
	v3 =	vmax.f32 v3, $0.0e+00  }
0x334: {  	v7 =	vld [tilespmem:s13+$0xFFFFFFB0];
	[tilespmem:s1+$0x60] =	vst v3  }
0x335: {  	v2 =	vadd.f32 v2, v8;
	v3 =	vmax.f32 v6, $0.0e+00;
	v6 =	vld [tilespmem:s25+$0x70]  }
0x336: {  	[tilespmem:s16+$0x30] =	vst v3;
	v3 =	vld [tilespmem:s24+$0x70]  }
0x337: {  	s20 =	sadd.s32 $0x2, s20;
	s16 =	sadd.s32 $0x100, s16;
	v4 =	vadd.f32 v5, v4;
	v2 =	vmax.f32 v2, $0.0e+00;
	v5 =	vld [tilespmem:s15+$0x40]  }
0x338: {  	p1 =	slt.u32 s20, $0x3E;
	[tilespmem:s16+$0x0] =	vst v2;
	v2 =	vld [tilespmem:s13+$0x40]  }
0x339: {  	v4 =	vmax.f32 v4, $0.0e+00;
	v8 =	vld [tilespmem:s21+$0x10];
	v1 =	vadd.f32 v7, v1  }
0x33a: {  	[tilespmem:s16+$0xFFFFFF80] =	vst v4;
	v4 =	vld [tilespmem:s17+$0x10]  }
0x33b: {  	v7 =	vld [tilespmem:s21+$0xFFFFFF90];
	v1 =	vmax.f32 v1, $0.0e+00;
	v3 =	vadd.f32 v3, v6  }
0x33c: {  	v6 =	vld [tilespmem:s17+$0xFFFFFF90];
	[tilespmem:s23+$0xFFFFFFB0] =	vst v1  }
0x33d: {  	v1 =	vld [tilespmem:s15+$0xFFFFFFC0];
	v2 =	vadd.f32 v2, v5;
	v3 =	vmax.f32 v3, $0.0e+00  }
0x33e: {  	v5 =	vld [tilespmem:s13+$0xFFFFFFC0];
	[tilespmem:s1+$0x70] =	vst v3  }
0x33f: {  	v3 =	vadd.f32 v4, v8;
	v2 =	vmax.f32 v2, $0.0e+00;
	v4 =	vld [tilespmem:s25+$0xFFFFFFE0]  }
0x340: {  	[tilespmem:s23+$0x40] =	vst v2;
	v2 =	vld [tilespmem:s24+$0xFFFFFFE0]  }
0x341: {  	v6 =	vadd.f32 v6, v7;
	v3 =	vmax.f32 v3, $0.0e+00;
	v7 =	vld [tilespmem:s15+$0x50]  }
0x342: {  	[tilespmem:s16+$0x10] =	vst v3;
	v3 =	vld [tilespmem:s13+$0x50]  }
0x343: {  	v6 =	vmax.f32 v6, $0.0e+00;
	v8 =	vld [tilespmem:s21+$0x20];
	v1 =	vadd.f32 v5, v1  }
0x344: {  	[tilespmem:s16+$0xFFFFFF90] =	vst v6;
	v5 =	vld [tilespmem:s17+$0x20]  }
0x345: {  	v6 =	vld [tilespmem:s21+$0xFFFFFFA0];
	v1 =	vmax.f32 v1, $0.0e+00;
	v2 =	vadd.f32 v2, v4  }
0x346: {  	v4 =	vld [tilespmem:s17+$0xFFFFFFA0];
	[tilespmem:s23+$0xFFFFFFC0] =	vst v1  }
0x347: {  	v9 =	vld [tilespmem:s15+$0xFFFFFFD0];
	v1 =	vadd.f32 v3, v7;
	v2 =	vmax.f32 v2, $0.0e+00  }
0x348: {  	v7 =	vld [tilespmem:s13+$0xFFFFFFD0];
	[tilespmem:s1+$0xFFFFFFE0] =	vst v2  }
0x349: {  	v3 =	vadd.f32 v5, v8;
	v2 =	vmax.f32 v1, $0.0e+00;
	v1 =	vld [tilespmem:s25+$0xFFFFFFF0];
	s25 =	smov.u32 s15;
	s15 =	smov.u32 s21  }
.Ltmp7:
0x34a: {  	[tilespmem:s23+$0x50] =	vst v2;
	v2 =	vld [tilespmem:s24+$0xFFFFFFF0];
	s24 =	smov.u32 s13;
	s13 =	smov.u32 s17;
	(pc) =	sbr.rel @p1 .LBB2_18-.Ltmp7, $4  }
0x34b: {  	v5 =	vadd.f32 v4, v6;
	v4 =	vmax.f32 v3, $0.0e+00;
	v3 =	vld [tilespmem:s25+$0x60]  }
0x34c: {  	[tilespmem:s16+$0x20] =	vst v4;
	v4 =	vld [tilespmem:s24+$0x60]  }
0x34d: {  	v8 =	vmax.f32 v5, $0.0e+00;
	v6 =	vld [tilespmem:s21+$0x30];
	v5 =	vadd.f32 v7, v9  }
0x34e: {  	s21 =	sadd.s32 $0x100, s21;
	[tilespmem:s16+$0xFFFFFFA0] =	vst v8;
	v7 =	vld [tilespmem:s17+$0x30]  }
0x34f: {  	v8 =	vld [tilespmem:s15+$0xFFFFFFB0]  }
0x350: {  	v9 =	vld [tilespmem:s13+$0xFFFFFFB0];
	_ =	sdelay $0x2  }
0x351: {  	v6 =	vadd.f32 v7, v6;
	_ =	sdelay $0x1  }
0x352: {  	v52 =	vadd.f32 v9, v8;
	v6 =	vmax.f32 v6, $0.0e+00  }
0x353: {  	[tilespmem:s16+$0x30] =	vst v6  }
0x354: {  	v7 =	vmax.f32 v52, $0.0e+00;
	v6 =	vld [tilespmem:s15+$0x40]  }
0x355: {  	v53 =	vld [tilespmem:s13+$0x40];
	[tilespmem:s16+$0xFFFFFFB0] =	vst v7  }
0x356: {  	v7 =	vld [tilespmem:s15+$0xFFFFFFC0]  }
0x357: {  	v54 =	vld [tilespmem:s13+$0xFFFFFFC0];
	_ =	sdelay $0x2  }
0x358: {  	v6 =	vadd.f32 v53, v6;
	_ =	sdelay $0x1  }
0x359: {  	v7 =	vadd.f32 v54, v7;
	v6 =	vmax.f32 v6, $0.0e+00  }
0x35a: {  	[tilespmem:s16+$0x40] =	vst v6  }
0x35b: {  	v7 =	vmax.f32 v7, $0.0e+00;
	v6 =	vld [tilespmem:s15+$0x50]  }
0x35c: {  	v55 =	vld [tilespmem:s13+$0x50];
	[tilespmem:s16+$0xFFFFFFC0] =	vst v7  }
0x35d: {  	v7 =	vld [tilespmem:s15+$0xFFFFFFD0]  }
0x35e: {  	v56 =	vld [tilespmem:s13+$0xFFFFFFD0];
	_ =	sdelay $0x2  }
0x35f: {  	v5 =	vmax.f32 v5, $0.0e+00;
	v6 =	vadd.f32 v55, v6  }
0x360: {  	[tilespmem:s23+$0xFFFFFFD0] =	vst v5  }
0x361: {  	v5 =	vld [tilespmem:s25+$0xFFFFFFE0];
	v7 =	vadd.f32 v56, v7;
	v6 =	vmax.f32 v6, $0.0e+00  }
0x362: {  	v57 =	vld [tilespmem:s24+$0xFFFFFFE0];
	[tilespmem:s16+$0x50] =	vst v6  }
0x363: {  	v7 =	vmax.f32 v7, $0.0e+00;
	v6 =	vld [tilespmem:s15+$0x60]  }
0x364: {  	v58 =	vld [tilespmem:s13+$0x60];
	[tilespmem:s16+$0xFFFFFFD0] =	vst v7  }
0x365: {  	v3 =	vadd.f32 v4, v3;
	v59 =	vld [tilespmem:s15+$0xFFFFFFE0]  }
0x366: {  	v7 =	vld [tilespmem:s13+$0xFFFFFFE0]  }
0x367: {  	v3 =	vmax.f32 v3, $0.0e+00;
	v5 =	vadd.f32 v57, v5  }
0x368: {  	[tilespmem:s23+$0x60] =	vst v3  }
0x369: {  	v3 =	vld [tilespmem:s25+$0x70];
	v5 =	vmax.f32 v5, $0.0e+00;
	v6 =	vadd.f32 v58, v6  }
0x36a: {  	v60 =	vld [tilespmem:s24+$0x70];
	[tilespmem:s23+$0xFFFFFFE0] =	vst v5  }
0x36b: {  	v5 =	vld [tilespmem:s25+$0xFFFFFFF0];
	v4 =	vadd.f32 v7, v59;
	v6 =	vmax.f32 v6, $0.0e+00  }
0x36c: {  	v61 =	vld [tilespmem:s24+$0xFFFFFFF0];
	[tilespmem:s16+$0x60] =	vst v6  }
0x36d: {  	v4 =	vmax.f32 v4, $0.0e+00;
	v6 =	vld [tilespmem:s15+$0x70]  }
0x36e: {  	v62 =	vld [tilespmem:s13+$0x70];
	[tilespmem:s16+$0xFFFFFFE0] =	vst v4  }
0x36f: {  	v4 =	vld [tilespmem:s15+$0xFFFFFFF0]  }
0x370: {  	v10 =	vld [tilespmem:s13+$0xFFFFFFF0]  }
0x371: {  	v1 =	vadd.f32 v2, v1  }
0x372: {  	v2 =	vadd.f32 v60, v3  }
0x373: {  	v1 =	vmax.f32 v1, $0.0e+00;
	v3 =	vadd.f32 v61, v5  }
0x374: {  	[tilespmem:s1+$0xFFFFFFF0] =	vst v1;
	v1 =	vmax.f32 v2, $0.0e+00;
	v2 =	vadd.f32 v62, v6  }
0x375: {  	[tilespmem:s23+$0x70] =	vst v1;
	v1 =	vmax.f32 v3, $0.0e+00;
	v3 =	vadd.f32 v10, v4  }
0x376: {  	[tilespmem:s23+$0xFFFFFFF0] =	vst v1;
	v1 =	vmax.f32 v2, $0.0e+00  }
0x377: {  	[tilespmem:s16+$0x70] =	vst v1;
	v1 =	vmax.f32 v3, $0.0e+00  }
0x378: {  	s1 =	sadd.s32 @!p0 $0x180, s29;
	s13 =	simm.s32 @!p0 $0x40;
	s15 =	simm.s32 @!p0 $0x4000;
	[tilespmem:s16+$0xFFFFFFF0] =	vst v1  }
0x379: {  	[tilespmem:s15], [sflag:$0x2] =	stream.indirect.gather @!p0 [hbm4b:s6+s13], $0x80, s1, s13, $0xb8;
	v63 =	vld [tilespmem:$0x0]  }
0x37a: {  	s28 =	sadd.s32 $0x1, s28;
	s1 =	sadd.s32 @!p0 $0x1180, s29;
	s15 =	simm.s32 @!p0 $0x8000  }
0x37b: {  	[tilespmem:s15], [sflag:$0x4] =	stream.indirect.gather @!p0 [hbm4b:s10+s13], $0x80, s1, s13, $0xb8;
	v63 =	vld [tilespmem:$0x0]  }
0x37c: {  	p0 =	sne.s32 s28, $0x10  }
.Ltmp8:
0x37d: {  	s29 =	sadd.s32 $0x1080, s3;
	(pc) =	sbr.rel @p0 .LBB2_15-.Ltmp8, $4  }
0x37e: {  	[spmem:s2] =	stream.indirect.scatter.add.f32 [tilespmem:s31], [sflag:$0x5], $0x80, s29, s22, $0xb8;
	v63 =	vld [tilespmem:$0x0]  }
0x37f: {  	_ =	swait.ge [sflag:s4], $0x2000  }
0x380: {  	[sflag:s4] =	ssyncset.done $0x0  }
0x381: {  	[sflag:s4] =	ssyncadd.s32 $0xFFFFE000  }
0x382: {  	s14 =	sadd.s32 $0x1, s14  }
0x383: {  	p0 =	sne.s32 s14, $0x5  }
.Ltmp9:
0x384: {  	_ = 	snop;
	(pc) =	sbr.rel @p0 .LBB2_14-.Ltmp9, $1  }
0x385: {  	_ =	sdelay $0x3  }
0x386: {  	[bflag:$0x0] =	sbarrier.arrive $0xFFFF  }
0x387: {  	s1 =	rddreg [dreg:$0xe]  }
0x388: {  	s3 =	rddreg [dreg:$0x16]  }
0x389: {  	s13 =	rddreg [dreg:$0x17]  }
0x38a: {  	[hbm:s1], [sflag:s3] =	dma.local [spmem:s13], $0x2800  }
0x38b: {  	_ =	swait.ge [sflag:s4], $0x2800  }
0x38c: {  	[sflag:s4] =	ssyncset.done $0x0  }
0x38d: {  	[sflag:s4] =	ssyncadd.s32 $0xFFFFD800  }
0x38e: {  	s1 =	simm.s32 $0x0;
	s3 =	simm.s32 $0x200;
	[bflag:$0x0] =	sbarrier.arrive $0xFFFF  }
.LBB2_22:
0x38f: {  	p0 =	sne.s32 s3, $0x7E00;
	[tilespmem:s1+$0xA070] =	vst v0  }
0x390: {  	[tilespmem:s1+$0xA000] =	vst v0  }
0x391: {  	[tilespmem:s1+$0xA010] =	vst v0  }
.Ltmp10:
0x392: {  	[tilespmem:s1+$0xA020] =	vst v0;
	(pc) =	sbr.rel @p0 .LBB2_22-.Ltmp10, $4  }
0x393: {  	[tilespmem:s1+$0xA030] =	vst v0  }
0x394: {  	[tilespmem:s1+$0xA040] =	vst v0  }
0x395: {  	[tilespmem:s1+$0xA050] =	vst v0  }
0x396: {  	[tilespmem:s1+$0xA060] =	vst v0;
	s1 =	sshra.s32 s3, $0x2;
	s3 =	sadd.s32 $0x200, s3  }
0x397: {  	[tilespmem:s1+$0xA070] =	vst v0  }
0x398: {  	[tilespmem:s1+$0xA000] =	vst v0  }
0x399: {  	[tilespmem:s1+$0xA010] =	vst v0  }
0x39a: {  	[tilespmem:s1+$0xA020] =	vst v0  }
0x39b: {  	[tilespmem:s1+$0xA030] =	vst v0  }
0x39c: {  	[tilespmem:s1+$0xA040] =	vst v0  }
0x39d: {  	[tilespmem:s1+$0xA050] =	vst v0  }
0x39e: {  	[tilespmem:s1+$0xA060] =	vst v0;
	s15 =	rddreg [dreg:$0x6]  }
0x39f: {  	[spmem:s15] =	stream.linear.scatter [tilespmem:s31], [sflag:$0x1], $0x2000, $0x38;
	v63 =	vld [tilespmem:$0x0]  }
0x3a0: {  	s16 =	rddreg [dreg:$0x7]  }
0x3a1: {  	[spmem:s16] =	stream.linear.scatter [tilespmem:s31], [sflag:$0x1], $0x2000, $0x38;
	v63 =	vld [tilespmem:$0x0]  }
0x3a2: {  	s17 =	rddreg [dreg:$0x8]  }
0x3a3: {  	[spmem:s17] =	stream.linear.scatter [tilespmem:s31], [sflag:$0x1], $0x2000, $0x38;
	v63 =	vld [tilespmem:$0x0]  }
0x3a4: {  	s20 =	rddreg [dreg:$0x9]  }
0x3a5: {  	[spmem:s20] =	stream.linear.scatter [tilespmem:s31], [sflag:$0x1], $0x2000, $0x38;
	v63 =	vld [tilespmem:$0x0]  }
0x3a6: {  	s21 =	rddreg [dreg:$0xa]  }
0x3a7: {  	[spmem:s21] =	stream.linear.scatter [tilespmem:s31], [sflag:$0x1], $0x2000, $0x38;
	v63 =	vld [tilespmem:$0x0]  }
0x3a8: {  	s23 =	rddreg [dreg:$0xb]  }
0x3a9: {  	[spmem:s23] =	stream.linear.scatter [tilespmem:s31], [sflag:$0x1], $0x2000, $0x38;
	v63 =	vld [tilespmem:$0x0]  }
0x3aa: {  	s24 =	rddreg [dreg:$0x12]  }
0x3ab: {  	[spmem:s24] =	stream.linear.scatter [tilespmem:s31], [sflag:$0x1], $0x2000, $0x38;
	v63 =	vld [tilespmem:$0x0]  }
0x3ac: {  	s25 =	rddreg [dreg:$0x13]  }
0x3ad: {  	[spmem:s25] =	stream.linear.scatter [tilespmem:s31], [sflag:$0x1], $0x2000, $0x38;
	v63 =	vld [tilespmem:$0x0]  }
0x3ae: {  	s28 =	rddreg [dreg:$0x14]  }
0x3af: {  	[spmem:s28] =	stream.linear.scatter [tilespmem:s31], [sflag:$0x1], $0x2000, $0x38;
	v63 =	vld [tilespmem:$0x0]  }
0x3b0: {  	s29 =	rddreg [dreg:$0x15]  }
0x3b1: {  	[spmem:s29] =	stream.linear.scatter [tilespmem:s31], [sflag:$0x1], $0x2000, $0x38;
	v63 =	vld [tilespmem:$0x0]  }
0x3b2: {  	_ =	swait.ge [sflag:s0], $0x2000  }
0x3b3: {  	[sflag:s0] =	ssyncset.done $0x0  }
0x3b4: {  	[sflag:s0] =	ssyncadd.s32 $0xFFFFE000  }
0x3b5: {  	_ =	swait.ge [sflag:s0], $0x2000  }
0x3b6: {  	[sflag:s0] =	ssyncset.done $0x0  }
0x3b7: {  	[sflag:s0] =	ssyncadd.s32 $0xFFFFE000  }
0x3b8: {  	_ =	swait.ge [sflag:s0], $0x2000  }
0x3b9: {  	[sflag:s0] =	ssyncset.done $0x0  }
0x3ba: {  	[sflag:s0] =	ssyncadd.s32 $0xFFFFE000  }
0x3bb: {  	_ =	swait.ge [sflag:s0], $0x2000  }
0x3bc: {  	[sflag:s0] =	ssyncset.done $0x0  }
0x3bd: {  	[sflag:s0] =	ssyncadd.s32 $0xFFFFE000  }
0x3be: {  	_ =	swait.ge [sflag:s0], $0x2000  }
0x3bf: {  	[sflag:s0] =	ssyncset.done $0x0  }
0x3c0: {  	[sflag:s0] =	ssyncadd.s32 $0xFFFFE000  }
0x3c1: {  	_ =	swait.ge [sflag:s0], $0x2000  }
0x3c2: {  	[sflag:s0] =	ssyncset.done $0x0  }
0x3c3: {  	[sflag:s0] =	ssyncadd.s32 $0xFFFFE000  }
0x3c4: {  	_ =	swait.ge [sflag:s0], $0x2000  }
0x3c5: {  	[sflag:s0] =	ssyncset.done $0x0  }
0x3c6: {  	[sflag:s0] =	ssyncadd.s32 $0xFFFFE000  }
0x3c7: {  	_ =	swait.ge [sflag:s0], $0x2000  }
0x3c8: {  	[sflag:s0] =	ssyncset.done $0x0  }
0x3c9: {  	[sflag:s0] =	ssyncadd.s32 $0xFFFFE000  }
0x3ca: {  	_ =	swait.ge [sflag:s0], $0x2000  }
0x3cb: {  	[sflag:s0] =	ssyncset.done $0x0  }
0x3cc: {  	[sflag:s0] =	ssyncadd.s32 $0xFFFFE000  }
0x3cd: {  	_ =	swait.ge [sflag:s0], $0x2000  }
0x3ce: {  	[sflag:s0] =	ssyncset.done $0x0  }
0x3cf: {  	[sflag:s0] =	ssyncadd.s32 $0xFFFFE000  }
0x3d0: {  	s30 =	simm.s32 $0x0;
	s14 =	simm.s32 $0x0;
	[bflag:$0x0] =	sbarrier.arrive $0xFFFF  }
.LBB2_24:
0x3d1: {  	s1 =	sshll.u32 s14, $0xC;
	s3 =	rddreg [dreg:$0xc]  }
0x3d2: {  	s1 =	sadd.s32 s3, s1  }
0x3d3: {  	s15 =	rddreg [dreg:$0x1];
	s1 =	sshrl.u32 s1, $0x3  }
0x3d4: {  	s3 =	sadd.s32 s15, s1  }
0x3d5: {  	[tilespmem:s30], [sflag:$0x5] =	stream.linear.gather [hbm4b:s3+s30], $0x1000, $0x38;
	v63 =	vld [tilespmem:$0x0]  }
0x3d6: {  	_ =	swait.ge [sflag:s4], $0x1000  }
0x3d7: {  	[sflag:s4] =	ssyncset.done $0x0;
	s16 =	rddreg [dreg:$0x5]  }
0x3d8: {  	s17 =	simm.s32 $0x1000;
	[sflag:s4] =	ssyncadd.s32 $0xFFFFF000;
	s1 =	sadd.s32 s16, s1  }
0x3d9: {  	[tilespmem:s17], [sflag:$0x5] =	stream.linear.gather [hbm4b:s1+s30], $0x1000, $0x38;
	v63 =	vld [tilespmem:$0x0]  }
0x3da: {  	_ =	swait.ge [sflag:s4], $0x1000  }
0x3db: {  	[sflag:s4] =	ssyncset.done $0x0  }
0x3dc: {  	s20 =	simm.s32 $0x2000;
	[sflag:s4] =	ssyncadd.s32 $0xFFFFF000  }
0x3dd: {  	[tilespmem:s20], [sflag:$0x1] =	stream.indirect.gather [hbm4b:s7+s22], $0x80, s30, s22, $0xb8;
	v63 =	vld [tilespmem:$0x0]  }
0x3de: {  	s21 =	simm.s32 $0x6000  }
0x3df: {  	[tilespmem:s21], [sflag:$0x3] =	stream.indirect.gather [hbm4b:s11+s22], $0x80, s17, s22, $0xb8;
	v63 =	vld [tilespmem:$0x0]  }
0x3e0: {  	s23 =	simm.s32 $0x80;
	s24 =	simm.s32 $0x4000  }
0x3e1: {  	[tilespmem:s24], [sflag:$0x2] =	stream.indirect.gather [hbm4b:s7+s22], $0x80, s23, s22, $0xb8;
	v63 =	vld [tilespmem:$0x0]  }
0x3e2: {  	s25 =	simm.s32 $0x1080;
	s29 =	simm.s32 $0x8000;
	s28 =	simm.s32 $0x0  }
0x3e3: {  	[tilespmem:s29], [sflag:$0x4] =	stream.indirect.gather [hbm4b:s11+s22], $0x80, s25, s22, $0xb8;
	v63 =	vld [tilespmem:$0x0]  }
.LBB2_25:
0x3e4: {  	_ =	swait.ge [sflag:s0], $0x2000  }
0x3e5: {  	[sflag:s0] =	ssyncset.done $0x0  }
0x3e6: {  	[sflag:s0] =	ssyncadd.s32 $0xFFFFE000  }
0x3e7: {  	_ =	swait.ge [sflag:s18], $0x2000  }
0x3e8: {  	[sflag:s18] =	ssyncset.done $0x0  }
0x3e9: {  	s17 =	simm.s32 $0x2080;
	[sflag:s18] =	ssyncadd.s32 $0xFFFFE000  }
0x3ea: {  	s13 =	simm.s32 $0x6080;
	v1 =	vld [tilespmem:s17+$0x0]  }
0x3eb: {  	v2 =	vld [tilespmem:s13+$0x0];
	_ =	sdelay $0x4  }
0x3ec: {  	v1 =	vadd.f32 v2, v1;
	_ =	sdelay $0x1  }
0x3ed: {  	s1 =	simm.s32 $0xA080;
	v3 =	vld [tilespmem:s17+$0xFFFFFF80];
	v1 =	vmax.f32 v1, $0.0e+00  }
0x3ee: {  	v2 =	vld [tilespmem:s13+$0xFFFFFF80];
	[tilespmem:s1+$0x0] =	vst v1  }
0x3ef: {  	v1 =	vld [tilespmem:s17+$0x10]  }
0x3f0: {  	v4 =	vld [tilespmem:s13+$0x10];
	_ =	sdelay $0x2  }
0x3f1: {  	v2 =	vadd.f32 v2, v3;
	_ =	sdelay $0x1  }
0x3f2: {  	v2 =	vmax.f32 v2, $0.0e+00;
	v1 =	vadd.f32 v4, v1  }
0x3f3: {  	[tilespmem:s1+$0xFFFFFF80] =	vst v2  }
0x3f4: {  	v2 =	vld [tilespmem:s17+$0xFFFFFF90];
	v1 =	vmax.f32 v1, $0.0e+00  }
0x3f5: {  	v3 =	vld [tilespmem:s13+$0xFFFFFF90];
	[tilespmem:s1+$0x10] =	vst v1  }
0x3f6: {  	v1 =	vld [tilespmem:s17+$0x20]  }
0x3f7: {  	v4 =	vld [tilespmem:s13+$0x20];
	_ =	sdelay $0x2  }
0x3f8: {  	v2 =	vadd.f32 v3, v2;
	_ =	sdelay $0x1  }
0x3f9: {  	v2 =	vmax.f32 v2, $0.0e+00;
	v1 =	vadd.f32 v4, v1  }
0x3fa: {  	[tilespmem:s1+$0xFFFFFF90] =	vst v2  }
0x3fb: {  	v2 =	vld [tilespmem:s17+$0xFFFFFFA0];
	v1 =	vmax.f32 v1, $0.0e+00  }
0x3fc: {  	v3 =	vld [tilespmem:s13+$0xFFFFFFA0];
	[tilespmem:s1+$0x20] =	vst v1  }
0x3fd: {  	v1 =	vld [tilespmem:s17+$0x30]  }
0x3fe: {  	s24 =	simm.s32 $0x2180;
	v4 =	vld [tilespmem:s13+$0x30]  }
0x3ff: {  	s23 =	simm.s32 $0x6180;
	v5 =	vld [tilespmem:s24+$0x0]  }
0x400: {  	v6 =	vld [tilespmem:s23+$0x0]  }
0x401: {  	v2 =	vadd.f32 v3, v2;
	_ =	sdelay $0x1  }
0x402: {  	v3 =	vld [tilespmem:s23+$0xFFFFFF80];
	v2 =	vmax.f32 v2, $0.0e+00;
	v1 =	vadd.f32 v4, v1  }
0x403: {  	[tilespmem:s1+$0xFFFFFFA0] =	vst v2;
	v2 =	vld [tilespmem:s24+$0xFFFFFF80]  }
0x404: {  	v5 =	vadd.f32 v6, v5;
	v4 =	vld [tilespmem:s17+$0xFFFFFFB0];
	v1 =	vmax.f32 v1, $0.0e+00  }
0x405: {  	v6 =	vld [tilespmem:s13+$0xFFFFFFB0];
	[tilespmem:s1+$0x30] =	vst v1  }
0x406: {  	s3 =	simm.s32 $0xA180;
	v1 =	vmax.f32 v5, $0.0e+00;
	v5 =	vld [tilespmem:s17+$0x40]  }
0x407: {  	[tilespmem:s3+$0x0] =	vst v1;
	v1 =	vld [tilespmem:s13+$0x40]  }
0x408: {  	v2 =	vadd.f32 v3, v2;
	v3 =	vld [tilespmem:s24+$0x10]  }
0x409: {  	v7 =	vld [tilespmem:s23+$0x10]  }
0x40a: {  	v4 =	vadd.f32 v6, v4;
	v2 =	vmax.f32 v2, $0.0e+00  }
0x40b: {  	[tilespmem:s3+$0xFFFFFF80] =	vst v2  }
0x40c: {  	v4 =	vmax.f32 v4, $0.0e+00;
	v2 =	vld [tilespmem:s24+$0xFFFFFF90];
	v1 =	vadd.f32 v1, v5  }
0x40d: {  	[tilespmem:s1+$0xFFFFFFB0] =	vst v4;
	v5 =	vld [tilespmem:s23+$0xFFFFFF90]  }
0x40e: {  	v4 =	vld [tilespmem:s17+$0xFFFFFFC0];
	v3 =	vadd.f32 v7, v3;
	v1 =	vmax.f32 v1, $0.0e+00  }
0x40f: {  	v6 =	vld [tilespmem:s13+$0xFFFFFFC0];
	[tilespmem:s1+$0x40] =	vst v1  }
0x410: {  	v1 =	vmax.f32 v3, $0.0e+00;
	v3 =	vld [tilespmem:s17+$0x50]  }
0x411: {  	[tilespmem:s3+$0x10] =	vst v1;
	v1 =	vld [tilespmem:s13+$0x50]  }
0x412: {  	v2 =	vadd.f32 v5, v2;
	v5 =	vld [tilespmem:s24+$0x20]  }
0x413: {  	v7 =	vld [tilespmem:s23+$0x20];
	_ =	sdelay $0x1  }
0x414: {  	s16 =	simm.s32 $0x6280;
	v4 =	vadd.f32 v6, v4;
	v2 =	vmax.f32 v2, $0.0e+00  }
0x415: {  	v9 =	vld [tilespmem:s16+$0x0];
	[tilespmem:s3+$0xFFFFFF90] =	vst v2;
	v1 =	vadd.f32 v1, v3  }
0x416: {  	v4 =	vmax.f32 v4, $0.0e+00;
	v2 =	vld [tilespmem:s24+$0xFFFFFFA0]  }
0x417: {  	[tilespmem:s1+$0xFFFFFFC0] =	vst v4;
	v3 =	vld [tilespmem:s23+$0xFFFFFFA0];
	v5 =	vadd.f32 v7, v5;
	v1 =	vmax.f32 v1, $0.0e+00  }
0x418: {  	v4 =	vld [tilespmem:s17+$0xFFFFFFD0];
	[tilespmem:s1+$0x50] =	vst v1  }
0x419: {  	v1 =	vmax.f32 v5, $0.0e+00;
	v5 =	vld [tilespmem:s17+$0x60]  }
0x41a: {  	[tilespmem:s3+$0x20] =	vst v1;
	v1 =	vld [tilespmem:s13+$0x60]  }
0x41b: {  	v7 =	vld [tilespmem:s24+$0x30]  }
0x41c: {  	v8 =	vld [tilespmem:s23+$0x30];
	v2 =	vadd.f32 v3, v2  }
0x41d: {  	s15 =	simm.s32 $0x2280;
	v6 =	vld [tilespmem:s13+$0xFFFFFFD0]  }
0x41e: {  	v3 =	vld [tilespmem:s15+$0x0];
	v2 =	vmax.f32 v2, $0.0e+00  }
0x41f: {  	[tilespmem:s3+$0xFFFFFFA0] =	vst v2;
	v2 =	vld [tilespmem:s15+$0xFFFFFF80];
	v1 =	vadd.f32 v1, v5  }
0x420: {  	v5 =	vld [tilespmem:s16+$0xFFFFFF80]  }
0x421: {  	v7 =	vadd.f32 v8, v7;
	v8 =	vld [tilespmem:s24+$0xFFFFFFB0];
	v1 =	vmax.f32 v1, $0.0e+00  }
0x422: {  	[tilespmem:s1+$0x60] =	vst v1;
	v1 =	vld [tilespmem:s23+$0xFFFFFFB0]  }
0x423: {  	v3 =	vadd.f32 v9, v3;
	v7 =	vmax.f32 v7, $0.0e+00;
	v62 =	vld [tilespmem:s17+$0x70]  }
0x424: {  	[tilespmem:s3+$0x30] =	vst v7;
	v7 =	vld [tilespmem:s13+$0x70]  }
0x425: {  	s25 =	simm.s32 $0xA280;
	v3 =	vmax.f32 v3, $0.0e+00;
	v2 =	vadd.f32 v5, v2;
	v5 =	vld [tilespmem:s24+$0x40]  }
0x426: {  	[tilespmem:s25+$0x0] =	vst v3;
	v3 =	vld [tilespmem:s23+$0x40]  }
0x427: {  	v2 =	vmax.f32 v2, $0.0e+00;
	v1 =	vadd.f32 v1, v8;
	v8 =	vld [tilespmem:s15+$0x10]  }
0x428: {  	[tilespmem:s25+$0xFFFFFF80] =	vst v2;
	v2 =	vld [tilespmem:s16+$0x10]  }
0x429: {  	v4 =	vadd.f32 v6, v4;
	v6 =	vld [tilespmem:s15+$0xFFFFFF90];
	v1 =	vmax.f32 v1, $0.0e+00  }
0x42a: {  	[tilespmem:s3+$0xFFFFFFB0] =	vst v1;
	v1 =	vld [tilespmem:s16+$0xFFFFFF90]  }
0x42b: {  	v4 =	vmax.f32 v4, $0.0e+00;
	v3 =	vadd.f32 v3, v5;
	v5 =	vld [tilespmem:s24+$0xFFFFFFC0]  }
0x42c: {  	[tilespmem:s1+$0xFFFFFFD0] =	vst v4;
	v4 =	vld [tilespmem:s23+$0xFFFFFFC0]  }
0x42d: {  	v3 =	vmax.f32 v3, $0.0e+00;
	v2 =	vadd.f32 v2, v8;
	v8 =	vld [tilespmem:s17+$0xFFFFFFE0]  }
0x42e: {  	[tilespmem:s3+$0x40] =	vst v3;
	v3 =	vld [tilespmem:s13+$0xFFFFFFE0]  }
0x42f: {  	v2 =	vmax.f32 v2, $0.0e+00;
	v1 =	vadd.f32 v1, v6;
	v6 =	vld [tilespmem:s24+$0x50]  }
0x430: {  	[tilespmem:s25+$0x10] =	vst v2;
	v2 =	vld [tilespmem:s23+$0x50]  }
0x431: {  	v4 =	vadd.f32 v4, v5;
	v5 =	vld [tilespmem:s15+$0x20];
	v1 =	vmax.f32 v1, $0.0e+00  }
0x432: {  	[tilespmem:s25+$0xFFFFFF90] =	vst v1;
	v1 =	vld [tilespmem:s16+$0x20]  }
0x433: {  	v3 =	vadd.f32 v3, v8;
	v4 =	vmax.f32 v4, $0.0e+00;
	v8 =	vld [tilespmem:s15+$0xFFFFFFA0]  }
0x434: {  	[tilespmem:s3+$0xFFFFFFC0] =	vst v4;
	v4 =	vld [tilespmem:s16+$0xFFFFFFA0]  }
0x435: {  	v3 =	vmax.f32 v3, $0.0e+00;
	v2 =	vadd.f32 v2, v6;
	v10 =	vld [tilespmem:s24+$0xFFFFFFD0]  }
0x436: {  	[tilespmem:s1+$0xFFFFFFE0] =	vst v3;
	v11 =	vld [tilespmem:s23+$0xFFFFFFD0]  }
0x437: {  	v2 =	vmax.f32 v2, $0.0e+00;
	v3 =	vadd.f32 v1, v5;
	v1 =	vld [tilespmem:s17+$0xFFFFFFF0]  }
0x438: {  	v5 =	vadd.f32 v7, v62;
	[tilespmem:s3+$0x50] =	vst v2;
	v2 =	vld [tilespmem:s13+$0xFFFFFFF0]  }
0x439: {  	v6 =	vadd.f32 v4, v8;
	v4 =	vmax.f32 v3, $0.0e+00;
	v3 =	vld [tilespmem:s24+$0x60]  }
0x43a: {  	v5 =	vmax.f32 v5, $0.0e+00;
	[tilespmem:s25+$0x20] =	vst v4;
	v4 =	vld [tilespmem:s23+$0x60]  }
0x43b: {  	[tilespmem:s1+$0x70] =	vst v5;
	v7 =	vmax.f32 v6, $0.0e+00;
	v5 =	vadd.f32 v11, v10;
	v6 =	vld [tilespmem:s15+$0x30]  }
0x43c: {  	s20 =	simm.s32 $0x2380;
	s17 =	simm.s32 $0x4;
	s13 =	simm.s32 $0x6280;
	[tilespmem:s25+$0xFFFFFFA0] =	vst v7;
	v7 =	vld [tilespmem:s16+$0x30]  }
.LBB2_26:
0x43d: {  	v8 =	vld [tilespmem:s20+$0x0];
	s16 =	sadd.s32 $0x100, s16;
	v5 =	vmax.f32 v5, $0.0e+00;
	v1 =	vadd.f32 v2, v1  }
0x43e: {  	v2 =	vld [tilespmem:s16+$0x0];
	[tilespmem:s3+$0xFFFFFFD0] =	vst v5  }
0x43f: {  	v5 =	vld [tilespmem:s16+$0xFFFFFF80];
	v3 =	vadd.f32 v4, v3;
	v1 =	vmax.f32 v1, $0.0e+00  }
0x440: {  	v4 =	vld [tilespmem:s20+$0xFFFFFF80];
	[tilespmem:s1+$0xFFFFFFF0] =	vst v1;
	s1 =	smov.u32 s3;
	s3 =	smov.u32 s25  }
0x441: {  	v1 =	vld [tilespmem:s15+$0xFFFFFFB0];
	v6 =	vadd.f32 v7, v6;
	v3 =	vmax.f32 v3, $0.0e+00  }
0x442: {  	v7 =	vld [tilespmem:s13+$0xFFFFFFB0];
	[tilespmem:s1+$0x60] =	vst v3  }
0x443: {  	v2 =	vadd.f32 v2, v8;
	v3 =	vmax.f32 v6, $0.0e+00;
	v6 =	vld [tilespmem:s24+$0x70]  }
0x444: {  	[tilespmem:s25+$0x30] =	vst v3;
	v3 =	vld [tilespmem:s23+$0x70]  }
0x445: {  	s17 =	sadd.s32 $0x2, s17;
	s25 =	sadd.s32 $0x100, s25;
	v4 =	vadd.f32 v5, v4;
	v2 =	vmax.f32 v2, $0.0e+00;
	v5 =	vld [tilespmem:s15+$0x40]  }
0x446: {  	p0 =	slt.u32 s17, $0x3E;
	[tilespmem:s25+$0x0] =	vst v2;
	v2 =	vld [tilespmem:s13+$0x40]  }
0x447: {  	v4 =	vmax.f32 v4, $0.0e+00;
	v8 =	vld [tilespmem:s20+$0x10];
	v1 =	vadd.f32 v7, v1  }
0x448: {  	[tilespmem:s25+$0xFFFFFF80] =	vst v4;
	v4 =	vld [tilespmem:s16+$0x10]  }
0x449: {  	v7 =	vld [tilespmem:s20+$0xFFFFFF90];
	v1 =	vmax.f32 v1, $0.0e+00;
	v3 =	vadd.f32 v3, v6  }
0x44a: {  	v6 =	vld [tilespmem:s16+$0xFFFFFF90];
	[tilespmem:s3+$0xFFFFFFB0] =	vst v1  }
0x44b: {  	v1 =	vld [tilespmem:s15+$0xFFFFFFC0];
	v2 =	vadd.f32 v2, v5;
	v3 =	vmax.f32 v3, $0.0e+00  }
0x44c: {  	v5 =	vld [tilespmem:s13+$0xFFFFFFC0];
	[tilespmem:s1+$0x70] =	vst v3  }
0x44d: {  	v3 =	vadd.f32 v4, v8;
	v2 =	vmax.f32 v2, $0.0e+00;
	v4 =	vld [tilespmem:s24+$0xFFFFFFE0]  }
0x44e: {  	[tilespmem:s3+$0x40] =	vst v2;
	v2 =	vld [tilespmem:s23+$0xFFFFFFE0]  }
0x44f: {  	v6 =	vadd.f32 v6, v7;
	v3 =	vmax.f32 v3, $0.0e+00;
	v7 =	vld [tilespmem:s15+$0x50]  }
0x450: {  	[tilespmem:s25+$0x10] =	vst v3;
	v3 =	vld [tilespmem:s13+$0x50]  }
0x451: {  	v6 =	vmax.f32 v6, $0.0e+00;
	v8 =	vld [tilespmem:s20+$0x20];
	v1 =	vadd.f32 v5, v1  }
0x452: {  	[tilespmem:s25+$0xFFFFFF90] =	vst v6;
	v5 =	vld [tilespmem:s16+$0x20]  }
0x453: {  	v6 =	vld [tilespmem:s20+$0xFFFFFFA0];
	v1 =	vmax.f32 v1, $0.0e+00;
	v2 =	vadd.f32 v2, v4  }
0x454: {  	v4 =	vld [tilespmem:s16+$0xFFFFFFA0];
	[tilespmem:s3+$0xFFFFFFC0] =	vst v1  }
0x455: {  	v9 =	vld [tilespmem:s15+$0xFFFFFFD0];
	v1 =	vadd.f32 v3, v7;
	v2 =	vmax.f32 v2, $0.0e+00  }
0x456: {  	v7 =	vld [tilespmem:s13+$0xFFFFFFD0];
	[tilespmem:s1+$0xFFFFFFE0] =	vst v2  }
0x457: {  	v3 =	vadd.f32 v5, v8;
	v2 =	vmax.f32 v1, $0.0e+00;
	v1 =	vld [tilespmem:s24+$0xFFFFFFF0];
	s24 =	smov.u32 s15;
	s15 =	smov.u32 s20  }
.Ltmp11:
0x458: {  	[tilespmem:s3+$0x50] =	vst v2;
	v2 =	vld [tilespmem:s23+$0xFFFFFFF0];
	s23 =	smov.u32 s13;
	s13 =	smov.u32 s16;
	(pc) =	sbr.rel @p0 .LBB2_26-.Ltmp11, $4  }
0x459: {  	v5 =	vadd.f32 v4, v6;
	v4 =	vmax.f32 v3, $0.0e+00;
	v3 =	vld [tilespmem:s24+$0x60]  }
0x45a: {  	[tilespmem:s25+$0x20] =	vst v4;
	v4 =	vld [tilespmem:s23+$0x60]  }
0x45b: {  	v8 =	vmax.f32 v5, $0.0e+00;
	v6 =	vld [tilespmem:s20+$0x30];
	v5 =	vadd.f32 v7, v9  }
0x45c: {  	s20 =	sadd.s32 $0x100, s20;
	[tilespmem:s25+$0xFFFFFFA0] =	vst v8;
	v7 =	vld [tilespmem:s16+$0x30]  }
0x45d: {  	v8 =	vld [tilespmem:s15+$0xFFFFFFB0]  }
0x45e: {  	v9 =	vld [tilespmem:s13+$0xFFFFFFB0];
	_ =	sdelay $0x2  }
0x45f: {  	v6 =	vadd.f32 v7, v6;
	_ =	sdelay $0x1  }
0x460: {  	v7 =	vadd.f32 v9, v8;
	v6 =	vmax.f32 v6, $0.0e+00  }
0x461: {  	[tilespmem:s25+$0x30] =	vst v6  }
0x462: {  	v7 =	vmax.f32 v7, $0.0e+00;
	v6 =	vld [tilespmem:s15+$0x40]  }
0x463: {  	v8 =	vld [tilespmem:s13+$0x40];
	[tilespmem:s25+$0xFFFFFFB0] =	vst v7  }
0x464: {  	v7 =	vld [tilespmem:s15+$0xFFFFFFC0]  }
0x465: {  	v56 =	vld [tilespmem:s13+$0xFFFFFFC0];
	_ =	sdelay $0x2  }
0x466: {  	v6 =	vadd.f32 v8, v6;
	_ =	sdelay $0x1  }
0x467: {  	v7 =	vadd.f32 v56, v7;
	v6 =	vmax.f32 v6, $0.0e+00  }
0x468: {  	[tilespmem:s25+$0x40] =	vst v6  }
0x469: {  	v7 =	vmax.f32 v7, $0.0e+00;
	v6 =	vld [tilespmem:s15+$0x50]  }
0x46a: {  	v8 =	vld [tilespmem:s13+$0x50];
	[tilespmem:s25+$0xFFFFFFC0] =	vst v7  }
0x46b: {  	v7 =	vld [tilespmem:s15+$0xFFFFFFD0]  }
0x46c: {  	v57 =	vld [tilespmem:s13+$0xFFFFFFD0];
	_ =	sdelay $0x2  }
0x46d: {  	v5 =	vmax.f32 v5, $0.0e+00;
	v6 =	vadd.f32 v8, v6  }
0x46e: {  	[tilespmem:s3+$0xFFFFFFD0] =	vst v5  }
0x46f: {  	v5 =	vld [tilespmem:s24+$0xFFFFFFE0];
	v7 =	vadd.f32 v57, v7;
	v6 =	vmax.f32 v6, $0.0e+00  }
0x470: {  	v8 =	vld [tilespmem:s23+$0xFFFFFFE0];
	[tilespmem:s25+$0x50] =	vst v6  }
0x471: {  	v7 =	vmax.f32 v7, $0.0e+00;
	v6 =	vld [tilespmem:s15+$0x60]  }
0x472: {  	v58 =	vld [tilespmem:s13+$0x60];
	[tilespmem:s25+$0xFFFFFFD0] =	vst v7  }
0x473: {  	v3 =	vadd.f32 v4, v3;
	v4 =	vld [tilespmem:s15+$0xFFFFFFE0]  }
0x474: {  	v7 =	vld [tilespmem:s13+$0xFFFFFFE0]  }
0x475: {  	v3 =	vmax.f32 v3, $0.0e+00;
	v5 =	vadd.f32 v8, v5  }
0x476: {  	[tilespmem:s3+$0x60] =	vst v3  }
0x477: {  	v3 =	vld [tilespmem:s24+$0x70];
	v5 =	vmax.f32 v5, $0.0e+00;
	v6 =	vadd.f32 v58, v6  }
0x478: {  	v8 =	vld [tilespmem:s23+$0x70];
	[tilespmem:s3+$0xFFFFFFE0] =	vst v5  }
0x479: {  	v5 =	vld [tilespmem:s24+$0xFFFFFFF0];
	v4 =	vadd.f32 v7, v4;
	v6 =	vmax.f32 v6, $0.0e+00  }
0x47a: {  	v7 =	vld [tilespmem:s23+$0xFFFFFFF0];
	[tilespmem:s25+$0x60] =	vst v6  }
0x47b: {  	v4 =	vmax.f32 v4, $0.0e+00;
	v6 =	vld [tilespmem:s15+$0x70]  }
0x47c: {  	v59 =	vld [tilespmem:s13+$0x70];
	[tilespmem:s25+$0xFFFFFFE0] =	vst v4  }
0x47d: {  	v4 =	vld [tilespmem:s15+$0xFFFFFFF0]  }
0x47e: {  	v10 =	vld [tilespmem:s13+$0xFFFFFFF0]  }
0x47f: {  	v1 =	vadd.f32 v2, v1  }
0x480: {  	v2 =	vadd.f32 v8, v3  }
0x481: {  	v1 =	vmax.f32 v1, $0.0e+00;
	v3 =	vadd.f32 v7, v5  }
0x482: {  	[tilespmem:s1+$0xFFFFFFF0] =	vst v1;
	v1 =	vmax.f32 v2, $0.0e+00;
	v2 =	vadd.f32 v59, v6  }
0x483: {  	[tilespmem:s3+$0x70] =	vst v1;
	v1 =	vmax.f32 v3, $0.0e+00;
	v3 =	vadd.f32 v10, v4  }
0x484: {  	p0 =	seq.s32 s28, $0xF;
	[tilespmem:s3+$0xFFFFFFF0] =	vst v1;
	v1 =	vmax.f32 v2, $0.0e+00  }
0x485: {  	s29 =	sshll.u32 @!p0 s28, $0x8;
	[tilespmem:s25+$0x70] =	vst v1;
	v1 =	vmax.f32 v3, $0.0e+00  }
0x486: {  	s1 =	sadd.s32 @!p0 $0x100, s29;
	s13 =	simm.s32 @!p0 $0x2000;
	s3 =	simm.s32 @!p0 $0x40;
	[tilespmem:s25+$0xFFFFFFF0] =	vst v1  }
0x487: {  	[tilespmem:s13], [sflag:$0x1] =	stream.indirect.gather @!p0 [hbm4b:s7+s3], $0x80, s1, s3, $0xb8;
	v63 =	vld [tilespmem:$0x0]  }
0x488: {  	s20 =	sshll.u32 s28, $0x8;
	s1 =	sadd.s32 @!p0 $0x1100, s29;
	s13 =	simm.s32 @!p0 $0x6000  }
0x489: {  	[tilespmem:s13], [sflag:$0x3] =	stream.indirect.gather @!p0 [hbm4b:s11+s3], $0x80, s1, s3, $0xb8;
	v63 =	vld [tilespmem:$0x0]  }
0x48a: {  	s3 =	sand.u32 $0x3FFFFF00, s20  }
0x48b: {  	[spmem:s2] =	stream.indirect.scatter.add.f32 [tilespmem:s31], [sflag:$0x5], $0x80, s3, s22, $0xb8;
	v63 =	vld [tilespmem:$0x0]  }
0x48c: {  	_ =	swait.ge [sflag:s4], $0x2000  }
0x48d: {  	[sflag:s4] =	ssyncset.done $0x0  }
0x48e: {  	[sflag:s4] =	ssyncadd.s32 $0xFFFFE000  }
0x48f: {  	_ =	swait.ge [sflag:s19], $0x2000  }
0x490: {  	[sflag:s19] =	ssyncset.done $0x0  }
0x491: {  	[sflag:s19] =	ssyncadd.s32 $0xFFFFE000  }
0x492: {  	_ =	swait.ge [sflag:s26], $0x2000  }
0x493: {  	[sflag:s26] =	ssyncset.done $0x0  }
0x494: {  	s20 =	simm.s32 $0x4080;
	[sflag:s26] =	ssyncadd.s32 $0xFFFFE000  }
0x495: {  	s21 =	simm.s32 $0x8080;
	v1 =	vld [tilespmem:s20+$0x0]  }
0x496: {  	v2 =	vld [tilespmem:s21+$0x0];
	_ =	sdelay $0x4  }
0x497: {  	v1 =	vadd.f32 v2, v1;
	_ =	sdelay $0x1  }
0x498: {  	s1 =	simm.s32 $0xA080;
	v3 =	vld [tilespmem:s20+$0xFFFFFF80];
	v1 =	vmax.f32 v1, $0.0e+00  }
0x499: {  	v2 =	vld [tilespmem:s21+$0xFFFFFF80];
	[tilespmem:s1+$0x0] =	vst v1  }
0x49a: {  	v1 =	vld [tilespmem:s20+$0x10]  }
0x49b: {  	v4 =	vld [tilespmem:s21+$0x10];
	_ =	sdelay $0x2  }
0x49c: {  	v2 =	vadd.f32 v2, v3;
	_ =	sdelay $0x1  }
0x49d: {  	v2 =	vmax.f32 v2, $0.0e+00;
	v1 =	vadd.f32 v4, v1  }
0x49e: {  	[tilespmem:s1+$0xFFFFFF80] =	vst v2  }
0x49f: {  	v2 =	vld [tilespmem:s20+$0xFFFFFF90];
	v1 =	vmax.f32 v1, $0.0e+00  }
0x4a0: {  	v3 =	vld [tilespmem:s21+$0xFFFFFF90];
	[tilespmem:s1+$0x10] =	vst v1  }
0x4a1: {  	v1 =	vld [tilespmem:s20+$0x20]  }
0x4a2: {  	v4 =	vld [tilespmem:s21+$0x20];
	_ =	sdelay $0x2  }
0x4a3: {  	v2 =	vadd.f32 v3, v2;
	_ =	sdelay $0x1  }
0x4a4: {  	v2 =	vmax.f32 v2, $0.0e+00;
	v1 =	vadd.f32 v4, v1  }
0x4a5: {  	[tilespmem:s1+$0xFFFFFF90] =	vst v2  }
0x4a6: {  	v2 =	vld [tilespmem:s20+$0xFFFFFFA0];
	v1 =	vmax.f32 v1, $0.0e+00  }
0x4a7: {  	v3 =	vld [tilespmem:s21+$0xFFFFFFA0];
	[tilespmem:s1+$0x20] =	vst v1  }
0x4a8: {  	v1 =	vld [tilespmem:s20+$0x30]  }
0x4a9: {  	s25 =	simm.s32 $0x4180;
	v4 =	vld [tilespmem:s21+$0x30]  }
0x4aa: {  	s24 =	simm.s32 $0x8180;
	v5 =	vld [tilespmem:s25+$0x0]  }
0x4ab: {  	v6 =	vld [tilespmem:s24+$0x0]  }
0x4ac: {  	v2 =	vadd.f32 v3, v2;
	_ =	sdelay $0x1  }
0x4ad: {  	v3 =	vld [tilespmem:s24+$0xFFFFFF80];
	v2 =	vmax.f32 v2, $0.0e+00;
	v1 =	vadd.f32 v4, v1  }
0x4ae: {  	[tilespmem:s1+$0xFFFFFFA0] =	vst v2;
	v2 =	vld [tilespmem:s25+$0xFFFFFF80]  }
0x4af: {  	v5 =	vadd.f32 v6, v5;
	v4 =	vld [tilespmem:s20+$0xFFFFFFB0];
	v1 =	vmax.f32 v1, $0.0e+00  }
0x4b0: {  	v6 =	vld [tilespmem:s21+$0xFFFFFFB0];
	[tilespmem:s1+$0x30] =	vst v1  }
0x4b1: {  	s23 =	simm.s32 $0xA180;
	v1 =	vmax.f32 v5, $0.0e+00;
	v5 =	vld [tilespmem:s20+$0x40]  }
0x4b2: {  	[tilespmem:s23+$0x0] =	vst v1;
	v1 =	vld [tilespmem:s21+$0x40]  }
0x4b3: {  	v2 =	vadd.f32 v3, v2;
	v3 =	vld [tilespmem:s25+$0x10]  }
0x4b4: {  	v7 =	vld [tilespmem:s24+$0x10]  }
0x4b5: {  	v4 =	vadd.f32 v6, v4;
	v2 =	vmax.f32 v2, $0.0e+00  }
0x4b6: {  	[tilespmem:s23+$0xFFFFFF80] =	vst v2  }
0x4b7: {  	v4 =	vmax.f32 v4, $0.0e+00;
	v2 =	vld [tilespmem:s25+$0xFFFFFF90];
	v1 =	vadd.f32 v1, v5  }
0x4b8: {  	[tilespmem:s1+$0xFFFFFFB0] =	vst v4;
	v5 =	vld [tilespmem:s24+$0xFFFFFF90]  }
0x4b9: {  	v4 =	vld [tilespmem:s20+$0xFFFFFFC0];
	v3 =	vadd.f32 v7, v3;
	v1 =	vmax.f32 v1, $0.0e+00  }
0x4ba: {  	v6 =	vld [tilespmem:s21+$0xFFFFFFC0];
	[tilespmem:s1+$0x40] =	vst v1  }
0x4bb: {  	v1 =	vmax.f32 v3, $0.0e+00;
	v3 =	vld [tilespmem:s20+$0x50]  }
0x4bc: {  	[tilespmem:s23+$0x10] =	vst v1;
	v1 =	vld [tilespmem:s21+$0x50]  }
0x4bd: {  	v2 =	vadd.f32 v5, v2;
	v5 =	vld [tilespmem:s25+$0x20]  }
0x4be: {  	v7 =	vld [tilespmem:s24+$0x20];
	_ =	sdelay $0x1  }
0x4bf: {  	s17 =	simm.s32 $0x8280;
	v4 =	vadd.f32 v6, v4;
	v2 =	vmax.f32 v2, $0.0e+00  }
0x4c0: {  	v60 =	vld [tilespmem:s17+$0x0];
	[tilespmem:s23+$0xFFFFFF90] =	vst v2;
	v1 =	vadd.f32 v1, v3  }
0x4c1: {  	v4 =	vmax.f32 v4, $0.0e+00;
	v2 =	vld [tilespmem:s25+$0xFFFFFFA0]  }
0x4c2: {  	[tilespmem:s1+$0xFFFFFFC0] =	vst v4;
	v3 =	vld [tilespmem:s24+$0xFFFFFFA0];
	v5 =	vadd.f32 v7, v5;
	v1 =	vmax.f32 v1, $0.0e+00  }
0x4c3: {  	v4 =	vld [tilespmem:s20+$0xFFFFFFD0];
	[tilespmem:s1+$0x50] =	vst v1  }
0x4c4: {  	v1 =	vmax.f32 v5, $0.0e+00;
	v5 =	vld [tilespmem:s20+$0x60]  }
0x4c5: {  	[tilespmem:s23+$0x20] =	vst v1;
	v1 =	vld [tilespmem:s21+$0x60]  }
0x4c6: {  	v7 =	vld [tilespmem:s25+$0x30]  }
0x4c7: {  	v8 =	vld [tilespmem:s24+$0x30];
	v2 =	vadd.f32 v3, v2  }
0x4c8: {  	s15 =	simm.s32 $0x4280;
	v6 =	vld [tilespmem:s21+$0xFFFFFFD0]  }
0x4c9: {  	v3 =	vld [tilespmem:s15+$0x0];
	v2 =	vmax.f32 v2, $0.0e+00  }
0x4ca: {  	[tilespmem:s23+$0xFFFFFFA0] =	vst v2;
	v2 =	vld [tilespmem:s15+$0xFFFFFF80];
	v1 =	vadd.f32 v1, v5  }
0x4cb: {  	v5 =	vld [tilespmem:s17+$0xFFFFFF80]  }
0x4cc: {  	v7 =	vadd.f32 v8, v7;
	v8 =	vld [tilespmem:s25+$0xFFFFFFB0];
	v1 =	vmax.f32 v1, $0.0e+00  }
0x4cd: {  	[tilespmem:s1+$0x60] =	vst v1;
	v1 =	vld [tilespmem:s24+$0xFFFFFFB0]  }
0x4ce: {  	v3 =	vadd.f32 v60, v3;
	v7 =	vmax.f32 v7, $0.0e+00;
	v61 =	vld [tilespmem:s20+$0x70]  }
0x4cf: {  	[tilespmem:s23+$0x30] =	vst v7;
	v7 =	vld [tilespmem:s21+$0x70]  }
0x4d0: {  	s16 =	simm.s32 $0xA280;
	v3 =	vmax.f32 v3, $0.0e+00;
	v2 =	vadd.f32 v5, v2;
	v5 =	vld [tilespmem:s25+$0x40]  }
0x4d1: {  	[tilespmem:s16+$0x0] =	vst v3;
	v3 =	vld [tilespmem:s24+$0x40]  }
0x4d2: {  	v2 =	vmax.f32 v2, $0.0e+00;
	v1 =	vadd.f32 v1, v8;
	v8 =	vld [tilespmem:s15+$0x10]  }
0x4d3: {  	[tilespmem:s16+$0xFFFFFF80] =	vst v2;
	v2 =	vld [tilespmem:s17+$0x10]  }
0x4d4: {  	v4 =	vadd.f32 v6, v4;
	v6 =	vld [tilespmem:s15+$0xFFFFFF90];
	v1 =	vmax.f32 v1, $0.0e+00  }
0x4d5: {  	[tilespmem:s23+$0xFFFFFFB0] =	vst v1;
	v1 =	vld [tilespmem:s17+$0xFFFFFF90]  }
0x4d6: {  	v4 =	vmax.f32 v4, $0.0e+00;
	v3 =	vadd.f32 v3, v5;
	v5 =	vld [tilespmem:s25+$0xFFFFFFC0]  }
0x4d7: {  	[tilespmem:s1+$0xFFFFFFD0] =	vst v4;
	v4 =	vld [tilespmem:s24+$0xFFFFFFC0]  }
0x4d8: {  	v3 =	vmax.f32 v3, $0.0e+00;
	v2 =	vadd.f32 v2, v8;
	v8 =	vld [tilespmem:s20+$0xFFFFFFE0]  }
0x4d9: {  	[tilespmem:s23+$0x40] =	vst v3;
	v3 =	vld [tilespmem:s21+$0xFFFFFFE0]  }
0x4da: {  	v2 =	vmax.f32 v2, $0.0e+00;
	v1 =	vadd.f32 v1, v6;
	v6 =	vld [tilespmem:s25+$0x50]  }
0x4db: {  	[tilespmem:s16+$0x10] =	vst v2;
	v2 =	vld [tilespmem:s24+$0x50]  }
0x4dc: {  	v4 =	vadd.f32 v4, v5;
	v5 =	vld [tilespmem:s15+$0x20];
	v1 =	vmax.f32 v1, $0.0e+00  }
0x4dd: {  	[tilespmem:s16+$0xFFFFFF90] =	vst v1;
	v1 =	vld [tilespmem:s17+$0x20]  }
0x4de: {  	v3 =	vadd.f32 v3, v8;
	v4 =	vmax.f32 v4, $0.0e+00;
	v8 =	vld [tilespmem:s15+$0xFFFFFFA0]  }
0x4df: {  	[tilespmem:s23+$0xFFFFFFC0] =	vst v4;
	v4 =	vld [tilespmem:s17+$0xFFFFFFA0]  }
0x4e0: {  	v3 =	vmax.f32 v3, $0.0e+00;
	v2 =	vadd.f32 v2, v6;
	v62 =	vld [tilespmem:s25+$0xFFFFFFD0]  }
0x4e1: {  	[tilespmem:s1+$0xFFFFFFE0] =	vst v3;
	v11 =	vld [tilespmem:s24+$0xFFFFFFD0]  }
0x4e2: {  	v2 =	vmax.f32 v2, $0.0e+00;
	v3 =	vadd.f32 v1, v5;
	v1 =	vld [tilespmem:s20+$0xFFFFFFF0]  }
0x4e3: {  	v5 =	vadd.f32 v7, v61;
	[tilespmem:s23+$0x50] =	vst v2;
	v2 =	vld [tilespmem:s21+$0xFFFFFFF0]  }
0x4e4: {  	v6 =	vadd.f32 v4, v8;
	v4 =	vmax.f32 v3, $0.0e+00;
	v3 =	vld [tilespmem:s25+$0x60]  }
0x4e5: {  	v5 =	vmax.f32 v5, $0.0e+00;
	[tilespmem:s16+$0x20] =	vst v4;
	v4 =	vld [tilespmem:s24+$0x60]  }
0x4e6: {  	[tilespmem:s1+$0x70] =	vst v5;
	v7 =	vmax.f32 v6, $0.0e+00;
	v5 =	vadd.f32 v11, v62;
	v6 =	vld [tilespmem:s15+$0x30]  }
0x4e7: {  	s13 =	simm.s32 $0x8280;
	s20 =	simm.s32 $0x4;
	s21 =	simm.s32 $0x4380;
	[tilespmem:s16+$0xFFFFFFA0] =	vst v7;
	v7 =	vld [tilespmem:s17+$0x30]  }
.LBB2_28:
0x4e8: {  	v8 =	vld [tilespmem:s21+$0x0];
	s17 =	sadd.s32 $0x100, s17;
	v5 =	vmax.f32 v5, $0.0e+00;
	v1 =	vadd.f32 v2, v1  }
0x4e9: {  	v2 =	vld [tilespmem:s17+$0x0];
	[tilespmem:s23+$0xFFFFFFD0] =	vst v5  }
0x4ea: {  	v5 =	vld [tilespmem:s17+$0xFFFFFF80];
	v3 =	vadd.f32 v4, v3;
	v1 =	vmax.f32 v1, $0.0e+00  }
0x4eb: {  	v4 =	vld [tilespmem:s21+$0xFFFFFF80];
	[tilespmem:s1+$0xFFFFFFF0] =	vst v1;
	s1 =	smov.u32 s23;
	s23 =	smov.u32 s16  }
0x4ec: {  	v1 =	vld [tilespmem:s15+$0xFFFFFFB0];
	v6 =	vadd.f32 v7, v6;
	v3 =	vmax.f32 v3, $0.0e+00  }
0x4ed: {  	v7 =	vld [tilespmem:s13+$0xFFFFFFB0];
	[tilespmem:s1+$0x60] =	vst v3  }
0x4ee: {  	v2 =	vadd.f32 v2, v8;
	v3 =	vmax.f32 v6, $0.0e+00;
	v6 =	vld [tilespmem:s25+$0x70]  }
0x4ef: {  	[tilespmem:s16+$0x30] =	vst v3;
	v3 =	vld [tilespmem:s24+$0x70]  }
0x4f0: {  	s20 =	sadd.s32 $0x2, s20;
	s16 =	sadd.s32 $0x100, s16;
	v4 =	vadd.f32 v5, v4;
	v2 =	vmax.f32 v2, $0.0e+00;
	v5 =	vld [tilespmem:s15+$0x40]  }
0x4f1: {  	p1 =	slt.u32 s20, $0x3E;
	[tilespmem:s16+$0x0] =	vst v2;
	v2 =	vld [tilespmem:s13+$0x40]  }
0x4f2: {  	v4 =	vmax.f32 v4, $0.0e+00;
	v8 =	vld [tilespmem:s21+$0x10];
	v1 =	vadd.f32 v7, v1  }
0x4f3: {  	[tilespmem:s16+$0xFFFFFF80] =	vst v4;
	v4 =	vld [tilespmem:s17+$0x10]  }
0x4f4: {  	v7 =	vld [tilespmem:s21+$0xFFFFFF90];
	v1 =	vmax.f32 v1, $0.0e+00;
	v3 =	vadd.f32 v3, v6  }
0x4f5: {  	v6 =	vld [tilespmem:s17+$0xFFFFFF90];
	[tilespmem:s23+$0xFFFFFFB0] =	vst v1  }
0x4f6: {  	v1 =	vld [tilespmem:s15+$0xFFFFFFC0];
	v2 =	vadd.f32 v2, v5;
	v3 =	vmax.f32 v3, $0.0e+00  }
0x4f7: {  	v5 =	vld [tilespmem:s13+$0xFFFFFFC0];
	[tilespmem:s1+$0x70] =	vst v3  }
0x4f8: {  	v3 =	vadd.f32 v4, v8;
	v2 =	vmax.f32 v2, $0.0e+00;
	v4 =	vld [tilespmem:s25+$0xFFFFFFE0]  }
0x4f9: {  	[tilespmem:s23+$0x40] =	vst v2;
	v2 =	vld [tilespmem:s24+$0xFFFFFFE0]  }
0x4fa: {  	v6 =	vadd.f32 v6, v7;
	v3 =	vmax.f32 v3, $0.0e+00;
	v7 =	vld [tilespmem:s15+$0x50]  }
0x4fb: {  	[tilespmem:s16+$0x10] =	vst v3;
	v3 =	vld [tilespmem:s13+$0x50]  }
0x4fc: {  	v6 =	vmax.f32 v6, $0.0e+00;
	v8 =	vld [tilespmem:s21+$0x20];
	v1 =	vadd.f32 v5, v1  }
0x4fd: {  	[tilespmem:s16+$0xFFFFFF90] =	vst v6;
	v5 =	vld [tilespmem:s17+$0x20]  }
0x4fe: {  	v6 =	vld [tilespmem:s21+$0xFFFFFFA0];
	v1 =	vmax.f32 v1, $0.0e+00;
	v2 =	vadd.f32 v2, v4  }
0x4ff: {  	v4 =	vld [tilespmem:s17+$0xFFFFFFA0];
	[tilespmem:s23+$0xFFFFFFC0] =	vst v1  }
0x500: {  	v9 =	vld [tilespmem:s15+$0xFFFFFFD0];
	v1 =	vadd.f32 v3, v7;
	v2 =	vmax.f32 v2, $0.0e+00  }
0x501: {  	v7 =	vld [tilespmem:s13+$0xFFFFFFD0];
	[tilespmem:s1+$0xFFFFFFE0] =	vst v2  }
0x502: {  	v3 =	vadd.f32 v5, v8;
	v2 =	vmax.f32 v1, $0.0e+00;
	v1 =	vld [tilespmem:s25+$0xFFFFFFF0];
	s25 =	smov.u32 s15;
	s15 =	smov.u32 s21  }
.Ltmp12:
0x503: {  	[tilespmem:s23+$0x50] =	vst v2;
	v2 =	vld [tilespmem:s24+$0xFFFFFFF0];
	s24 =	smov.u32 s13;
	s13 =	smov.u32 s17;
	(pc) =	sbr.rel @p1 .LBB2_28-.Ltmp12, $4  }
0x504: {  	v5 =	vadd.f32 v4, v6;
	v4 =	vmax.f32 v3, $0.0e+00;
	v3 =	vld [tilespmem:s25+$0x60]  }
0x505: {  	[tilespmem:s16+$0x20] =	vst v4;
	v4 =	vld [tilespmem:s24+$0x60]  }
0x506: {  	v8 =	vmax.f32 v5, $0.0e+00;
	v6 =	vld [tilespmem:s21+$0x30];
	v5 =	vadd.f32 v7, v9  }
0x507: {  	s21 =	sadd.s32 $0x100, s21;
	[tilespmem:s16+$0xFFFFFFA0] =	vst v8;
	v7 =	vld [tilespmem:s17+$0x30]  }
0x508: {  	v8 =	vld [tilespmem:s15+$0xFFFFFFB0]  }
0x509: {  	v9 =	vld [tilespmem:s13+$0xFFFFFFB0];
	_ =	sdelay $0x2  }
0x50a: {  	v6 =	vadd.f32 v7, v6;
	_ =	sdelay $0x1  }
0x50b: {  	v52 =	vadd.f32 v9, v8;
	v6 =	vmax.f32 v6, $0.0e+00  }
0x50c: {  	[tilespmem:s16+$0x30] =	vst v6  }
0x50d: {  	v7 =	vmax.f32 v52, $0.0e+00;
	v6 =	vld [tilespmem:s15+$0x40]  }
0x50e: {  	v53 =	vld [tilespmem:s13+$0x40];
	[tilespmem:s16+$0xFFFFFFB0] =	vst v7  }
0x50f: {  	v7 =	vld [tilespmem:s15+$0xFFFFFFC0]  }
0x510: {  	v54 =	vld [tilespmem:s13+$0xFFFFFFC0];
	_ =	sdelay $0x2  }
0x511: {  	v6 =	vadd.f32 v53, v6;
	_ =	sdelay $0x1  }
0x512: {  	v7 =	vadd.f32 v54, v7;
	v6 =	vmax.f32 v6, $0.0e+00  }
0x513: {  	[tilespmem:s16+$0x40] =	vst v6  }
0x514: {  	v7 =	vmax.f32 v7, $0.0e+00;
	v6 =	vld [tilespmem:s15+$0x50]  }
0x515: {  	v55 =	vld [tilespmem:s13+$0x50];
	[tilespmem:s16+$0xFFFFFFC0] =	vst v7  }
0x516: {  	v7 =	vld [tilespmem:s15+$0xFFFFFFD0]  }
0x517: {  	v56 =	vld [tilespmem:s13+$0xFFFFFFD0];
	_ =	sdelay $0x2  }
0x518: {  	v5 =	vmax.f32 v5, $0.0e+00;
	v6 =	vadd.f32 v55, v6  }
0x519: {  	[tilespmem:s23+$0xFFFFFFD0] =	vst v5  }
0x51a: {  	v5 =	vld [tilespmem:s25+$0xFFFFFFE0];
	v7 =	vadd.f32 v56, v7;
	v6 =	vmax.f32 v6, $0.0e+00  }
0x51b: {  	v57 =	vld [tilespmem:s24+$0xFFFFFFE0];
	[tilespmem:s16+$0x50] =	vst v6  }
0x51c: {  	v7 =	vmax.f32 v7, $0.0e+00;
	v6 =	vld [tilespmem:s15+$0x60]  }
0x51d: {  	v58 =	vld [tilespmem:s13+$0x60];
	[tilespmem:s16+$0xFFFFFFD0] =	vst v7  }
0x51e: {  	v3 =	vadd.f32 v4, v3;
	v59 =	vld [tilespmem:s15+$0xFFFFFFE0]  }
0x51f: {  	v7 =	vld [tilespmem:s13+$0xFFFFFFE0]  }
0x520: {  	v3 =	vmax.f32 v3, $0.0e+00;
	v5 =	vadd.f32 v57, v5  }
0x521: {  	[tilespmem:s23+$0x60] =	vst v3  }
0x522: {  	v3 =	vld [tilespmem:s25+$0x70];
	v5 =	vmax.f32 v5, $0.0e+00;
	v6 =	vadd.f32 v58, v6  }
0x523: {  	v60 =	vld [tilespmem:s24+$0x70];
	[tilespmem:s23+$0xFFFFFFE0] =	vst v5  }
0x524: {  	v5 =	vld [tilespmem:s25+$0xFFFFFFF0];
	v4 =	vadd.f32 v7, v59;
	v6 =	vmax.f32 v6, $0.0e+00  }
0x525: {  	v61 =	vld [tilespmem:s24+$0xFFFFFFF0];
	[tilespmem:s16+$0x60] =	vst v6  }
0x526: {  	v4 =	vmax.f32 v4, $0.0e+00;
	v6 =	vld [tilespmem:s15+$0x70]  }
0x527: {  	v62 =	vld [tilespmem:s13+$0x70];
	[tilespmem:s16+$0xFFFFFFE0] =	vst v4  }
0x528: {  	v4 =	vld [tilespmem:s15+$0xFFFFFFF0]  }
0x529: {  	v10 =	vld [tilespmem:s13+$0xFFFFFFF0]  }
0x52a: {  	v1 =	vadd.f32 v2, v1  }
0x52b: {  	v2 =	vadd.f32 v60, v3  }
0x52c: {  	v1 =	vmax.f32 v1, $0.0e+00;
	v3 =	vadd.f32 v61, v5  }
0x52d: {  	[tilespmem:s1+$0xFFFFFFF0] =	vst v1;
	v1 =	vmax.f32 v2, $0.0e+00;
	v2 =	vadd.f32 v62, v6  }
0x52e: {  	[tilespmem:s23+$0x70] =	vst v1;
	v1 =	vmax.f32 v3, $0.0e+00;
	v3 =	vadd.f32 v10, v4  }
0x52f: {  	[tilespmem:s23+$0xFFFFFFF0] =	vst v1;
	v1 =	vmax.f32 v2, $0.0e+00  }
0x530: {  	[tilespmem:s16+$0x70] =	vst v1;
	v1 =	vmax.f32 v3, $0.0e+00  }
0x531: {  	s1 =	sadd.s32 @!p0 $0x180, s29;
	s13 =	simm.s32 @!p0 $0x40;
	s15 =	simm.s32 @!p0 $0x4000;
	[tilespmem:s16+$0xFFFFFFF0] =	vst v1  }
0x532: {  	[tilespmem:s15], [sflag:$0x2] =	stream.indirect.gather @!p0 [hbm4b:s7+s13], $0x80, s1, s13, $0xb8;
	v63 =	vld [tilespmem:$0x0]  }
0x533: {  	s28 =	sadd.s32 $0x1, s28;
	s1 =	sadd.s32 @!p0 $0x1180, s29;
	s15 =	simm.s32 @!p0 $0x8000  }
0x534: {  	[tilespmem:s15], [sflag:$0x4] =	stream.indirect.gather @!p0 [hbm4b:s11+s13], $0x80, s1, s13, $0xb8;
	v63 =	vld [tilespmem:$0x0]  }
0x535: {  	p0 =	sne.s32 s28, $0x10  }
.Ltmp13:
0x536: {  	s29 =	sadd.s32 $0x80, s3;
	(pc) =	sbr.rel @p0 .LBB2_25-.Ltmp13, $4  }
0x537: {  	[spmem:s2] =	stream.indirect.scatter.add.f32 [tilespmem:s31], [sflag:$0x5], $0x80, s29, s22, $0xb8;
	v63 =	vld [tilespmem:$0x0]  }
0x538: {  	_ =	swait.ge [sflag:s4], $0x2000  }
0x539: {  	[sflag:s4] =	ssyncset.done $0x0  }
0x53a: {  	[sflag:s4] =	ssyncadd.s32 $0xFFFFE000  }
0x53b: {  	s14 =	sadd.s32 $0x1, s14  }
0x53c: {  	p0 =	sne.s32 s14, $0x5  }
.Ltmp14:
0x53d: {  	_ = 	snop;
	(pc) =	sbr.rel @p0 .LBB2_24-.Ltmp14, $1  }
0x53e: {  	_ =	sdelay $0x3  }
0x53f: {  	[bflag:$0x0] =	sbarrier.arrive $0xFFFF  }
0x540: {  	s1 =	rddreg [dreg:$0xf]  }
0x541: {  	s3 =	rddreg [dreg:$0x16]  }
0x542: {  	s13 =	rddreg [dreg:$0x17]  }
0x543: {  	[hbm:s1], [sflag:s3] =	dma.local [spmem:s13], $0x2800  }
0x544: {  	_ =	swait.ge [sflag:s4], $0x2800  }
0x545: {  	[sflag:s4] =	ssyncset.done $0x0  }
0x546: {  	[sflag:s4] =	ssyncadd.s32 $0xFFFFD800  }
0x547: {  	s1 =	simm.s32 $0x0;
	s3 =	simm.s32 $0x200;
	[bflag:$0x0] =	sbarrier.arrive $0xFFFF  }
.LBB2_32:
0x548: {  	p0 =	sne.s32 s3, $0x7E00;
	[tilespmem:s1+$0xA070] =	vst v0  }
0x549: {  	[tilespmem:s1+$0xA000] =	vst v0  }
0x54a: {  	[tilespmem:s1+$0xA010] =	vst v0  }
.Ltmp15:
0x54b: {  	[tilespmem:s1+$0xA020] =	vst v0;
	(pc) =	sbr.rel @p0 .LBB2_32-.Ltmp15, $4  }
0x54c: {  	[tilespmem:s1+$0xA030] =	vst v0  }
0x54d: {  	[tilespmem:s1+$0xA040] =	vst v0  }
0x54e: {  	[tilespmem:s1+$0xA050] =	vst v0  }
0x54f: {  	[tilespmem:s1+$0xA060] =	vst v0;
	s1 =	sshra.s32 s3, $0x2;
	s3 =	sadd.s32 $0x200, s3  }
0x550: {  	[tilespmem:s1+$0xA070] =	vst v0  }
0x551: {  	[tilespmem:s1+$0xA000] =	vst v0  }
0x552: {  	[tilespmem:s1+$0xA010] =	vst v0  }
0x553: {  	[tilespmem:s1+$0xA020] =	vst v0  }
0x554: {  	[tilespmem:s1+$0xA030] =	vst v0  }
0x555: {  	[tilespmem:s1+$0xA040] =	vst v0  }
0x556: {  	[tilespmem:s1+$0xA050] =	vst v0  }
0x557: {  	[tilespmem:s1+$0xA060] =	vst v0;
	s15 =	rddreg [dreg:$0x6]  }
0x558: {  	[spmem:s15] =	stream.linear.scatter [tilespmem:s31], [sflag:$0x1], $0x2000, $0x38;
	v63 =	vld [tilespmem:$0x0]  }
0x559: {  	s16 =	rddreg [dreg:$0x7]  }
0x55a: {  	[spmem:s16] =	stream.linear.scatter [tilespmem:s31], [sflag:$0x1], $0x2000, $0x38;
	v63 =	vld [tilespmem:$0x0]  }
0x55b: {  	s17 =	rddreg [dreg:$0x8]  }
0x55c: {  	[spmem:s17] =	stream.linear.scatter [tilespmem:s31], [sflag:$0x1], $0x2000, $0x38;
	v63 =	vld [tilespmem:$0x0]  }
0x55d: {  	s20 =	rddreg [dreg:$0x9]  }
0x55e: {  	[spmem:s20] =	stream.linear.scatter [tilespmem:s31], [sflag:$0x1], $0x2000, $0x38;
	v63 =	vld [tilespmem:$0x0]  }
0x55f: {  	s21 =	rddreg [dreg:$0xa]  }
0x560: {  	[spmem:s21] =	stream.linear.scatter [tilespmem:s31], [sflag:$0x1], $0x2000, $0x38;
	v63 =	vld [tilespmem:$0x0]  }
0x561: {  	s23 =	rddreg [dreg:$0xb]  }
0x562: {  	[spmem:s23] =	stream.linear.scatter [tilespmem:s31], [sflag:$0x1], $0x2000, $0x38;
	v63 =	vld [tilespmem:$0x0]  }
0x563: {  	s24 =	rddreg [dreg:$0x12]  }
0x564: {  	[spmem:s24] =	stream.linear.scatter [tilespmem:s31], [sflag:$0x1], $0x2000, $0x38;
	v63 =	vld [tilespmem:$0x0]  }
0x565: {  	s25 =	rddreg [dreg:$0x13]  }
0x566: {  	[spmem:s25] =	stream.linear.scatter [tilespmem:s31], [sflag:$0x1], $0x2000, $0x38;
	v63 =	vld [tilespmem:$0x0]  }
0x567: {  	s28 =	rddreg [dreg:$0x14]  }
0x568: {  	[spmem:s28] =	stream.linear.scatter [tilespmem:s31], [sflag:$0x1], $0x2000, $0x38;
	v63 =	vld [tilespmem:$0x0]  }
0x569: {  	s29 =	rddreg [dreg:$0x15]  }
0x56a: {  	[spmem:s29] =	stream.linear.scatter [tilespmem:s31], [sflag:$0x1], $0x2000, $0x38;
	v63 =	vld [tilespmem:$0x0]  }
0x56b: {  	_ =	swait.ge [sflag:s0], $0x2000  }
0x56c: {  	[sflag:s0] =	ssyncset.done $0x0  }
0x56d: {  	[sflag:s0] =	ssyncadd.s32 $0xFFFFE000  }
0x56e: {  	_ =	swait.ge [sflag:s0], $0x2000  }
0x56f: {  	[sflag:s0] =	ssyncset.done $0x0  }
0x570: {  	[sflag:s0] =	ssyncadd.s32 $0xFFFFE000  }
0x571: {  	_ =	swait.ge [sflag:s0], $0x2000  }
0x572: {  	[sflag:s0] =	ssyncset.done $0x0  }
0x573: {  	[sflag:s0] =	ssyncadd.s32 $0xFFFFE000  }
0x574: {  	_ =	swait.ge [sflag:s0], $0x2000  }
0x575: {  	[sflag:s0] =	ssyncset.done $0x0  }
0x576: {  	[sflag:s0] =	ssyncadd.s32 $0xFFFFE000  }
0x577: {  	_ =	swait.ge [sflag:s0], $0x2000  }
0x578: {  	[sflag:s0] =	ssyncset.done $0x0  }
0x579: {  	[sflag:s0] =	ssyncadd.s32 $0xFFFFE000  }
0x57a: {  	_ =	swait.ge [sflag:s0], $0x2000  }
0x57b: {  	[sflag:s0] =	ssyncset.done $0x0  }
0x57c: {  	[sflag:s0] =	ssyncadd.s32 $0xFFFFE000  }
0x57d: {  	_ =	swait.ge [sflag:s0], $0x2000  }
0x57e: {  	[sflag:s0] =	ssyncset.done $0x0  }
0x57f: {  	[sflag:s0] =	ssyncadd.s32 $0xFFFFE000  }
0x580: {  	_ =	swait.ge [sflag:s0], $0x2000  }
0x581: {  	[sflag:s0] =	ssyncset.done $0x0  }
0x582: {  	[sflag:s0] =	ssyncadd.s32 $0xFFFFE000  }
0x583: {  	_ =	swait.ge [sflag:s0], $0x2000  }
0x584: {  	[sflag:s0] =	ssyncset.done $0x0  }
0x585: {  	[sflag:s0] =	ssyncadd.s32 $0xFFFFE000  }
0x586: {  	_ =	swait.ge [sflag:s0], $0x2000  }
0x587: {  	[sflag:s0] =	ssyncset.done $0x0  }
0x588: {  	[sflag:s0] =	ssyncadd.s32 $0xFFFFE000  }
0x589: {  	s30 =	simm.s32 $0x0;
	s14 =	simm.s32 $0x0;
	[bflag:$0x0] =	sbarrier.arrive $0xFFFF  }
.LBB2_34:
0x58a: {  	s1 =	sshll.u32 s14, $0xC;
	s3 =	rddreg [dreg:$0xc]  }
0x58b: {  	s1 =	sadd.s32 s3, s1  }
0x58c: {  	s15 =	rddreg [dreg:$0x1];
	s1 =	sshrl.u32 s1, $0x3  }
0x58d: {  	s3 =	sadd.s32 s15, s1  }
0x58e: {  	[tilespmem:s30], [sflag:$0x5] =	stream.linear.gather [hbm4b:s3+s30], $0x1000, $0x38;
	v63 =	vld [tilespmem:$0x0]  }
0x58f: {  	_ =	swait.ge [sflag:s4], $0x1000  }
0x590: {  	[sflag:s4] =	ssyncset.done $0x0;
	s16 =	rddreg [dreg:$0x5]  }
0x591: {  	s17 =	simm.s32 $0x1000;
	[sflag:s4] =	ssyncadd.s32 $0xFFFFF000;
	s1 =	sadd.s32 s16, s1  }
0x592: {  	[tilespmem:s17], [sflag:$0x5] =	stream.linear.gather [hbm4b:s1+s30], $0x1000, $0x38;
	v63 =	vld [tilespmem:$0x0]  }
0x593: {  	_ =	swait.ge [sflag:s4], $0x1000  }
0x594: {  	[sflag:s4] =	ssyncset.done $0x0  }
0x595: {  	s20 =	simm.s32 $0x2000;
	[sflag:s4] =	ssyncadd.s32 $0xFFFFF000  }
0x596: {  	[tilespmem:s20], [sflag:$0x1] =	stream.indirect.gather [hbm4b:s8+s22], $0x80, s30, s22, $0xb8;
	v63 =	vld [tilespmem:$0x0]  }
0x597: {  	s21 =	simm.s32 $0x6000  }
0x598: {  	[tilespmem:s21], [sflag:$0x3] =	stream.indirect.gather [hbm4b:s12+s22], $0x80, s17, s22, $0xb8;
	v63 =	vld [tilespmem:$0x0]  }
0x599: {  	s23 =	simm.s32 $0x80;
	s24 =	simm.s32 $0x4000  }
0x59a: {  	[tilespmem:s24], [sflag:$0x2] =	stream.indirect.gather [hbm4b:s8+s22], $0x80, s23, s22, $0xb8;
	v63 =	vld [tilespmem:$0x0]  }
0x59b: {  	s25 =	simm.s32 $0x1080;
	s29 =	simm.s32 $0x8000;
	s28 =	simm.s32 $0x0  }
0x59c: {  	[tilespmem:s29], [sflag:$0x4] =	stream.indirect.gather [hbm4b:s12+s22], $0x80, s25, s22, $0xb8;
	v63 =	vld [tilespmem:$0x0]  }
.LBB2_35:
0x59d: {  	_ =	swait.ge [sflag:s0], $0x2000  }
0x59e: {  	[sflag:s0] =	ssyncset.done $0x0  }
0x59f: {  	[sflag:s0] =	ssyncadd.s32 $0xFFFFE000  }
0x5a0: {  	_ =	swait.ge [sflag:s18], $0x2000  }
0x5a1: {  	[sflag:s18] =	ssyncset.done $0x0  }
0x5a2: {  	s17 =	simm.s32 $0x2080;
	[sflag:s18] =	ssyncadd.s32 $0xFFFFE000  }
0x5a3: {  	s13 =	simm.s32 $0x6080;
	v1 =	vld [tilespmem:s17+$0x0]  }
0x5a4: {  	v2 =	vld [tilespmem:s13+$0x0];
	_ =	sdelay $0x4  }
0x5a5: {  	v1 =	vadd.f32 v2, v1;
	_ =	sdelay $0x1  }
0x5a6: {  	s1 =	simm.s32 $0xA080;
	v3 =	vld [tilespmem:s17+$0xFFFFFF80];
	v1 =	vmax.f32 v1, $0.0e+00  }
0x5a7: {  	v2 =	vld [tilespmem:s13+$0xFFFFFF80];
	[tilespmem:s1+$0x0] =	vst v1  }
0x5a8: {  	v1 =	vld [tilespmem:s17+$0x10]  }
0x5a9: {  	v4 =	vld [tilespmem:s13+$0x10];
	_ =	sdelay $0x2  }
0x5aa: {  	v2 =	vadd.f32 v2, v3;
	_ =	sdelay $0x1  }
0x5ab: {  	v2 =	vmax.f32 v2, $0.0e+00;
	v1 =	vadd.f32 v4, v1  }
0x5ac: {  	[tilespmem:s1+$0xFFFFFF80] =	vst v2  }
0x5ad: {  	v2 =	vld [tilespmem:s17+$0xFFFFFF90];
	v1 =	vmax.f32 v1, $0.0e+00  }
0x5ae: {  	v3 =	vld [tilespmem:s13+$0xFFFFFF90];
	[tilespmem:s1+$0x10] =	vst v1  }
0x5af: {  	v1 =	vld [tilespmem:s17+$0x20]  }
0x5b0: {  	v4 =	vld [tilespmem:s13+$0x20];
	_ =	sdelay $0x2  }
0x5b1: {  	v2 =	vadd.f32 v3, v2;
	_ =	sdelay $0x1  }
0x5b2: {  	v2 =	vmax.f32 v2, $0.0e+00;
	v1 =	vadd.f32 v4, v1  }
0x5b3: {  	[tilespmem:s1+$0xFFFFFF90] =	vst v2  }
0x5b4: {  	v2 =	vld [tilespmem:s17+$0xFFFFFFA0];
	v1 =	vmax.f32 v1, $0.0e+00  }
0x5b5: {  	v3 =	vld [tilespmem:s13+$0xFFFFFFA0];
	[tilespmem:s1+$0x20] =	vst v1  }
0x5b6: {  	v1 =	vld [tilespmem:s17+$0x30]  }
0x5b7: {  	s24 =	simm.s32 $0x2180;
	v4 =	vld [tilespmem:s13+$0x30]  }
0x5b8: {  	s23 =	simm.s32 $0x6180;
	v5 =	vld [tilespmem:s24+$0x0]  }
0x5b9: {  	v6 =	vld [tilespmem:s23+$0x0]  }
0x5ba: {  	v2 =	vadd.f32 v3, v2;
	_ =	sdelay $0x1  }
0x5bb: {  	v3 =	vld [tilespmem:s23+$0xFFFFFF80];
	v2 =	vmax.f32 v2, $0.0e+00;
	v1 =	vadd.f32 v4, v1  }
0x5bc: {  	[tilespmem:s1+$0xFFFFFFA0] =	vst v2;
	v2 =	vld [tilespmem:s24+$0xFFFFFF80]  }
0x5bd: {  	v5 =	vadd.f32 v6, v5;
	v4 =	vld [tilespmem:s17+$0xFFFFFFB0];
	v1 =	vmax.f32 v1, $0.0e+00  }
0x5be: {  	v6 =	vld [tilespmem:s13+$0xFFFFFFB0];
	[tilespmem:s1+$0x30] =	vst v1  }
0x5bf: {  	s3 =	simm.s32 $0xA180;
	v1 =	vmax.f32 v5, $0.0e+00;
	v5 =	vld [tilespmem:s17+$0x40]  }
0x5c0: {  	[tilespmem:s3+$0x0] =	vst v1;
	v1 =	vld [tilespmem:s13+$0x40]  }
0x5c1: {  	v2 =	vadd.f32 v3, v2;
	v3 =	vld [tilespmem:s24+$0x10]  }
0x5c2: {  	v7 =	vld [tilespmem:s23+$0x10]  }
0x5c3: {  	v4 =	vadd.f32 v6, v4;
	v2 =	vmax.f32 v2, $0.0e+00  }
0x5c4: {  	[tilespmem:s3+$0xFFFFFF80] =	vst v2  }
0x5c5: {  	v4 =	vmax.f32 v4, $0.0e+00;
	v2 =	vld [tilespmem:s24+$0xFFFFFF90];
	v1 =	vadd.f32 v1, v5  }
0x5c6: {  	[tilespmem:s1+$0xFFFFFFB0] =	vst v4;
	v5 =	vld [tilespmem:s23+$0xFFFFFF90]  }
0x5c7: {  	v4 =	vld [tilespmem:s17+$0xFFFFFFC0];
	v3 =	vadd.f32 v7, v3;
	v1 =	vmax.f32 v1, $0.0e+00  }
0x5c8: {  	v6 =	vld [tilespmem:s13+$0xFFFFFFC0];
	[tilespmem:s1+$0x40] =	vst v1  }
0x5c9: {  	v1 =	vmax.f32 v3, $0.0e+00;
	v3 =	vld [tilespmem:s17+$0x50]  }
0x5ca: {  	[tilespmem:s3+$0x10] =	vst v1;
	v1 =	vld [tilespmem:s13+$0x50]  }
0x5cb: {  	v2 =	vadd.f32 v5, v2;
	v5 =	vld [tilespmem:s24+$0x20]  }
0x5cc: {  	v7 =	vld [tilespmem:s23+$0x20];
	_ =	sdelay $0x1  }
0x5cd: {  	s16 =	simm.s32 $0x6280;
	v4 =	vadd.f32 v6, v4;
	v2 =	vmax.f32 v2, $0.0e+00  }
0x5ce: {  	v9 =	vld [tilespmem:s16+$0x0];
	[tilespmem:s3+$0xFFFFFF90] =	vst v2;
	v1 =	vadd.f32 v1, v3  }
0x5cf: {  	v4 =	vmax.f32 v4, $0.0e+00;
	v2 =	vld [tilespmem:s24+$0xFFFFFFA0]  }
0x5d0: {  	[tilespmem:s1+$0xFFFFFFC0] =	vst v4;
	v3 =	vld [tilespmem:s23+$0xFFFFFFA0];
	v5 =	vadd.f32 v7, v5;
	v1 =	vmax.f32 v1, $0.0e+00  }
0x5d1: {  	v4 =	vld [tilespmem:s17+$0xFFFFFFD0];
	[tilespmem:s1+$0x50] =	vst v1  }
0x5d2: {  	v1 =	vmax.f32 v5, $0.0e+00;
	v5 =	vld [tilespmem:s17+$0x60]  }
0x5d3: {  	[tilespmem:s3+$0x20] =	vst v1;
	v1 =	vld [tilespmem:s13+$0x60]  }
0x5d4: {  	v7 =	vld [tilespmem:s24+$0x30]  }
0x5d5: {  	v8 =	vld [tilespmem:s23+$0x30];
	v2 =	vadd.f32 v3, v2  }
0x5d6: {  	s15 =	simm.s32 $0x2280;
	v6 =	vld [tilespmem:s13+$0xFFFFFFD0]  }
0x5d7: {  	v3 =	vld [tilespmem:s15+$0x0];
	v2 =	vmax.f32 v2, $0.0e+00  }
0x5d8: {  	[tilespmem:s3+$0xFFFFFFA0] =	vst v2;
	v2 =	vld [tilespmem:s15+$0xFFFFFF80];
	v1 =	vadd.f32 v1, v5  }
0x5d9: {  	v5 =	vld [tilespmem:s16+$0xFFFFFF80]  }
0x5da: {  	v7 =	vadd.f32 v8, v7;
	v8 =	vld [tilespmem:s24+$0xFFFFFFB0];
	v1 =	vmax.f32 v1, $0.0e+00  }
0x5db: {  	[tilespmem:s1+$0x60] =	vst v1;
	v1 =	vld [tilespmem:s23+$0xFFFFFFB0]  }
0x5dc: {  	v3 =	vadd.f32 v9, v3;
	v7 =	vmax.f32 v7, $0.0e+00;
	v62 =	vld [tilespmem:s17+$0x70]  }
0x5dd: {  	[tilespmem:s3+$0x30] =	vst v7;
	v7 =	vld [tilespmem:s13+$0x70]  }
0x5de: {  	s25 =	simm.s32 $0xA280;
	v3 =	vmax.f32 v3, $0.0e+00;
	v2 =	vadd.f32 v5, v2;
	v5 =	vld [tilespmem:s24+$0x40]  }
0x5df: {  	[tilespmem:s25+$0x0] =	vst v3;
	v3 =	vld [tilespmem:s23+$0x40]  }
0x5e0: {  	v2 =	vmax.f32 v2, $0.0e+00;
	v1 =	vadd.f32 v1, v8;
	v8 =	vld [tilespmem:s15+$0x10]  }
0x5e1: {  	[tilespmem:s25+$0xFFFFFF80] =	vst v2;
	v2 =	vld [tilespmem:s16+$0x10]  }
0x5e2: {  	v4 =	vadd.f32 v6, v4;
	v6 =	vld [tilespmem:s15+$0xFFFFFF90];
	v1 =	vmax.f32 v1, $0.0e+00  }
0x5e3: {  	[tilespmem:s3+$0xFFFFFFB0] =	vst v1;
	v1 =	vld [tilespmem:s16+$0xFFFFFF90]  }
0x5e4: {  	v4 =	vmax.f32 v4, $0.0e+00;
	v3 =	vadd.f32 v3, v5;
	v5 =	vld [tilespmem:s24+$0xFFFFFFC0]  }
0x5e5: {  	[tilespmem:s1+$0xFFFFFFD0] =	vst v4;
	v4 =	vld [tilespmem:s23+$0xFFFFFFC0]  }
0x5e6: {  	v3 =	vmax.f32 v3, $0.0e+00;
	v2 =	vadd.f32 v2, v8;
	v8 =	vld [tilespmem:s17+$0xFFFFFFE0]  }
0x5e7: {  	[tilespmem:s3+$0x40] =	vst v3;
	v3 =	vld [tilespmem:s13+$0xFFFFFFE0]  }
0x5e8: {  	v2 =	vmax.f32 v2, $0.0e+00;
	v1 =	vadd.f32 v1, v6;
	v6 =	vld [tilespmem:s24+$0x50]  }
0x5e9: {  	[tilespmem:s25+$0x10] =	vst v2;
	v2 =	vld [tilespmem:s23+$0x50]  }
0x5ea: {  	v4 =	vadd.f32 v4, v5;
	v5 =	vld [tilespmem:s15+$0x20];
	v1 =	vmax.f32 v1, $0.0e+00  }
0x5eb: {  	[tilespmem:s25+$0xFFFFFF90] =	vst v1;
	v1 =	vld [tilespmem:s16+$0x20]  }
0x5ec: {  	v3 =	vadd.f32 v3, v8;
	v4 =	vmax.f32 v4, $0.0e+00;
	v8 =	vld [tilespmem:s15+$0xFFFFFFA0]  }
0x5ed: {  	[tilespmem:s3+$0xFFFFFFC0] =	vst v4;
	v4 =	vld [tilespmem:s16+$0xFFFFFFA0]  }
0x5ee: {  	v3 =	vmax.f32 v3, $0.0e+00;
	v2 =	vadd.f32 v2, v6;
	v10 =	vld [tilespmem:s24+$0xFFFFFFD0]  }
0x5ef: {  	[tilespmem:s1+$0xFFFFFFE0] =	vst v3;
	v11 =	vld [tilespmem:s23+$0xFFFFFFD0]  }
0x5f0: {  	v2 =	vmax.f32 v2, $0.0e+00;
	v3 =	vadd.f32 v1, v5;
	v1 =	vld [tilespmem:s17+$0xFFFFFFF0]  }
0x5f1: {  	v5 =	vadd.f32 v7, v62;
	[tilespmem:s3+$0x50] =	vst v2;
	v2 =	vld [tilespmem:s13+$0xFFFFFFF0]  }
0x5f2: {  	v6 =	vadd.f32 v4, v8;
	v4 =	vmax.f32 v3, $0.0e+00;
	v3 =	vld [tilespmem:s24+$0x60]  }
0x5f3: {  	v5 =	vmax.f32 v5, $0.0e+00;
	[tilespmem:s25+$0x20] =	vst v4;
	v4 =	vld [tilespmem:s23+$0x60]  }
0x5f4: {  	[tilespmem:s1+$0x70] =	vst v5;
	v7 =	vmax.f32 v6, $0.0e+00;
	v5 =	vadd.f32 v11, v10;
	v6 =	vld [tilespmem:s15+$0x30]  }
0x5f5: {  	s20 =	simm.s32 $0x2380;
	s17 =	simm.s32 $0x4;
	s13 =	simm.s32 $0x6280;
	[tilespmem:s25+$0xFFFFFFA0] =	vst v7;
	v7 =	vld [tilespmem:s16+$0x30]  }
.LBB2_36:
0x5f6: {  	v8 =	vld [tilespmem:s20+$0x0];
	s16 =	sadd.s32 $0x100, s16;
	v5 =	vmax.f32 v5, $0.0e+00;
	v1 =	vadd.f32 v2, v1  }
0x5f7: {  	v2 =	vld [tilespmem:s16+$0x0];
	[tilespmem:s3+$0xFFFFFFD0] =	vst v5  }
0x5f8: {  	v5 =	vld [tilespmem:s16+$0xFFFFFF80];
	v3 =	vadd.f32 v4, v3;
	v1 =	vmax.f32 v1, $0.0e+00  }
0x5f9: {  	v4 =	vld [tilespmem:s20+$0xFFFFFF80];
	[tilespmem:s1+$0xFFFFFFF0] =	vst v1;
	s1 =	smov.u32 s3;
	s3 =	smov.u32 s25  }
0x5fa: {  	v1 =	vld [tilespmem:s15+$0xFFFFFFB0];
	v6 =	vadd.f32 v7, v6;
	v3 =	vmax.f32 v3, $0.0e+00  }
0x5fb: {  	v7 =	vld [tilespmem:s13+$0xFFFFFFB0];
	[tilespmem:s1+$0x60] =	vst v3  }
0x5fc: {  	v2 =	vadd.f32 v2, v8;
	v3 =	vmax.f32 v6, $0.0e+00;
	v6 =	vld [tilespmem:s24+$0x70]  }
0x5fd: {  	[tilespmem:s25+$0x30] =	vst v3;
	v3 =	vld [tilespmem:s23+$0x70]  }
0x5fe: {  	s17 =	sadd.s32 $0x2, s17;
	s25 =	sadd.s32 $0x100, s25;
	v4 =	vadd.f32 v5, v4;
	v2 =	vmax.f32 v2, $0.0e+00;
	v5 =	vld [tilespmem:s15+$0x40]  }
0x5ff: {  	p0 =	slt.u32 s17, $0x3E;
	[tilespmem:s25+$0x0] =	vst v2;
	v2 =	vld [tilespmem:s13+$0x40]  }
0x600: {  	v4 =	vmax.f32 v4, $0.0e+00;
	v8 =	vld [tilespmem:s20+$0x10];
	v1 =	vadd.f32 v7, v1  }
0x601: {  	[tilespmem:s25+$0xFFFFFF80] =	vst v4;
	v4 =	vld [tilespmem:s16+$0x10]  }
0x602: {  	v7 =	vld [tilespmem:s20+$0xFFFFFF90];
	v1 =	vmax.f32 v1, $0.0e+00;
	v3 =	vadd.f32 v3, v6  }
0x603: {  	v6 =	vld [tilespmem:s16+$0xFFFFFF90];
	[tilespmem:s3+$0xFFFFFFB0] =	vst v1  }
0x604: {  	v1 =	vld [tilespmem:s15+$0xFFFFFFC0];
	v2 =	vadd.f32 v2, v5;
	v3 =	vmax.f32 v3, $0.0e+00  }
0x605: {  	v5 =	vld [tilespmem:s13+$0xFFFFFFC0];
	[tilespmem:s1+$0x70] =	vst v3  }
0x606: {  	v3 =	vadd.f32 v4, v8;
	v2 =	vmax.f32 v2, $0.0e+00;
	v4 =	vld [tilespmem:s24+$0xFFFFFFE0]  }
0x607: {  	[tilespmem:s3+$0x40] =	vst v2;
	v2 =	vld [tilespmem:s23+$0xFFFFFFE0]  }
0x608: {  	v6 =	vadd.f32 v6, v7;
	v3 =	vmax.f32 v3, $0.0e+00;
	v7 =	vld [tilespmem:s15+$0x50]  }
0x609: {  	[tilespmem:s25+$0x10] =	vst v3;
	v3 =	vld [tilespmem:s13+$0x50]  }
0x60a: {  	v6 =	vmax.f32 v6, $0.0e+00;
	v8 =	vld [tilespmem:s20+$0x20];
	v1 =	vadd.f32 v5, v1  }
0x60b: {  	[tilespmem:s25+$0xFFFFFF90] =	vst v6;
	v5 =	vld [tilespmem:s16+$0x20]  }
0x60c: {  	v6 =	vld [tilespmem:s20+$0xFFFFFFA0];
	v1 =	vmax.f32 v1, $0.0e+00;
	v2 =	vadd.f32 v2, v4  }
0x60d: {  	v4 =	vld [tilespmem:s16+$0xFFFFFFA0];
	[tilespmem:s3+$0xFFFFFFC0] =	vst v1  }
0x60e: {  	v9 =	vld [tilespmem:s15+$0xFFFFFFD0];
	v1 =	vadd.f32 v3, v7;
	v2 =	vmax.f32 v2, $0.0e+00  }
0x60f: {  	v7 =	vld [tilespmem:s13+$0xFFFFFFD0];
	[tilespmem:s1+$0xFFFFFFE0] =	vst v2  }
0x610: {  	v3 =	vadd.f32 v5, v8;
	v2 =	vmax.f32 v1, $0.0e+00;
	v1 =	vld [tilespmem:s24+$0xFFFFFFF0];
	s24 =	smov.u32 s15;
	s15 =	smov.u32 s20  }
.Ltmp16:
0x611: {  	[tilespmem:s3+$0x50] =	vst v2;
	v2 =	vld [tilespmem:s23+$0xFFFFFFF0];
	s23 =	smov.u32 s13;
	s13 =	smov.u32 s16;
	(pc) =	sbr.rel @p0 .LBB2_36-.Ltmp16, $4  }
0x612: {  	v5 =	vadd.f32 v4, v6;
	v4 =	vmax.f32 v3, $0.0e+00;
	v3 =	vld [tilespmem:s24+$0x60]  }
0x613: {  	[tilespmem:s25+$0x20] =	vst v4;
	v4 =	vld [tilespmem:s23+$0x60]  }
0x614: {  	v8 =	vmax.f32 v5, $0.0e+00;
	v6 =	vld [tilespmem:s20+$0x30];
	v5 =	vadd.f32 v7, v9  }
0x615: {  	s20 =	sadd.s32 $0x100, s20;
	[tilespmem:s25+$0xFFFFFFA0] =	vst v8;
	v7 =	vld [tilespmem:s16+$0x30]  }
0x616: {  	v8 =	vld [tilespmem:s15+$0xFFFFFFB0]  }
0x617: {  	v9 =	vld [tilespmem:s13+$0xFFFFFFB0];
	_ =	sdelay $0x2  }
0x618: {  	v6 =	vadd.f32 v7, v6;
	_ =	sdelay $0x1  }
0x619: {  	v7 =	vadd.f32 v9, v8;
	v6 =	vmax.f32 v6, $0.0e+00  }
0x61a: {  	[tilespmem:s25+$0x30] =	vst v6  }
0x61b: {  	v7 =	vmax.f32 v7, $0.0e+00;
	v6 =	vld [tilespmem:s15+$0x40]  }
0x61c: {  	v8 =	vld [tilespmem:s13+$0x40];
	[tilespmem:s25+$0xFFFFFFB0] =	vst v7  }
0x61d: {  	v7 =	vld [tilespmem:s15+$0xFFFFFFC0]  }
0x61e: {  	v56 =	vld [tilespmem:s13+$0xFFFFFFC0];
	_ =	sdelay $0x2  }
0x61f: {  	v6 =	vadd.f32 v8, v6;
	_ =	sdelay $0x1  }
0x620: {  	v7 =	vadd.f32 v56, v7;
	v6 =	vmax.f32 v6, $0.0e+00  }
0x621: {  	[tilespmem:s25+$0x40] =	vst v6  }
0x622: {  	v7 =	vmax.f32 v7, $0.0e+00;
	v6 =	vld [tilespmem:s15+$0x50]  }
0x623: {  	v8 =	vld [tilespmem:s13+$0x50];
	[tilespmem:s25+$0xFFFFFFC0] =	vst v7  }
0x624: {  	v7 =	vld [tilespmem:s15+$0xFFFFFFD0]  }
0x625: {  	v57 =	vld [tilespmem:s13+$0xFFFFFFD0];
	_ =	sdelay $0x2  }
0x626: {  	v5 =	vmax.f32 v5, $0.0e+00;
	v6 =	vadd.f32 v8, v6  }
0x627: {  	[tilespmem:s3+$0xFFFFFFD0] =	vst v5  }
0x628: {  	v5 =	vld [tilespmem:s24+$0xFFFFFFE0];
	v7 =	vadd.f32 v57, v7;
	v6 =	vmax.f32 v6, $0.0e+00  }
0x629: {  	v8 =	vld [tilespmem:s23+$0xFFFFFFE0];
	[tilespmem:s25+$0x50] =	vst v6  }
0x62a: {  	v7 =	vmax.f32 v7, $0.0e+00;
	v6 =	vld [tilespmem:s15+$0x60]  }
0x62b: {  	v58 =	vld [tilespmem:s13+$0x60];
	[tilespmem:s25+$0xFFFFFFD0] =	vst v7  }
0x62c: {  	v3 =	vadd.f32 v4, v3;
	v4 =	vld [tilespmem:s15+$0xFFFFFFE0]  }
0x62d: {  	v7 =	vld [tilespmem:s13+$0xFFFFFFE0]  }
0x62e: {  	v3 =	vmax.f32 v3, $0.0e+00;
	v5 =	vadd.f32 v8, v5  }
0x62f: {  	[tilespmem:s3+$0x60] =	vst v3  }
0x630: {  	v3 =	vld [tilespmem:s24+$0x70];
	v5 =	vmax.f32 v5, $0.0e+00;
	v6 =	vadd.f32 v58, v6  }
0x631: {  	v8 =	vld [tilespmem:s23+$0x70];
	[tilespmem:s3+$0xFFFFFFE0] =	vst v5  }
0x632: {  	v5 =	vld [tilespmem:s24+$0xFFFFFFF0];
	v4 =	vadd.f32 v7, v4;
	v6 =	vmax.f32 v6, $0.0e+00  }
0x633: {  	v7 =	vld [tilespmem:s23+$0xFFFFFFF0];
	[tilespmem:s25+$0x60] =	vst v6  }
0x634: {  	v4 =	vmax.f32 v4, $0.0e+00;
	v6 =	vld [tilespmem:s15+$0x70]  }
0x635: {  	v59 =	vld [tilespmem:s13+$0x70];
	[tilespmem:s25+$0xFFFFFFE0] =	vst v4  }
0x636: {  	v4 =	vld [tilespmem:s15+$0xFFFFFFF0]  }
0x637: {  	v10 =	vld [tilespmem:s13+$0xFFFFFFF0]  }
0x638: {  	v1 =	vadd.f32 v2, v1  }
0x639: {  	v2 =	vadd.f32 v8, v3  }
0x63a: {  	v1 =	vmax.f32 v1, $0.0e+00;
	v3 =	vadd.f32 v7, v5  }
0x63b: {  	[tilespmem:s1+$0xFFFFFFF0] =	vst v1;
	v1 =	vmax.f32 v2, $0.0e+00;
	v2 =	vadd.f32 v59, v6  }
0x63c: {  	[tilespmem:s3+$0x70] =	vst v1;
	v1 =	vmax.f32 v3, $0.0e+00;
	v3 =	vadd.f32 v10, v4  }
0x63d: {  	p0 =	seq.s32 s28, $0xF;
	[tilespmem:s3+$0xFFFFFFF0] =	vst v1;
	v1 =	vmax.f32 v2, $0.0e+00  }
0x63e: {  	s29 =	sshll.u32 @!p0 s28, $0x8;
	[tilespmem:s25+$0x70] =	vst v1;
	v1 =	vmax.f32 v3, $0.0e+00  }
0x63f: {  	s1 =	sadd.s32 @!p0 $0x100, s29;
	s13 =	simm.s32 @!p0 $0x2000;
	s3 =	simm.s32 @!p0 $0x40;
	[tilespmem:s25+$0xFFFFFFF0] =	vst v1  }
0x640: {  	[tilespmem:s13], [sflag:$0x1] =	stream.indirect.gather @!p0 [hbm4b:s8+s3], $0x80, s1, s3, $0xb8;
	v63 =	vld [tilespmem:$0x0]  }
0x641: {  	s20 =	sshll.u32 s28, $0x8;
	s1 =	sadd.s32 @!p0 $0x1100, s29;
	s13 =	simm.s32 @!p0 $0x6000  }
0x642: {  	[tilespmem:s13], [sflag:$0x3] =	stream.indirect.gather @!p0 [hbm4b:s12+s3], $0x80, s1, s3, $0xb8;
	v63 =	vld [tilespmem:$0x0]  }
0x643: {  	s3 =	sand.u32 $0x3FFFFF00, s20  }
0x644: {  	[spmem:s2] =	stream.indirect.scatter.add.f32 [tilespmem:s31], [sflag:$0x5], $0x80, s3, s22, $0xb8;
	v63 =	vld [tilespmem:$0x0]  }
0x645: {  	_ =	swait.ge [sflag:s4], $0x2000  }
0x646: {  	[sflag:s4] =	ssyncset.done $0x0  }
0x647: {  	[sflag:s4] =	ssyncadd.s32 $0xFFFFE000  }
0x648: {  	_ =	swait.ge [sflag:s19], $0x2000  }
0x649: {  	[sflag:s19] =	ssyncset.done $0x0  }
0x64a: {  	[sflag:s19] =	ssyncadd.s32 $0xFFFFE000  }
0x64b: {  	_ =	swait.ge [sflag:s26], $0x2000  }
0x64c: {  	[sflag:s26] =	ssyncset.done $0x0  }
0x64d: {  	s20 =	simm.s32 $0x4080;
	[sflag:s26] =	ssyncadd.s32 $0xFFFFE000  }
0x64e: {  	s21 =	simm.s32 $0x8080;
	v1 =	vld [tilespmem:s20+$0x0]  }
0x64f: {  	v2 =	vld [tilespmem:s21+$0x0];
	_ =	sdelay $0x4  }
0x650: {  	v1 =	vadd.f32 v2, v1;
	_ =	sdelay $0x1  }
0x651: {  	s1 =	simm.s32 $0xA080;
	v3 =	vld [tilespmem:s20+$0xFFFFFF80];
	v1 =	vmax.f32 v1, $0.0e+00  }
0x652: {  	v2 =	vld [tilespmem:s21+$0xFFFFFF80];
	[tilespmem:s1+$0x0] =	vst v1  }
0x653: {  	v1 =	vld [tilespmem:s20+$0x10]  }
0x654: {  	v4 =	vld [tilespmem:s21+$0x10];
	_ =	sdelay $0x2  }
0x655: {  	v2 =	vadd.f32 v2, v3;
	_ =	sdelay $0x1  }
0x656: {  	v2 =	vmax.f32 v2, $0.0e+00;
	v1 =	vadd.f32 v4, v1  }
0x657: {  	[tilespmem:s1+$0xFFFFFF80] =	vst v2  }
0x658: {  	v2 =	vld [tilespmem:s20+$0xFFFFFF90];
	v1 =	vmax.f32 v1, $0.0e+00  }
0x659: {  	v3 =	vld [tilespmem:s21+$0xFFFFFF90];
	[tilespmem:s1+$0x10] =	vst v1  }
0x65a: {  	v1 =	vld [tilespmem:s20+$0x20]  }
0x65b: {  	v4 =	vld [tilespmem:s21+$0x20];
	_ =	sdelay $0x2  }
0x65c: {  	v2 =	vadd.f32 v3, v2;
	_ =	sdelay $0x1  }
0x65d: {  	v2 =	vmax.f32 v2, $0.0e+00;
	v1 =	vadd.f32 v4, v1  }
0x65e: {  	[tilespmem:s1+$0xFFFFFF90] =	vst v2  }
0x65f: {  	v2 =	vld [tilespmem:s20+$0xFFFFFFA0];
	v1 =	vmax.f32 v1, $0.0e+00  }
0x660: {  	v3 =	vld [tilespmem:s21+$0xFFFFFFA0];
	[tilespmem:s1+$0x20] =	vst v1  }
0x661: {  	v1 =	vld [tilespmem:s20+$0x30]  }
0x662: {  	s25 =	simm.s32 $0x4180;
	v4 =	vld [tilespmem:s21+$0x30]  }
0x663: {  	s24 =	simm.s32 $0x8180;
	v5 =	vld [tilespmem:s25+$0x0]  }
0x664: {  	v6 =	vld [tilespmem:s24+$0x0]  }
0x665: {  	v2 =	vadd.f32 v3, v2;
	_ =	sdelay $0x1  }
0x666: {  	v3 =	vld [tilespmem:s24+$0xFFFFFF80];
	v2 =	vmax.f32 v2, $0.0e+00;
	v1 =	vadd.f32 v4, v1  }
0x667: {  	[tilespmem:s1+$0xFFFFFFA0] =	vst v2;
	v2 =	vld [tilespmem:s25+$0xFFFFFF80]  }
0x668: {  	v5 =	vadd.f32 v6, v5;
	v4 =	vld [tilespmem:s20+$0xFFFFFFB0];
	v1 =	vmax.f32 v1, $0.0e+00  }
0x669: {  	v6 =	vld [tilespmem:s21+$0xFFFFFFB0];
	[tilespmem:s1+$0x30] =	vst v1  }
0x66a: {  	s23 =	simm.s32 $0xA180;
	v1 =	vmax.f32 v5, $0.0e+00;
	v5 =	vld [tilespmem:s20+$0x40]  }
0x66b: {  	[tilespmem:s23+$0x0] =	vst v1;
	v1 =	vld [tilespmem:s21+$0x40]  }
0x66c: {  	v2 =	vadd.f32 v3, v2;
	v3 =	vld [tilespmem:s25+$0x10]  }
0x66d: {  	v7 =	vld [tilespmem:s24+$0x10]  }
0x66e: {  	v4 =	vadd.f32 v6, v4;
	v2 =	vmax.f32 v2, $0.0e+00  }
0x66f: {  	[tilespmem:s23+$0xFFFFFF80] =	vst v2  }
0x670: {  	v4 =	vmax.f32 v4, $0.0e+00;
	v2 =	vld [tilespmem:s25+$0xFFFFFF90];
	v1 =	vadd.f32 v1, v5  }
0x671: {  	[tilespmem:s1+$0xFFFFFFB0] =	vst v4;
	v5 =	vld [tilespmem:s24+$0xFFFFFF90]  }
0x672: {  	v4 =	vld [tilespmem:s20+$0xFFFFFFC0];
	v3 =	vadd.f32 v7, v3;
	v1 =	vmax.f32 v1, $0.0e+00  }
0x673: {  	v6 =	vld [tilespmem:s21+$0xFFFFFFC0];
	[tilespmem:s1+$0x40] =	vst v1  }
0x674: {  	v1 =	vmax.f32 v3, $0.0e+00;
	v3 =	vld [tilespmem:s20+$0x50]  }
0x675: {  	[tilespmem:s23+$0x10] =	vst v1;
	v1 =	vld [tilespmem:s21+$0x50]  }
0x676: {  	v2 =	vadd.f32 v5, v2;
	v5 =	vld [tilespmem:s25+$0x20]  }
0x677: {  	v7 =	vld [tilespmem:s24+$0x20];
	_ =	sdelay $0x1  }
0x678: {  	s17 =	simm.s32 $0x8280;
	v4 =	vadd.f32 v6, v4;
	v2 =	vmax.f32 v2, $0.0e+00  }
0x679: {  	v60 =	vld [tilespmem:s17+$0x0];
	[tilespmem:s23+$0xFFFFFF90] =	vst v2;
	v1 =	vadd.f32 v1, v3  }
0x67a: {  	v4 =	vmax.f32 v4, $0.0e+00;
	v2 =	vld [tilespmem:s25+$0xFFFFFFA0]  }
0x67b: {  	[tilespmem:s1+$0xFFFFFFC0] =	vst v4;
	v3 =	vld [tilespmem:s24+$0xFFFFFFA0];
	v5 =	vadd.f32 v7, v5;
	v1 =	vmax.f32 v1, $0.0e+00  }
0x67c: {  	v4 =	vld [tilespmem:s20+$0xFFFFFFD0];
	[tilespmem:s1+$0x50] =	vst v1  }
0x67d: {  	v1 =	vmax.f32 v5, $0.0e+00;
	v5 =	vld [tilespmem:s20+$0x60]  }
0x67e: {  	[tilespmem:s23+$0x20] =	vst v1;
	v1 =	vld [tilespmem:s21+$0x60]  }
0x67f: {  	v7 =	vld [tilespmem:s25+$0x30]  }
0x680: {  	v8 =	vld [tilespmem:s24+$0x30];
	v2 =	vadd.f32 v3, v2  }
0x681: {  	s15 =	simm.s32 $0x4280;
	v6 =	vld [tilespmem:s21+$0xFFFFFFD0]  }
0x682: {  	v3 =	vld [tilespmem:s15+$0x0];
	v2 =	vmax.f32 v2, $0.0e+00  }
0x683: {  	[tilespmem:s23+$0xFFFFFFA0] =	vst v2;
	v2 =	vld [tilespmem:s15+$0xFFFFFF80];
	v1 =	vadd.f32 v1, v5  }
0x684: {  	v5 =	vld [tilespmem:s17+$0xFFFFFF80]  }
0x685: {  	v7 =	vadd.f32 v8, v7;
	v8 =	vld [tilespmem:s25+$0xFFFFFFB0];
	v1 =	vmax.f32 v1, $0.0e+00  }
0x686: {  	[tilespmem:s1+$0x60] =	vst v1;
	v1 =	vld [tilespmem:s24+$0xFFFFFFB0]  }
0x687: {  	v3 =	vadd.f32 v60, v3;
	v7 =	vmax.f32 v7, $0.0e+00;
	v61 =	vld [tilespmem:s20+$0x70]  }
0x688: {  	[tilespmem:s23+$0x30] =	vst v7;
	v7 =	vld [tilespmem:s21+$0x70]  }
0x689: {  	s16 =	simm.s32 $0xA280;
	v3 =	vmax.f32 v3, $0.0e+00;
	v2 =	vadd.f32 v5, v2;
	v5 =	vld [tilespmem:s25+$0x40]  }
0x68a: {  	[tilespmem:s16+$0x0] =	vst v3;
	v3 =	vld [tilespmem:s24+$0x40]  }
0x68b: {  	v2 =	vmax.f32 v2, $0.0e+00;
	v1 =	vadd.f32 v1, v8;
	v8 =	vld [tilespmem:s15+$0x10]  }
0x68c: {  	[tilespmem:s16+$0xFFFFFF80] =	vst v2;
	v2 =	vld [tilespmem:s17+$0x10]  }
0x68d: {  	v4 =	vadd.f32 v6, v4;
	v6 =	vld [tilespmem:s15+$0xFFFFFF90];
	v1 =	vmax.f32 v1, $0.0e+00  }
0x68e: {  	[tilespmem:s23+$0xFFFFFFB0] =	vst v1;
	v1 =	vld [tilespmem:s17+$0xFFFFFF90]  }
0x68f: {  	v4 =	vmax.f32 v4, $0.0e+00;
	v3 =	vadd.f32 v3, v5;
	v5 =	vld [tilespmem:s25+$0xFFFFFFC0]  }
0x690: {  	[tilespmem:s1+$0xFFFFFFD0] =	vst v4;
	v4 =	vld [tilespmem:s24+$0xFFFFFFC0]  }
0x691: {  	v3 =	vmax.f32 v3, $0.0e+00;
	v2 =	vadd.f32 v2, v8;
	v8 =	vld [tilespmem:s20+$0xFFFFFFE0]  }
0x692: {  	[tilespmem:s23+$0x40] =	vst v3;
	v3 =	vld [tilespmem:s21+$0xFFFFFFE0]  }
0x693: {  	v2 =	vmax.f32 v2, $0.0e+00;
	v1 =	vadd.f32 v1, v6;
	v6 =	vld [tilespmem:s25+$0x50]  }
0x694: {  	[tilespmem:s16+$0x10] =	vst v2;
	v2 =	vld [tilespmem:s24+$0x50]  }
0x695: {  	v4 =	vadd.f32 v4, v5;
	v5 =	vld [tilespmem:s15+$0x20];
	v1 =	vmax.f32 v1, $0.0e+00  }
0x696: {  	[tilespmem:s16+$0xFFFFFF90] =	vst v1;
	v1 =	vld [tilespmem:s17+$0x20]  }
0x697: {  	v3 =	vadd.f32 v3, v8;
	v4 =	vmax.f32 v4, $0.0e+00;
	v8 =	vld [tilespmem:s15+$0xFFFFFFA0]  }
0x698: {  	[tilespmem:s23+$0xFFFFFFC0] =	vst v4;
	v4 =	vld [tilespmem:s17+$0xFFFFFFA0]  }
0x699: {  	v3 =	vmax.f32 v3, $0.0e+00;
	v2 =	vadd.f32 v2, v6;
	v62 =	vld [tilespmem:s25+$0xFFFFFFD0]  }
0x69a: {  	[tilespmem:s1+$0xFFFFFFE0] =	vst v3;
	v11 =	vld [tilespmem:s24+$0xFFFFFFD0]  }
0x69b: {  	v2 =	vmax.f32 v2, $0.0e+00;
	v3 =	vadd.f32 v1, v5;
	v1 =	vld [tilespmem:s20+$0xFFFFFFF0]  }
0x69c: {  	v5 =	vadd.f32 v7, v61;
	[tilespmem:s23+$0x50] =	vst v2;
	v2 =	vld [tilespmem:s21+$0xFFFFFFF0]  }
0x69d: {  	v6 =	vadd.f32 v4, v8;
	v4 =	vmax.f32 v3, $0.0e+00;
	v3 =	vld [tilespmem:s25+$0x60]  }
0x69e: {  	v5 =	vmax.f32 v5, $0.0e+00;
	[tilespmem:s16+$0x20] =	vst v4;
	v4 =	vld [tilespmem:s24+$0x60]  }
0x69f: {  	[tilespmem:s1+$0x70] =	vst v5;
	v7 =	vmax.f32 v6, $0.0e+00;
	v5 =	vadd.f32 v11, v62;
	v6 =	vld [tilespmem:s15+$0x30]  }
0x6a0: {  	s13 =	simm.s32 $0x8280;
	s20 =	simm.s32 $0x4;
	s21 =	simm.s32 $0x4380;
	[tilespmem:s16+$0xFFFFFFA0] =	vst v7;
	v7 =	vld [tilespmem:s17+$0x30]  }
.LBB2_38:
0x6a1: {  	v8 =	vld [tilespmem:s21+$0x0];
	s17 =	sadd.s32 $0x100, s17;
	v5 =	vmax.f32 v5, $0.0e+00;
	v1 =	vadd.f32 v2, v1  }
0x6a2: {  	v2 =	vld [tilespmem:s17+$0x0];
	[tilespmem:s23+$0xFFFFFFD0] =	vst v5  }
0x6a3: {  	v5 =	vld [tilespmem:s17+$0xFFFFFF80];
	v3 =	vadd.f32 v4, v3;
	v1 =	vmax.f32 v1, $0.0e+00  }
0x6a4: {  	v4 =	vld [tilespmem:s21+$0xFFFFFF80];
	[tilespmem:s1+$0xFFFFFFF0] =	vst v1;
	s1 =	smov.u32 s23;
	s23 =	smov.u32 s16  }
0x6a5: {  	v1 =	vld [tilespmem:s15+$0xFFFFFFB0];
	v6 =	vadd.f32 v7, v6;
	v3 =	vmax.f32 v3, $0.0e+00  }
0x6a6: {  	v7 =	vld [tilespmem:s13+$0xFFFFFFB0];
	[tilespmem:s1+$0x60] =	vst v3  }
0x6a7: {  	v2 =	vadd.f32 v2, v8;
	v3 =	vmax.f32 v6, $0.0e+00;
	v6 =	vld [tilespmem:s25+$0x70]  }
0x6a8: {  	[tilespmem:s16+$0x30] =	vst v3;
	v3 =	vld [tilespmem:s24+$0x70]  }
0x6a9: {  	s20 =	sadd.s32 $0x2, s20;
	s16 =	sadd.s32 $0x100, s16;
	v4 =	vadd.f32 v5, v4;
	v2 =	vmax.f32 v2, $0.0e+00;
	v5 =	vld [tilespmem:s15+$0x40]  }
0x6aa: {  	p1 =	slt.u32 s20, $0x3E;
	[tilespmem:s16+$0x0] =	vst v2;
	v2 =	vld [tilespmem:s13+$0x40]  }
0x6ab: {  	v4 =	vmax.f32 v4, $0.0e+00;
	v8 =	vld [tilespmem:s21+$0x10];
	v1 =	vadd.f32 v7, v1  }
0x6ac: {  	[tilespmem:s16+$0xFFFFFF80] =	vst v4;
	v4 =	vld [tilespmem:s17+$0x10]  }
0x6ad: {  	v7 =	vld [tilespmem:s21+$0xFFFFFF90];
	v1 =	vmax.f32 v1, $0.0e+00;
	v3 =	vadd.f32 v3, v6  }
0x6ae: {  	v6 =	vld [tilespmem:s17+$0xFFFFFF90];
	[tilespmem:s23+$0xFFFFFFB0] =	vst v1  }
0x6af: {  	v1 =	vld [tilespmem:s15+$0xFFFFFFC0];
	v2 =	vadd.f32 v2, v5;
	v3 =	vmax.f32 v3, $0.0e+00  }
0x6b0: {  	v5 =	vld [tilespmem:s13+$0xFFFFFFC0];
	[tilespmem:s1+$0x70] =	vst v3  }
0x6b1: {  	v3 =	vadd.f32 v4, v8;
	v2 =	vmax.f32 v2, $0.0e+00;
	v4 =	vld [tilespmem:s25+$0xFFFFFFE0]  }
0x6b2: {  	[tilespmem:s23+$0x40] =	vst v2;
	v2 =	vld [tilespmem:s24+$0xFFFFFFE0]  }
0x6b3: {  	v6 =	vadd.f32 v6, v7;
	v3 =	vmax.f32 v3, $0.0e+00;
	v7 =	vld [tilespmem:s15+$0x50]  }
0x6b4: {  	[tilespmem:s16+$0x10] =	vst v3;
	v3 =	vld [tilespmem:s13+$0x50]  }
0x6b5: {  	v6 =	vmax.f32 v6, $0.0e+00;
	v8 =	vld [tilespmem:s21+$0x20];
	v1 =	vadd.f32 v5, v1  }
0x6b6: {  	[tilespmem:s16+$0xFFFFFF90] =	vst v6;
	v5 =	vld [tilespmem:s17+$0x20]  }
0x6b7: {  	v6 =	vld [tilespmem:s21+$0xFFFFFFA0];
	v1 =	vmax.f32 v1, $0.0e+00;
	v2 =	vadd.f32 v2, v4  }
0x6b8: {  	v4 =	vld [tilespmem:s17+$0xFFFFFFA0];
	[tilespmem:s23+$0xFFFFFFC0] =	vst v1  }
0x6b9: {  	v9 =	vld [tilespmem:s15+$0xFFFFFFD0];
	v1 =	vadd.f32 v3, v7;
	v2 =	vmax.f32 v2, $0.0e+00  }
0x6ba: {  	v7 =	vld [tilespmem:s13+$0xFFFFFFD0];
	[tilespmem:s1+$0xFFFFFFE0] =	vst v2  }
0x6bb: {  	v3 =	vadd.f32 v5, v8;
	v2 =	vmax.f32 v1, $0.0e+00;
	v1 =	vld [tilespmem:s25+$0xFFFFFFF0];
	s25 =	smov.u32 s15;
	s15 =	smov.u32 s21  }
.Ltmp17:
0x6bc: {  	[tilespmem:s23+$0x50] =	vst v2;
	v2 =	vld [tilespmem:s24+$0xFFFFFFF0];
	s24 =	smov.u32 s13;
	s13 =	smov.u32 s17;
	(pc) =	sbr.rel @p1 .LBB2_38-.Ltmp17, $4  }
0x6bd: {  	v5 =	vadd.f32 v4, v6;
	v4 =	vmax.f32 v3, $0.0e+00;
	v3 =	vld [tilespmem:s25+$0x60]  }
0x6be: {  	[tilespmem:s16+$0x20] =	vst v4;
	v4 =	vld [tilespmem:s24+$0x60]  }
0x6bf: {  	v8 =	vmax.f32 v5, $0.0e+00;
	v6 =	vld [tilespmem:s21+$0x30];
	v5 =	vadd.f32 v7, v9  }
0x6c0: {  	s21 =	sadd.s32 $0x100, s21;
	[tilespmem:s16+$0xFFFFFFA0] =	vst v8;
	v7 =	vld [tilespmem:s17+$0x30]  }
0x6c1: {  	v8 =	vld [tilespmem:s15+$0xFFFFFFB0]  }
0x6c2: {  	v9 =	vld [tilespmem:s13+$0xFFFFFFB0];
	_ =	sdelay $0x2  }
0x6c3: {  	v6 =	vadd.f32 v7, v6;
	_ =	sdelay $0x1  }
0x6c4: {  	v52 =	vadd.f32 v9, v8;
	v6 =	vmax.f32 v6, $0.0e+00  }
0x6c5: {  	[tilespmem:s16+$0x30] =	vst v6  }
0x6c6: {  	v7 =	vmax.f32 v52, $0.0e+00;
	v6 =	vld [tilespmem:s15+$0x40]  }
0x6c7: {  	v53 =	vld [tilespmem:s13+$0x40];
	[tilespmem:s16+$0xFFFFFFB0] =	vst v7  }
0x6c8: {  	v7 =	vld [tilespmem:s15+$0xFFFFFFC0]  }
0x6c9: {  	v54 =	vld [tilespmem:s13+$0xFFFFFFC0];
	_ =	sdelay $0x2  }
0x6ca: {  	v6 =	vadd.f32 v53, v6;
	_ =	sdelay $0x1  }
0x6cb: {  	v7 =	vadd.f32 v54, v7;
	v6 =	vmax.f32 v6, $0.0e+00  }
0x6cc: {  	[tilespmem:s16+$0x40] =	vst v6  }
0x6cd: {  	v7 =	vmax.f32 v7, $0.0e+00;
	v6 =	vld [tilespmem:s15+$0x50]  }
0x6ce: {  	v55 =	vld [tilespmem:s13+$0x50];
	[tilespmem:s16+$0xFFFFFFC0] =	vst v7  }
0x6cf: {  	v7 =	vld [tilespmem:s15+$0xFFFFFFD0]  }
0x6d0: {  	v56 =	vld [tilespmem:s13+$0xFFFFFFD0];
	_ =	sdelay $0x2  }
0x6d1: {  	v5 =	vmax.f32 v5, $0.0e+00;
	v6 =	vadd.f32 v55, v6  }
0x6d2: {  	[tilespmem:s23+$0xFFFFFFD0] =	vst v5  }
0x6d3: {  	v5 =	vld [tilespmem:s25+$0xFFFFFFE0];
	v7 =	vadd.f32 v56, v7;
	v6 =	vmax.f32 v6, $0.0e+00  }
0x6d4: {  	v57 =	vld [tilespmem:s24+$0xFFFFFFE0];
	[tilespmem:s16+$0x50] =	vst v6  }
0x6d5: {  	v7 =	vmax.f32 v7, $0.0e+00;
	v6 =	vld [tilespmem:s15+$0x60]  }
0x6d6: {  	v58 =	vld [tilespmem:s13+$0x60];
	[tilespmem:s16+$0xFFFFFFD0] =	vst v7  }
0x6d7: {  	v3 =	vadd.f32 v4, v3;
	v59 =	vld [tilespmem:s15+$0xFFFFFFE0]  }
0x6d8: {  	v7 =	vld [tilespmem:s13+$0xFFFFFFE0]  }
0x6d9: {  	v3 =	vmax.f32 v3, $0.0e+00;
	v5 =	vadd.f32 v57, v5  }
0x6da: {  	[tilespmem:s23+$0x60] =	vst v3  }
0x6db: {  	v3 =	vld [tilespmem:s25+$0x70];
	v5 =	vmax.f32 v5, $0.0e+00;
	v6 =	vadd.f32 v58, v6  }
0x6dc: {  	v60 =	vld [tilespmem:s24+$0x70];
	[tilespmem:s23+$0xFFFFFFE0] =	vst v5  }
0x6dd: {  	v5 =	vld [tilespmem:s25+$0xFFFFFFF0];
	v4 =	vadd.f32 v7, v59;
	v6 =	vmax.f32 v6, $0.0e+00  }
0x6de: {  	v61 =	vld [tilespmem:s24+$0xFFFFFFF0];
	[tilespmem:s16+$0x60] =	vst v6  }
0x6df: {  	v4 =	vmax.f32 v4, $0.0e+00;
	v6 =	vld [tilespmem:s15+$0x70]  }
0x6e0: {  	v62 =	vld [tilespmem:s13+$0x70];
	[tilespmem:s16+$0xFFFFFFE0] =	vst v4  }
0x6e1: {  	v4 =	vld [tilespmem:s15+$0xFFFFFFF0]  }
0x6e2: {  	v10 =	vld [tilespmem:s13+$0xFFFFFFF0]  }
0x6e3: {  	v1 =	vadd.f32 v2, v1  }
0x6e4: {  	v2 =	vadd.f32 v60, v3  }
0x6e5: {  	v1 =	vmax.f32 v1, $0.0e+00;
	v3 =	vadd.f32 v61, v5  }
0x6e6: {  	[tilespmem:s1+$0xFFFFFFF0] =	vst v1;
	v1 =	vmax.f32 v2, $0.0e+00;
	v2 =	vadd.f32 v62, v6  }
0x6e7: {  	[tilespmem:s23+$0x70] =	vst v1;
	v1 =	vmax.f32 v3, $0.0e+00;
	v3 =	vadd.f32 v10, v4  }
0x6e8: {  	[tilespmem:s23+$0xFFFFFFF0] =	vst v1;
	v1 =	vmax.f32 v2, $0.0e+00  }
0x6e9: {  	[tilespmem:s16+$0x70] =	vst v1;
	v1 =	vmax.f32 v3, $0.0e+00  }
0x6ea: {  	s1 =	sadd.s32 @!p0 $0x180, s29;
	s13 =	simm.s32 @!p0 $0x40;
	s15 =	simm.s32 @!p0 $0x4000;
	[tilespmem:s16+$0xFFFFFFF0] =	vst v1  }
0x6eb: {  	[tilespmem:s15], [sflag:$0x2] =	stream.indirect.gather @!p0 [hbm4b:s8+s13], $0x80, s1, s13, $0xb8;
	v63 =	vld [tilespmem:$0x0]  }
0x6ec: {  	s28 =	sadd.s32 $0x1, s28;
	s1 =	sadd.s32 @!p0 $0x1180, s29;
	s15 =	simm.s32 @!p0 $0x8000  }
0x6ed: {  	[tilespmem:s15], [sflag:$0x4] =	stream.indirect.gather @!p0 [hbm4b:s12+s13], $0x80, s1, s13, $0xb8;
	v63 =	vld [tilespmem:$0x0]  }
0x6ee: {  	p0 =	sne.s32 s28, $0x10  }
.Ltmp18:
0x6ef: {  	s29 =	sadd.s32 $0x80, s3;
	(pc) =	sbr.rel @p0 .LBB2_35-.Ltmp18, $4  }
0x6f0: {  	[spmem:s2] =	stream.indirect.scatter.add.f32 [tilespmem:s31], [sflag:$0x5], $0x80, s29, s22, $0xb8;
	v63 =	vld [tilespmem:$0x0]  }
0x6f1: {  	_ =	swait.ge [sflag:s4], $0x2000  }
0x6f2: {  	[sflag:s4] =	ssyncset.done $0x0  }
0x6f3: {  	[sflag:s4] =	ssyncadd.s32 $0xFFFFE000  }
0x6f4: {  	s14 =	sadd.s32 $0x1, s14  }
0x6f5: {  	p0 =	sne.s32 s14, $0x5  }
.Ltmp19:
0x6f6: {  	_ = 	snop;
	(pc) =	sbr.rel @p0 .LBB2_34-.Ltmp19, $1  }
0x6f7: {  	_ =	sdelay $0x3  }
0x6f8: {  	[bflag:$0x0] =	sbarrier.arrive $0xFFFF  }
0x6f9: {  	s1 =	rddreg [dreg:$0x10]  }
0x6fa: {  	s3 =	rddreg [dreg:$0x16]  }
0x6fb: {  	s13 =	rddreg [dreg:$0x17]  }
0x6fc: {  	[hbm:s1], [sflag:s3] =	dma.local [spmem:s13], $0x2800  }
0x6fd: {  	_ =	swait.ge [sflag:s4], $0x2800  }
0x6fe: {  	s15 =	rddreg [dreg:$0x4]  }
0x6ff: {  	s30 =	rddreg [dreg:$0x11];
	s15 =	sadd.s32 $0x1, s15  }
0x700: {  	p0 =	sne.s32 s15, s30  }
.Ltmp20:
0x701: {  	_ = 	snop;
	(pc) =	sbr.rel @p0 .LBB2_1-.Ltmp20, $3  }
0x702: {  	[sflag:s4] =	ssyncset.done $0x0  }
0x703: {  	[sflag:s4] =	ssyncadd.s32 $0xFFFFD800  }
0x704: {  	[bflag:$0x0] =	sbarrier.arrive $0xFFFF;
	_ =	sdelay $0x1  }
0x705: {  	_ =	sfence.sel $0x180000  }
0x706: {  	[bflag:$0x0] =	sbarrier.arrive $0xFFFF  }
0x707: {  	_ =	strace $0x90000047  }
0x708: {  	s0 =	stileid.u32;
	[bflag:$0x2] =	sbarrier.arrive $0xFFFF  }
0x709: {  	p0 =	sne.s32 s0, $0x0;
	s0 =	rddreg [dreg:$0x3]  }
0x70a: {  	s0 =	sadd.s32 @!p0 $0x100000, s0  }
0x70b: {  	[sflag:s0] =	ssyncadd.tile.s32 @!p0 $0x1;
	_ =	shalt  }
.Lfunc_end2:
_tile_overlayer_lowered:
.L_overlay_start_2:
0x70c: {  	(tag) =	ssettag $0x2  }
0x70d: {  	s0 =	rddreg [dreg:$0x0];
	s2 =	stileid.u32  }
0x70e: {  	s1 =	rddreg [dreg:$0x1];
	p0 =	sne.s32 s2, $0x0  }
0x70f: {  	s3 =	rddreg [dreg:$0x2];
	[bflag:$0x3] =	sbarrier.arrive $0xFFFF;
	s2 =	simm.s32 @!p0 $0x1C05  }
0x710: {  	[timem:s3], [sflag:s2] =	dma.local @!p0 [hbm:s0], s1  }
0x711: {  	s0 =	simm.s32 @!p0 $0x5  }
0x712: {  	_ =	swait.ge @!p0 [sflag:s0], s1  }
0x713: {  	s1 =	ssub.s32 @!p0 $0x0, s1;
	[sflag:s0] =	ssyncset.done @!p0 $0x0  }
0x714: {  	[sflag:s0] =	ssyncadd.s32 @!p0 s1  }
0x715: {  	[bflag:$0x3] =	sbarrier.arrive $0xFFFF  }
0x716: {  	_ =	shalt  }

</sc_bundles>
